<compile_context>
chip_gen: v7x
topology: tpu7x:2x2x1
jax: 0.10.2.dev20260603
libtpu: 0.0.44.dev20260713+nightly
codegen_flags: <defaults>
</compile_context>

<pallas_src>
import dataclasses
import functools

import jax
import jax.numpy as jnp
from jax import lax
from jax.experimental import pallas as pl
from jax.experimental.pallas import tpu as pltpu
from jax.experimental.pallas import tpu_sc as plsc

N = 10000
E = 160000
D = 256
H = 3
C = 4

NC, NS = 2, 16
NW = NC * NS
NP = 10240
NSL = NP // NS
EW = E // NW
EWF = (EW // 16) * 16
BLK = 2048
L = 16
EWW = 5120

_vmesh = plsc.VectorSubcoreMesh(
    core_axis_name="c", subcore_axis_name="s", num_cores=NC, num_subcores=NS
)

_sc_params = pltpu.CompilerParams()
if "needs_layout_passes" in pltpu.CompilerParams.__dataclass_fields__:
    _sc_params = dataclasses.replace(_sc_params, needs_layout_passes=False)


def _edge_window(wid):
    base = wid * EW
    off = lax.rem(base, 128)
    c0 = pl.multiple_of(base - off, 128)
    o16 = off - lax.rem(off, L)
    fs = off - o16
    iota = lax.iota(jnp.int32, L)
    m_first = iota >= fs
    m_last = iota < fs + (EW - EWF)
    return c0, o16, m_first, m_last


def _fetch_partials(stage, buf, sem, base, count, stride):
    cps = [
        pltpu.async_copy(stage.at[pl.ds(base + k * stride, NSL)],
                         buf.at[pl.ds(k * NSL, NSL)], sem)
        for k in range(count)
    ]
    return cps


def _reduce_partials(buf, out_sl, count, off):
    @pl.loop(0, NSL, step=L)
    def _(i):
        v = buf[pl.ds(off + i, L)]
        for k in range(1, count):
            v = v + buf[pl.ds(off + k * NSL + i, L)]
        out_sl[pl.ds(i, L)] = v


@functools.partial(
    pl.kernel,
    out_type=jax.ShapeDtypeStruct((NC * NP,), jnp.float32),
    mesh=_vmesh,
    scratch_types=[
        pltpu.VMEM((2, EWW), jnp.int32),
        pltpu.VMEM((NP,), jnp.float32),
        pltpu.VMEM((NSL,), jnp.float32),
        pltpu.VMEM((NS * NSL,), jnp.float32),
        pltpu.VMEM_SHARED((NS * NP,), jnp.float32),
        pltpu.SemaphoreType.DMA,
    ],
    compiler_params=_sc_params,
)
def _sc_degree(ei_hbm, out_hbm, ei_v, deg_v, sl_v, buf_v, stage, sem):
    cid = lax.axis_index("c")
    sid = lax.axis_index("s")
    wid = cid * NS + sid
    c0, o16, m_first, m_last = _edge_window(wid)
    cp = pltpu.async_copy(ei_hbm.at[:, pl.ds(c0, EWW)],
                          ei_v.at[:, pl.ds(0, EWW)], sem)

    @pl.loop(0, NP, step=L)
    def _(i):
        deg_v[pl.ds(i, L)] = jnp.zeros((L,), jnp.float32)

    cp.wait()
    ones = jnp.ones((L,), jnp.float32)

    def count(i, mask=None):
        plsc.addupdate_scatter(deg_v, [ei_v[1, pl.ds(o16 + i, L)]], ones,
                               mask=mask)

    count(0, mask=m_first)

    @pl.loop(L, EWF, step=L, unroll=4)
    def _(i):
        count(i)

    count(EWF, mask=m_last)

    pltpu.sync_copy(deg_v, stage.at[pl.ds(sid * NP, NP)])
    plsc.subcore_barrier()
    for cp in _fetch_partials(stage, buf_v, sem, sid * NSL, NS, NP):
        cp.wait()
    _reduce_partials(buf_v, sl_v, NS, 0)
    pltpu.sync_copy(sl_v, out_hbm.at[pl.ds(cid * NP + sid * NSL, NSL)])


@functools.partial(
    pl.kernel,
    out_type=jax.ShapeDtypeStruct((NC * H * NP,), jnp.float32),
    mesh=_vmesh,
    scratch_types=[
        pltpu.VMEM((2, EWW), jnp.int32),
        pltpu.VMEM((NP,), jnp.float32),
        pltpu.VMEM((NP,), jnp.float32),
        pltpu.VMEM((NP,), jnp.float32),
        pltpu.VMEM((NP,), jnp.float32),
        pltpu.VMEM((NP,), jnp.float32),
        pltpu.VMEM((NP,), jnp.float32),
        pltpu.VMEM((NSL,), jnp.float32),
        pltpu.VMEM((NS * NSL,), jnp.float32),
        pltpu.VMEM_SHARED((NS * NP,), jnp.float32),
        pltpu.SemaphoreType.DMA,
    ],
    compiler_params=_sc_params,
)
def _sc_aggregate(ei_hbm, g_hbm, out_hbm,
                  ei_v, g0, g1, g2, a0, a1, a2, sl_v, buf_v,
                  stage, sem):
    cid = lax.axis_index("c")
    sid = lax.axis_index("s")
    wid = cid * NS + sid
    c0, o16, m_first, m_last = _edge_window(wid)
    cps = [
        pltpu.async_copy(ei_hbm.at[:, pl.ds(c0, EWW)],
                         ei_v.at[:, pl.ds(0, EWW)], sem),
        pltpu.async_copy(g_hbm.at[pl.ds(0, NP)], g0, sem),
        pltpu.async_copy(g_hbm.at[pl.ds(NP, NP)], g1, sem),
        pltpu.async_copy(g_hbm.at[pl.ds(2 * NP, NP)], g2, sem),
    ]

    @pl.loop(0, NP, step=L)
    def _(i):
        z = jnp.zeros((L,), jnp.float32)
        a0[pl.ds(i, L)] = z
        a1[pl.ds(i, L)] = z
        a2[pl.ds(i, L)] = z

    for cp in cps:
        cp.wait()

    def edge(i, mask=None):
        s = ei_v[0, pl.ds(o16 + i, L)]
        d = ei_v[1, pl.ds(o16 + i, L)]
        plsc.addupdate_scatter(a0, [d], plsc.load_gather(g0, [s], mask=mask),
                               mask=mask)
        plsc.addupdate_scatter(a1, [d], plsc.load_gather(g1, [s], mask=mask),
                               mask=mask)
        plsc.addupdate_scatter(a2, [d], plsc.load_gather(g2, [s], mask=mask),
                               mask=mask)

    edge(0, mask=m_first)

    @pl.loop(L, EWF, step=L, unroll=4)
    def _(i):
        edge(i)

    edge(EWF, mask=m_last)

    for c, a in ((0, a0), (1, a1), (2, a2)):
        pltpu.sync_copy(a, stage.at[pl.ds(sid * NP, NP)])
        plsc.subcore_barrier()
        for cp in _fetch_partials(stage, buf_v, sem, sid * NSL, NS, NP):
            cp.wait()
        _reduce_partials(buf_v, sl_v, NS, 0)
        pltpu.sync_copy(
            sl_v,
            out_hbm.at[pl.ds(cid * (H * NP) + c * NP + sid * NSL, NSL)],
        )
        plsc.subcore_barrier()


def _tc0_body(wt_ref, x_ref, ht_ref):
    ht_ref[...] = lax.dot_general(wt_ref[...], x_ref[...],
                                  (((1,), (1,)), ((), ())),
                                  preferred_element_type=jnp.float32)


def _tc0(wt, x):
    return pl.pallas_call(
        _tc0_body,
        grid=(NP // BLK,),
        in_specs=[
            pl.BlockSpec((H, D), lambda i: (0, 0)),
            pl.BlockSpec((BLK, D), lambda i: (i, 0)),
        ],
        out_specs=pl.BlockSpec((H, BLK), lambda i: (0, i)),
        out_shape=jax.ShapeDtypeStruct((H, NP), jnp.float32),
    )(wt, x)


def _tc1_body(ht_ref, degp_ref, g_ref, dinv_ref):
    deg = degp_ref[0:1, :] + degp_ref[1:2, :] + 1.0
    dinv = lax.rsqrt(deg)
    g_ref[...] = ht_ref[...] * dinv
    dinv_ref[...] = dinv


def _tc1(ht, degp):
    return pl.pallas_call(
        _tc1_body,
        grid=(NP // BLK,),
        in_specs=[
            pl.BlockSpec((H, BLK), lambda i: (0, i)),
            pl.BlockSpec((NC, BLK), lambda i: (0, i)),
        ],
        out_specs=[
            pl.BlockSpec((H, BLK), lambda i: (0, i)),
            pl.BlockSpec((1, BLK), lambda i: (0, i)),
        ],
        out_shape=[
            jax.ShapeDtypeStruct((H, NP), jnp.float32),
            jax.ShapeDtypeStruct((1, NP), jnp.float32),
        ],
    )(ht, degp)


def _tc2_body(accp_ref, g_ref, dinv_ref, bg_ref, wo_ref, bo_ref,
              hr_ref, z_ref):
    a = accp_ref[...]
    acc = a[0:H, :] + a[H:2 * H, :] + g_ref[...]
    hg = acc * dinv_ref[...] + bg_ref[...]
    hr = jnp.maximum(hg, 0.0)
    hr_row = hr.T
    hr_ref[...] = hr_row
    z_ref[...] = jnp.dot(hr_row, wo_ref[...],
                         preferred_element_type=jnp.float32) + bo_ref[...]


def _tc2(accp, g, dinv, bg, wo, bo):
    return pl.pallas_call(
        _tc2_body,
        grid=(NP // BLK,),
        in_specs=[
            pl.BlockSpec((NC * H, BLK), lambda i: (0, i)),
            pl.BlockSpec((H, BLK), lambda i: (0, i)),
            pl.BlockSpec((1, BLK), lambda i: (0, i)),
            pl.BlockSpec((H, 1), lambda i: (0, 0)),
            pl.BlockSpec((H, C), lambda i: (0, 0)),
            pl.BlockSpec((1, C), lambda i: (0, 0)),
        ],
        out_specs=[
            pl.BlockSpec((BLK, H), lambda i: (i, 0)),
            pl.BlockSpec((BLK, C), lambda i: (i, 0)),
        ],
        out_shape=[
            jax.ShapeDtypeStruct((N, H), jnp.float32),
            jax.ShapeDtypeStruct((N, C), jnp.float32),
        ],
    )(accp, g, dinv, bg, wo, bo)


def kernel(x, edge_index, W_gcn, b_gcn, W_out, b_out):
    wt = W_gcn.T
    bg = b_gcn.reshape(H, 1)
    bo = b_out.reshape(1, C)

    ht = _tc0(wt, x)
    degp = _sc_degree(edge_index).reshape(NC, NP)
    g, dinv = _tc1(ht, degp)
    accp = _sc_aggregate(edge_index, g.reshape(H * NP))
    hr, z = _tc2(accp.reshape(NC * H, NP), g, dinv, bg, W_out, bo)
    return (hr, z)

# --- scband reference (transcript-rebuilt; emitter-appended) ---
"""Pipeline reference for scband-gcn-84335977824428 (READ-ONLY COPY).

The authoritative reference and input builder live on the scoring server;
editing this copy changes nothing except your own understanding.
"""

import jax, jax.numpy as jnp
import numpy as np

N = 10000
E = 160000
D = 256
H = 3
C = 4

def setup_inputs(seed: int = 0) -> dict:
    key = jax.random.key(seed)
    k0, k1, k2, k3 = jax.random.split(key, 4)
    x = jax.random.normal(k0, (N, D), dtype=jnp.float32)
    edge_index = jax.random.randint(k1, (2, E), 0, N, dtype=jnp.int32)
    W_gcn = jax.random.normal(k2, (D, H), dtype=jnp.float32) * (1.0 / np.sqrt(D))
    b_gcn = jnp.zeros((H,), dtype=jnp.float32)
    W_out = jax.random.normal(k3, (H, C), dtype=jnp.float32) * (1.0 / np.sqrt(H))
    b_out = jnp.zeros((C,), dtype=jnp.float32)
    return {"x": x, "edge_index": edge_index, "W_gcn": W_gcn, "b_gcn": b_gcn, "W_out": W_out, "b_out": b_out}

def reference(x, edge_index, W_gcn, b_gcn, W_out, b_out):
    # GCNConv with symmetric normalization and self-loops (PyG default)
    src = edge_index[0]
    dst = edge_index[1]
    loop = jnp.arange(N, dtype=src.dtype)
    src = jnp.concatenate([src, loop], axis=0)
    dst = jnp.concatenate([dst, loop], axis=0)
    ones = jnp.ones(src.shape[0], dtype=jnp.float32)
    deg = jnp.zeros((N,), dtype=jnp.float32).at[dst].add(ones)
    deg_inv_sqrt = jnp.where(deg > 0, 1.0 / jnp.sqrt(jnp.maximum(deg, 1e-12)), 0.0)
    norm = deg_inv_sqrt[src] * deg_inv_sqrt[dst]
    h = x @ W_gcn                      # linear transform first (D -> H)
    msg = h[src] * norm[:, None]        # gather + scale
    agg = jax.ops.segment_sum(msg, dst, num_segments=N)  # scatter-add
    h_gcn = agg + b_gcn
    h_relu = jax.nn.relu(h_gcn)
    z = h_relu @ W_out + b_out
    return (h_relu, z)

if __name__ == "__main__":
    import jax
    _d = setup_inputs()
    print(jax.jit(kernel)(*tuple(_d.values())))

</pallas_src>

<mosaic_0001>
#map = affine_map<(d0, d1) -> (0, 0)>
#map1 = affine_map<(d0, d1) -> (0)>
module attributes {stable_mosaic.version = 14 : i64} {
  func.func @_sc_degree(%arg0: i32, %arg1: i32, %arg2: memref<2x160000xi32, #tpu.memory_space<hbm>>, %arg3: memref<20480xf32, #tpu.memory_space<hbm>>, %arg4: memref<2x5120xi32, #tpu.memory_space<vmem>>, %arg5: memref<10240xf32, #tpu.memory_space<vmem>>, %arg6: memref<640xf32, #tpu.memory_space<vmem>>, %arg7: memref<10240xf32, #tpu.memory_space<vmem>>, %arg8: memref<163840xf32, #tpu.memory_space<vmem_shared>>, %arg9: memref<!tpu.dma_semaphore, #tpu.memory_space<semaphore_mem>>) attributes {dimension_semantics = [#tpu.dimension_semantics<core_parallel>, #tpu.dimension_semantics<subcore_parallel>], iteration_bounds = array<i64: 2, 16>, scalar_prefetch = 0 : i64, scratch_operands = 6 : i64, tpu.core_type = #tpu.core_type<sc_vector_subcore>, window_params = [{transform_indices = #map}, {transform_indices = #map1}]} {
    %mul3A = arith.constant 16 : i32
    %mul3A_0 = arith.muli %arg0, %mul3A : i32
    %add3A = arith.addi %mul3A_0, %arg1 : i32
    %mul3A_1 = arith.constant 5000 : i32
    %mul3A_2 = arith.muli %add3A, %mul3A_1 : i32
    %rem3A = arith.constant 128 : i32
    %rem3A_3 = arith.remsi %mul3A_2, %rem3A : i32
    %sub3A = arith.subi %mul3A_2, %rem3A_3 : i32
    %multiple_of3A = tpu.assume_multiple %sub3A, 128 : i32
    %rem3A_4 = arith.constant 16 : i32
    %rem3A_5 = arith.remsi %rem3A_3, %rem3A_4 : i32
    %sub3A_6 = arith.subi %rem3A_3, %rem3A_5 : i32
    %sub3A_7 = arith.subi %rem3A_3, %sub3A_6 : i32
    %iota3A = tpu.iota {dimensions = array<i32: 0>} : vector<16xi32>
    %ge3A = vector.broadcast %sub3A_7 : i32 to vector<16xi32>
    %ge3A_8 = arith.cmpi sge, %iota3A, %ge3A : vector<16xi32>
    %add3A_9 = arith.constant 8 : i32
    %add3A_10 = arith.addi %sub3A_7, %add3A_9 : i32
    %lt3A = vector.broadcast %add3A_10 : i32 to vector<16xi32>
    %lt3A_11 = arith.cmpi slt, %iota3A, %lt3A : vector<16xi32>
    %dma_start3A = arith.constant 0 : i32
    %dma_start3A_12 = arith.constant 0 : i32
    %dma_start3A_13 = tpu.memref_slice %arg4[%dma_start3A, %dma_start3A_12] : memref<2x5120xi32, #tpu.memory_space<vmem>> -> memref<2x5120xi32, #tpu.memory_space<vmem>>
    %dma_start3A_14 = arith.constant 0 : i32
    %dma_start3A_15 = tpu.memref_slice %arg2[%dma_start3A_14, %multiple_of3A] : memref<2x160000xi32, #tpu.memory_space<hbm>> -> memref<2x5120xi32, #tpu.memory_space<hbm>>
    %dma_start3A_16 = arith.constant 0 : i32
    %dma_start3A_17 = arith.constant 0 : i32
    %dma_start3A_18 = tpu.memref_slice %arg4[%dma_start3A_16, %dma_start3A_17] : memref<2x5120xi32, #tpu.memory_space<vmem>> -> memref<2x5120xi32, #tpu.memory_space<vmem>>
    %dma_start3A_19 = arith.constant 0 : i32
    %dma_start3A_20 = tpu.memref_slice %arg2[%dma_start3A_19, %multiple_of3A] : memref<2x160000xi32, #tpu.memory_space<hbm>> -> memref<2x5120xi32, #tpu.memory_space<hbm>>
    tpu.enqueue_dma source(%dma_start3A_20 : memref<2x5120xi32, #tpu.memory_space<hbm>>) target(%dma_start3A_18 : memref<2x5120xi32, #tpu.memory_space<vmem>>) target_semaphore(%arg9 : memref<!tpu.dma_semaphore, #tpu.memory_space<semaphore_mem>>)
    %scan3A = arith.constant 0 : i32
    %scan3A_21 = arith.constant 640 : i32
    %scan3A_22 = arith.addi %scan3A, %scan3A_21 : i32
    %scan3A_23 = arith.constant 1 : i32
    scf.for %scan3A_322 = %scan3A to %scan3A_22 step %scan3A_23  : i32 {
      %mul3A_323 = arith.constant 16 : i32
      %mul3A_324 = arith.muli %scan3A_322, %mul3A_323 : i32
      %add3A_325 = arith.constant 0 : i32
      %add3A_326 = arith.addi %add3A_325, %mul3A_324 : i32
      %broadcast_in_dim3A_327 = arith.constant 0.000000e+00 : f32
      %broadcast_in_dim3A_328 = vector.broadcast %broadcast_in_dim3A_327 : f32 to vector<16xf32>
      %swap3A = arith.index_cast %add3A_326 : i32 to index
      %swap3A_329 = tpu.vector_load %arg5[%swap3A] {strides = array<i32>} : memref<10240xf32, #tpu.memory_space<vmem>>, vector<16xf32>,
      tpu.vector_store %arg5[%swap3A], %broadcast_in_dim3A_328 {strides = array<i32>} : memref<10240xf32, #tpu.memory_space<vmem>>, vector<16xf32>,
    }
    %scan3A_24 = arith.constant 640 : i32
    %dma_wait3A = arith.constant 0 : i32
    %dma_wait3A_25 = arith.constant 0 : i32
    %dma_wait3A_26 = tpu.memref_slice %arg4[%dma_wait3A, %dma_wait3A_25] : memref<2x5120xi32, #tpu.memory_space<vmem>> -> memref<2x5120xi32, #tpu.memory_space<vmem>>
    %dma_wait3A_27 = arith.constant 0 : i32
    %dma_wait3A_28 = tpu.memref_slice %arg2[%dma_wait3A_27, %multiple_of3A] : memref<2x160000xi32, #tpu.memory_space<hbm>> -> memref<2x5120xi32, #tpu.memory_space<hbm>>
    %dma_wait3A_29 = arith.constant 0 : i32
    %dma_wait3A_30 = arith.constant 0 : i32
    %dma_wait3A_31 = tpu.memref_slice %arg4[%dma_wait3A_29, %dma_wait3A_30] : memref<2x5120xi32, #tpu.memory_space<vmem>> -> memref<2x5120xi32, #tpu.memory_space<vmem>>
    %dma_wait3A_32 = arith.constant 0 : i32
    %dma_wait3A_33 = tpu.memref_slice %arg2[%dma_wait3A_32, %multiple_of3A] : memref<2x160000xi32, #tpu.memory_space<hbm>> -> memref<2x5120xi32, #tpu.memory_space<hbm>>
    tpu.wait_dma2 semaphore(%arg9 : memref<!tpu.dma_semaphore, #tpu.memory_space<semaphore_mem>>) src(%dma_wait3A_33 : memref<2x5120xi32, #tpu.memory_space<hbm>>) dst(%dma_wait3A_31 : memref<2x5120xi32, #tpu.memory_space<vmem>>)
    %broadcast_in_dim3A = arith.constant 1.000000e+00 : f32
    %broadcast_in_dim3A_34 = vector.broadcast %broadcast_in_dim3A : f32 to vector<16xf32>
    %add3A_35 = arith.constant 0 : i32
    %add3A_36 = arith.addi %sub3A_6, %add3A_35 : i32
    %get3A = arith.constant 1 : i32
    %get3A_37 = arith.index_cast %get3A : i32 to index
    %get3A_38 = arith.index_cast %add3A_36 : i32 to index
    %get3A_39 = tpu.vector_load %arg4[%get3A_37, %get3A_38] {strides = array<i32>} : memref<2x5120xi32, #tpu.memory_space<vmem>>, vector<16xi32>,
    tpu.vector_store_idx %arg5[%get3A_39], %broadcast_in_dim3A_34 masked %ge3A_8 {add = true} : memref<10240xf32, #tpu.memory_space<vmem>>[vector<16xi32>], vector<16xf32>, vector<16xi1>
    %scan3A_40 = arith.constant 0 : i32
    %scan3A_41 = arith.constant 308 : i32
    %scan3A_42 = arith.addi %scan3A_40, %scan3A_41 : i32
    %scan3A_43 = arith.constant 4 : i32
    scf.for %scan3A_322 = %scan3A_40 to %scan3A_42 step %scan3A_43  : i32 {
      %mul3A_323 = arith.constant 16 : i32
      %mul3A_324 = arith.muli %scan3A_322, %mul3A_323 : i32
      %add3A_325 = arith.constant 16 : i32
      %add3A_326 = arith.addi %add3A_325, %mul3A_324 : i32
      %add3A_327 = arith.addi %sub3A_6, %add3A_326 : i32
      %get3A_328 = arith.constant 1 : i32
      %get3A_329 = arith.index_cast %get3A_328 : i32 to index
      %get3A_330 = arith.index_cast %add3A_327 : i32 to index
      %get3A_331 = tpu.vector_load %arg4[%get3A_329, %get3A_330] {strides = array<i32>} : memref<2x5120xi32, #tpu.memory_space<vmem>>, vector<16xi32>,
      tpu.vector_store_idx %arg5[%get3A_331], %broadcast_in_dim3A_34 {add = true} : memref<10240xf32, #tpu.memory_space<vmem>>[vector<16xi32>], vector<16xf32>,
      %scan3A_332 = arith.constant 1 : i32
      %scan3A_333 = arith.addi %scan3A_322, %scan3A_332 : i32
      %mul3A_334 = arith.constant 16 : i32
      %mul3A_335 = arith.muli %scan3A_333, %mul3A_334 : i32
      %add3A_336 = arith.constant 16 : i32
      %add3A_337 = arith.addi %add3A_336, %mul3A_335 : i32
      %add3A_338 = arith.addi %sub3A_6, %add3A_337 : i32
      %get3A_339 = arith.constant 1 : i32
      %get3A_340 = arith.index_cast %get3A_339 : i32 to index
      %get3A_341 = arith.index_cast %add3A_338 : i32 to index
      %get3A_342 = tpu.vector_load %arg4[%get3A_340, %get3A_341] {strides = array<i32>} : memref<2x5120xi32, #tpu.memory_space<vmem>>, vector<16xi32>,
      tpu.vector_store_idx %arg5[%get3A_342], %broadcast_in_dim3A_34 {add = true} : memref<10240xf32, #tpu.memory_space<vmem>>[vector<16xi32>], vector<16xf32>,
      %scan3A_343 = arith.constant 2 : i32
      %scan3A_344 = arith.addi %scan3A_322, %scan3A_343 : i32
      %mul3A_345 = arith.constant 16 : i32
      %mul3A_346 = arith.muli %scan3A_344, %mul3A_345 : i32
      %add3A_347 = arith.constant 16 : i32
      %add3A_348 = arith.addi %add3A_347, %mul3A_346 : i32
      %add3A_349 = arith.addi %sub3A_6, %add3A_348 : i32
      %get3A_350 = arith.constant 1 : i32
      %get3A_351 = arith.index_cast %get3A_350 : i32 to index
      %get3A_352 = arith.index_cast %add3A_349 : i32 to index
      %get3A_353 = tpu.vector_load %arg4[%get3A_351, %get3A_352] {strides = array<i32>} : memref<2x5120xi32, #tpu.memory_space<vmem>>, vector<16xi32>,
      tpu.vector_store_idx %arg5[%get3A_353], %broadcast_in_dim3A_34 {add = true} : memref<10240xf32, #tpu.memory_space<vmem>>[vector<16xi32>], vector<16xf32>,
      %scan3A_354 = arith.constant 3 : i32
      %scan3A_355 = arith.addi %scan3A_322, %scan3A_354 : i32
      %mul3A_356 = arith.constant 16 : i32
      %mul3A_357 = arith.muli %scan3A_355, %mul3A_356 : i32
      %add3A_358 = arith.constant 16 : i32
      %add3A_359 = arith.addi %add3A_358, %mul3A_357 : i32
      %add3A_360 = arith.addi %sub3A_6, %add3A_359 : i32
      %get3A_361 = arith.constant 1 : i32
      %get3A_362 = arith.index_cast %get3A_361 : i32 to index
      %get3A_363 = arith.index_cast %add3A_360 : i32 to index
      %get3A_364 = tpu.vector_load %arg4[%get3A_362, %get3A_363] {strides = array<i32>} : memref<2x5120xi32, #tpu.memory_space<vmem>>, vector<16xi32>,
      tpu.vector_store_idx %arg5[%get3A_364], %broadcast_in_dim3A_34 {add = true} : memref<10240xf32, #tpu.memory_space<vmem>>[vector<16xi32>], vector<16xf32>,
    }
    %scan3A_44 = arith.constant 308 : i32
    %scan3A_45 = arith.addi %scan3A_40, %scan3A_44 : i32
    %mul3A_46 = arith.constant 16 : i32
    %mul3A_47 = arith.muli %scan3A_45, %mul3A_46 : i32
    %add3A_48 = arith.constant 16 : i32
    %add3A_49 = arith.addi %add3A_48, %mul3A_47 : i32
    %add3A_50 = arith.addi %sub3A_6, %add3A_49 : i32
    %get3A_51 = arith.constant 1 : i32
    %get3A_52 = arith.index_cast %get3A_51 : i32 to index
    %get3A_53 = arith.index_cast %add3A_50 : i32 to index
    %get3A_54 = tpu.vector_load %arg4[%get3A_52, %get3A_53] {strides = array<i32>} : memref<2x5120xi32, #tpu.memory_space<vmem>>, vector<16xi32>,
    tpu.vector_store_idx %arg5[%get3A_54], %broadcast_in_dim3A_34 {add = true} : memref<10240xf32, #tpu.memory_space<vmem>>[vector<16xi32>], vector<16xf32>,
    %scan3A_55 = arith.constant 309 : i32
    %scan3A_56 = arith.addi %scan3A_40, %scan3A_55 : i32
    %mul3A_57 = arith.constant 16 : i32
    %mul3A_58 = arith.muli %scan3A_56, %mul3A_57 : i32
    %add3A_59 = arith.constant 16 : i32
    %add3A_60 = arith.addi %add3A_59, %mul3A_58 : i32
    %add3A_61 = arith.addi %sub3A_6, %add3A_60 : i32
    %get3A_62 = arith.constant 1 : i32
    %get3A_63 = arith.index_cast %get3A_62 : i32 to index
    %get3A_64 = arith.index_cast %add3A_61 : i32 to index
    %get3A_65 = tpu.vector_load %arg4[%get3A_63, %get3A_64] {strides = array<i32>} : memref<2x5120xi32, #tpu.memory_space<vmem>>, vector<16xi32>,
    tpu.vector_store_idx %arg5[%get3A_65], %broadcast_in_dim3A_34 {add = true} : memref<10240xf32, #tpu.memory_space<vmem>>[vector<16xi32>], vector<16xf32>,
    %scan3A_66 = arith.constant 310 : i32
    %scan3A_67 = arith.addi %scan3A_40, %scan3A_66 : i32
    %mul3A_68 = arith.constant 16 : i32
    %mul3A_69 = arith.muli %scan3A_67, %mul3A_68 : i32
    %add3A_70 = arith.constant 16 : i32
    %add3A_71 = arith.addi %add3A_70, %mul3A_69 : i32
    %add3A_72 = arith.addi %sub3A_6, %add3A_71 : i32
    %get3A_73 = arith.constant 1 : i32
    %get3A_74 = arith.index_cast %get3A_73 : i32 to index
    %get3A_75 = arith.index_cast %add3A_72 : i32 to index
    %get3A_76 = tpu.vector_load %arg4[%get3A_74, %get3A_75] {strides = array<i32>} : memref<2x5120xi32, #tpu.memory_space<vmem>>, vector<16xi32>,
    tpu.vector_store_idx %arg5[%get3A_76], %broadcast_in_dim3A_34 {add = true} : memref<10240xf32, #tpu.memory_space<vmem>>[vector<16xi32>], vector<16xf32>,
    %scan3A_77 = arith.constant 311 : i32
    %add3A_78 = arith.constant 4992 : i32
    %add3A_79 = arith.addi %sub3A_6, %add3A_78 : i32
    %get3A_80 = arith.constant 1 : i32
    %get3A_81 = arith.index_cast %get3A_80 : i32 to index
    %get3A_82 = arith.index_cast %add3A_79 : i32 to index
    %get3A_83 = tpu.vector_load %arg4[%get3A_81, %get3A_82] {strides = array<i32>} : memref<2x5120xi32, #tpu.memory_space<vmem>>, vector<16xi32>,
    tpu.vector_store_idx %arg5[%get3A_83], %broadcast_in_dim3A_34 masked %lt3A_11 {add = true} : memref<10240xf32, #tpu.memory_space<vmem>>[vector<16xi32>], vector<16xf32>, vector<16xi1>
    %mul3A_84 = arith.constant 10240 : i32
    %mul3A_85 = arith.muli %arg1, %mul3A_84 : i32
    "tpu.region"() ({
      %run_scoped3A = tpu.sem_alloc : memref<!tpu.dma_semaphore, #tpu.memory_space<semaphore_mem>>
      %dma_start3A_322 = tpu.memref_slice %arg8[%mul3A_85] : memref<163840xf32, #tpu.memory_space<vmem_shared>> -> memref<10240xf32, #tpu.memory_space<vmem_shared>>
      %dma_start3A_323 = tpu.memref_slice %arg8[%mul3A_85] : memref<163840xf32, #tpu.memory_space<vmem_shared>> -> memref<10240xf32, #tpu.memory_space<vmem_shared>>
      tpu.enqueue_dma source(%arg5 : memref<10240xf32, #tpu.memory_space<vmem>>) target(%dma_start3A_323 : memref<10240xf32, #tpu.memory_space<vmem_shared>>) target_semaphore(%run_scoped3A : memref<!tpu.dma_semaphore, #tpu.memory_space<semaphore_mem>>)
      %dma_wait3A_324 = tpu.memref_slice %arg8[%mul3A_85] : memref<163840xf32, #tpu.memory_space<vmem_shared>> -> memref<10240xf32, #tpu.memory_space<vmem_shared>>
      %dma_wait3A_325 = tpu.memref_slice %arg8[%mul3A_85] : memref<163840xf32, #tpu.memory_space<vmem_shared>> -> memref<10240xf32, #tpu.memory_space<vmem_shared>>
      tpu.wait_dma2 semaphore(%run_scoped3A : memref<!tpu.dma_semaphore, #tpu.memory_space<semaphore_mem>>) src(%arg5 : memref<10240xf32, #tpu.memory_space<vmem>>) dst(%dma_wait3A_325 : memref<10240xf32, #tpu.memory_space<vmem_shared>>)
      tpu.yield
    }) : () -> ()
    %barrier3A = arith.constant 0 : index
    tpu.barrier barrier_id(%barrier3A)
    %mul3A_86 = arith.constant 640 : i32
    %mul3A_87 = arith.muli %arg1, %mul3A_86 : i32
    %add3A_88 = arith.constant 0 : i32
    %add3A_89 = arith.addi %mul3A_87, %add3A_88 : i32
    %dma_start3A_90 = arith.constant 0 : i32
    %dma_start3A_91 = tpu.memref_slice %arg7[%dma_start3A_90] : memref<10240xf32, #tpu.memory_space<vmem>> -> memref<640xf32, #tpu.memory_space<vmem>>
    %dma_start3A_92 = tpu.memref_slice %arg8[%add3A_89] : memref<163840xf32, #tpu.memory_space<vmem_shared>> -> memref<640xf32, #tpu.memory_space<vmem_shared>>
    %dma_start3A_93 = arith.constant 0 : i32
    %dma_start3A_94 = tpu.memref_slice %arg7[%dma_start3A_93] : memref<10240xf32, #tpu.memory_space<vmem>> -> memref<640xf32, #tpu.memory_space<vmem>>
    %dma_start3A_95 = tpu.memref_slice %arg8[%add3A_89] : memref<163840xf32, #tpu.memory_space<vmem_shared>> -> memref<640xf32, #tpu.memory_space<vmem_shared>>
    tpu.enqueue_dma source(%dma_start3A_95 : memref<640xf32, #tpu.memory_space<vmem_shared>>) target(%dma_start3A_94 : memref<640xf32, #tpu.memory_space<vmem>>) target_semaphore(%arg9 : memref<!tpu.dma_semaphore, #tpu.memory_space<semaphore_mem>>)
    %add3A_96 = arith.constant 10240 : i32
    %add3A_97 = arith.addi %mul3A_87, %add3A_96 : i32
    %dma_start3A_98 = arith.constant 640 : i32
    %dma_start3A_99 = tpu.memref_slice %arg7[%dma_start3A_98] : memref<10240xf32, #tpu.memory_space<vmem>> -> memref<640xf32, #tpu.memory_space<vmem>>
    %dma_start3A_100 = tpu.memref_slice %arg8[%add3A_97] : memref<163840xf32, #tpu.memory_space<vmem_shared>> -> memref<640xf32, #tpu.memory_space<vmem_shared>>
    %dma_start3A_101 = arith.constant 640 : i32
    %dma_start3A_102 = tpu.memref_slice %arg7[%dma_start3A_101] : memref<10240xf32, #tpu.memory_space<vmem>> -> memref<640xf32, #tpu.memory_space<vmem>>
    %dma_start3A_103 = tpu.memref_slice %arg8[%add3A_97] : memref<163840xf32, #tpu.memory_space<vmem_shared>> -> memref<640xf32, #tpu.memory_space<vmem_shared>>
    tpu.enqueue_dma source(%dma_start3A_103 : memref<640xf32, #tpu.memory_space<vmem_shared>>) target(%dma_start3A_102 : memref<640xf32, #tpu.memory_space<vmem>>) target_semaphore(%arg9 : memref<!tpu.dma_semaphore, #tpu.memory_space<semaphore_mem>>)
    %add3A_104 = arith.constant 20480 : i32
    %add3A_105 = arith.addi %mul3A_87, %add3A_104 : i32
    %dma_start3A_106 = arith.constant 1280 : i32
    %dma_start3A_107 = tpu.memref_slice %arg7[%dma_start3A_106] : memref<10240xf32, #tpu.memory_space<vmem>> -> memref<640xf32, #tpu.memory_space<vmem>>
    %dma_start3A_108 = tpu.memref_slice %arg8[%add3A_105] : memref<163840xf32, #tpu.memory_space<vmem_shared>> -> memref<640xf32, #tpu.memory_space<vmem_shared>>
    %dma_start3A_109 = arith.constant 1280 : i32
    %dma_start3A_110 = tpu.memref_slice %arg7[%dma_start3A_109] : memref<10240xf32, #tpu.memory_space<vmem>> -> memref<640xf32, #tpu.memory_space<vmem>>
    %dma_start3A_111 = tpu.memref_slice %arg8[%add3A_105] : memref<163840xf32, #tpu.memory_space<vmem_shared>> -> memref<640xf32, #tpu.memory_space<vmem_shared>>
    tpu.enqueue_dma source(%dma_start3A_111 : memref<640xf32, #tpu.memory_space<vmem_shared>>) target(%dma_start3A_110 : memref<640xf32, #tpu.memory_space<vmem>>) target_semaphore(%arg9 : memref<!tpu.dma_semaphore, #tpu.memory_space<semaphore_mem>>)
    %add3A_112 = arith.constant 30720 : i32
    %add3A_113 = arith.addi %mul3A_87, %add3A_112 : i32
    %dma_start3A_114 = arith.constant 1920 : i32
    %dma_start3A_115 = tpu.memref_slice %arg7[%dma_start3A_114] : memref<10240xf32, #tpu.memory_space<vmem>> -> memref<640xf32, #tpu.memory_space<vmem>>
    %dma_start3A_116 = tpu.memref_slice %arg8[%add3A_113] : memref<163840xf32, #tpu.memory_space<vmem_shared>> -> memref<640xf32, #tpu.memory_space<vmem_shared>>
    %dma_start3A_117 = arith.constant 1920 : i32
    %dma_start3A_118 = tpu.memref_slice %arg7[%dma_start3A_117] : memref<10240xf32, #tpu.memory_space<vmem>> -> memref<640xf32, #tpu.memory_space<vmem>>
    %dma_start3A_119 = tpu.memref_slice %arg8[%add3A_113] : memref<163840xf32, #tpu.memory_space<vmem_shared>> -> memref<640xf32, #tpu.memory_space<vmem_shared>>
    tpu.enqueue_dma source(%dma_start3A_119 : memref<640xf32, #tpu.memory_space<vmem_shared>>) target(%dma_start3A_118 : memref<640xf32, #tpu.memory_space<vmem>>) target_semaphore(%arg9 : memref<!tpu.dma_semaphore, #tpu.memory_space<semaphore_mem>>)
    %add3A_120 = arith.constant 40960 : i32
    %add3A_121 = arith.addi %mul3A_87, %add3A_120 : i32
    %dma_start3A_122 = arith.constant 2560 : i32
    %dma_start3A_123 = tpu.memref_slice %arg7[%dma_start3A_122] : memref<10240xf32, #tpu.memory_space<vmem>> -> memref<640xf32, #tpu.memory_space<vmem>>
    %dma_start3A_124 = tpu.memref_slice %arg8[%add3A_121] : memref<163840xf32, #tpu.memory_space<vmem_shared>> -> memref<640xf32, #tpu.memory_space<vmem_shared>>
    %dma_start3A_125 = arith.constant 2560 : i32
    %dma_start3A_126 = tpu.memref_slice %arg7[%dma_start3A_125] : memref<10240xf32, #tpu.memory_space<vmem>> -> memref<640xf32, #tpu.memory_space<vmem>>
    %dma_start3A_127 = tpu.memref_slice %arg8[%add3A_121] : memref<163840xf32, #tpu.memory_space<vmem_shared>> -> memref<640xf32, #tpu.memory_space<vmem_shared>>
    tpu.enqueue_dma source(%dma_start3A_127 : memref<640xf32, #tpu.memory_space<vmem_shared>>) target(%dma_start3A_126 : memref<640xf32, #tpu.memory_space<vmem>>) target_semaphore(%arg9 : memref<!tpu.dma_semaphore, #tpu.memory_space<semaphore_mem>>)
    %add3A_128 = arith.constant 51200 : i32
    %add3A_129 = arith.addi %mul3A_87, %add3A_128 : i32
    %dma_start3A_130 = arith.constant 3200 : i32
    %dma_start3A_131 = tpu.memref_slice %arg7[%dma_start3A_130] : memref<10240xf32, #tpu.memory_space<vmem>> -> memref<640xf32, #tpu.memory_space<vmem>>
    %dma_start3A_132 = tpu.memref_slice %arg8[%add3A_129] : memref<163840xf32, #tpu.memory_space<vmem_shared>> -> memref<640xf32, #tpu.memory_space<vmem_shared>>
    %dma_start3A_133 = arith.constant 3200 : i32
    %dma_start3A_134 = tpu.memref_slice %arg7[%dma_start3A_133] : memref<10240xf32, #tpu.memory_space<vmem>> -> memref<640xf32, #tpu.memory_space<vmem>>
    %dma_start3A_135 = tpu.memref_slice %arg8[%add3A_129] : memref<163840xf32, #tpu.memory_space<vmem_shared>> -> memref<640xf32, #tpu.memory_space<vmem_shared>>
    tpu.enqueue_dma source(%dma_start3A_135 : memref<640xf32, #tpu.memory_space<vmem_shared>>) target(%dma_start3A_134 : memref<640xf32, #tpu.memory_space<vmem>>) target_semaphore(%arg9 : memref<!tpu.dma_semaphore, #tpu.memory_space<semaphore_mem>>)
    %add3A_136 = arith.constant 61440 : i32
    %add3A_137 = arith.addi %mul3A_87, %add3A_136 : i32
    %dma_start3A_138 = arith.constant 3840 : i32
    %dma_start3A_139 = tpu.memref_slice %arg7[%dma_start3A_138] : memref<10240xf32, #tpu.memory_space<vmem>> -> memref<640xf32, #tpu.memory_space<vmem>>
    %dma_start3A_140 = tpu.memref_slice %arg8[%add3A_137] : memref<163840xf32, #tpu.memory_space<vmem_shared>> -> memref<640xf32, #tpu.memory_space<vmem_shared>>
    %dma_start3A_141 = arith.constant 3840 : i32
    %dma_start3A_142 = tpu.memref_slice %arg7[%dma_start3A_141] : memref<10240xf32, #tpu.memory_space<vmem>> -> memref<640xf32, #tpu.memory_space<vmem>>
    %dma_start3A_143 = tpu.memref_slice %arg8[%add3A_137] : memref<163840xf32, #tpu.memory_space<vmem_shared>> -> memref<640xf32, #tpu.memory_space<vmem_shared>>
    tpu.enqueue_dma source(%dma_start3A_143 : memref<640xf32, #tpu.memory_space<vmem_shared>>) target(%dma_start3A_142 : memref<640xf32, #tpu.memory_space<vmem>>) target_semaphore(%arg9 : memref<!tpu.dma_semaphore, #tpu.memory_space<semaphore_mem>>)
    %add3A_144 = arith.constant 71680 : i32
    %add3A_145 = arith.addi %mul3A_87, %add3A_144 : i32
    %dma_start3A_146 = arith.constant 4480 : i32
    %dma_start3A_147 = tpu.memref_slice %arg7[%dma_start3A_146] : memref<10240xf32, #tpu.memory_space<vmem>> -> memref<640xf32, #tpu.memory_space<vmem>>
    %dma_start3A_148 = tpu.memref_slice %arg8[%add3A_145] : memref<163840xf32, #tpu.memory_space<vmem_shared>> -> memref<640xf32, #tpu.memory_space<vmem_shared>>
    %dma_start3A_149 = arith.constant 4480 : i32
    %dma_start3A_150 = tpu.memref_slice %arg7[%dma_start3A_149] : memref<10240xf32, #tpu.memory_space<vmem>> -> memref<640xf32, #tpu.memory_space<vmem>>
    %dma_start3A_151 = tpu.memref_slice %arg8[%add3A_145] : memref<163840xf32, #tpu.memory_space<vmem_shared>> -> memref<640xf32, #tpu.memory_space<vmem_shared>>
    tpu.enqueue_dma source(%dma_start3A_151 : memref<640xf32, #tpu.memory_space<vmem_shared>>) target(%dma_start3A_150 : memref<640xf32, #tpu.memory_space<vmem>>) target_semaphore(%arg9 : memref<!tpu.dma_semaphore, #tpu.memory_space<semaphore_mem>>)
    %add3A_152 = arith.constant 81920 : i32
    %add3A_153 = arith.addi %mul3A_87, %add3A_152 : i32
    %dma_start3A_154 = arith.constant 5120 : i32
    %dma_start3A_155 = tpu.memref_slice %arg7[%dma_start3A_154] : memref<10240xf32, #tpu.memory_space<vmem>> -> memref<640xf32, #tpu.memory_space<vmem>>
    %dma_start3A_156 = tpu.memref_slice %arg8[%add3A_153] : memref<163840xf32, #tpu.memory_space<vmem_shared>> -> memref<640xf32, #tpu.memory_space<vmem_shared>>
    %dma_start3A_157 = arith.constant 5120 : i32
    %dma_start3A_158 = tpu.memref_slice %arg7[%dma_start3A_157] : memref<10240xf32, #tpu.memory_space<vmem>> -> memref<640xf32, #tpu.memory_space<vmem>>
    %dma_start3A_159 = tpu.memref_slice %arg8[%add3A_153] : memref<163840xf32, #tpu.memory_space<vmem_shared>> -> memref<640xf32, #tpu.memory_space<vmem_shared>>
    tpu.enqueue_dma source(%dma_start3A_159 : memref<640xf32, #tpu.memory_space<vmem_shared>>) target(%dma_start3A_158 : memref<640xf32, #tpu.memory_space<vmem>>) target_semaphore(%arg9 : memref<!tpu.dma_semaphore, #tpu.memory_space<semaphore_mem>>)
    %add3A_160 = arith.constant 92160 : i32
    %add3A_161 = arith.addi %mul3A_87, %add3A_160 : i32
    %dma_start3A_162 = arith.constant 5760 : i32
    %dma_start3A_163 = tpu.memref_slice %arg7[%dma_start3A_162] : memref<10240xf32, #tpu.memory_space<vmem>> -> memref<640xf32, #tpu.memory_space<vmem>>
    %dma_start3A_164 = tpu.memref_slice %arg8[%add3A_161] : memref<163840xf32, #tpu.memory_space<vmem_shared>> -> memref<640xf32, #tpu.memory_space<vmem_shared>>
    %dma_start3A_165 = arith.constant 5760 : i32
    %dma_start3A_166 = tpu.memref_slice %arg7[%dma_start3A_165] : memref<10240xf32, #tpu.memory_space<vmem>> -> memref<640xf32, #tpu.memory_space<vmem>>
    %dma_start3A_167 = tpu.memref_slice %arg8[%add3A_161] : memref<163840xf32, #tpu.memory_space<vmem_shared>> -> memref<640xf32, #tpu.memory_space<vmem_shared>>
    tpu.enqueue_dma source(%dma_start3A_167 : memref<640xf32, #tpu.memory_space<vmem_shared>>) target(%dma_start3A_166 : memref<640xf32, #tpu.memory_space<vmem>>) target_semaphore(%arg9 : memref<!tpu.dma_semaphore, #tpu.memory_space<semaphore_mem>>)
    %add3A_168 = arith.constant 102400 : i32
    %add3A_169 = arith.addi %mul3A_87, %add3A_168 : i32
    %dma_start3A_170 = arith.constant 6400 : i32
    %dma_start3A_171 = tpu.memref_slice %arg7[%dma_start3A_170] : memref<10240xf32, #tpu.memory_space<vmem>> -> memref<640xf32, #tpu.memory_space<vmem>>
    %dma_start3A_172 = tpu.memref_slice %arg8[%add3A_169] : memref<163840xf32, #tpu.memory_space<vmem_shared>> -> memref<640xf32, #tpu.memory_space<vmem_shared>>
    %dma_start3A_173 = arith.constant 6400 : i32
    %dma_start3A_174 = tpu.memref_slice %arg7[%dma_start3A_173] : memref<10240xf32, #tpu.memory_space<vmem>> -> memref<640xf32, #tpu.memory_space<vmem>>
    %dma_start3A_175 = tpu.memref_slice %arg8[%add3A_169] : memref<163840xf32, #tpu.memory_space<vmem_shared>> -> memref<640xf32, #tpu.memory_space<vmem_shared>>
    tpu.enqueue_dma source(%dma_start3A_175 : memref<640xf32, #tpu.memory_space<vmem_shared>>) target(%dma_start3A_174 : memref<640xf32, #tpu.memory_space<vmem>>) target_semaphore(%arg9 : memref<!tpu.dma_semaphore, #tpu.memory_space<semaphore_mem>>)
    %add3A_176 = arith.constant 112640 : i32
    %add3A_177 = arith.addi %mul3A_87, %add3A_176 : i32
    %dma_start3A_178 = arith.constant 7040 : i32
    %dma_start3A_179 = tpu.memref_slice %arg7[%dma_start3A_178] : memref<10240xf32, #tpu.memory_space<vmem>> -> memref<640xf32, #tpu.memory_space<vmem>>
    %dma_start3A_180 = tpu.memref_slice %arg8[%add3A_177] : memref<163840xf32, #tpu.memory_space<vmem_shared>> -> memref<640xf32, #tpu.memory_space<vmem_shared>>
    %dma_start3A_181 = arith.constant 7040 : i32
    %dma_start3A_182 = tpu.memref_slice %arg7[%dma_start3A_181] : memref<10240xf32, #tpu.memory_space<vmem>> -> memref<640xf32, #tpu.memory_space<vmem>>
    %dma_start3A_183 = tpu.memref_slice %arg8[%add3A_177] : memref<163840xf32, #tpu.memory_space<vmem_shared>> -> memref<640xf32, #tpu.memory_space<vmem_shared>>
    tpu.enqueue_dma source(%dma_start3A_183 : memref<640xf32, #tpu.memory_space<vmem_shared>>) target(%dma_start3A_182 : memref<640xf32, #tpu.memory_space<vmem>>) target_semaphore(%arg9 : memref<!tpu.dma_semaphore, #tpu.memory_space<semaphore_mem>>)
    %add3A_184 = arith.constant 122880 : i32
    %add3A_185 = arith.addi %mul3A_87, %add3A_184 : i32
    %dma_start3A_186 = arith.constant 7680 : i32
    %dma_start3A_187 = tpu.memref_slice %arg7[%dma_start3A_186] : memref<10240xf32, #tpu.memory_space<vmem>> -> memref<640xf32, #tpu.memory_space<vmem>>
    %dma_start3A_188 = tpu.memref_slice %arg8[%add3A_185] : memref<163840xf32, #tpu.memory_space<vmem_shared>> -> memref<640xf32, #tpu.memory_space<vmem_shared>>
    %dma_start3A_189 = arith.constant 7680 : i32
    %dma_start3A_190 = tpu.memref_slice %arg7[%dma_start3A_189] : memref<10240xf32, #tpu.memory_space<vmem>> -> memref<640xf32, #tpu.memory_space<vmem>>
    %dma_start3A_191 = tpu.memref_slice %arg8[%add3A_185] : memref<163840xf32, #tpu.memory_space<vmem_shared>> -> memref<640xf32, #tpu.memory_space<vmem_shared>>
    tpu.enqueue_dma source(%dma_start3A_191 : memref<640xf32, #tpu.memory_space<vmem_shared>>) target(%dma_start3A_190 : memref<640xf32, #tpu.memory_space<vmem>>) target_semaphore(%arg9 : memref<!tpu.dma_semaphore, #tpu.memory_space<semaphore_mem>>)
    %add3A_192 = arith.constant 133120 : i32
    %add3A_193 = arith.addi %mul3A_87, %add3A_192 : i32
    %dma_start3A_194 = arith.constant 8320 : i32
    %dma_start3A_195 = tpu.memref_slice %arg7[%dma_start3A_194] : memref<10240xf32, #tpu.memory_space<vmem>> -> memref<640xf32, #tpu.memory_space<vmem>>
    %dma_start3A_196 = tpu.memref_slice %arg8[%add3A_193] : memref<163840xf32, #tpu.memory_space<vmem_shared>> -> memref<640xf32, #tpu.memory_space<vmem_shared>>
    %dma_start3A_197 = arith.constant 8320 : i32
    %dma_start3A_198 = tpu.memref_slice %arg7[%dma_start3A_197] : memref<10240xf32, #tpu.memory_space<vmem>> -> memref<640xf32, #tpu.memory_space<vmem>>
    %dma_start3A_199 = tpu.memref_slice %arg8[%add3A_193] : memref<163840xf32, #tpu.memory_space<vmem_shared>> -> memref<640xf32, #tpu.memory_space<vmem_shared>>
    tpu.enqueue_dma source(%dma_start3A_199 : memref<640xf32, #tpu.memory_space<vmem_shared>>) target(%dma_start3A_198 : memref<640xf32, #tpu.memory_space<vmem>>) target_semaphore(%arg9 : memref<!tpu.dma_semaphore, #tpu.memory_space<semaphore_mem>>)
    %add3A_200 = arith.constant 143360 : i32
    %add3A_201 = arith.addi %mul3A_87, %add3A_200 : i32
    %dma_start3A_202 = arith.constant 8960 : i32
    %dma_start3A_203 = tpu.memref_slice %arg7[%dma_start3A_202] : memref<10240xf32, #tpu.memory_space<vmem>> -> memref<640xf32, #tpu.memory_space<vmem>>
    %dma_start3A_204 = tpu.memref_slice %arg8[%add3A_201] : memref<163840xf32, #tpu.memory_space<vmem_shared>> -> memref<640xf32, #tpu.memory_space<vmem_shared>>
    %dma_start3A_205 = arith.constant 8960 : i32
    %dma_start3A_206 = tpu.memref_slice %arg7[%dma_start3A_205] : memref<10240xf32, #tpu.memory_space<vmem>> -> memref<640xf32, #tpu.memory_space<vmem>>
    %dma_start3A_207 = tpu.memref_slice %arg8[%add3A_201] : memref<163840xf32, #tpu.memory_space<vmem_shared>> -> memref<640xf32, #tpu.memory_space<vmem_shared>>
    tpu.enqueue_dma source(%dma_start3A_207 : memref<640xf32, #tpu.memory_space<vmem_shared>>) target(%dma_start3A_206 : memref<640xf32, #tpu.memory_space<vmem>>) target_semaphore(%arg9 : memref<!tpu.dma_semaphore, #tpu.memory_space<semaphore_mem>>)
    %add3A_208 = arith.constant 153600 : i32
    %add3A_209 = arith.addi %mul3A_87, %add3A_208 : i32
    %dma_start3A_210 = arith.constant 9600 : i32
    %dma_start3A_211 = tpu.memref_slice %arg7[%dma_start3A_210] : memref<10240xf32, #tpu.memory_space<vmem>> -> memref<640xf32, #tpu.memory_space<vmem>>
    %dma_start3A_212 = tpu.memref_slice %arg8[%add3A_209] : memref<163840xf32, #tpu.memory_space<vmem_shared>> -> memref<640xf32, #tpu.memory_space<vmem_shared>>
    %dma_start3A_213 = arith.constant 9600 : i32
    %dma_start3A_214 = tpu.memref_slice %arg7[%dma_start3A_213] : memref<10240xf32, #tpu.memory_space<vmem>> -> memref<640xf32, #tpu.memory_space<vmem>>
    %dma_start3A_215 = tpu.memref_slice %arg8[%add3A_209] : memref<163840xf32, #tpu.memory_space<vmem_shared>> -> memref<640xf32, #tpu.memory_space<vmem_shared>>
    tpu.enqueue_dma source(%dma_start3A_215 : memref<640xf32, #tpu.memory_space<vmem_shared>>) target(%dma_start3A_214 : memref<640xf32, #tpu.memory_space<vmem>>) target_semaphore(%arg9 : memref<!tpu.dma_semaphore, #tpu.memory_space<semaphore_mem>>)
    %dma_wait3A_216 = arith.constant 0 : i32
    %dma_wait3A_217 = tpu.memref_slice %arg7[%dma_wait3A_216] : memref<10240xf32, #tpu.memory_space<vmem>> -> memref<640xf32, #tpu.memory_space<vmem>>
    %dma_wait3A_218 = tpu.memref_slice %arg8[%add3A_89] : memref<163840xf32, #tpu.memory_space<vmem_shared>> -> memref<640xf32, #tpu.memory_space<vmem_shared>>
    %dma_wait3A_219 = arith.constant 0 : i32
    %dma_wait3A_220 = tpu.memref_slice %arg7[%dma_wait3A_219] : memref<10240xf32, #tpu.memory_space<vmem>> -> memref<640xf32, #tpu.memory_space<vmem>>
    %dma_wait3A_221 = tpu.memref_slice %arg8[%add3A_89] : memref<163840xf32, #tpu.memory_space<vmem_shared>> -> memref<640xf32, #tpu.memory_space<vmem_shared>>
    tpu.wait_dma2 semaphore(%arg9 : memref<!tpu.dma_semaphore, #tpu.memory_space<semaphore_mem>>) src(%dma_wait3A_221 : memref<640xf32, #tpu.memory_space<vmem_shared>>) dst(%dma_wait3A_220 : memref<640xf32, #tpu.memory_space<vmem>>)
    %dma_wait3A_222 = arith.constant 640 : i32
    %dma_wait3A_223 = tpu.memref_slice %arg7[%dma_wait3A_222] : memref<10240xf32, #tpu.memory_space<vmem>> -> memref<640xf32, #tpu.memory_space<vmem>>
    %dma_wait3A_224 = tpu.memref_slice %arg8[%add3A_97] : memref<163840xf32, #tpu.memory_space<vmem_shared>> -> memref<640xf32, #tpu.memory_space<vmem_shared>>
    %dma_wait3A_225 = arith.constant 640 : i32
    %dma_wait3A_226 = tpu.memref_slice %arg7[%dma_wait3A_225] : memref<10240xf32, #tpu.memory_space<vmem>> -> memref<640xf32, #tpu.memory_space<vmem>>
    %dma_wait3A_227 = tpu.memref_slice %arg8[%add3A_97] : memref<163840xf32, #tpu.memory_space<vmem_shared>> -> memref<640xf32, #tpu.memory_space<vmem_shared>>
    tpu.wait_dma2 semaphore(%arg9 : memref<!tpu.dma_semaphore, #tpu.memory_space<semaphore_mem>>) src(%dma_wait3A_227 : memref<640xf32, #tpu.memory_space<vmem_shared>>) dst(%dma_wait3A_226 : memref<640xf32, #tpu.memory_space<vmem>>)
    %dma_wait3A_228 = arith.constant 1280 : i32
    %dma_wait3A_229 = tpu.memref_slice %arg7[%dma_wait3A_228] : memref<10240xf32, #tpu.memory_space<vmem>> -> memref<640xf32, #tpu.memory_space<vmem>>
    %dma_wait3A_230 = tpu.memref_slice %arg8[%add3A_105] : memref<163840xf32, #tpu.memory_space<vmem_shared>> -> memref<640xf32, #tpu.memory_space<vmem_shared>>
    %dma_wait3A_231 = arith.constant 1280 : i32
    %dma_wait3A_232 = tpu.memref_slice %arg7[%dma_wait3A_231] : memref<10240xf32, #tpu.memory_space<vmem>> -> memref<640xf32, #tpu.memory_space<vmem>>
    %dma_wait3A_233 = tpu.memref_slice %arg8[%add3A_105] : memref<163840xf32, #tpu.memory_space<vmem_shared>> -> memref<640xf32, #tpu.memory_space<vmem_shared>>
    tpu.wait_dma2 semaphore(%arg9 : memref<!tpu.dma_semaphore, #tpu.memory_space<semaphore_mem>>) src(%dma_wait3A_233 : memref<640xf32, #tpu.memory_space<vmem_shared>>) dst(%dma_wait3A_232 : memref<640xf32, #tpu.memory_space<vmem>>)
    %dma_wait3A_234 = arith.constant 1920 : i32
    %dma_wait3A_235 = tpu.memref_slice %arg7[%dma_wait3A_234] : memref<10240xf32, #tpu.memory_space<vmem>> -> memref<640xf32, #tpu.memory_space<vmem>>
    %dma_wait3A_236 = tpu.memref_slice %arg8[%add3A_113] : memref<163840xf32, #tpu.memory_space<vmem_shared>> -> memref<640xf32, #tpu.memory_space<vmem_shared>>
    %dma_wait3A_237 = arith.constant 1920 : i32
    %dma_wait3A_238 = tpu.memref_slice %arg7[%dma_wait3A_237] : memref<10240xf32, #tpu.memory_space<vmem>> -> memref<640xf32, #tpu.memory_space<vmem>>
    %dma_wait3A_239 = tpu.memref_slice %arg8[%add3A_113] : memref<163840xf32, #tpu.memory_space<vmem_shared>> -> memref<640xf32, #tpu.memory_space<vmem_shared>>
    tpu.wait_dma2 semaphore(%arg9 : memref<!tpu.dma_semaphore, #tpu.memory_space<semaphore_mem>>) src(%dma_wait3A_239 : memref<640xf32, #tpu.memory_space<vmem_shared>>) dst(%dma_wait3A_238 : memref<640xf32, #tpu.memory_space<vmem>>)
    %dma_wait3A_240 = arith.constant 2560 : i32
    %dma_wait3A_241 = tpu.memref_slice %arg7[%dma_wait3A_240] : memref<10240xf32, #tpu.memory_space<vmem>> -> memref<640xf32, #tpu.memory_space<vmem>>
    %dma_wait3A_242 = tpu.memref_slice %arg8[%add3A_121] : memref<163840xf32, #tpu.memory_space<vmem_shared>> -> memref<640xf32, #tpu.memory_space<vmem_shared>>
    %dma_wait3A_243 = arith.constant 2560 : i32
    %dma_wait3A_244 = tpu.memref_slice %arg7[%dma_wait3A_243] : memref<10240xf32, #tpu.memory_space<vmem>> -> memref<640xf32, #tpu.memory_space<vmem>>
    %dma_wait3A_245 = tpu.memref_slice %arg8[%add3A_121] : memref<163840xf32, #tpu.memory_space<vmem_shared>> -> memref<640xf32, #tpu.memory_space<vmem_shared>>
    tpu.wait_dma2 semaphore(%arg9 : memref<!tpu.dma_semaphore, #tpu.memory_space<semaphore_mem>>) src(%dma_wait3A_245 : memref<640xf32, #tpu.memory_space<vmem_shared>>) dst(%dma_wait3A_244 : memref<640xf32, #tpu.memory_space<vmem>>)
    %dma_wait3A_246 = arith.constant 3200 : i32
    %dma_wait3A_247 = tpu.memref_slice %arg7[%dma_wait3A_246] : memref<10240xf32, #tpu.memory_space<vmem>> -> memref<640xf32, #tpu.memory_space<vmem>>
    %dma_wait3A_248 = tpu.memref_slice %arg8[%add3A_129] : memref<163840xf32, #tpu.memory_space<vmem_shared>> -> memref<640xf32, #tpu.memory_space<vmem_shared>>
    %dma_wait3A_249 = arith.constant 3200 : i32
    %dma_wait3A_250 = tpu.memref_slice %arg7[%dma_wait3A_249] : memref<10240xf32, #tpu.memory_space<vmem>> -> memref<640xf32, #tpu.memory_space<vmem>>
    %dma_wait3A_251 = tpu.memref_slice %arg8[%add3A_129] : memref<163840xf32, #tpu.memory_space<vmem_shared>> -> memref<640xf32, #tpu.memory_space<vmem_shared>>
    tpu.wait_dma2 semaphore(%arg9 : memref<!tpu.dma_semaphore, #tpu.memory_space<semaphore_mem>>) src(%dma_wait3A_251 : memref<640xf32, #tpu.memory_space<vmem_shared>>) dst(%dma_wait3A_250 : memref<640xf32, #tpu.memory_space<vmem>>)
    %dma_wait3A_252 = arith.constant 3840 : i32
    %dma_wait3A_253 = tpu.memref_slice %arg7[%dma_wait3A_252] : memref<10240xf32, #tpu.memory_space<vmem>> -> memref<640xf32, #tpu.memory_space<vmem>>
    %dma_wait3A_254 = tpu.memref_slice %arg8[%add3A_137] : memref<163840xf32, #tpu.memory_space<vmem_shared>> -> memref<640xf32, #tpu.memory_space<vmem_shared>>
    %dma_wait3A_255 = arith.constant 3840 : i32
    %dma_wait3A_256 = tpu.memref_slice %arg7[%dma_wait3A_255] : memref<10240xf32, #tpu.memory_space<vmem>> -> memref<640xf32, #tpu.memory_space<vmem>>
    %dma_wait3A_257 = tpu.memref_slice %arg8[%add3A_137] : memref<163840xf32, #tpu.memory_space<vmem_shared>> -> memref<640xf32, #tpu.memory_space<vmem_shared>>
    tpu.wait_dma2 semaphore(%arg9 : memref<!tpu.dma_semaphore, #tpu.memory_space<semaphore_mem>>) src(%dma_wait3A_257 : memref<640xf32, #tpu.memory_space<vmem_shared>>) dst(%dma_wait3A_256 : memref<640xf32, #tpu.memory_space<vmem>>)
    %dma_wait3A_258 = arith.constant 4480 : i32
    %dma_wait3A_259 = tpu.memref_slice %arg7[%dma_wait3A_258] : memref<10240xf32, #tpu.memory_space<vmem>> -> memref<640xf32, #tpu.memory_space<vmem>>
    %dma_wait3A_260 = tpu.memref_slice %arg8[%add3A_145] : memref<163840xf32, #tpu.memory_space<vmem_shared>> -> memref<640xf32, #tpu.memory_space<vmem_shared>>
    %dma_wait3A_261 = arith.constant 4480 : i32
    %dma_wait3A_262 = tpu.memref_slice %arg7[%dma_wait3A_261] : memref<10240xf32, #tpu.memory_space<vmem>> -> memref<640xf32, #tpu.memory_space<vmem>>
    %dma_wait3A_263 = tpu.memref_slice %arg8[%add3A_145] : memref<163840xf32, #tpu.memory_space<vmem_shared>> -> memref<640xf32, #tpu.memory_space<vmem_shared>>
    tpu.wait_dma2 semaphore(%arg9 : memref<!tpu.dma_semaphore, #tpu.memory_space<semaphore_mem>>) src(%dma_wait3A_263 : memref<640xf32, #tpu.memory_space<vmem_shared>>) dst(%dma_wait3A_262 : memref<640xf32, #tpu.memory_space<vmem>>)
    %dma_wait3A_264 = arith.constant 5120 : i32
    %dma_wait3A_265 = tpu.memref_slice %arg7[%dma_wait3A_264] : memref<10240xf32, #tpu.memory_space<vmem>> -> memref<640xf32, #tpu.memory_space<vmem>>
    %dma_wait3A_266 = tpu.memref_slice %arg8[%add3A_153] : memref<163840xf32, #tpu.memory_space<vmem_shared>> -> memref<640xf32, #tpu.memory_space<vmem_shared>>
    %dma_wait3A_267 = arith.constant 5120 : i32
    %dma_wait3A_268 = tpu.memref_slice %arg7[%dma_wait3A_267] : memref<10240xf32, #tpu.memory_space<vmem>> -> memref<640xf32, #tpu.memory_space<vmem>>
    %dma_wait3A_269 = tpu.memref_slice %arg8[%add3A_153] : memref<163840xf32, #tpu.memory_space<vmem_shared>> -> memref<640xf32, #tpu.memory_space<vmem_shared>>
    tpu.wait_dma2 semaphore(%arg9 : memref<!tpu.dma_semaphore, #tpu.memory_space<semaphore_mem>>) src(%dma_wait3A_269 : memref<640xf32, #tpu.memory_space<vmem_shared>>) dst(%dma_wait3A_268 : memref<640xf32, #tpu.memory_space<vmem>>)
    %dma_wait3A_270 = arith.constant 5760 : i32
    %dma_wait3A_271 = tpu.memref_slice %arg7[%dma_wait3A_270] : memref<10240xf32, #tpu.memory_space<vmem>> -> memref<640xf32, #tpu.memory_space<vmem>>
    %dma_wait3A_272 = tpu.memref_slice %arg8[%add3A_161] : memref<163840xf32, #tpu.memory_space<vmem_shared>> -> memref<640xf32, #tpu.memory_space<vmem_shared>>
    %dma_wait3A_273 = arith.constant 5760 : i32
    %dma_wait3A_274 = tpu.memref_slice %arg7[%dma_wait3A_273] : memref<10240xf32, #tpu.memory_space<vmem>> -> memref<640xf32, #tpu.memory_space<vmem>>
    %dma_wait3A_275 = tpu.memref_slice %arg8[%add3A_161] : memref<163840xf32, #tpu.memory_space<vmem_shared>> -> memref<640xf32, #tpu.memory_space<vmem_shared>>
    tpu.wait_dma2 semaphore(%arg9 : memref<!tpu.dma_semaphore, #tpu.memory_space<semaphore_mem>>) src(%dma_wait3A_275 : memref<640xf32, #tpu.memory_space<vmem_shared>>) dst(%dma_wait3A_274 : memref<640xf32, #tpu.memory_space<vmem>>)
    %dma_wait3A_276 = arith.constant 6400 : i32
    %dma_wait3A_277 = tpu.memref_slice %arg7[%dma_wait3A_276] : memref<10240xf32, #tpu.memory_space<vmem>> -> memref<640xf32, #tpu.memory_space<vmem>>
    %dma_wait3A_278 = tpu.memref_slice %arg8[%add3A_169] : memref<163840xf32, #tpu.memory_space<vmem_shared>> -> memref<640xf32, #tpu.memory_space<vmem_shared>>
    %dma_wait3A_279 = arith.constant 6400 : i32
    %dma_wait3A_280 = tpu.memref_slice %arg7[%dma_wait3A_279] : memref<10240xf32, #tpu.memory_space<vmem>> -> memref<640xf32, #tpu.memory_space<vmem>>
    %dma_wait3A_281 = tpu.memref_slice %arg8[%add3A_169] : memref<163840xf32, #tpu.memory_space<vmem_shared>> -> memref<640xf32, #tpu.memory_space<vmem_shared>>
    tpu.wait_dma2 semaphore(%arg9 : memref<!tpu.dma_semaphore, #tpu.memory_space<semaphore_mem>>) src(%dma_wait3A_281 : memref<640xf32, #tpu.memory_space<vmem_shared>>) dst(%dma_wait3A_280 : memref<640xf32, #tpu.memory_space<vmem>>)
    %dma_wait3A_282 = arith.constant 7040 : i32
    %dma_wait3A_283 = tpu.memref_slice %arg7[%dma_wait3A_282] : memref<10240xf32, #tpu.memory_space<vmem>> -> memref<640xf32, #tpu.memory_space<vmem>>
    %dma_wait3A_284 = tpu.memref_slice %arg8[%add3A_177] : memref<163840xf32, #tpu.memory_space<vmem_shared>> -> memref<640xf32, #tpu.memory_space<vmem_shared>>
    %dma_wait3A_285 = arith.constant 7040 : i32
    %dma_wait3A_286 = tpu.memref_slice %arg7[%dma_wait3A_285] : memref<10240xf32, #tpu.memory_space<vmem>> -> memref<640xf32, #tpu.memory_space<vmem>>
    %dma_wait3A_287 = tpu.memref_slice %arg8[%add3A_177] : memref<163840xf32, #tpu.memory_space<vmem_shared>> -> memref<640xf32, #tpu.memory_space<vmem_shared>>
    tpu.wait_dma2 semaphore(%arg9 : memref<!tpu.dma_semaphore, #tpu.memory_space<semaphore_mem>>) src(%dma_wait3A_287 : memref<640xf32, #tpu.memory_space<vmem_shared>>) dst(%dma_wait3A_286 : memref<640xf32, #tpu.memory_space<vmem>>)
    %dma_wait3A_288 = arith.constant 7680 : i32
    %dma_wait3A_289 = tpu.memref_slice %arg7[%dma_wait3A_288] : memref<10240xf32, #tpu.memory_space<vmem>> -> memref<640xf32, #tpu.memory_space<vmem>>
    %dma_wait3A_290 = tpu.memref_slice %arg8[%add3A_185] : memref<163840xf32, #tpu.memory_space<vmem_shared>> -> memref<640xf32, #tpu.memory_space<vmem_shared>>
    %dma_wait3A_291 = arith.constant 7680 : i32
    %dma_wait3A_292 = tpu.memref_slice %arg7[%dma_wait3A_291] : memref<10240xf32, #tpu.memory_space<vmem>> -> memref<640xf32, #tpu.memory_space<vmem>>
    %dma_wait3A_293 = tpu.memref_slice %arg8[%add3A_185] : memref<163840xf32, #tpu.memory_space<vmem_shared>> -> memref<640xf32, #tpu.memory_space<vmem_shared>>
    tpu.wait_dma2 semaphore(%arg9 : memref<!tpu.dma_semaphore, #tpu.memory_space<semaphore_mem>>) src(%dma_wait3A_293 : memref<640xf32, #tpu.memory_space<vmem_shared>>) dst(%dma_wait3A_292 : memref<640xf32, #tpu.memory_space<vmem>>)
    %dma_wait3A_294 = arith.constant 8320 : i32
    %dma_wait3A_295 = tpu.memref_slice %arg7[%dma_wait3A_294] : memref<10240xf32, #tpu.memory_space<vmem>> -> memref<640xf32, #tpu.memory_space<vmem>>
    %dma_wait3A_296 = tpu.memref_slice %arg8[%add3A_193] : memref<163840xf32, #tpu.memory_space<vmem_shared>> -> memref<640xf32, #tpu.memory_space<vmem_shared>>
    %dma_wait3A_297 = arith.constant 8320 : i32
    %dma_wait3A_298 = tpu.memref_slice %arg7[%dma_wait3A_297] : memref<10240xf32, #tpu.memory_space<vmem>> -> memref<640xf32, #tpu.memory_space<vmem>>
    %dma_wait3A_299 = tpu.memref_slice %arg8[%add3A_193] : memref<163840xf32, #tpu.memory_space<vmem_shared>> -> memref<640xf32, #tpu.memory_space<vmem_shared>>
    tpu.wait_dma2 semaphore(%arg9 : memref<!tpu.dma_semaphore, #tpu.memory_space<semaphore_mem>>) src(%dma_wait3A_299 : memref<640xf32, #tpu.memory_space<vmem_shared>>) dst(%dma_wait3A_298 : memref<640xf32, #tpu.memory_space<vmem>>)
    %dma_wait3A_300 = arith.constant 8960 : i32
    %dma_wait3A_301 = tpu.memref_slice %arg7[%dma_wait3A_300] : memref<10240xf32, #tpu.memory_space<vmem>> -> memref<640xf32, #tpu.memory_space<vmem>>
    %dma_wait3A_302 = tpu.memref_slice %arg8[%add3A_201] : memref<163840xf32, #tpu.memory_space<vmem_shared>> -> memref<640xf32, #tpu.memory_space<vmem_shared>>
    %dma_wait3A_303 = arith.constant 8960 : i32
    %dma_wait3A_304 = tpu.memref_slice %arg7[%dma_wait3A_303] : memref<10240xf32, #tpu.memory_space<vmem>> -> memref<640xf32, #tpu.memory_space<vmem>>
    %dma_wait3A_305 = tpu.memref_slice %arg8[%add3A_201] : memref<163840xf32, #tpu.memory_space<vmem_shared>> -> memref<640xf32, #tpu.memory_space<vmem_shared>>
    tpu.wait_dma2 semaphore(%arg9 : memref<!tpu.dma_semaphore, #tpu.memory_space<semaphore_mem>>) src(%dma_wait3A_305 : memref<640xf32, #tpu.memory_space<vmem_shared>>) dst(%dma_wait3A_304 : memref<640xf32, #tpu.memory_space<vmem>>)
    %dma_wait3A_306 = arith.constant 9600 : i32
    %dma_wait3A_307 = tpu.memref_slice %arg7[%dma_wait3A_306] : memref<10240xf32, #tpu.memory_space<vmem>> -> memref<640xf32, #tpu.memory_space<vmem>>
    %dma_wait3A_308 = tpu.memref_slice %arg8[%add3A_209] : memref<163840xf32, #tpu.memory_space<vmem_shared>> -> memref<640xf32, #tpu.memory_space<vmem_shared>>
    %dma_wait3A_309 = arith.constant 9600 : i32
    %dma_wait3A_310 = tpu.memref_slice %arg7[%dma_wait3A_309] : memref<10240xf32, #tpu.memory_space<vmem>> -> memref<640xf32, #tpu.memory_space<vmem>>
    %dma_wait3A_311 = tpu.memref_slice %arg8[%add3A_209] : memref<163840xf32, #tpu.memory_space<vmem_shared>> -> memref<640xf32, #tpu.memory_space<vmem_shared>>
    tpu.wait_dma2 semaphore(%arg9 : memref<!tpu.dma_semaphore, #tpu.memory_space<semaphore_mem>>) src(%dma_wait3A_311 : memref<640xf32, #tpu.memory_space<vmem_shared>>) dst(%dma_wait3A_310 : memref<640xf32, #tpu.memory_space<vmem>>)
    %scan3A_312 = arith.constant 0 : i32
    %scan3A_313 = arith.constant 40 : i32
    %scan3A_314 = arith.addi %scan3A_312, %scan3A_313 : i32
    %scan3A_315 = arith.constant 1 : i32
    scf.for %scan3A_322 = %scan3A_312 to %scan3A_314 step %scan3A_315  : i32 {
      %mul3A_323 = arith.constant 16 : i32
      %mul3A_324 = arith.muli %scan3A_322, %mul3A_323 : i32
      %add3A_325 = arith.constant 0 : i32
      %add3A_326 = arith.addi %add3A_325, %mul3A_324 : i32
      %add3A_327 = arith.constant 0 : i32
      %add3A_328 = arith.addi %add3A_327, %add3A_326 : i32
      %get3A_329 = arith.index_cast %add3A_328 : i32 to index
      %get3A_330 = tpu.vector_load %arg7[%get3A_329] {strides = array<i32>} : memref<10240xf32, #tpu.memory_space<vmem>>, vector<16xf32>,
      %add3A_331 = arith.constant 640 : i32
      %add3A_332 = arith.addi %add3A_331, %add3A_326 : i32
      %get3A_333 = arith.index_cast %add3A_332 : i32 to index
      %get3A_334 = tpu.vector_load %arg7[%get3A_333] {strides = array<i32>} : memref<10240xf32, #tpu.memory_space<vmem>>, vector<16xf32>,
      %add3A_335 = arith.addf %get3A_330, %get3A_334 : vector<16xf32>
      %add3A_336 = arith.constant 1280 : i32
      %add3A_337 = arith.addi %add3A_336, %add3A_326 : i32
      %get3A_338 = arith.index_cast %add3A_337 : i32 to index
      %get3A_339 = tpu.vector_load %arg7[%get3A_338] {strides = array<i32>} : memref<10240xf32, #tpu.memory_space<vmem>>, vector<16xf32>,
      %add3A_340 = arith.addf %add3A_335, %get3A_339 : vector<16xf32>
      %add3A_341 = arith.constant 1920 : i32
      %add3A_342 = arith.addi %add3A_341, %add3A_326 : i32
      %get3A_343 = arith.index_cast %add3A_342 : i32 to index
      %get3A_344 = tpu.vector_load %arg7[%get3A_343] {strides = array<i32>} : memref<10240xf32, #tpu.memory_space<vmem>>, vector<16xf32>,
      %add3A_345 = arith.addf %add3A_340, %get3A_344 : vector<16xf32>
      %add3A_346 = arith.constant 2560 : i32
      %add3A_347 = arith.addi %add3A_346, %add3A_326 : i32
      %get3A_348 = arith.index_cast %add3A_347 : i32 to index
      %get3A_349 = tpu.vector_load %arg7[%get3A_348] {strides = array<i32>} : memref<10240xf32, #tpu.memory_space<vmem>>, vector<16xf32>,
      %add3A_350 = arith.addf %add3A_345, %get3A_349 : vector<16xf32>
      %add3A_351 = arith.constant 3200 : i32
      %add3A_352 = arith.addi %add3A_351, %add3A_326 : i32
      %get3A_353 = arith.index_cast %add3A_352 : i32 to index
      %get3A_354 = tpu.vector_load %arg7[%get3A_353] {strides = array<i32>} : memref<10240xf32, #tpu.memory_space<vmem>>, vector<16xf32>,
      %add3A_355 = arith.addf %add3A_350, %get3A_354 : vector<16xf32>
      %add3A_356 = arith.constant 3840 : i32
      %add3A_357 = arith.addi %add3A_356, %add3A_326 : i32
      %get3A_358 = arith.index_cast %add3A_357 : i32 to index
      %get3A_359 = tpu.vector_load %arg7[%get3A_358] {strides = array<i32>} : memref<10240xf32, #tpu.memory_space<vmem>>, vector<16xf32>,
      %add3A_360 = arith.addf %add3A_355, %get3A_359 : vector<16xf32>
      %add3A_361 = arith.constant 4480 : i32
      %add3A_362 = arith.addi %add3A_361, %add3A_326 : i32
      %get3A_363 = arith.index_cast %add3A_362 : i32 to index
      %get3A_364 = tpu.vector_load %arg7[%get3A_363] {strides = array<i32>} : memref<10240xf32, #tpu.memory_space<vmem>>, vector<16xf32>,
      %add3A_365 = arith.addf %add3A_360, %get3A_364 : vector<16xf32>
      %add3A_366 = arith.constant 5120 : i32
      %add3A_367 = arith.addi %add3A_366, %add3A_326 : i32
      %get3A_368 = arith.index_cast %add3A_367 : i32 to index
      %get3A_369 = tpu.vector_load %arg7[%get3A_368] {strides = array<i32>} : memref<10240xf32, #tpu.memory_space<vmem>>, vector<16xf32>,
      %add3A_370 = arith.addf %add3A_365, %get3A_369 : vector<16xf32>
      %add3A_371 = arith.constant 5760 : i32
      %add3A_372 = arith.addi %add3A_371, %add3A_326 : i32
      %get3A_373 = arith.index_cast %add3A_372 : i32 to index
      %get3A_374 = tpu.vector_load %arg7[%get3A_373] {strides = array<i32>} : memref<10240xf32, #tpu.memory_space<vmem>>, vector<16xf32>,
      %add3A_375 = arith.addf %add3A_370, %get3A_374 : vector<16xf32>
      %add3A_376 = arith.constant 6400 : i32
      %add3A_377 = arith.addi %add3A_376, %add3A_326 : i32
      %get3A_378 = arith.index_cast %add3A_377 : i32 to index
      %get3A_379 = tpu.vector_load %arg7[%get3A_378] {strides = array<i32>} : memref<10240xf32, #tpu.memory_space<vmem>>, vector<16xf32>,
      %add3A_380 = arith.addf %add3A_375, %get3A_379 : vector<16xf32>
      %add3A_381 = arith.constant 7040 : i32
      %add3A_382 = arith.addi %add3A_381, %add3A_326 : i32
      %get3A_383 = arith.index_cast %add3A_382 : i32 to index
      %get3A_384 = tpu.vector_load %arg7[%get3A_383] {strides = array<i32>} : memref<10240xf32, #tpu.memory_space<vmem>>, vector<16xf32>,
      %add3A_385 = arith.addf %add3A_380, %get3A_384 : vector<16xf32>
      %add3A_386 = arith.constant 7680 : i32
      %add3A_387 = arith.addi %add3A_386, %add3A_326 : i32
      %get3A_388 = arith.index_cast %add3A_387 : i32 to index
      %get3A_389 = tpu.vector_load %arg7[%get3A_388] {strides = array<i32>} : memref<10240xf32, #tpu.memory_space<vmem>>, vector<16xf32>,
      %add3A_390 = arith.addf %add3A_385, %get3A_389 : vector<16xf32>
      %add3A_391 = arith.constant 8320 : i32
      %add3A_392 = arith.addi %add3A_391, %add3A_326 : i32
      %get3A_393 = arith.index_cast %add3A_392 : i32 to index
      %get3A_394 = tpu.vector_load %arg7[%get3A_393] {strides = array<i32>} : memref<10240xf32, #tpu.memory_space<vmem>>, vector<16xf32>,
      %add3A_395 = arith.addf %add3A_390, %get3A_394 : vector<16xf32>
      %add3A_396 = arith.constant 8960 : i32
      %add3A_397 = arith.addi %add3A_396, %add3A_326 : i32
      %get3A_398 = arith.index_cast %add3A_397 : i32 to index
      %get3A_399 = tpu.vector_load %arg7[%get3A_398] {strides = array<i32>} : memref<10240xf32, #tpu.memory_space<vmem>>, vector<16xf32>,
      %add3A_400 = arith.addf %add3A_395, %get3A_399 : vector<16xf32>
      %add3A_401 = arith.constant 9600 : i32
      %add3A_402 = arith.addi %add3A_401, %add3A_326 : i32
      %get3A_403 = arith.index_cast %add3A_402 : i32 to index
      %get3A_404 = tpu.vector_load %arg7[%get3A_403] {strides = array<i32>} : memref<10240xf32, #tpu.memory_space<vmem>>, vector<16xf32>,
      %add3A_405 = arith.addf %add3A_400, %get3A_404 : vector<16xf32>
      %swap3A = arith.index_cast %add3A_326 : i32 to index
      %swap3A_406 = tpu.vector_load %arg6[%swap3A] {strides = array<i32>} : memref<640xf32, #tpu.memory_space<vmem>>, vector<16xf32>,
      tpu.vector_store %arg6[%swap3A], %add3A_405 {strides = array<i32>} : memref<640xf32, #tpu.memory_space<vmem>>, vector<16xf32>,
    }
    %scan3A_316 = arith.constant 40 : i32
    %mul3A_317 = arith.constant 10240 : i32
    %mul3A_318 = arith.muli %arg0, %mul3A_317 : i32
    %mul3A_319 = arith.constant 640 : i32
    %mul3A_320 = arith.muli %arg1, %mul3A_319 : i32
    %add3A_321 = arith.addi %mul3A_318, %mul3A_320 : i32
    "tpu.region"() ({
      %run_scoped3A = tpu.sem_alloc : memref<!tpu.dma_semaphore, #tpu.memory_space<semaphore_mem>>
      %dma_start3A_322 = tpu.memref_slice %arg3[%add3A_321] : memref<20480xf32, #tpu.memory_space<hbm>> -> memref<640xf32, #tpu.memory_space<hbm>>
      %dma_start3A_323 = tpu.memref_slice %arg3[%add3A_321] : memref<20480xf32, #tpu.memory_space<hbm>> -> memref<640xf32, #tpu.memory_space<hbm>>
      tpu.enqueue_dma source(%arg6 : memref<640xf32, #tpu.memory_space<vmem>>) target(%dma_start3A_323 : memref<640xf32, #tpu.memory_space<hbm>>) target_semaphore(%run_scoped3A : memref<!tpu.dma_semaphore, #tpu.memory_space<semaphore_mem>>)
      %dma_wait3A_324 = tpu.memref_slice %arg3[%add3A_321] : memref<20480xf32, #tpu.memory_space<hbm>> -> memref<640xf32, #tpu.memory_space<hbm>>
      %dma_wait3A_325 = tpu.memref_slice %arg3[%add3A_321] : memref<20480xf32, #tpu.memory_space<hbm>> -> memref<640xf32, #tpu.memory_space<hbm>>
      tpu.wait_dma2 semaphore(%run_scoped3A : memref<!tpu.dma_semaphore, #tpu.memory_space<semaphore_mem>>) src(%arg6 : memref<640xf32, #tpu.memory_space<vmem>>) dst(%dma_wait3A_325 : memref<640xf32, #tpu.memory_space<hbm>>)
      tpu.yield
    }) : () -> ()
    return
  }
}

#map = affine_map<(d0, d1) -> (0, 0)>
#map1 = affine_map<(d0, d1) -> (0)>
module attributes {stable_mosaic.version = 14 : i64} {
  func.func @_sc_aggregate(%arg0: i32, %arg1: i32, %arg2: memref<2x160000xi32, #tpu.memory_space<hbm>>, %arg3: memref<30720xf32, #tpu.memory_space<hbm>>, %arg4: memref<61440xf32, #tpu.memory_space<hbm>>, %arg5: memref<2x5120xi32, #tpu.memory_space<vmem>>, %arg6: memref<10240xf32, #tpu.memory_space<vmem>>, %arg7: memref<10240xf32, #tpu.memory_space<vmem>>, %arg8: memref<10240xf32, #tpu.memory_space<vmem>>, %arg9: memref<10240xf32, #tpu.memory_space<vmem>>, %arg10: memref<10240xf32, #tpu.memory_space<vmem>>, %arg11: memref<10240xf32, #tpu.memory_space<vmem>>, %arg12: memref<640xf32, #tpu.memory_space<vmem>>, %arg13: memref<10240xf32, #tpu.memory_space<vmem>>, %arg14: memref<163840xf32, #tpu.memory_space<vmem_shared>>, %arg15: memref<!tpu.dma_semaphore, #tpu.memory_space<semaphore_mem>>) attributes {dimension_semantics = [#tpu.dimension_semantics<core_parallel>, #tpu.dimension_semantics<subcore_parallel>], iteration_bounds = array<i64: 2, 16>, scalar_prefetch = 0 : i64, scratch_operands = 11 : i64, tpu.core_type = #tpu.core_type<sc_vector_subcore>, window_params = [{transform_indices = #map}, {transform_indices = #map1}, {transform_indices = #map1}]} {
    %mul3A = arith.constant 16 : i32
    %mul3A_0 = arith.muli %arg0, %mul3A : i32
    %add3A = arith.addi %mul3A_0, %arg1 : i32
    %mul3A_1 = arith.constant 5000 : i32
    %mul3A_2 = arith.muli %add3A, %mul3A_1 : i32
    %rem3A = arith.constant 128 : i32
    %rem3A_3 = arith.remsi %mul3A_2, %rem3A : i32
    %sub3A = arith.subi %mul3A_2, %rem3A_3 : i32
    %multiple_of3A = tpu.assume_multiple %sub3A, 128 : i32
    %rem3A_4 = arith.constant 16 : i32
    %rem3A_5 = arith.remsi %rem3A_3, %rem3A_4 : i32
    %sub3A_6 = arith.subi %rem3A_3, %rem3A_5 : i32
    %sub3A_7 = arith.subi %rem3A_3, %sub3A_6 : i32
    %iota3A = tpu.iota {dimensions = array<i32: 0>} : vector<16xi32>
    %ge3A = vector.broadcast %sub3A_7 : i32 to vector<16xi32>
    %ge3A_8 = arith.cmpi sge, %iota3A, %ge3A : vector<16xi32>
    %add3A_9 = arith.constant 8 : i32
    %add3A_10 = arith.addi %sub3A_7, %add3A_9 : i32
    %lt3A = vector.broadcast %add3A_10 : i32 to vector<16xi32>
    %lt3A_11 = arith.cmpi slt, %iota3A, %lt3A : vector<16xi32>
    %dma_start3A = arith.constant 0 : i32
    %dma_start3A_12 = arith.constant 0 : i32
    %dma_start3A_13 = tpu.memref_slice %arg5[%dma_start3A, %dma_start3A_12] : memref<2x5120xi32, #tpu.memory_space<vmem>> -> memref<2x5120xi32, #tpu.memory_space<vmem>>
    %dma_start3A_14 = arith.constant 0 : i32
    %dma_start3A_15 = tpu.memref_slice %arg2[%dma_start3A_14, %multiple_of3A] : memref<2x160000xi32, #tpu.memory_space<hbm>> -> memref<2x5120xi32, #tpu.memory_space<hbm>>
    %dma_start3A_16 = arith.constant 0 : i32
    %dma_start3A_17 = arith.constant 0 : i32
    %dma_start3A_18 = tpu.memref_slice %arg5[%dma_start3A_16, %dma_start3A_17] : memref<2x5120xi32, #tpu.memory_space<vmem>> -> memref<2x5120xi32, #tpu.memory_space<vmem>>
    %dma_start3A_19 = arith.constant 0 : i32
    %dma_start3A_20 = tpu.memref_slice %arg2[%dma_start3A_19, %multiple_of3A] : memref<2x160000xi32, #tpu.memory_space<hbm>> -> memref<2x5120xi32, #tpu.memory_space<hbm>>
    tpu.enqueue_dma source(%dma_start3A_20 : memref<2x5120xi32, #tpu.memory_space<hbm>>) target(%dma_start3A_18 : memref<2x5120xi32, #tpu.memory_space<vmem>>) target_semaphore(%arg15 : memref<!tpu.dma_semaphore, #tpu.memory_space<semaphore_mem>>)
    %dma_start3A_21 = arith.constant 0 : i32
    %dma_start3A_22 = tpu.memref_slice %arg3[%dma_start3A_21] : memref<30720xf32, #tpu.memory_space<hbm>> -> memref<10240xf32, #tpu.memory_space<hbm>>
    %dma_start3A_23 = arith.constant 0 : i32
    %dma_start3A_24 = tpu.memref_slice %arg3[%dma_start3A_23] : memref<30720xf32, #tpu.memory_space<hbm>> -> memref<10240xf32, #tpu.memory_space<hbm>>
    tpu.enqueue_dma source(%dma_start3A_24 : memref<10240xf32, #tpu.memory_space<hbm>>) target(%arg6 : memref<10240xf32, #tpu.memory_space<vmem>>) target_semaphore(%arg15 : memref<!tpu.dma_semaphore, #tpu.memory_space<semaphore_mem>>)
    %dma_start3A_25 = arith.constant 10240 : i32
    %dma_start3A_26 = tpu.memref_slice %arg3[%dma_start3A_25] : memref<30720xf32, #tpu.memory_space<hbm>> -> memref<10240xf32, #tpu.memory_space<hbm>>
    %dma_start3A_27 = arith.constant 10240 : i32
    %dma_start3A_28 = tpu.memref_slice %arg3[%dma_start3A_27] : memref<30720xf32, #tpu.memory_space<hbm>> -> memref<10240xf32, #tpu.memory_space<hbm>>
    tpu.enqueue_dma source(%dma_start3A_28 : memref<10240xf32, #tpu.memory_space<hbm>>) target(%arg7 : memref<10240xf32, #tpu.memory_space<vmem>>) target_semaphore(%arg15 : memref<!tpu.dma_semaphore, #tpu.memory_space<semaphore_mem>>)
    %dma_start3A_29 = arith.constant 20480 : i32
    %dma_start3A_30 = tpu.memref_slice %arg3[%dma_start3A_29] : memref<30720xf32, #tpu.memory_space<hbm>> -> memref<10240xf32, #tpu.memory_space<hbm>>
    %dma_start3A_31 = arith.constant 20480 : i32
    %dma_start3A_32 = tpu.memref_slice %arg3[%dma_start3A_31] : memref<30720xf32, #tpu.memory_space<hbm>> -> memref<10240xf32, #tpu.memory_space<hbm>>
    tpu.enqueue_dma source(%dma_start3A_32 : memref<10240xf32, #tpu.memory_space<hbm>>) target(%arg8 : memref<10240xf32, #tpu.memory_space<vmem>>) target_semaphore(%arg15 : memref<!tpu.dma_semaphore, #tpu.memory_space<semaphore_mem>>)
    %scan3A = arith.constant 0 : i32
    %scan3A_33 = arith.constant 640 : i32
    %scan3A_34 = arith.addi %scan3A, %scan3A_33 : i32
    %scan3A_35 = arith.constant 1 : i32
    scf.for %scan3A_873 = %scan3A to %scan3A_34 step %scan3A_35  : i32 {
      %mul3A_874 = arith.constant 16 : i32
      %mul3A_875 = arith.muli %scan3A_873, %mul3A_874 : i32
      %add3A_876 = arith.constant 0 : i32
      %add3A_877 = arith.addi %add3A_876, %mul3A_875 : i32
      %broadcast_in_dim3A = arith.constant 0.000000e+00 : f32
      %broadcast_in_dim3A_878 = vector.broadcast %broadcast_in_dim3A : f32 to vector<16xf32>
      %swap3A = arith.index_cast %add3A_877 : i32 to index
      %swap3A_879 = tpu.vector_load %arg9[%swap3A] {strides = array<i32>} : memref<10240xf32, #tpu.memory_space<vmem>>, vector<16xf32>,
      tpu.vector_store %arg9[%swap3A], %broadcast_in_dim3A_878 {strides = array<i32>} : memref<10240xf32, #tpu.memory_space<vmem>>, vector<16xf32>,
      %swap3A_880 = arith.index_cast %add3A_877 : i32 to index
      %swap3A_881 = tpu.vector_load %arg10[%swap3A_880] {strides = array<i32>} : memref<10240xf32, #tpu.memory_space<vmem>>, vector<16xf32>,
      tpu.vector_store %arg10[%swap3A_880], %broadcast_in_dim3A_878 {strides = array<i32>} : memref<10240xf32, #tpu.memory_space<vmem>>, vector<16xf32>,
      %swap3A_882 = arith.index_cast %add3A_877 : i32 to index
      %swap3A_883 = tpu.vector_load %arg11[%swap3A_882] {strides = array<i32>} : memref<10240xf32, #tpu.memory_space<vmem>>, vector<16xf32>,
      tpu.vector_store %arg11[%swap3A_882], %broadcast_in_dim3A_878 {strides = array<i32>} : memref<10240xf32, #tpu.memory_space<vmem>>, vector<16xf32>,
    }
    %scan3A_36 = arith.constant 640 : i32
    %dma_wait3A = arith.constant 0 : i32
    %dma_wait3A_37 = arith.constant 0 : i32
    %dma_wait3A_38 = tpu.memref_slice %arg5[%dma_wait3A, %dma_wait3A_37] : memref<2x5120xi32, #tpu.memory_space<vmem>> -> memref<2x5120xi32, #tpu.memory_space<vmem>>
    %dma_wait3A_39 = arith.constant 0 : i32
    %dma_wait3A_40 = tpu.memref_slice %arg2[%dma_wait3A_39, %multiple_of3A] : memref<2x160000xi32, #tpu.memory_space<hbm>> -> memref<2x5120xi32, #tpu.memory_space<hbm>>
    %dma_wait3A_41 = arith.constant 0 : i32
    %dma_wait3A_42 = arith.constant 0 : i32
    %dma_wait3A_43 = tpu.memref_slice %arg5[%dma_wait3A_41, %dma_wait3A_42] : memref<2x5120xi32, #tpu.memory_space<vmem>> -> memref<2x5120xi32, #tpu.memory_space<vmem>>
    %dma_wait3A_44 = arith.constant 0 : i32
    %dma_wait3A_45 = tpu.memref_slice %arg2[%dma_wait3A_44, %multiple_of3A] : memref<2x160000xi32, #tpu.memory_space<hbm>> -> memref<2x5120xi32, #tpu.memory_space<hbm>>
    tpu.wait_dma2 semaphore(%arg15 : memref<!tpu.dma_semaphore, #tpu.memory_space<semaphore_mem>>) src(%dma_wait3A_45 : memref<2x5120xi32, #tpu.memory_space<hbm>>) dst(%dma_wait3A_43 : memref<2x5120xi32, #tpu.memory_space<vmem>>)
    %dma_wait3A_46 = arith.constant 0 : i32
    %dma_wait3A_47 = tpu.memref_slice %arg3[%dma_wait3A_46] : memref<30720xf32, #tpu.memory_space<hbm>> -> memref<10240xf32, #tpu.memory_space<hbm>>
    %dma_wait3A_48 = arith.constant 0 : i32
    %dma_wait3A_49 = tpu.memref_slice %arg3[%dma_wait3A_48] : memref<30720xf32, #tpu.memory_space<hbm>> -> memref<10240xf32, #tpu.memory_space<hbm>>
    tpu.wait_dma2 semaphore(%arg15 : memref<!tpu.dma_semaphore, #tpu.memory_space<semaphore_mem>>) src(%dma_wait3A_49 : memref<10240xf32, #tpu.memory_space<hbm>>) dst(%arg6 : memref<10240xf32, #tpu.memory_space<vmem>>)
    %dma_wait3A_50 = arith.constant 10240 : i32
    %dma_wait3A_51 = tpu.memref_slice %arg3[%dma_wait3A_50] : memref<30720xf32, #tpu.memory_space<hbm>> -> memref<10240xf32, #tpu.memory_space<hbm>>
    %dma_wait3A_52 = arith.constant 10240 : i32
    %dma_wait3A_53 = tpu.memref_slice %arg3[%dma_wait3A_52] : memref<30720xf32, #tpu.memory_space<hbm>> -> memref<10240xf32, #tpu.memory_space<hbm>>
    tpu.wait_dma2 semaphore(%arg15 : memref<!tpu.dma_semaphore, #tpu.memory_space<semaphore_mem>>) src(%dma_wait3A_53 : memref<10240xf32, #tpu.memory_space<hbm>>) dst(%arg7 : memref<10240xf32, #tpu.memory_space<vmem>>)
    %dma_wait3A_54 = arith.constant 20480 : i32
    %dma_wait3A_55 = tpu.memref_slice %arg3[%dma_wait3A_54] : memref<30720xf32, #tpu.memory_space<hbm>> -> memref<10240xf32, #tpu.memory_space<hbm>>
    %dma_wait3A_56 = arith.constant 20480 : i32
    %dma_wait3A_57 = tpu.memref_slice %arg3[%dma_wait3A_56] : memref<30720xf32, #tpu.memory_space<hbm>> -> memref<10240xf32, #tpu.memory_space<hbm>>
    tpu.wait_dma2 semaphore(%arg15 : memref<!tpu.dma_semaphore, #tpu.memory_space<semaphore_mem>>) src(%dma_wait3A_57 : memref<10240xf32, #tpu.memory_space<hbm>>) dst(%arg8 : memref<10240xf32, #tpu.memory_space<vmem>>)
    %add3A_58 = arith.constant 0 : i32
    %add3A_59 = arith.addi %sub3A_6, %add3A_58 : i32
    %get3A = arith.constant 0 : i32
    %get3A_60 = arith.index_cast %get3A : i32 to index
    %get3A_61 = arith.index_cast %add3A_59 : i32 to index
    %get3A_62 = tpu.vector_load %arg5[%get3A_60, %get3A_61] {strides = array<i32>} : memref<2x5120xi32, #tpu.memory_space<vmem>>, vector<16xi32>,
    %add3A_63 = arith.constant 0 : i32
    %add3A_64 = arith.addi %sub3A_6, %add3A_63 : i32
    %get3A_65 = arith.constant 1 : i32
    %get3A_66 = arith.index_cast %get3A_65 : i32 to index
    %get3A_67 = arith.index_cast %add3A_64 : i32 to index
    %get3A_68 = tpu.vector_load %arg5[%get3A_66, %get3A_67] {strides = array<i32>} : memref<2x5120xi32, #tpu.memory_space<vmem>>, vector<16xi32>,
    %gather3A = tpu.vector_load_idx %arg6[%get3A_62] masked %ge3A_8 : memref<10240xf32, #tpu.memory_space<vmem>>[vector<16xi32>], vector<16xf32>, vector<16xi1>
    tpu.vector_store_idx %arg9[%get3A_68], %gather3A masked %ge3A_8 {add = true} : memref<10240xf32, #tpu.memory_space<vmem>>[vector<16xi32>], vector<16xf32>, vector<16xi1>
    %gather3A_69 = tpu.vector_load_idx %arg7[%get3A_62] masked %ge3A_8 : memref<10240xf32, #tpu.memory_space<vmem>>[vector<16xi32>], vector<16xf32>, vector<16xi1>
    tpu.vector_store_idx %arg10[%get3A_68], %gather3A_69 masked %ge3A_8 {add = true} : memref<10240xf32, #tpu.memory_space<vmem>>[vector<16xi32>], vector<16xf32>, vector<16xi1>
    %gather3A_70 = tpu.vector_load_idx %arg8[%get3A_62] masked %ge3A_8 : memref<10240xf32, #tpu.memory_space<vmem>>[vector<16xi32>], vector<16xf32>, vector<16xi1>
    tpu.vector_store_idx %arg11[%get3A_68], %gather3A_70 masked %ge3A_8 {add = true} : memref<10240xf32, #tpu.memory_space<vmem>>[vector<16xi32>], vector<16xf32>, vector<16xi1>
    %scan3A_71 = arith.constant 0 : i32
    %scan3A_72 = arith.constant 308 : i32
    %scan3A_73 = arith.addi %scan3A_71, %scan3A_72 : i32
    %scan3A_74 = arith.constant 4 : i32
    scf.for %scan3A_873 = %scan3A_71 to %scan3A_73 step %scan3A_74  : i32 {
      %mul3A_874 = arith.constant 16 : i32
      %mul3A_875 = arith.muli %scan3A_873, %mul3A_874 : i32
      %add3A_876 = arith.constant 16 : i32
      %add3A_877 = arith.addi %add3A_876, %mul3A_875 : i32
      %add3A_878 = arith.addi %sub3A_6, %add3A_877 : i32
      %get3A_879 = arith.constant 0 : i32
      %get3A_880 = arith.index_cast %get3A_879 : i32 to index
      %get3A_881 = arith.index_cast %add3A_878 : i32 to index
      %get3A_882 = tpu.vector_load %arg5[%get3A_880, %get3A_881] {strides = array<i32>} : memref<2x5120xi32, #tpu.memory_space<vmem>>, vector<16xi32>,
      %add3A_883 = arith.addi %sub3A_6, %add3A_877 : i32
      %get3A_884 = arith.constant 1 : i32
      %get3A_885 = arith.index_cast %get3A_884 : i32 to index
      %get3A_886 = arith.index_cast %add3A_883 : i32 to index
      %get3A_887 = tpu.vector_load %arg5[%get3A_885, %get3A_886] {strides = array<i32>} : memref<2x5120xi32, #tpu.memory_space<vmem>>, vector<16xi32>,
      %gather3A_888 = tpu.vector_load_idx %arg6[%get3A_882] : memref<10240xf32, #tpu.memory_space<vmem>>[vector<16xi32>], vector<16xf32>,
      tpu.vector_store_idx %arg9[%get3A_887], %gather3A_888 {add = true} : memref<10240xf32, #tpu.memory_space<vmem>>[vector<16xi32>], vector<16xf32>,
      %gather3A_889 = tpu.vector_load_idx %arg7[%get3A_882] : memref<10240xf32, #tpu.memory_space<vmem>>[vector<16xi32>], vector<16xf32>,
      tpu.vector_store_idx %arg10[%get3A_887], %gather3A_889 {add = true} : memref<10240xf32, #tpu.memory_space<vmem>>[vector<16xi32>], vector<16xf32>,
      %gather3A_890 = tpu.vector_load_idx %arg8[%get3A_882] : memref<10240xf32, #tpu.memory_space<vmem>>[vector<16xi32>], vector<16xf32>,
      tpu.vector_store_idx %arg11[%get3A_887], %gather3A_890 {add = true} : memref<10240xf32, #tpu.memory_space<vmem>>[vector<16xi32>], vector<16xf32>,
      %scan3A_891 = arith.constant 1 : i32
      %scan3A_892 = arith.addi %scan3A_873, %scan3A_891 : i32
      %mul3A_893 = arith.constant 16 : i32
      %mul3A_894 = arith.muli %scan3A_892, %mul3A_893 : i32
      %add3A_895 = arith.constant 16 : i32
      %add3A_896 = arith.addi %add3A_895, %mul3A_894 : i32
      %add3A_897 = arith.addi %sub3A_6, %add3A_896 : i32
      %get3A_898 = arith.constant 0 : i32
      %get3A_899 = arith.index_cast %get3A_898 : i32 to index
      %get3A_900 = arith.index_cast %add3A_897 : i32 to index
      %get3A_901 = tpu.vector_load %arg5[%get3A_899, %get3A_900] {strides = array<i32>} : memref<2x5120xi32, #tpu.memory_space<vmem>>, vector<16xi32>,
      %add3A_902 = arith.addi %sub3A_6, %add3A_896 : i32
      %get3A_903 = arith.constant 1 : i32
      %get3A_904 = arith.index_cast %get3A_903 : i32 to index
      %get3A_905 = arith.index_cast %add3A_902 : i32 to index
      %get3A_906 = tpu.vector_load %arg5[%get3A_904, %get3A_905] {strides = array<i32>} : memref<2x5120xi32, #tpu.memory_space<vmem>>, vector<16xi32>,
      %gather3A_907 = tpu.vector_load_idx %arg6[%get3A_901] : memref<10240xf32, #tpu.memory_space<vmem>>[vector<16xi32>], vector<16xf32>,
      tpu.vector_store_idx %arg9[%get3A_906], %gather3A_907 {add = true} : memref<10240xf32, #tpu.memory_space<vmem>>[vector<16xi32>], vector<16xf32>,
      %gather3A_908 = tpu.vector_load_idx %arg7[%get3A_901] : memref<10240xf32, #tpu.memory_space<vmem>>[vector<16xi32>], vector<16xf32>,
      tpu.vector_store_idx %arg10[%get3A_906], %gather3A_908 {add = true} : memref<10240xf32, #tpu.memory_space<vmem>>[vector<16xi32>], vector<16xf32>,
      %gather3A_909 = tpu.vector_load_idx %arg8[%get3A_901] : memref<10240xf32, #tpu.memory_space<vmem>>[vector<16xi32>], vector<16xf32>,
      tpu.vector_store_idx %arg11[%get3A_906], %gather3A_909 {add = true} : memref<10240xf32, #tpu.memory_space<vmem>>[vector<16xi32>], vector<16xf32>,
      %scan3A_910 = arith.constant 2 : i32
      %scan3A_911 = arith.addi %scan3A_873, %scan3A_910 : i32
      %mul3A_912 = arith.constant 16 : i32
      %mul3A_913 = arith.muli %scan3A_911, %mul3A_912 : i32
      %add3A_914 = arith.constant 16 : i32
      %add3A_915 = arith.addi %add3A_914, %mul3A_913 : i32
      %add3A_916 = arith.addi %sub3A_6, %add3A_915 : i32
      %get3A_917 = arith.constant 0 : i32
      %get3A_918 = arith.index_cast %get3A_917 : i32 to index
      %get3A_919 = arith.index_cast %add3A_916 : i32 to index
      %get3A_920 = tpu.vector_load %arg5[%get3A_918, %get3A_919] {strides = array<i32>} : memref<2x5120xi32, #tpu.memory_space<vmem>>, vector<16xi32>,
      %add3A_921 = arith.addi %sub3A_6, %add3A_915 : i32
      %get3A_922 = arith.constant 1 : i32
      %get3A_923 = arith.index_cast %get3A_922 : i32 to index
      %get3A_924 = arith.index_cast %add3A_921 : i32 to index
      %get3A_925 = tpu.vector_load %arg5[%get3A_923, %get3A_924] {strides = array<i32>} : memref<2x5120xi32, #tpu.memory_space<vmem>>, vector<16xi32>,
      %gather3A_926 = tpu.vector_load_idx %arg6[%get3A_920] : memref<10240xf32, #tpu.memory_space<vmem>>[vector<16xi32>], vector<16xf32>,
      tpu.vector_store_idx %arg9[%get3A_925], %gather3A_926 {add = true} : memref<10240xf32, #tpu.memory_space<vmem>>[vector<16xi32>], vector<16xf32>,
      %gather3A_927 = tpu.vector_load_idx %arg7[%get3A_920] : memref<10240xf32, #tpu.memory_space<vmem>>[vector<16xi32>], vector<16xf32>,
      tpu.vector_store_idx %arg10[%get3A_925], %gather3A_927 {add = true} : memref<10240xf32, #tpu.memory_space<vmem>>[vector<16xi32>], vector<16xf32>,
      %gather3A_928 = tpu.vector_load_idx %arg8[%get3A_920] : memref<10240xf32, #tpu.memory_space<vmem>>[vector<16xi32>], vector<16xf32>,
      tpu.vector_store_idx %arg11[%get3A_925], %gather3A_928 {add = true} : memref<10240xf32, #tpu.memory_space<vmem>>[vector<16xi32>], vector<16xf32>,
      %scan3A_929 = arith.constant 3 : i32
      %scan3A_930 = arith.addi %scan3A_873, %scan3A_929 : i32
      %mul3A_931 = arith.constant 16 : i32
      %mul3A_932 = arith.muli %scan3A_930, %mul3A_931 : i32
      %add3A_933 = arith.constant 16 : i32
      %add3A_934 = arith.addi %add3A_933, %mul3A_932 : i32
      %add3A_935 = arith.addi %sub3A_6, %add3A_934 : i32
      %get3A_936 = arith.constant 0 : i32
      %get3A_937 = arith.index_cast %get3A_936 : i32 to index
      %get3A_938 = arith.index_cast %add3A_935 : i32 to index
      %get3A_939 = tpu.vector_load %arg5[%get3A_937, %get3A_938] {strides = array<i32>} : memref<2x5120xi32, #tpu.memory_space<vmem>>, vector<16xi32>,
      %add3A_940 = arith.addi %sub3A_6, %add3A_934 : i32
      %get3A_941 = arith.constant 1 : i32
      %get3A_942 = arith.index_cast %get3A_941 : i32 to index
      %get3A_943 = arith.index_cast %add3A_940 : i32 to index
      %get3A_944 = tpu.vector_load %arg5[%get3A_942, %get3A_943] {strides = array<i32>} : memref<2x5120xi32, #tpu.memory_space<vmem>>, vector<16xi32>,
      %gather3A_945 = tpu.vector_load_idx %arg6[%get3A_939] : memref<10240xf32, #tpu.memory_space<vmem>>[vector<16xi32>], vector<16xf32>,
      tpu.vector_store_idx %arg9[%get3A_944], %gather3A_945 {add = true} : memref<10240xf32, #tpu.memory_space<vmem>>[vector<16xi32>], vector<16xf32>,
      %gather3A_946 = tpu.vector_load_idx %arg7[%get3A_939] : memref<10240xf32, #tpu.memory_space<vmem>>[vector<16xi32>], vector<16xf32>,
      tpu.vector_store_idx %arg10[%get3A_944], %gather3A_946 {add = true} : memref<10240xf32, #tpu.memory_space<vmem>>[vector<16xi32>], vector<16xf32>,
      %gather3A_947 = tpu.vector_load_idx %arg8[%get3A_939] : memref<10240xf32, #tpu.memory_space<vmem>>[vector<16xi32>], vector<16xf32>,
      tpu.vector_store_idx %arg11[%get3A_944], %gather3A_947 {add = true} : memref<10240xf32, #tpu.memory_space<vmem>>[vector<16xi32>], vector<16xf32>,
    }
    %scan3A_75 = arith.constant 308 : i32
    %scan3A_76 = arith.addi %scan3A_71, %scan3A_75 : i32
    %mul3A_77 = arith.constant 16 : i32
    %mul3A_78 = arith.muli %scan3A_76, %mul3A_77 : i32
    %add3A_79 = arith.constant 16 : i32
    %add3A_80 = arith.addi %add3A_79, %mul3A_78 : i32
    %add3A_81 = arith.addi %sub3A_6, %add3A_80 : i32
    %get3A_82 = arith.constant 0 : i32
    %get3A_83 = arith.index_cast %get3A_82 : i32 to index
    %get3A_84 = arith.index_cast %add3A_81 : i32 to index
    %get3A_85 = tpu.vector_load %arg5[%get3A_83, %get3A_84] {strides = array<i32>} : memref<2x5120xi32, #tpu.memory_space<vmem>>, vector<16xi32>,
    %add3A_86 = arith.addi %sub3A_6, %add3A_80 : i32
    %get3A_87 = arith.constant 1 : i32
    %get3A_88 = arith.index_cast %get3A_87 : i32 to index
    %get3A_89 = arith.index_cast %add3A_86 : i32 to index
    %get3A_90 = tpu.vector_load %arg5[%get3A_88, %get3A_89] {strides = array<i32>} : memref<2x5120xi32, #tpu.memory_space<vmem>>, vector<16xi32>,
    %gather3A_91 = tpu.vector_load_idx %arg6[%get3A_85] : memref<10240xf32, #tpu.memory_space<vmem>>[vector<16xi32>], vector<16xf32>,
    tpu.vector_store_idx %arg9[%get3A_90], %gather3A_91 {add = true} : memref<10240xf32, #tpu.memory_space<vmem>>[vector<16xi32>], vector<16xf32>,
    %gather3A_92 = tpu.vector_load_idx %arg7[%get3A_85] : memref<10240xf32, #tpu.memory_space<vmem>>[vector<16xi32>], vector<16xf32>,
    tpu.vector_store_idx %arg10[%get3A_90], %gather3A_92 {add = true} : memref<10240xf32, #tpu.memory_space<vmem>>[vector<16xi32>], vector<16xf32>,
    %gather3A_93 = tpu.vector_load_idx %arg8[%get3A_85] : memref<10240xf32, #tpu.memory_space<vmem>>[vector<16xi32>], vector<16xf32>,
    tpu.vector_store_idx %arg11[%get3A_90], %gather3A_93 {add = true} : memref<10240xf32, #tpu.memory_space<vmem>>[vector<16xi32>], vector<16xf32>,
    %scan3A_94 = arith.constant 309 : i32
    %scan3A_95 = arith.addi %scan3A_71, %scan3A_94 : i32
    %mul3A_96 = arith.constant 16 : i32
    %mul3A_97 = arith.muli %scan3A_95, %mul3A_96 : i32
    %add3A_98 = arith.constant 16 : i32
    %add3A_99 = arith.addi %add3A_98, %mul3A_97 : i32
    %add3A_100 = arith.addi %sub3A_6, %add3A_99 : i32
    %get3A_101 = arith.constant 0 : i32
    %get3A_102 = arith.index_cast %get3A_101 : i32 to index
    %get3A_103 = arith.index_cast %add3A_100 : i32 to index
    %get3A_104 = tpu.vector_load %arg5[%get3A_102, %get3A_103] {strides = array<i32>} : memref<2x5120xi32, #tpu.memory_space<vmem>>, vector<16xi32>,
    %add3A_105 = arith.addi %sub3A_6, %add3A_99 : i32
    %get3A_106 = arith.constant 1 : i32
    %get3A_107 = arith.index_cast %get3A_106 : i32 to index
    %get3A_108 = arith.index_cast %add3A_105 : i32 to index
    %get3A_109 = tpu.vector_load %arg5[%get3A_107, %get3A_108] {strides = array<i32>} : memref<2x5120xi32, #tpu.memory_space<vmem>>, vector<16xi32>,
    %gather3A_110 = tpu.vector_load_idx %arg6[%get3A_104] : memref<10240xf32, #tpu.memory_space<vmem>>[vector<16xi32>], vector<16xf32>,
    tpu.vector_store_idx %arg9[%get3A_109], %gather3A_110 {add = true} : memref<10240xf32, #tpu.memory_space<vmem>>[vector<16xi32>], vector<16xf32>,
    %gather3A_111 = tpu.vector_load_idx %arg7[%get3A_104] : memref<10240xf32, #tpu.memory_space<vmem>>[vector<16xi32>], vector<16xf32>,
    tpu.vector_store_idx %arg10[%get3A_109], %gather3A_111 {add = true} : memref<10240xf32, #tpu.memory_space<vmem>>[vector<16xi32>], vector<16xf32>,
    %gather3A_112 = tpu.vector_load_idx %arg8[%get3A_104] : memref<10240xf32, #tpu.memory_space<vmem>>[vector<16xi32>], vector<16xf32>,
    tpu.vector_store_idx %arg11[%get3A_109], %gather3A_112 {add = true} : memref<10240xf32, #tpu.memory_space<vmem>>[vector<16xi32>], vector<16xf32>,
    %scan3A_113 = arith.constant 310 : i32
    %scan3A_114 = arith.addi %scan3A_71, %scan3A_113 : i32
    %mul3A_115 = arith.constant 16 : i32
    %mul3A_116 = arith.muli %scan3A_114, %mul3A_115 : i32
    %add3A_117 = arith.constant 16 : i32
    %add3A_118 = arith.addi %add3A_117, %mul3A_116 : i32
    %add3A_119 = arith.addi %sub3A_6, %add3A_118 : i32
    %get3A_120 = arith.constant 0 : i32
    %get3A_121 = arith.index_cast %get3A_120 : i32 to index
    %get3A_122 = arith.index_cast %add3A_119 : i32 to index
    %get3A_123 = tpu.vector_load %arg5[%get3A_121, %get3A_122] {strides = array<i32>} : memref<2x5120xi32, #tpu.memory_space<vmem>>, vector<16xi32>,
    %add3A_124 = arith.addi %sub3A_6, %add3A_118 : i32
    %get3A_125 = arith.constant 1 : i32
    %get3A_126 = arith.index_cast %get3A_125 : i32 to index
    %get3A_127 = arith.index_cast %add3A_124 : i32 to index
    %get3A_128 = tpu.vector_load %arg5[%get3A_126, %get3A_127] {strides = array<i32>} : memref<2x5120xi32, #tpu.memory_space<vmem>>, vector<16xi32>,
    %gather3A_129 = tpu.vector_load_idx %arg6[%get3A_123] : memref<10240xf32, #tpu.memory_space<vmem>>[vector<16xi32>], vector<16xf32>,
    tpu.vector_store_idx %arg9[%get3A_128], %gather3A_129 {add = true} : memref<10240xf32, #tpu.memory_space<vmem>>[vector<16xi32>], vector<16xf32>,
    %gather3A_130 = tpu.vector_load_idx %arg7[%get3A_123] : memref<10240xf32, #tpu.memory_space<vmem>>[vector<16xi32>], vector<16xf32>,
    tpu.vector_store_idx %arg10[%get3A_128], %gather3A_130 {add = true} : memref<10240xf32, #tpu.memory_space<vmem>>[vector<16xi32>], vector<16xf32>,
    %gather3A_131 = tpu.vector_load_idx %arg8[%get3A_123] : memref<10240xf32, #tpu.memory_space<vmem>>[vector<16xi32>], vector<16xf32>,
    tpu.vector_store_idx %arg11[%get3A_128], %gather3A_131 {add = true} : memref<10240xf32, #tpu.memory_space<vmem>>[vector<16xi32>], vector<16xf32>,
    %scan3A_132 = arith.constant 311 : i32
    %add3A_133 = arith.constant 4992 : i32
    %add3A_134 = arith.addi %sub3A_6, %add3A_133 : i32
    %get3A_135 = arith.constant 0 : i32
    %get3A_136 = arith.index_cast %get3A_135 : i32 to index
    %get3A_137 = arith.index_cast %add3A_134 : i32 to index
    %get3A_138 = tpu.vector_load %arg5[%get3A_136, %get3A_137] {strides = array<i32>} : memref<2x5120xi32, #tpu.memory_space<vmem>>, vector<16xi32>,
    %add3A_139 = arith.constant 4992 : i32
    %add3A_140 = arith.addi %sub3A_6, %add3A_139 : i32
    %get3A_141 = arith.constant 1 : i32
    %get3A_142 = arith.index_cast %get3A_141 : i32 to index
    %get3A_143 = arith.index_cast %add3A_140 : i32 to index
    %get3A_144 = tpu.vector_load %arg5[%get3A_142, %get3A_143] {strides = array<i32>} : memref<2x5120xi32, #tpu.memory_space<vmem>>, vector<16xi32>,
    %gather3A_145 = tpu.vector_load_idx %arg6[%get3A_138] masked %lt3A_11 : memref<10240xf32, #tpu.memory_space<vmem>>[vector<16xi32>], vector<16xf32>, vector<16xi1>
    tpu.vector_store_idx %arg9[%get3A_144], %gather3A_145 masked %lt3A_11 {add = true} : memref<10240xf32, #tpu.memory_space<vmem>>[vector<16xi32>], vector<16xf32>, vector<16xi1>
    %gather3A_146 = tpu.vector_load_idx %arg7[%get3A_138] masked %lt3A_11 : memref<10240xf32, #tpu.memory_space<vmem>>[vector<16xi32>], vector<16xf32>, vector<16xi1>
    tpu.vector_store_idx %arg10[%get3A_144], %gather3A_146 masked %lt3A_11 {add = true} : memref<10240xf32, #tpu.memory_space<vmem>>[vector<16xi32>], vector<16xf32>, vector<16xi1>
    %gather3A_147 = tpu.vector_load_idx %arg8[%get3A_138] masked %lt3A_11 : memref<10240xf32, #tpu.memory_space<vmem>>[vector<16xi32>], vector<16xf32>, vector<16xi1>
    tpu.vector_store_idx %arg11[%get3A_144], %gather3A_147 masked %lt3A_11 {add = true} : memref<10240xf32, #tpu.memory_space<vmem>>[vector<16xi32>], vector<16xf32>, vector<16xi1>
    %mul3A_148 = arith.constant 10240 : i32
    %mul3A_149 = arith.muli %arg1, %mul3A_148 : i32
    "tpu.region"() ({
      %run_scoped3A = tpu.sem_alloc : memref<!tpu.dma_semaphore, #tpu.memory_space<semaphore_mem>>
      %dma_start3A_873 = tpu.memref_slice %arg14[%mul3A_149] : memref<163840xf32, #tpu.memory_space<vmem_shared>> -> memref<10240xf32, #tpu.memory_space<vmem_shared>>
      %dma_start3A_874 = tpu.memref_slice %arg14[%mul3A_149] : memref<163840xf32, #tpu.memory_space<vmem_shared>> -> memref<10240xf32, #tpu.memory_space<vmem_shared>>
      tpu.enqueue_dma source(%arg9 : memref<10240xf32, #tpu.memory_space<vmem>>) target(%dma_start3A_874 : memref<10240xf32, #tpu.memory_space<vmem_shared>>) target_semaphore(%run_scoped3A : memref<!tpu.dma_semaphore, #tpu.memory_space<semaphore_mem>>)
      %dma_wait3A_875 = tpu.memref_slice %arg14[%mul3A_149] : memref<163840xf32, #tpu.memory_space<vmem_shared>> -> memref<10240xf32, #tpu.memory_space<vmem_shared>>
      %dma_wait3A_876 = tpu.memref_slice %arg14[%mul3A_149] : memref<163840xf32, #tpu.memory_space<vmem_shared>> -> memref<10240xf32, #tpu.memory_space<vmem_shared>>
      tpu.wait_dma2 semaphore(%run_scoped3A : memref<!tpu.dma_semaphore, #tpu.memory_space<semaphore_mem>>) src(%arg9 : memref<10240xf32, #tpu.memory_space<vmem>>) dst(%dma_wait3A_876 : memref<10240xf32, #tpu.memory_space<vmem_shared>>)
      tpu.yield
    }) : () -> ()
    %barrier3A = arith.constant 0 : index
    tpu.barrier barrier_id(%barrier3A)
    %mul3A_150 = arith.constant 640 : i32
    %mul3A_151 = arith.muli %arg1, %mul3A_150 : i32
    %add3A_152 = arith.constant 0 : i32
    %add3A_153 = arith.addi %mul3A_151, %add3A_152 : i32
    %dma_start3A_154 = arith.constant 0 : i32
    %dma_start3A_155 = tpu.memref_slice %arg13[%dma_start3A_154] : memref<10240xf32, #tpu.memory_space<vmem>> -> memref<640xf32, #tpu.memory_space<vmem>>
    %dma_start3A_156 = tpu.memref_slice %arg14[%add3A_153] : memref<163840xf32, #tpu.memory_space<vmem_shared>> -> memref<640xf32, #tpu.memory_space<vmem_shared>>
    %dma_start3A_157 = arith.constant 0 : i32
    %dma_start3A_158 = tpu.memref_slice %arg13[%dma_start3A_157] : memref<10240xf32, #tpu.memory_space<vmem>> -> memref<640xf32, #tpu.memory_space<vmem>>
    %dma_start3A_159 = tpu.memref_slice %arg14[%add3A_153] : memref<163840xf32, #tpu.memory_space<vmem_shared>> -> memref<640xf32, #tpu.memory_space<vmem_shared>>
    tpu.enqueue_dma source(%dma_start3A_159 : memref<640xf32, #tpu.memory_space<vmem_shared>>) target(%dma_start3A_158 : memref<640xf32, #tpu.memory_space<vmem>>) target_semaphore(%arg15 : memref<!tpu.dma_semaphore, #tpu.memory_space<semaphore_mem>>)
    %add3A_160 = arith.constant 10240 : i32
    %add3A_161 = arith.addi %mul3A_151, %add3A_160 : i32
    %dma_start3A_162 = arith.constant 640 : i32
    %dma_start3A_163 = tpu.memref_slice %arg13[%dma_start3A_162] : memref<10240xf32, #tpu.memory_space<vmem>> -> memref<640xf32, #tpu.memory_space<vmem>>
    %dma_start3A_164 = tpu.memref_slice %arg14[%add3A_161] : memref<163840xf32, #tpu.memory_space<vmem_shared>> -> memref<640xf32, #tpu.memory_space<vmem_shared>>
    %dma_start3A_165 = arith.constant 640 : i32
    %dma_start3A_166 = tpu.memref_slice %arg13[%dma_start3A_165] : memref<10240xf32, #tpu.memory_space<vmem>> -> memref<640xf32, #tpu.memory_space<vmem>>
    %dma_start3A_167 = tpu.memref_slice %arg14[%add3A_161] : memref<163840xf32, #tpu.memory_space<vmem_shared>> -> memref<640xf32, #tpu.memory_space<vmem_shared>>
    tpu.enqueue_dma source(%dma_start3A_167 : memref<640xf32, #tpu.memory_space<vmem_shared>>) target(%dma_start3A_166 : memref<640xf32, #tpu.memory_space<vmem>>) target_semaphore(%arg15 : memref<!tpu.dma_semaphore, #tpu.memory_space<semaphore_mem>>)
    %add3A_168 = arith.constant 20480 : i32
    %add3A_169 = arith.addi %mul3A_151, %add3A_168 : i32
    %dma_start3A_170 = arith.constant 1280 : i32
    %dma_start3A_171 = tpu.memref_slice %arg13[%dma_start3A_170] : memref<10240xf32, #tpu.memory_space<vmem>> -> memref<640xf32, #tpu.memory_space<vmem>>
    %dma_start3A_172 = tpu.memref_slice %arg14[%add3A_169] : memref<163840xf32, #tpu.memory_space<vmem_shared>> -> memref<640xf32, #tpu.memory_space<vmem_shared>>
    %dma_start3A_173 = arith.constant 1280 : i32
    %dma_start3A_174 = tpu.memref_slice %arg13[%dma_start3A_173] : memref<10240xf32, #tpu.memory_space<vmem>> -> memref<640xf32, #tpu.memory_space<vmem>>
    %dma_start3A_175 = tpu.memref_slice %arg14[%add3A_169] : memref<163840xf32, #tpu.memory_space<vmem_shared>> -> memref<640xf32, #tpu.memory_space<vmem_shared>>
    tpu.enqueue_dma source(%dma_start3A_175 : memref<640xf32, #tpu.memory_space<vmem_shared>>) target(%dma_start3A_174 : memref<640xf32, #tpu.memory_space<vmem>>) target_semaphore(%arg15 : memref<!tpu.dma_semaphore, #tpu.memory_space<semaphore_mem>>)
    %add3A_176 = arith.constant 30720 : i32
    %add3A_177 = arith.addi %mul3A_151, %add3A_176 : i32
    %dma_start3A_178 = arith.constant 1920 : i32
    %dma_start3A_179 = tpu.memref_slice %arg13[%dma_start3A_178] : memref<10240xf32, #tpu.memory_space<vmem>> -> memref<640xf32, #tpu.memory_space<vmem>>
    %dma_start3A_180 = tpu.memref_slice %arg14[%add3A_177] : memref<163840xf32, #tpu.memory_space<vmem_shared>> -> memref<640xf32, #tpu.memory_space<vmem_shared>>
    %dma_start3A_181 = arith.constant 1920 : i32
    %dma_start3A_182 = tpu.memref_slice %arg13[%dma_start3A_181] : memref<10240xf32, #tpu.memory_space<vmem>> -> memref<640xf32, #tpu.memory_space<vmem>>
    %dma_start3A_183 = tpu.memref_slice %arg14[%add3A_177] : memref<163840xf32, #tpu.memory_space<vmem_shared>> -> memref<640xf32, #tpu.memory_space<vmem_shared>>
    tpu.enqueue_dma source(%dma_start3A_183 : memref<640xf32, #tpu.memory_space<vmem_shared>>) target(%dma_start3A_182 : memref<640xf32, #tpu.memory_space<vmem>>) target_semaphore(%arg15 : memref<!tpu.dma_semaphore, #tpu.memory_space<semaphore_mem>>)
    %add3A_184 = arith.constant 40960 : i32
    %add3A_185 = arith.addi %mul3A_151, %add3A_184 : i32
    %dma_start3A_186 = arith.constant 2560 : i32
    %dma_start3A_187 = tpu.memref_slice %arg13[%dma_start3A_186] : memref<10240xf32, #tpu.memory_space<vmem>> -> memref<640xf32, #tpu.memory_space<vmem>>
    %dma_start3A_188 = tpu.memref_slice %arg14[%add3A_185] : memref<163840xf32, #tpu.memory_space<vmem_shared>> -> memref<640xf32, #tpu.memory_space<vmem_shared>>
    %dma_start3A_189 = arith.constant 2560 : i32
    %dma_start3A_190 = tpu.memref_slice %arg13[%dma_start3A_189] : memref<10240xf32, #tpu.memory_space<vmem>> -> memref<640xf32, #tpu.memory_space<vmem>>
    %dma_start3A_191 = tpu.memref_slice %arg14[%add3A_185] : memref<163840xf32, #tpu.memory_space<vmem_shared>> -> memref<640xf32, #tpu.memory_space<vmem_shared>>
    tpu.enqueue_dma source(%dma_start3A_191 : memref<640xf32, #tpu.memory_space<vmem_shared>>) target(%dma_start3A_190 : memref<640xf32, #tpu.memory_space<vmem>>) target_semaphore(%arg15 : memref<!tpu.dma_semaphore, #tpu.memory_space<semaphore_mem>>)
    %add3A_192 = arith.constant 51200 : i32
    %add3A_193 = arith.addi %mul3A_151, %add3A_192 : i32
    %dma_start3A_194 = arith.constant 3200 : i32
    %dma_start3A_195 = tpu.memref_slice %arg13[%dma_start3A_194] : memref<10240xf32, #tpu.memory_space<vmem>> -> memref<640xf32, #tpu.memory_space<vmem>>
    %dma_start3A_196 = tpu.memref_slice %arg14[%add3A_193] : memref<163840xf32, #tpu.memory_space<vmem_shared>> -> memref<640xf32, #tpu.memory_space<vmem_shared>>
    %dma_start3A_197 = arith.constant 3200 : i32
    %dma_start3A_198 = tpu.memref_slice %arg13[%dma_start3A_197] : memref<10240xf32, #tpu.memory_space<vmem>> -> memref<640xf32, #tpu.memory_space<vmem>>
    %dma_start3A_199 = tpu.memref_slice %arg14[%add3A_193] : memref<163840xf32, #tpu.memory_space<vmem_shared>> -> memref<640xf32, #tpu.memory_space<vmem_shared>>
    tpu.enqueue_dma source(%dma_start3A_199 : memref<640xf32, #tpu.memory_space<vmem_shared>>) target(%dma_start3A_198 : memref<640xf32, #tpu.memory_space<vmem>>) target_semaphore(%arg15 : memref<!tpu.dma_semaphore, #tpu.memory_space<semaphore_mem>>)
    %add3A_200 = arith.constant 61440 : i32
    %add3A_201 = arith.addi %mul3A_151, %add3A_200 : i32
    %dma_start3A_202 = arith.constant 3840 : i32
    %dma_start3A_203 = tpu.memref_slice %arg13[%dma_start3A_202] : memref<10240xf32, #tpu.memory_space<vmem>> -> memref<640xf32, #tpu.memory_space<vmem>>
    %dma_start3A_204 = tpu.memref_slice %arg14[%add3A_201] : memref<163840xf32, #tpu.memory_space<vmem_shared>> -> memref<640xf32, #tpu.memory_space<vmem_shared>>
    %dma_start3A_205 = arith.constant 3840 : i32
    %dma_start3A_206 = tpu.memref_slice %arg13[%dma_start3A_205] : memref<10240xf32, #tpu.memory_space<vmem>> -> memref<640xf32, #tpu.memory_space<vmem>>
    %dma_start3A_207 = tpu.memref_slice %arg14[%add3A_201] : memref<163840xf32, #tpu.memory_space<vmem_shared>> -> memref<640xf32, #tpu.memory_space<vmem_shared>>
    tpu.enqueue_dma source(%dma_start3A_207 : memref<640xf32, #tpu.memory_space<vmem_shared>>) target(%dma_start3A_206 : memref<640xf32, #tpu.memory_space<vmem>>) target_semaphore(%arg15 : memref<!tpu.dma_semaphore, #tpu.memory_space<semaphore_mem>>)
    %add3A_208 = arith.constant 71680 : i32
    %add3A_209 = arith.addi %mul3A_151, %add3A_208 : i32
    %dma_start3A_210 = arith.constant 4480 : i32
    %dma_start3A_211 = tpu.memref_slice %arg13[%dma_start3A_210] : memref<10240xf32, #tpu.memory_space<vmem>> -> memref<640xf32, #tpu.memory_space<vmem>>
    %dma_start3A_212 = tpu.memref_slice %arg14[%add3A_209] : memref<163840xf32, #tpu.memory_space<vmem_shared>> -> memref<640xf32, #tpu.memory_space<vmem_shared>>
    %dma_start3A_213 = arith.constant 4480 : i32
    %dma_start3A_214 = tpu.memref_slice %arg13[%dma_start3A_213] : memref<10240xf32, #tpu.memory_space<vmem>> -> memref<640xf32, #tpu.memory_space<vmem>>
    %dma_start3A_215 = tpu.memref_slice %arg14[%add3A_209] : memref<163840xf32, #tpu.memory_space<vmem_shared>> -> memref<640xf32, #tpu.memory_space<vmem_shared>>
    tpu.enqueue_dma source(%dma_start3A_215 : memref<640xf32, #tpu.memory_space<vmem_shared>>) target(%dma_start3A_214 : memref<640xf32, #tpu.memory_space<vmem>>) target_semaphore(%arg15 : memref<!tpu.dma_semaphore, #tpu.memory_space<semaphore_mem>>)
    %add3A_216 = arith.constant 81920 : i32
    %add3A_217 = arith.addi %mul3A_151, %add3A_216 : i32
    %dma_start3A_218 = arith.constant 5120 : i32
    %dma_start3A_219 = tpu.memref_slice %arg13[%dma_start3A_218] : memref<10240xf32, #tpu.memory_space<vmem>> -> memref<640xf32, #tpu.memory_space<vmem>>
    %dma_start3A_220 = tpu.memref_slice %arg14[%add3A_217] : memref<163840xf32, #tpu.memory_space<vmem_shared>> -> memref<640xf32, #tpu.memory_space<vmem_shared>>
    %dma_start3A_221 = arith.constant 5120 : i32
    %dma_start3A_222 = tpu.memref_slice %arg13[%dma_start3A_221] : memref<10240xf32, #tpu.memory_space<vmem>> -> memref<640xf32, #tpu.memory_space<vmem>>
    %dma_start3A_223 = tpu.memref_slice %arg14[%add3A_217] : memref<163840xf32, #tpu.memory_space<vmem_shared>> -> memref<640xf32, #tpu.memory_space<vmem_shared>>
    tpu.enqueue_dma source(%dma_start3A_223 : memref<640xf32, #tpu.memory_space<vmem_shared>>) target(%dma_start3A_222 : memref<640xf32, #tpu.memory_space<vmem>>) target_semaphore(%arg15 : memref<!tpu.dma_semaphore, #tpu.memory_space<semaphore_mem>>)
    %add3A_224 = arith.constant 92160 : i32
    %add3A_225 = arith.addi %mul3A_151, %add3A_224 : i32
    %dma_start3A_226 = arith.constant 5760 : i32
    %dma_start3A_227 = tpu.memref_slice %arg13[%dma_start3A_226] : memref<10240xf32, #tpu.memory_space<vmem>> -> memref<640xf32, #tpu.memory_space<vmem>>
    %dma_start3A_228 = tpu.memref_slice %arg14[%add3A_225] : memref<163840xf32, #tpu.memory_space<vmem_shared>> -> memref<640xf32, #tpu.memory_space<vmem_shared>>
    %dma_start3A_229 = arith.constant 5760 : i32
    %dma_start3A_230 = tpu.memref_slice %arg13[%dma_start3A_229] : memref<10240xf32, #tpu.memory_space<vmem>> -> memref<640xf32, #tpu.memory_space<vmem>>
    %dma_start3A_231 = tpu.memref_slice %arg14[%add3A_225] : memref<163840xf32, #tpu.memory_space<vmem_shared>> -> memref<640xf32, #tpu.memory_space<vmem_shared>>
    tpu.enqueue_dma source(%dma_start3A_231 : memref<640xf32, #tpu.memory_space<vmem_shared>>) target(%dma_start3A_230 : memref<640xf32, #tpu.memory_space<vmem>>) target_semaphore(%arg15 : memref<!tpu.dma_semaphore, #tpu.memory_space<semaphore_mem>>)
    %add3A_232 = arith.constant 102400 : i32
    %add3A_233 = arith.addi %mul3A_151, %add3A_232 : i32
    %dma_start3A_234 = arith.constant 6400 : i32
    %dma_start3A_235 = tpu.memref_slice %arg13[%dma_start3A_234] : memref<10240xf32, #tpu.memory_space<vmem>> -> memref<640xf32, #tpu.memory_space<vmem>>
    %dma_start3A_236 = tpu.memref_slice %arg14[%add3A_233] : memref<163840xf32, #tpu.memory_space<vmem_shared>> -> memref<640xf32, #tpu.memory_space<vmem_shared>>
    %dma_start3A_237 = arith.constant 6400 : i32
    %dma_start3A_238 = tpu.memref_slice %arg13[%dma_start3A_237] : memref<10240xf32, #tpu.memory_space<vmem>> -> memref<640xf32, #tpu.memory_space<vmem>>
    %dma_start3A_239 = tpu.memref_slice %arg14[%add3A_233] : memref<163840xf32, #tpu.memory_space<vmem_shared>> -> memref<640xf32, #tpu.memory_space<vmem_shared>>
    tpu.enqueue_dma source(%dma_start3A_239 : memref<640xf32, #tpu.memory_space<vmem_shared>>) target(%dma_start3A_238 : memref<640xf32, #tpu.memory_space<vmem>>) target_semaphore(%arg15 : memref<!tpu.dma_semaphore, #tpu.memory_space<semaphore_mem>>)
    %add3A_240 = arith.constant 112640 : i32
    %add3A_241 = arith.addi %mul3A_151, %add3A_240 : i32
    %dma_start3A_242 = arith.constant 7040 : i32
    %dma_start3A_243 = tpu.memref_slice %arg13[%dma_start3A_242] : memref<10240xf32, #tpu.memory_space<vmem>> -> memref<640xf32, #tpu.memory_space<vmem>>
    %dma_start3A_244 = tpu.memref_slice %arg14[%add3A_241] : memref<163840xf32, #tpu.memory_space<vmem_shared>> -> memref<640xf32, #tpu.memory_space<vmem_shared>>
    %dma_start3A_245 = arith.constant 7040 : i32
    %dma_start3A_246 = tpu.memref_slice %arg13[%dma_start3A_245] : memref<10240xf32, #tpu.memory_space<vmem>> -> memref<640xf32, #tpu.memory_space<vmem>>
    %dma_start3A_247 = tpu.memref_slice %arg14[%add3A_241] : memref<163840xf32, #tpu.memory_space<vmem_shared>> -> memref<640xf32, #tpu.memory_space<vmem_shared>>
    tpu.enqueue_dma source(%dma_start3A_247 : memref<640xf32, #tpu.memory_space<vmem_shared>>) target(%dma_start3A_246 : memref<640xf32, #tpu.memory_space<vmem>>) target_semaphore(%arg15 : memref<!tpu.dma_semaphore, #tpu.memory_space<semaphore_mem>>)
    %add3A_248 = arith.constant 122880 : i32
    %add3A_249 = arith.addi %mul3A_151, %add3A_248 : i32
    %dma_start3A_250 = arith.constant 7680 : i32
    %dma_start3A_251 = tpu.memref_slice %arg13[%dma_start3A_250] : memref<10240xf32, #tpu.memory_space<vmem>> -> memref<640xf32, #tpu.memory_space<vmem>>
    %dma_start3A_252 = tpu.memref_slice %arg14[%add3A_249] : memref<163840xf32, #tpu.memory_space<vmem_shared>> -> memref<640xf32, #tpu.memory_space<vmem_shared>>
    %dma_start3A_253 = arith.constant 7680 : i32
    %dma_start3A_254 = tpu.memref_slice %arg13[%dma_start3A_253] : memref<10240xf32, #tpu.memory_space<vmem>> -> memref<640xf32, #tpu.memory_space<vmem>>
    %dma_start3A_255 = tpu.memref_slice %arg14[%add3A_249] : memref<163840xf32, #tpu.memory_space<vmem_shared>> -> memref<640xf32, #tpu.memory_space<vmem_shared>>
    tpu.enqueue_dma source(%dma_start3A_255 : memref<640xf32, #tpu.memory_space<vmem_shared>>) target(%dma_start3A_254 : memref<640xf32, #tpu.memory_space<vmem>>) target_semaphore(%arg15 : memref<!tpu.dma_semaphore, #tpu.memory_space<semaphore_mem>>)
    %add3A_256 = arith.constant 133120 : i32
    %add3A_257 = arith.addi %mul3A_151, %add3A_256 : i32
    %dma_start3A_258 = arith.constant 8320 : i32
    %dma_start3A_259 = tpu.memref_slice %arg13[%dma_start3A_258] : memref<10240xf32, #tpu.memory_space<vmem>> -> memref<640xf32, #tpu.memory_space<vmem>>
    %dma_start3A_260 = tpu.memref_slice %arg14[%add3A_257] : memref<163840xf32, #tpu.memory_space<vmem_shared>> -> memref<640xf32, #tpu.memory_space<vmem_shared>>
    %dma_start3A_261 = arith.constant 8320 : i32
    %dma_start3A_262 = tpu.memref_slice %arg13[%dma_start3A_261] : memref<10240xf32, #tpu.memory_space<vmem>> -> memref<640xf32, #tpu.memory_space<vmem>>
    %dma_start3A_263 = tpu.memref_slice %arg14[%add3A_257] : memref<163840xf32, #tpu.memory_space<vmem_shared>> -> memref<640xf32, #tpu.memory_space<vmem_shared>>
    tpu.enqueue_dma source(%dma_start3A_263 : memref<640xf32, #tpu.memory_space<vmem_shared>>) target(%dma_start3A_262 : memref<640xf32, #tpu.memory_space<vmem>>) target_semaphore(%arg15 : memref<!tpu.dma_semaphore, #tpu.memory_space<semaphore_mem>>)
    %add3A_264 = arith.constant 143360 : i32
    %add3A_265 = arith.addi %mul3A_151, %add3A_264 : i32
    %dma_start3A_266 = arith.constant 8960 : i32
    %dma_start3A_267 = tpu.memref_slice %arg13[%dma_start3A_266] : memref<10240xf32, #tpu.memory_space<vmem>> -> memref<640xf32, #tpu.memory_space<vmem>>
    %dma_start3A_268 = tpu.memref_slice %arg14[%add3A_265] : memref<163840xf32, #tpu.memory_space<vmem_shared>> -> memref<640xf32, #tpu.memory_space<vmem_shared>>
    %dma_start3A_269 = arith.constant 8960 : i32
    %dma_start3A_270 = tpu.memref_slice %arg13[%dma_start3A_269] : memref<10240xf32, #tpu.memory_space<vmem>> -> memref<640xf32, #tpu.memory_space<vmem>>
    %dma_start3A_271 = tpu.memref_slice %arg14[%add3A_265] : memref<163840xf32, #tpu.memory_space<vmem_shared>> -> memref<640xf32, #tpu.memory_space<vmem_shared>>
    tpu.enqueue_dma source(%dma_start3A_271 : memref<640xf32, #tpu.memory_space<vmem_shared>>) target(%dma_start3A_270 : memref<640xf32, #tpu.memory_space<vmem>>) target_semaphore(%arg15 : memref<!tpu.dma_semaphore, #tpu.memory_space<semaphore_mem>>)
    %add3A_272 = arith.constant 153600 : i32
    %add3A_273 = arith.addi %mul3A_151, %add3A_272 : i32
    %dma_start3A_274 = arith.constant 9600 : i32
    %dma_start3A_275 = tpu.memref_slice %arg13[%dma_start3A_274] : memref<10240xf32, #tpu.memory_space<vmem>> -> memref<640xf32, #tpu.memory_space<vmem>>
    %dma_start3A_276 = tpu.memref_slice %arg14[%add3A_273] : memref<163840xf32, #tpu.memory_space<vmem_shared>> -> memref<640xf32, #tpu.memory_space<vmem_shared>>
    %dma_start3A_277 = arith.constant 9600 : i32
    %dma_start3A_278 = tpu.memref_slice %arg13[%dma_start3A_277] : memref<10240xf32, #tpu.memory_space<vmem>> -> memref<640xf32, #tpu.memory_space<vmem>>
    %dma_start3A_279 = tpu.memref_slice %arg14[%add3A_273] : memref<163840xf32, #tpu.memory_space<vmem_shared>> -> memref<640xf32, #tpu.memory_space<vmem_shared>>
    tpu.enqueue_dma source(%dma_start3A_279 : memref<640xf32, #tpu.memory_space<vmem_shared>>) target(%dma_start3A_278 : memref<640xf32, #tpu.memory_space<vmem>>) target_semaphore(%arg15 : memref<!tpu.dma_semaphore, #tpu.memory_space<semaphore_mem>>)
    %dma_wait3A_280 = arith.constant 0 : i32
    %dma_wait3A_281 = tpu.memref_slice %arg13[%dma_wait3A_280] : memref<10240xf32, #tpu.memory_space<vmem>> -> memref<640xf32, #tpu.memory_space<vmem>>
    %dma_wait3A_282 = tpu.memref_slice %arg14[%add3A_153] : memref<163840xf32, #tpu.memory_space<vmem_shared>> -> memref<640xf32, #tpu.memory_space<vmem_shared>>
    %dma_wait3A_283 = arith.constant 0 : i32
    %dma_wait3A_284 = tpu.memref_slice %arg13[%dma_wait3A_283] : memref<10240xf32, #tpu.memory_space<vmem>> -> memref<640xf32, #tpu.memory_space<vmem>>
    %dma_wait3A_285 = tpu.memref_slice %arg14[%add3A_153] : memref<163840xf32, #tpu.memory_space<vmem_shared>> -> memref<640xf32, #tpu.memory_space<vmem_shared>>
    tpu.wait_dma2 semaphore(%arg15 : memref<!tpu.dma_semaphore, #tpu.memory_space<semaphore_mem>>) src(%dma_wait3A_285 : memref<640xf32, #tpu.memory_space<vmem_shared>>) dst(%dma_wait3A_284 : memref<640xf32, #tpu.memory_space<vmem>>)
    %dma_wait3A_286 = arith.constant 640 : i32
    %dma_wait3A_287 = tpu.memref_slice %arg13[%dma_wait3A_286] : memref<10240xf32, #tpu.memory_space<vmem>> -> memref<640xf32, #tpu.memory_space<vmem>>
    %dma_wait3A_288 = tpu.memref_slice %arg14[%add3A_161] : memref<163840xf32, #tpu.memory_space<vmem_shared>> -> memref<640xf32, #tpu.memory_space<vmem_shared>>
    %dma_wait3A_289 = arith.constant 640 : i32
    %dma_wait3A_290 = tpu.memref_slice %arg13[%dma_wait3A_289] : memref<10240xf32, #tpu.memory_space<vmem>> -> memref<640xf32, #tpu.memory_space<vmem>>
    %dma_wait3A_291 = tpu.memref_slice %arg14[%add3A_161] : memref<163840xf32, #tpu.memory_space<vmem_shared>> -> memref<640xf32, #tpu.memory_space<vmem_shared>>
    tpu.wait_dma2 semaphore(%arg15 : memref<!tpu.dma_semaphore, #tpu.memory_space<semaphore_mem>>) src(%dma_wait3A_291 : memref<640xf32, #tpu.memory_space<vmem_shared>>) dst(%dma_wait3A_290 : memref<640xf32, #tpu.memory_space<vmem>>)
    %dma_wait3A_292 = arith.constant 1280 : i32
    %dma_wait3A_293 = tpu.memref_slice %arg13[%dma_wait3A_292] : memref<10240xf32, #tpu.memory_space<vmem>> -> memref<640xf32, #tpu.memory_space<vmem>>
    %dma_wait3A_294 = tpu.memref_slice %arg14[%add3A_169] : memref<163840xf32, #tpu.memory_space<vmem_shared>> -> memref<640xf32, #tpu.memory_space<vmem_shared>>
    %dma_wait3A_295 = arith.constant 1280 : i32
    %dma_wait3A_296 = tpu.memref_slice %arg13[%dma_wait3A_295] : memref<10240xf32, #tpu.memory_space<vmem>> -> memref<640xf32, #tpu.memory_space<vmem>>
    %dma_wait3A_297 = tpu.memref_slice %arg14[%add3A_169] : memref<163840xf32, #tpu.memory_space<vmem_shared>> -> memref<640xf32, #tpu.memory_space<vmem_shared>>
    tpu.wait_dma2 semaphore(%arg15 : memref<!tpu.dma_semaphore, #tpu.memory_space<semaphore_mem>>) src(%dma_wait3A_297 : memref<640xf32, #tpu.memory_space<vmem_shared>>) dst(%dma_wait3A_296 : memref<640xf32, #tpu.memory_space<vmem>>)
    %dma_wait3A_298 = arith.constant 1920 : i32
    %dma_wait3A_299 = tpu.memref_slice %arg13[%dma_wait3A_298] : memref<10240xf32, #tpu.memory_space<vmem>> -> memref<640xf32, #tpu.memory_space<vmem>>
    %dma_wait3A_300 = tpu.memref_slice %arg14[%add3A_177] : memref<163840xf32, #tpu.memory_space<vmem_shared>> -> memref<640xf32, #tpu.memory_space<vmem_shared>>
    %dma_wait3A_301 = arith.constant 1920 : i32
    %dma_wait3A_302 = tpu.memref_slice %arg13[%dma_wait3A_301] : memref<10240xf32, #tpu.memory_space<vmem>> -> memref<640xf32, #tpu.memory_space<vmem>>
    %dma_wait3A_303 = tpu.memref_slice %arg14[%add3A_177] : memref<163840xf32, #tpu.memory_space<vmem_shared>> -> memref<640xf32, #tpu.memory_space<vmem_shared>>
    tpu.wait_dma2 semaphore(%arg15 : memref<!tpu.dma_semaphore, #tpu.memory_space<semaphore_mem>>) src(%dma_wait3A_303 : memref<640xf32, #tpu.memory_space<vmem_shared>>) dst(%dma_wait3A_302 : memref<640xf32, #tpu.memory_space<vmem>>)
    %dma_wait3A_304 = arith.constant 2560 : i32
    %dma_wait3A_305 = tpu.memref_slice %arg13[%dma_wait3A_304] : memref<10240xf32, #tpu.memory_space<vmem>> -> memref<640xf32, #tpu.memory_space<vmem>>
    %dma_wait3A_306 = tpu.memref_slice %arg14[%add3A_185] : memref<163840xf32, #tpu.memory_space<vmem_shared>> -> memref<640xf32, #tpu.memory_space<vmem_shared>>
    %dma_wait3A_307 = arith.constant 2560 : i32
    %dma_wait3A_308 = tpu.memref_slice %arg13[%dma_wait3A_307] : memref<10240xf32, #tpu.memory_space<vmem>> -> memref<640xf32, #tpu.memory_space<vmem>>
    %dma_wait3A_309 = tpu.memref_slice %arg14[%add3A_185] : memref<163840xf32, #tpu.memory_space<vmem_shared>> -> memref<640xf32, #tpu.memory_space<vmem_shared>>
    tpu.wait_dma2 semaphore(%arg15 : memref<!tpu.dma_semaphore, #tpu.memory_space<semaphore_mem>>) src(%dma_wait3A_309 : memref<640xf32, #tpu.memory_space<vmem_shared>>) dst(%dma_wait3A_308 : memref<640xf32, #tpu.memory_space<vmem>>)
    %dma_wait3A_310 = arith.constant 3200 : i32
    %dma_wait3A_311 = tpu.memref_slice %arg13[%dma_wait3A_310] : memref<10240xf32, #tpu.memory_space<vmem>> -> memref<640xf32, #tpu.memory_space<vmem>>
    %dma_wait3A_312 = tpu.memref_slice %arg14[%add3A_193] : memref<163840xf32, #tpu.memory_space<vmem_shared>> -> memref<640xf32, #tpu.memory_space<vmem_shared>>
    %dma_wait3A_313 = arith.constant 3200 : i32
    %dma_wait3A_314 = tpu.memref_slice %arg13[%dma_wait3A_313] : memref<10240xf32, #tpu.memory_space<vmem>> -> memref<640xf32, #tpu.memory_space<vmem>>
    %dma_wait3A_315 = tpu.memref_slice %arg14[%add3A_193] : memref<163840xf32, #tpu.memory_space<vmem_shared>> -> memref<640xf32, #tpu.memory_space<vmem_shared>>
    tpu.wait_dma2 semaphore(%arg15 : memref<!tpu.dma_semaphore, #tpu.memory_space<semaphore_mem>>) src(%dma_wait3A_315 : memref<640xf32, #tpu.memory_space<vmem_shared>>) dst(%dma_wait3A_314 : memref<640xf32, #tpu.memory_space<vmem>>)
    %dma_wait3A_316 = arith.constant 3840 : i32
    %dma_wait3A_317 = tpu.memref_slice %arg13[%dma_wait3A_316] : memref<10240xf32, #tpu.memory_space<vmem>> -> memref<640xf32, #tpu.memory_space<vmem>>
    %dma_wait3A_318 = tpu.memref_slice %arg14[%add3A_201] : memref<163840xf32, #tpu.memory_space<vmem_shared>> -> memref<640xf32, #tpu.memory_space<vmem_shared>>
    %dma_wait3A_319 = arith.constant 3840 : i32
    %dma_wait3A_320 = tpu.memref_slice %arg13[%dma_wait3A_319] : memref<10240xf32, #tpu.memory_space<vmem>> -> memref<640xf32, #tpu.memory_space<vmem>>
    %dma_wait3A_321 = tpu.memref_slice %arg14[%add3A_201] : memref<163840xf32, #tpu.memory_space<vmem_shared>> -> memref<640xf32, #tpu.memory_space<vmem_shared>>
    tpu.wait_dma2 semaphore(%arg15 : memref<!tpu.dma_semaphore, #tpu.memory_space<semaphore_mem>>) src(%dma_wait3A_321 : memref<640xf32, #tpu.memory_space<vmem_shared>>) dst(%dma_wait3A_320 : memref<640xf32, #tpu.memory_space<vmem>>)
    %dma_wait3A_322 = arith.constant 4480 : i32
    %dma_wait3A_323 = tpu.memref_slice %arg13[%dma_wait3A_322] : memref<10240xf32, #tpu.memory_space<vmem>> -> memref<640xf32, #tpu.memory_space<vmem>>
    %dma_wait3A_324 = tpu.memref_slice %arg14[%add3A_209] : memref<163840xf32, #tpu.memory_space<vmem_shared>> -> memref<640xf32, #tpu.memory_space<vmem_shared>>
    %dma_wait3A_325 = arith.constant 4480 : i32
    %dma_wait3A_326 = tpu.memref_slice %arg13[%dma_wait3A_325] : memref<10240xf32, #tpu.memory_space<vmem>> -> memref<640xf32, #tpu.memory_space<vmem>>
    %dma_wait3A_327 = tpu.memref_slice %arg14[%add3A_209] : memref<163840xf32, #tpu.memory_space<vmem_shared>> -> memref<640xf32, #tpu.memory_space<vmem_shared>>
    tpu.wait_dma2 semaphore(%arg15 : memref<!tpu.dma_semaphore, #tpu.memory_space<semaphore_mem>>) src(%dma_wait3A_327 : memref<640xf32, #tpu.memory_space<vmem_shared>>) dst(%dma_wait3A_326 : memref<640xf32, #tpu.memory_space<vmem>>)
    %dma_wait3A_328 = arith.constant 5120 : i32
    %dma_wait3A_329 = tpu.memref_slice %arg13[%dma_wait3A_328] : memref<10240xf32, #tpu.memory_space<vmem>> -> memref<640xf32, #tpu.memory_space<vmem>>
    %dma_wait3A_330 = tpu.memref_slice %arg14[%add3A_217] : memref<163840xf32, #tpu.memory_space<vmem_shared>> -> memref<640xf32, #tpu.memory_space<vmem_shared>>
    %dma_wait3A_331 = arith.constant 5120 : i32
    %dma_wait3A_332 = tpu.memref_slice %arg13[%dma_wait3A_331] : memref<10240xf32, #tpu.memory_space<vmem>> -> memref<640xf32, #tpu.memory_space<vmem>>
    %dma_wait3A_333 = tpu.memref_slice %arg14[%add3A_217] : memref<163840xf32, #tpu.memory_space<vmem_shared>> -> memref<640xf32, #tpu.memory_space<vmem_shared>>
    tpu.wait_dma2 semaphore(%arg15 : memref<!tpu.dma_semaphore, #tpu.memory_space<semaphore_mem>>) src(%dma_wait3A_333 : memref<640xf32, #tpu.memory_space<vmem_shared>>) dst(%dma_wait3A_332 : memref<640xf32, #tpu.memory_space<vmem>>)
    %dma_wait3A_334 = arith.constant 5760 : i32
    %dma_wait3A_335 = tpu.memref_slice %arg13[%dma_wait3A_334] : memref<10240xf32, #tpu.memory_space<vmem>> -> memref<640xf32, #tpu.memory_space<vmem>>
    %dma_wait3A_336 = tpu.memref_slice %arg14[%add3A_225] : memref<163840xf32, #tpu.memory_space<vmem_shared>> -> memref<640xf32, #tpu.memory_space<vmem_shared>>
    %dma_wait3A_337 = arith.constant 5760 : i32
    %dma_wait3A_338 = tpu.memref_slice %arg13[%dma_wait3A_337] : memref<10240xf32, #tpu.memory_space<vmem>> -> memref<640xf32, #tpu.memory_space<vmem>>
    %dma_wait3A_339 = tpu.memref_slice %arg14[%add3A_225] : memref<163840xf32, #tpu.memory_space<vmem_shared>> -> memref<640xf32, #tpu.memory_space<vmem_shared>>
    tpu.wait_dma2 semaphore(%arg15 : memref<!tpu.dma_semaphore, #tpu.memory_space<semaphore_mem>>) src(%dma_wait3A_339 : memref<640xf32, #tpu.memory_space<vmem_shared>>) dst(%dma_wait3A_338 : memref<640xf32, #tpu.memory_space<vmem>>)
    %dma_wait3A_340 = arith.constant 6400 : i32
    %dma_wait3A_341 = tpu.memref_slice %arg13[%dma_wait3A_340] : memref<10240xf32, #tpu.memory_space<vmem>> -> memref<640xf32, #tpu.memory_space<vmem>>
    %dma_wait3A_342 = tpu.memref_slice %arg14[%add3A_233] : memref<163840xf32, #tpu.memory_space<vmem_shared>> -> memref<640xf32, #tpu.memory_space<vmem_shared>>
    %dma_wait3A_343 = arith.constant 6400 : i32
    %dma_wait3A_344 = tpu.memref_slice %arg13[%dma_wait3A_343] : memref<10240xf32, #tpu.memory_space<vmem>> -> memref<640xf32, #tpu.memory_space<vmem>>
    %dma_wait3A_345 = tpu.memref_slice %arg14[%add3A_233] : memref<163840xf32, #tpu.memory_space<vmem_shared>> -> memref<640xf32, #tpu.memory_space<vmem_shared>>
    tpu.wait_dma2 semaphore(%arg15 : memref<!tpu.dma_semaphore, #tpu.memory_space<semaphore_mem>>) src(%dma_wait3A_345 : memref<640xf32, #tpu.memory_space<vmem_shared>>) dst(%dma_wait3A_344 : memref<640xf32, #tpu.memory_space<vmem>>)
    %dma_wait3A_346 = arith.constant 7040 : i32
    %dma_wait3A_347 = tpu.memref_slice %arg13[%dma_wait3A_346] : memref<10240xf32, #tpu.memory_space<vmem>> -> memref<640xf32, #tpu.memory_space<vmem>>
    %dma_wait3A_348 = tpu.memref_slice %arg14[%add3A_241] : memref<163840xf32, #tpu.memory_space<vmem_shared>> -> memref<640xf32, #tpu.memory_space<vmem_shared>>
    %dma_wait3A_349 = arith.constant 7040 : i32
    %dma_wait3A_350 = tpu.memref_slice %arg13[%dma_wait3A_349] : memref<10240xf32, #tpu.memory_space<vmem>> -> memref<640xf32, #tpu.memory_space<vmem>>
    %dma_wait3A_351 = tpu.memref_slice %arg14[%add3A_241] : memref<163840xf32, #tpu.memory_space<vmem_shared>> -> memref<640xf32, #tpu.memory_space<vmem_shared>>
    tpu.wait_dma2 semaphore(%arg15 : memref<!tpu.dma_semaphore, #tpu.memory_space<semaphore_mem>>) src(%dma_wait3A_351 : memref<640xf32, #tpu.memory_space<vmem_shared>>) dst(%dma_wait3A_350 : memref<640xf32, #tpu.memory_space<vmem>>)
    %dma_wait3A_352 = arith.constant 7680 : i32
    %dma_wait3A_353 = tpu.memref_slice %arg13[%dma_wait3A_352] : memref<10240xf32, #tpu.memory_space<vmem>> -> memref<640xf32, #tpu.memory_space<vmem>>
    %dma_wait3A_354 = tpu.memref_slice %arg14[%add3A_249] : memref<163840xf32, #tpu.memory_space<vmem_shared>> -> memref<640xf32, #tpu.memory_space<vmem_shared>>
    %dma_wait3A_355 = arith.constant 7680 : i32
    %dma_wait3A_356 = tpu.memref_slice %arg13[%dma_wait3A_355] : memref<10240xf32, #tpu.memory_space<vmem>> -> memref<640xf32, #tpu.memory_space<vmem>>
    %dma_wait3A_357 = tpu.memref_slice %arg14[%add3A_249] : memref<163840xf32, #tpu.memory_space<vmem_shared>> -> memref<640xf32, #tpu.memory_space<vmem_shared>>
    tpu.wait_dma2 semaphore(%arg15 : memref<!tpu.dma_semaphore, #tpu.memory_space<semaphore_mem>>) src(%dma_wait3A_357 : memref<640xf32, #tpu.memory_space<vmem_shared>>) dst(%dma_wait3A_356 : memref<640xf32, #tpu.memory_space<vmem>>)
    %dma_wait3A_358 = arith.constant 8320 : i32
    %dma_wait3A_359 = tpu.memref_slice %arg13[%dma_wait3A_358] : memref<10240xf32, #tpu.memory_space<vmem>> -> memref<640xf32, #tpu.memory_space<vmem>>
    %dma_wait3A_360 = tpu.memref_slice %arg14[%add3A_257] : memref<163840xf32, #tpu.memory_space<vmem_shared>> -> memref<640xf32, #tpu.memory_space<vmem_shared>>
    %dma_wait3A_361 = arith.constant 8320 : i32
    %dma_wait3A_362 = tpu.memref_slice %arg13[%dma_wait3A_361] : memref<10240xf32, #tpu.memory_space<vmem>> -> memref<640xf32, #tpu.memory_space<vmem>>
    %dma_wait3A_363 = tpu.memref_slice %arg14[%add3A_257] : memref<163840xf32, #tpu.memory_space<vmem_shared>> -> memref<640xf32, #tpu.memory_space<vmem_shared>>
    tpu.wait_dma2 semaphore(%arg15 : memref<!tpu.dma_semaphore, #tpu.memory_space<semaphore_mem>>) src(%dma_wait3A_363 : memref<640xf32, #tpu.memory_space<vmem_shared>>) dst(%dma_wait3A_362 : memref<640xf32, #tpu.memory_space<vmem>>)
    %dma_wait3A_364 = arith.constant 8960 : i32
    %dma_wait3A_365 = tpu.memref_slice %arg13[%dma_wait3A_364] : memref<10240xf32, #tpu.memory_space<vmem>> -> memref<640xf32, #tpu.memory_space<vmem>>
    %dma_wait3A_366 = tpu.memref_slice %arg14[%add3A_265] : memref<163840xf32, #tpu.memory_space<vmem_shared>> -> memref<640xf32, #tpu.memory_space<vmem_shared>>
    %dma_wait3A_367 = arith.constant 8960 : i32
    %dma_wait3A_368 = tpu.memref_slice %arg13[%dma_wait3A_367] : memref<10240xf32, #tpu.memory_space<vmem>> -> memref<640xf32, #tpu.memory_space<vmem>>
    %dma_wait3A_369 = tpu.memref_slice %arg14[%add3A_265] : memref<163840xf32, #tpu.memory_space<vmem_shared>> -> memref<640xf32, #tpu.memory_space<vmem_shared>>
    tpu.wait_dma2 semaphore(%arg15 : memref<!tpu.dma_semaphore, #tpu.memory_space<semaphore_mem>>) src(%dma_wait3A_369 : memref<640xf32, #tpu.memory_space<vmem_shared>>) dst(%dma_wait3A_368 : memref<640xf32, #tpu.memory_space<vmem>>)
    %dma_wait3A_370 = arith.constant 9600 : i32
    %dma_wait3A_371 = tpu.memref_slice %arg13[%dma_wait3A_370] : memref<10240xf32, #tpu.memory_space<vmem>> -> memref<640xf32, #tpu.memory_space<vmem>>
    %dma_wait3A_372 = tpu.memref_slice %arg14[%add3A_273] : memref<163840xf32, #tpu.memory_space<vmem_shared>> -> memref<640xf32, #tpu.memory_space<vmem_shared>>
    %dma_wait3A_373 = arith.constant 9600 : i32
    %dma_wait3A_374 = tpu.memref_slice %arg13[%dma_wait3A_373] : memref<10240xf32, #tpu.memory_space<vmem>> -> memref<640xf32, #tpu.memory_space<vmem>>
    %dma_wait3A_375 = tpu.memref_slice %arg14[%add3A_273] : memref<163840xf32, #tpu.memory_space<vmem_shared>> -> memref<640xf32, #tpu.memory_space<vmem_shared>>
    tpu.wait_dma2 semaphore(%arg15 : memref<!tpu.dma_semaphore, #tpu.memory_space<semaphore_mem>>) src(%dma_wait3A_375 : memref<640xf32, #tpu.memory_space<vmem_shared>>) dst(%dma_wait3A_374 : memref<640xf32, #tpu.memory_space<vmem>>)
    %scan3A_376 = arith.constant 0 : i32
    %scan3A_377 = arith.constant 40 : i32
    %scan3A_378 = arith.addi %scan3A_376, %scan3A_377 : i32
    %scan3A_379 = arith.constant 1 : i32
    scf.for %scan3A_873 = %scan3A_376 to %scan3A_378 step %scan3A_379  : i32 {
      %mul3A_874 = arith.constant 16 : i32
      %mul3A_875 = arith.muli %scan3A_873, %mul3A_874 : i32
      %add3A_876 = arith.constant 0 : i32
      %add3A_877 = arith.addi %add3A_876, %mul3A_875 : i32
      %add3A_878 = arith.constant 0 : i32
      %add3A_879 = arith.addi %add3A_878, %add3A_877 : i32
      %get3A_880 = arith.index_cast %add3A_879 : i32 to index
      %get3A_881 = tpu.vector_load %arg13[%get3A_880] {strides = array<i32>} : memref<10240xf32, #tpu.memory_space<vmem>>, vector<16xf32>,
      %add3A_882 = arith.constant 640 : i32
      %add3A_883 = arith.addi %add3A_882, %add3A_877 : i32
      %get3A_884 = arith.index_cast %add3A_883 : i32 to index
      %get3A_885 = tpu.vector_load %arg13[%get3A_884] {strides = array<i32>} : memref<10240xf32, #tpu.memory_space<vmem>>, vector<16xf32>,
      %add3A_886 = arith.addf %get3A_881, %get3A_885 : vector<16xf32>
      %add3A_887 = arith.constant 1280 : i32
      %add3A_888 = arith.addi %add3A_887, %add3A_877 : i32
      %get3A_889 = arith.index_cast %add3A_888 : i32 to index
      %get3A_890 = tpu.vector_load %arg13[%get3A_889] {strides = array<i32>} : memref<10240xf32, #tpu.memory_space<vmem>>, vector<16xf32>,
      %add3A_891 = arith.addf %add3A_886, %get3A_890 : vector<16xf32>
      %add3A_892 = arith.constant 1920 : i32
      %add3A_893 = arith.addi %add3A_892, %add3A_877 : i32
      %get3A_894 = arith.index_cast %add3A_893 : i32 to index
      %get3A_895 = tpu.vector_load %arg13[%get3A_894] {strides = array<i32>} : memref<10240xf32, #tpu.memory_space<vmem>>, vector<16xf32>,
      %add3A_896 = arith.addf %add3A_891, %get3A_895 : vector<16xf32>
      %add3A_897 = arith.constant 2560 : i32
      %add3A_898 = arith.addi %add3A_897, %add3A_877 : i32
      %get3A_899 = arith.index_cast %add3A_898 : i32 to index
      %get3A_900 = tpu.vector_load %arg13[%get3A_899] {strides = array<i32>} : memref<10240xf32, #tpu.memory_space<vmem>>, vector<16xf32>,
      %add3A_901 = arith.addf %add3A_896, %get3A_900 : vector<16xf32>
      %add3A_902 = arith.constant 3200 : i32
      %add3A_903 = arith.addi %add3A_902, %add3A_877 : i32
      %get3A_904 = arith.index_cast %add3A_903 : i32 to index
      %get3A_905 = tpu.vector_load %arg13[%get3A_904] {strides = array<i32>} : memref<10240xf32, #tpu.memory_space<vmem>>, vector<16xf32>,
      %add3A_906 = arith.addf %add3A_901, %get3A_905 : vector<16xf32>
      %add3A_907 = arith.constant 3840 : i32
      %add3A_908 = arith.addi %add3A_907, %add3A_877 : i32
      %get3A_909 = arith.index_cast %add3A_908 : i32 to index
      %get3A_910 = tpu.vector_load %arg13[%get3A_909] {strides = array<i32>} : memref<10240xf32, #tpu.memory_space<vmem>>, vector<16xf32>,
      %add3A_911 = arith.addf %add3A_906, %get3A_910 : vector<16xf32>
      %add3A_912 = arith.constant 4480 : i32
      %add3A_913 = arith.addi %add3A_912, %add3A_877 : i32
      %get3A_914 = arith.index_cast %add3A_913 : i32 to index
      %get3A_915 = tpu.vector_load %arg13[%get3A_914] {strides = array<i32>} : memref<10240xf32, #tpu.memory_space<vmem>>, vector<16xf32>,
      %add3A_916 = arith.addf %add3A_911, %get3A_915 : vector<16xf32>
      %add3A_917 = arith.constant 5120 : i32
      %add3A_918 = arith.addi %add3A_917, %add3A_877 : i32
      %get3A_919 = arith.index_cast %add3A_918 : i32 to index
      %get3A_920 = tpu.vector_load %arg13[%get3A_919] {strides = array<i32>} : memref<10240xf32, #tpu.memory_space<vmem>>, vector<16xf32>,
      %add3A_921 = arith.addf %add3A_916, %get3A_920 : vector<16xf32>
      %add3A_922 = arith.constant 5760 : i32
      %add3A_923 = arith.addi %add3A_922, %add3A_877 : i32
      %get3A_924 = arith.index_cast %add3A_923 : i32 to index
      %get3A_925 = tpu.vector_load %arg13[%get3A_924] {strides = array<i32>} : memref<10240xf32, #tpu.memory_space<vmem>>, vector<16xf32>,
      %add3A_926 = arith.addf %add3A_921, %get3A_925 : vector<16xf32>
      %add3A_927 = arith.constant 6400 : i32
      %add3A_928 = arith.addi %add3A_927, %add3A_877 : i32
      %get3A_929 = arith.index_cast %add3A_928 : i32 to index
      %get3A_930 = tpu.vector_load %arg13[%get3A_929] {strides = array<i32>} : memref<10240xf32, #tpu.memory_space<vmem>>, vector<16xf32>,
      %add3A_931 = arith.addf %add3A_926, %get3A_930 : vector<16xf32>
      %add3A_932 = arith.constant 7040 : i32
      %add3A_933 = arith.addi %add3A_932, %add3A_877 : i32
      %get3A_934 = arith.index_cast %add3A_933 : i32 to index
      %get3A_935 = tpu.vector_load %arg13[%get3A_934] {strides = array<i32>} : memref<10240xf32, #tpu.memory_space<vmem>>, vector<16xf32>,
      %add3A_936 = arith.addf %add3A_931, %get3A_935 : vector<16xf32>
      %add3A_937 = arith.constant 7680 : i32
      %add3A_938 = arith.addi %add3A_937, %add3A_877 : i32
      %get3A_939 = arith.index_cast %add3A_938 : i32 to index
      %get3A_940 = tpu.vector_load %arg13[%get3A_939] {strides = array<i32>} : memref<10240xf32, #tpu.memory_space<vmem>>, vector<16xf32>,
      %add3A_941 = arith.addf %add3A_936, %get3A_940 : vector<16xf32>
      %add3A_942 = arith.constant 8320 : i32
      %add3A_943 = arith.addi %add3A_942, %add3A_877 : i32
      %get3A_944 = arith.index_cast %add3A_943 : i32 to index
      %get3A_945 = tpu.vector_load %arg13[%get3A_944] {strides = array<i32>} : memref<10240xf32, #tpu.memory_space<vmem>>, vector<16xf32>,
      %add3A_946 = arith.addf %add3A_941, %get3A_945 : vector<16xf32>
      %add3A_947 = arith.constant 8960 : i32
      %add3A_948 = arith.addi %add3A_947, %add3A_877 : i32
      %get3A_949 = arith.index_cast %add3A_948 : i32 to index
      %get3A_950 = tpu.vector_load %arg13[%get3A_949] {strides = array<i32>} : memref<10240xf32, #tpu.memory_space<vmem>>, vector<16xf32>,
      %add3A_951 = arith.addf %add3A_946, %get3A_950 : vector<16xf32>
      %add3A_952 = arith.constant 9600 : i32
      %add3A_953 = arith.addi %add3A_952, %add3A_877 : i32
      %get3A_954 = arith.index_cast %add3A_953 : i32 to index
      %get3A_955 = tpu.vector_load %arg13[%get3A_954] {strides = array<i32>} : memref<10240xf32, #tpu.memory_space<vmem>>, vector<16xf32>,
      %add3A_956 = arith.addf %add3A_951, %get3A_955 : vector<16xf32>
      %swap3A = arith.index_cast %add3A_877 : i32 to index
      %swap3A_957 = tpu.vector_load %arg12[%swap3A] {strides = array<i32>} : memref<640xf32, #tpu.memory_space<vmem>>, vector<16xf32>,
      tpu.vector_store %arg12[%swap3A], %add3A_956 {strides = array<i32>} : memref<640xf32, #tpu.memory_space<vmem>>, vector<16xf32>,
    }
    %scan3A_380 = arith.constant 40 : i32
    %mul3A_381 = arith.constant 30720 : i32
    %mul3A_382 = arith.muli %arg0, %mul3A_381 : i32
    %add3A_383 = arith.constant 0 : i32
    %add3A_384 = arith.addi %mul3A_382, %add3A_383 : i32
    %mul3A_385 = arith.constant 640 : i32
    %mul3A_386 = arith.muli %arg1, %mul3A_385 : i32
    %add3A_387 = arith.addi %add3A_384, %mul3A_386 : i32
    "tpu.region"() ({
      %run_scoped3A = tpu.sem_alloc : memref<!tpu.dma_semaphore, #tpu.memory_space<semaphore_mem>>
      %dma_start3A_873 = tpu.memref_slice %arg4[%add3A_387] : memref<61440xf32, #tpu.memory_space<hbm>> -> memref<640xf32, #tpu.memory_space<hbm>>
      %dma_start3A_874 = tpu.memref_slice %arg4[%add3A_387] : memref<61440xf32, #tpu.memory_space<hbm>> -> memref<640xf32, #tpu.memory_space<hbm>>
      tpu.enqueue_dma source(%arg12 : memref<640xf32, #tpu.memory_space<vmem>>) target(%dma_start3A_874 : memref<640xf32, #tpu.memory_space<hbm>>) target_semaphore(%run_scoped3A : memref<!tpu.dma_semaphore, #tpu.memory_space<semaphore_mem>>)
      %dma_wait3A_875 = tpu.memref_slice %arg4[%add3A_387] : memref<61440xf32, #tpu.memory_space<hbm>> -> memref<640xf32, #tpu.memory_space<hbm>>
      %dma_wait3A_876 = tpu.memref_slice %arg4[%add3A_387] : memref<61440xf32, #tpu.memory_space<hbm>> -> memref<640xf32, #tpu.memory_space<hbm>>
      tpu.wait_dma2 semaphore(%run_scoped3A : memref<!tpu.dma_semaphore, #tpu.memory_space<semaphore_mem>>) src(%arg12 : memref<640xf32, #tpu.memory_space<vmem>>) dst(%dma_wait3A_876 : memref<640xf32, #tpu.memory_space<hbm>>)
      tpu.yield
    }) : () -> ()
    %barrier3A_388 = arith.constant 0 : index
    tpu.barrier barrier_id(%barrier3A_388)
    %mul3A_389 = arith.constant 10240 : i32
    %mul3A_390 = arith.muli %arg1, %mul3A_389 : i32
    "tpu.region"() ({
      %run_scoped3A = tpu.sem_alloc : memref<!tpu.dma_semaphore, #tpu.memory_space<semaphore_mem>>
      %dma_start3A_873 = tpu.memref_slice %arg14[%mul3A_390] : memref<163840xf32, #tpu.memory_space<vmem_shared>> -> memref<10240xf32, #tpu.memory_space<vmem_shared>>
      %dma_start3A_874 = tpu.memref_slice %arg14[%mul3A_390] : memref<163840xf32, #tpu.memory_space<vmem_shared>> -> memref<10240xf32, #tpu.memory_space<vmem_shared>>
      tpu.enqueue_dma source(%arg10 : memref<10240xf32, #tpu.memory_space<vmem>>) target(%dma_start3A_874 : memref<10240xf32, #tpu.memory_space<vmem_shared>>) target_semaphore(%run_scoped3A : memref<!tpu.dma_semaphore, #tpu.memory_space<semaphore_mem>>)
      %dma_wait3A_875 = tpu.memref_slice %arg14[%mul3A_390] : memref<163840xf32, #tpu.memory_space<vmem_shared>> -> memref<10240xf32, #tpu.memory_space<vmem_shared>>
      %dma_wait3A_876 = tpu.memref_slice %arg14[%mul3A_390] : memref<163840xf32, #tpu.memory_space<vmem_shared>> -> memref<10240xf32, #tpu.memory_space<vmem_shared>>
      tpu.wait_dma2 semaphore(%run_scoped3A : memref<!tpu.dma_semaphore, #tpu.memory_space<semaphore_mem>>) src(%arg10 : memref<10240xf32, #tpu.memory_space<vmem>>) dst(%dma_wait3A_876 : memref<10240xf32, #tpu.memory_space<vmem_shared>>)
      tpu.yield
    }) : () -> ()
    %barrier3A_391 = arith.constant 0 : index
    tpu.barrier barrier_id(%barrier3A_391)
    %mul3A_392 = arith.constant 640 : i32
    %mul3A_393 = arith.muli %arg1, %mul3A_392 : i32
    %add3A_394 = arith.constant 0 : i32
    %add3A_395 = arith.addi %mul3A_393, %add3A_394 : i32
    %dma_start3A_396 = arith.constant 0 : i32
    %dma_start3A_397 = tpu.memref_slice %arg13[%dma_start3A_396] : memref<10240xf32, #tpu.memory_space<vmem>> -> memref<640xf32, #tpu.memory_space<vmem>>
    %dma_start3A_398 = tpu.memref_slice %arg14[%add3A_395] : memref<163840xf32, #tpu.memory_space<vmem_shared>> -> memref<640xf32, #tpu.memory_space<vmem_shared>>
    %dma_start3A_399 = arith.constant 0 : i32
    %dma_start3A_400 = tpu.memref_slice %arg13[%dma_start3A_399] : memref<10240xf32, #tpu.memory_space<vmem>> -> memref<640xf32, #tpu.memory_space<vmem>>
    %dma_start3A_401 = tpu.memref_slice %arg14[%add3A_395] : memref<163840xf32, #tpu.memory_space<vmem_shared>> -> memref<640xf32, #tpu.memory_space<vmem_shared>>
    tpu.enqueue_dma source(%dma_start3A_401 : memref<640xf32, #tpu.memory_space<vmem_shared>>) target(%dma_start3A_400 : memref<640xf32, #tpu.memory_space<vmem>>) target_semaphore(%arg15 : memref<!tpu.dma_semaphore, #tpu.memory_space<semaphore_mem>>)
    %add3A_402 = arith.constant 10240 : i32
    %add3A_403 = arith.addi %mul3A_393, %add3A_402 : i32
    %dma_start3A_404 = arith.constant 640 : i32
    %dma_start3A_405 = tpu.memref_slice %arg13[%dma_start3A_404] : memref<10240xf32, #tpu.memory_space<vmem>> -> memref<640xf32, #tpu.memory_space<vmem>>
    %dma_start3A_406 = tpu.memref_slice %arg14[%add3A_403] : memref<163840xf32, #tpu.memory_space<vmem_shared>> -> memref<640xf32, #tpu.memory_space<vmem_shared>>
    %dma_start3A_407 = arith.constant 640 : i32
    %dma_start3A_408 = tpu.memref_slice %arg13[%dma_start3A_407] : memref<10240xf32, #tpu.memory_space<vmem>> -> memref<640xf32, #tpu.memory_space<vmem>>
    %dma_start3A_409 = tpu.memref_slice %arg14[%add3A_403] : memref<163840xf32, #tpu.memory_space<vmem_shared>> -> memref<640xf32, #tpu.memory_space<vmem_shared>>
    tpu.enqueue_dma source(%dma_start3A_409 : memref<640xf32, #tpu.memory_space<vmem_shared>>) target(%dma_start3A_408 : memref<640xf32, #tpu.memory_space<vmem>>) target_semaphore(%arg15 : memref<!tpu.dma_semaphore, #tpu.memory_space<semaphore_mem>>)
    %add3A_410 = arith.constant 20480 : i32
    %add3A_411 = arith.addi %mul3A_393, %add3A_410 : i32
    %dma_start3A_412 = arith.constant 1280 : i32
    %dma_start3A_413 = tpu.memref_slice %arg13[%dma_start3A_412] : memref<10240xf32, #tpu.memory_space<vmem>> -> memref<640xf32, #tpu.memory_space<vmem>>
    %dma_start3A_414 = tpu.memref_slice %arg14[%add3A_411] : memref<163840xf32, #tpu.memory_space<vmem_shared>> -> memref<640xf32, #tpu.memory_space<vmem_shared>>
    %dma_start3A_415 = arith.constant 1280 : i32
    %dma_start3A_416 = tpu.memref_slice %arg13[%dma_start3A_415] : memref<10240xf32, #tpu.memory_space<vmem>> -> memref<640xf32, #tpu.memory_space<vmem>>
    %dma_start3A_417 = tpu.memref_slice %arg14[%add3A_411] : memref<163840xf32, #tpu.memory_space<vmem_shared>> -> memref<640xf32, #tpu.memory_space<vmem_shared>>
    tpu.enqueue_dma source(%dma_start3A_417 : memref<640xf32, #tpu.memory_space<vmem_shared>>) target(%dma_start3A_416 : memref<640xf32, #tpu.memory_space<vmem>>) target_semaphore(%arg15 : memref<!tpu.dma_semaphore, #tpu.memory_space<semaphore_mem>>)
    %add3A_418 = arith.constant 30720 : i32
    %add3A_419 = arith.addi %mul3A_393, %add3A_418 : i32
    %dma_start3A_420 = arith.constant 1920 : i32
    %dma_start3A_421 = tpu.memref_slice %arg13[%dma_start3A_420] : memref<10240xf32, #tpu.memory_space<vmem>> -> memref<640xf32, #tpu.memory_space<vmem>>
    %dma_start3A_422 = tpu.memref_slice %arg14[%add3A_419] : memref<163840xf32, #tpu.memory_space<vmem_shared>> -> memref<640xf32, #tpu.memory_space<vmem_shared>>
    %dma_start3A_423 = arith.constant 1920 : i32
    %dma_start3A_424 = tpu.memref_slice %arg13[%dma_start3A_423] : memref<10240xf32, #tpu.memory_space<vmem>> -> memref<640xf32, #tpu.memory_space<vmem>>
    %dma_start3A_425 = tpu.memref_slice %arg14[%add3A_419] : memref<163840xf32, #tpu.memory_space<vmem_shared>> -> memref<640xf32, #tpu.memory_space<vmem_shared>>
    tpu.enqueue_dma source(%dma_start3A_425 : memref<640xf32, #tpu.memory_space<vmem_shared>>) target(%dma_start3A_424 : memref<640xf32, #tpu.memory_space<vmem>>) target_semaphore(%arg15 : memref<!tpu.dma_semaphore, #tpu.memory_space<semaphore_mem>>)
    %add3A_426 = arith.constant 40960 : i32
    %add3A_427 = arith.addi %mul3A_393, %add3A_426 : i32
    %dma_start3A_428 = arith.constant 2560 : i32
    %dma_start3A_429 = tpu.memref_slice %arg13[%dma_start3A_428] : memref<10240xf32, #tpu.memory_space<vmem>> -> memref<640xf32, #tpu.memory_space<vmem>>
    %dma_start3A_430 = tpu.memref_slice %arg14[%add3A_427] : memref<163840xf32, #tpu.memory_space<vmem_shared>> -> memref<640xf32, #tpu.memory_space<vmem_shared>>
    %dma_start3A_431 = arith.constant 2560 : i32
    %dma_start3A_432 = tpu.memref_slice %arg13[%dma_start3A_431] : memref<10240xf32, #tpu.memory_space<vmem>> -> memref<640xf32, #tpu.memory_space<vmem>>
    %dma_start3A_433 = tpu.memref_slice %arg14[%add3A_427] : memref<163840xf32, #tpu.memory_space<vmem_shared>> -> memref<640xf32, #tpu.memory_space<vmem_shared>>
    tpu.enqueue_dma source(%dma_start3A_433 : memref<640xf32, #tpu.memory_space<vmem_shared>>) target(%dma_start3A_432 : memref<640xf32, #tpu.memory_space<vmem>>) target_semaphore(%arg15 : memref<!tpu.dma_semaphore, #tpu.memory_space<semaphore_mem>>)
    %add3A_434 = arith.constant 51200 : i32
    %add3A_435 = arith.addi %mul3A_393, %add3A_434 : i32
    %dma_start3A_436 = arith.constant 3200 : i32
    %dma_start3A_437 = tpu.memref_slice %arg13[%dma_start3A_436] : memref<10240xf32, #tpu.memory_space<vmem>> -> memref<640xf32, #tpu.memory_space<vmem>>
    %dma_start3A_438 = tpu.memref_slice %arg14[%add3A_435] : memref<163840xf32, #tpu.memory_space<vmem_shared>> -> memref<640xf32, #tpu.memory_space<vmem_shared>>
    %dma_start3A_439 = arith.constant 3200 : i32
    %dma_start3A_440 = tpu.memref_slice %arg13[%dma_start3A_439] : memref<10240xf32, #tpu.memory_space<vmem>> -> memref<640xf32, #tpu.memory_space<vmem>>
    %dma_start3A_441 = tpu.memref_slice %arg14[%add3A_435] : memref<163840xf32, #tpu.memory_space<vmem_shared>> -> memref<640xf32, #tpu.memory_space<vmem_shared>>
    tpu.enqueue_dma source(%dma_start3A_441 : memref<640xf32, #tpu.memory_space<vmem_shared>>) target(%dma_start3A_440 : memref<640xf32, #tpu.memory_space<vmem>>) target_semaphore(%arg15 : memref<!tpu.dma_semaphore, #tpu.memory_space<semaphore_mem>>)
    %add3A_442 = arith.constant 61440 : i32
    %add3A_443 = arith.addi %mul3A_393, %add3A_442 : i32
    %dma_start3A_444 = arith.constant 3840 : i32
    %dma_start3A_445 = tpu.memref_slice %arg13[%dma_start3A_444] : memref<10240xf32, #tpu.memory_space<vmem>> -> memref<640xf32, #tpu.memory_space<vmem>>
    %dma_start3A_446 = tpu.memref_slice %arg14[%add3A_443] : memref<163840xf32, #tpu.memory_space<vmem_shared>> -> memref<640xf32, #tpu.memory_space<vmem_shared>>
    %dma_start3A_447 = arith.constant 3840 : i32
    %dma_start3A_448 = tpu.memref_slice %arg13[%dma_start3A_447] : memref<10240xf32, #tpu.memory_space<vmem>> -> memref<640xf32, #tpu.memory_space<vmem>>
    %dma_start3A_449 = tpu.memref_slice %arg14[%add3A_443] : memref<163840xf32, #tpu.memory_space<vmem_shared>> -> memref<640xf32, #tpu.memory_space<vmem_shared>>
    tpu.enqueue_dma source(%dma_start3A_449 : memref<640xf32, #tpu.memory_space<vmem_shared>>) target(%dma_start3A_448 : memref<640xf32, #tpu.memory_space<vmem>>) target_semaphore(%arg15 : memref<!tpu.dma_semaphore, #tpu.memory_space<semaphore_mem>>)
    %add3A_450 = arith.constant 71680 : i32
    %add3A_451 = arith.addi %mul3A_393, %add3A_450 : i32
    %dma_start3A_452 = arith.constant 4480 : i32
    %dma_start3A_453 = tpu.memref_slice %arg13[%dma_start3A_452] : memref<10240xf32, #tpu.memory_space<vmem>> -> memref<640xf32, #tpu.memory_space<vmem>>
    %dma_start3A_454 = tpu.memref_slice %arg14[%add3A_451] : memref<163840xf32, #tpu.memory_space<vmem_shared>> -> memref<640xf32, #tpu.memory_space<vmem_shared>>
    %dma_start3A_455 = arith.constant 4480 : i32
    %dma_start3A_456 = tpu.memref_slice %arg13[%dma_start3A_455] : memref<10240xf32, #tpu.memory_space<vmem>> -> memref<640xf32, #tpu.memory_space<vmem>>
    %dma_start3A_457 = tpu.memref_slice %arg14[%add3A_451] : memref<163840xf32, #tpu.memory_space<vmem_shared>> -> memref<640xf32, #tpu.memory_space<vmem_shared>>
    tpu.enqueue_dma source(%dma_start3A_457 : memref<640xf32, #tpu.memory_space<vmem_shared>>) target(%dma_start3A_456 : memref<640xf32, #tpu.memory_space<vmem>>) target_semaphore(%arg15 : memref<!tpu.dma_semaphore, #tpu.memory_space<semaphore_mem>>)
    %add3A_458 = arith.constant 81920 : i32
    %add3A_459 = arith.addi %mul3A_393, %add3A_458 : i32
    %dma_start3A_460 = arith.constant 5120 : i32
    %dma_start3A_461 = tpu.memref_slice %arg13[%dma_start3A_460] : memref<10240xf32, #tpu.memory_space<vmem>> -> memref<640xf32, #tpu.memory_space<vmem>>
    %dma_start3A_462 = tpu.memref_slice %arg14[%add3A_459] : memref<163840xf32, #tpu.memory_space<vmem_shared>> -> memref<640xf32, #tpu.memory_space<vmem_shared>>
    %dma_start3A_463 = arith.constant 5120 : i32
    %dma_start3A_464 = tpu.memref_slice %arg13[%dma_start3A_463] : memref<10240xf32, #tpu.memory_space<vmem>> -> memref<640xf32, #tpu.memory_space<vmem>>
    %dma_start3A_465 = tpu.memref_slice %arg14[%add3A_459] : memref<163840xf32, #tpu.memory_space<vmem_shared>> -> memref<640xf32, #tpu.memory_space<vmem_shared>>
    tpu.enqueue_dma source(%dma_start3A_465 : memref<640xf32, #tpu.memory_space<vmem_shared>>) target(%dma_start3A_464 : memref<640xf32, #tpu.memory_space<vmem>>) target_semaphore(%arg15 : memref<!tpu.dma_semaphore, #tpu.memory_space<semaphore_mem>>)
    %add3A_466 = arith.constant 92160 : i32
    %add3A_467 = arith.addi %mul3A_393, %add3A_466 : i32
    %dma_start3A_468 = arith.constant 5760 : i32
    %dma_start3A_469 = tpu.memref_slice %arg13[%dma_start3A_468] : memref<10240xf32, #tpu.memory_space<vmem>> -> memref<640xf32, #tpu.memory_space<vmem>>
    %dma_start3A_470 = tpu.memref_slice %arg14[%add3A_467] : memref<163840xf32, #tpu.memory_space<vmem_shared>> -> memref<640xf32, #tpu.memory_space<vmem_shared>>
    %dma_start3A_471 = arith.constant 5760 : i32
    %dma_start3A_472 = tpu.memref_slice %arg13[%dma_start3A_471] : memref<10240xf32, #tpu.memory_space<vmem>> -> memref<640xf32, #tpu.memory_space<vmem>>
    %dma_start3A_473 = tpu.memref_slice %arg14[%add3A_467] : memref<163840xf32, #tpu.memory_space<vmem_shared>> -> memref<640xf32, #tpu.memory_space<vmem_shared>>
    tpu.enqueue_dma source(%dma_start3A_473 : memref<640xf32, #tpu.memory_space<vmem_shared>>) target(%dma_start3A_472 : memref<640xf32, #tpu.memory_space<vmem>>) target_semaphore(%arg15 : memref<!tpu.dma_semaphore, #tpu.memory_space<semaphore_mem>>)
    %add3A_474 = arith.constant 102400 : i32
    %add3A_475 = arith.addi %mul3A_393, %add3A_474 : i32
    %dma_start3A_476 = arith.constant 6400 : i32
    %dma_start3A_477 = tpu.memref_slice %arg13[%dma_start3A_476] : memref<10240xf32, #tpu.memory_space<vmem>> -> memref<640xf32, #tpu.memory_space<vmem>>
    %dma_start3A_478 = tpu.memref_slice %arg14[%add3A_475] : memref<163840xf32, #tpu.memory_space<vmem_shared>> -> memref<640xf32, #tpu.memory_space<vmem_shared>>
    %dma_start3A_479 = arith.constant 6400 : i32
    %dma_start3A_480 = tpu.memref_slice %arg13[%dma_start3A_479] : memref<10240xf32, #tpu.memory_space<vmem>> -> memref<640xf32, #tpu.memory_space<vmem>>
    %dma_start3A_481 = tpu.memref_slice %arg14[%add3A_475] : memref<163840xf32, #tpu.memory_space<vmem_shared>> -> memref<640xf32, #tpu.memory_space<vmem_shared>>
    tpu.enqueue_dma source(%dma_start3A_481 : memref<640xf32, #tpu.memory_space<vmem_shared>>) target(%dma_start3A_480 : memref<640xf32, #tpu.memory_space<vmem>>) target_semaphore(%arg15 : memref<!tpu.dma_semaphore, #tpu.memory_space<semaphore_mem>>)
    %add3A_482 = arith.constant 112640 : i32
    %add3A_483 = arith.addi %mul3A_393, %add3A_482 : i32
    %dma_start3A_484 = arith.constant 7040 : i32
    %dma_start3A_485 = tpu.memref_slice %arg13[%dma_start3A_484] : memref<10240xf32, #tpu.memory_space<vmem>> -> memref<640xf32, #tpu.memory_space<vmem>>
    %dma_start3A_486 = tpu.memref_slice %arg14[%add3A_483] : memref<163840xf32, #tpu.memory_space<vmem_shared>> -> memref<640xf32, #tpu.memory_space<vmem_shared>>
    %dma_start3A_487 = arith.constant 7040 : i32
    %dma_start3A_488 = tpu.memref_slice %arg13[%dma_start3A_487] : memref<10240xf32, #tpu.memory_space<vmem>> -> memref<640xf32, #tpu.memory_space<vmem>>
    %dma_start3A_489 = tpu.memref_slice %arg14[%add3A_483] : memref<163840xf32, #tpu.memory_space<vmem_shared>> -> memref<640xf32, #tpu.memory_space<vmem_shared>>
    tpu.enqueue_dma source(%dma_start3A_489 : memref<640xf32, #tpu.memory_space<vmem_shared>>) target(%dma_start3A_488 : memref<640xf32, #tpu.memory_space<vmem>>) target_semaphore(%arg15 : memref<!tpu.dma_semaphore, #tpu.memory_space<semaphore_mem>>)
    %add3A_490 = arith.constant 122880 : i32
    %add3A_491 = arith.addi %mul3A_393, %add3A_490 : i32
    %dma_start3A_492 = arith.constant 7680 : i32
    %dma_start3A_493 = tpu.memref_slice %arg13[%dma_start3A_492] : memref<10240xf32, #tpu.memory_space<vmem>> -> memref<640xf32, #tpu.memory_space<vmem>>
    %dma_start3A_494 = tpu.memref_slice %arg14[%add3A_491] : memref<163840xf32, #tpu.memory_space<vmem_shared>> -> memref<640xf32, #tpu.memory_space<vmem_shared>>
    %dma_start3A_495 = arith.constant 7680 : i32
    %dma_start3A_496 = tpu.memref_slice %arg13[%dma_start3A_495] : memref<10240xf32, #tpu.memory_space<vmem>> -> memref<640xf32, #tpu.memory_space<vmem>>
    %dma_start3A_497 = tpu.memref_slice %arg14[%add3A_491] : memref<163840xf32, #tpu.memory_space<vmem_shared>> -> memref<640xf32, #tpu.memory_space<vmem_shared>>
    tpu.enqueue_dma source(%dma_start3A_497 : memref<640xf32, #tpu.memory_space<vmem_shared>>) target(%dma_start3A_496 : memref<640xf32, #tpu.memory_space<vmem>>) target_semaphore(%arg15 : memref<!tpu.dma_semaphore, #tpu.memory_space<semaphore_mem>>)
    %add3A_498 = arith.constant 133120 : i32
    %add3A_499 = arith.addi %mul3A_393, %add3A_498 : i32
    %dma_start3A_500 = arith.constant 8320 : i32
    %dma_start3A_501 = tpu.memref_slice %arg13[%dma_start3A_500] : memref<10240xf32, #tpu.memory_space<vmem>> -> memref<640xf32, #tpu.memory_space<vmem>>
    %dma_start3A_502 = tpu.memref_slice %arg14[%add3A_499] : memref<163840xf32, #tpu.memory_space<vmem_shared>> -> memref<640xf32, #tpu.memory_space<vmem_shared>>
    %dma_start3A_503 = arith.constant 8320 : i32
    %dma_start3A_504 = tpu.memref_slice %arg13[%dma_start3A_503] : memref<10240xf32, #tpu.memory_space<vmem>> -> memref<640xf32, #tpu.memory_space<vmem>>
    %dma_start3A_505 = tpu.memref_slice %arg14[%add3A_499] : memref<163840xf32, #tpu.memory_space<vmem_shared>> -> memref<640xf32, #tpu.memory_space<vmem_shared>>
    tpu.enqueue_dma source(%dma_start3A_505 : memref<640xf32, #tpu.memory_space<vmem_shared>>) target(%dma_start3A_504 : memref<640xf32, #tpu.memory_space<vmem>>) target_semaphore(%arg15 : memref<!tpu.dma_semaphore, #tpu.memory_space<semaphore_mem>>)
    %add3A_506 = arith.constant 143360 : i32
    %add3A_507 = arith.addi %mul3A_393, %add3A_506 : i32
    %dma_start3A_508 = arith.constant 8960 : i32
    %dma_start3A_509 = tpu.memref_slice %arg13[%dma_start3A_508] : memref<10240xf32, #tpu.memory_space<vmem>> -> memref<640xf32, #tpu.memory_space<vmem>>
    %dma_start3A_510 = tpu.memref_slice %arg14[%add3A_507] : memref<163840xf32, #tpu.memory_space<vmem_shared>> -> memref<640xf32, #tpu.memory_space<vmem_shared>>
    %dma_start3A_511 = arith.constant 8960 : i32
    %dma_start3A_512 = tpu.memref_slice %arg13[%dma_start3A_511] : memref<10240xf32, #tpu.memory_space<vmem>> -> memref<640xf32, #tpu.memory_space<vmem>>
    %dma_start3A_513 = tpu.memref_slice %arg14[%add3A_507] : memref<163840xf32, #tpu.memory_space<vmem_shared>> -> memref<640xf32, #tpu.memory_space<vmem_shared>>
    tpu.enqueue_dma source(%dma_start3A_513 : memref<640xf32, #tpu.memory_space<vmem_shared>>) target(%dma_start3A_512 : memref<640xf32, #tpu.memory_space<vmem>>) target_semaphore(%arg15 : memref<!tpu.dma_semaphore, #tpu.memory_space<semaphore_mem>>)
    %add3A_514 = arith.constant 153600 : i32
    %add3A_515 = arith.addi %mul3A_393, %add3A_514 : i32
    %dma_start3A_516 = arith.constant 9600 : i32
    %dma_start3A_517 = tpu.memref_slice %arg13[%dma_start3A_516] : memref<10240xf32, #tpu.memory_space<vmem>> -> memref<640xf32, #tpu.memory_space<vmem>>
    %dma_start3A_518 = tpu.memref_slice %arg14[%add3A_515] : memref<163840xf32, #tpu.memory_space<vmem_shared>> -> memref<640xf32, #tpu.memory_space<vmem_shared>>
    %dma_start3A_519 = arith.constant 9600 : i32
    %dma_start3A_520 = tpu.memref_slice %arg13[%dma_start3A_519] : memref<10240xf32, #tpu.memory_space<vmem>> -> memref<640xf32, #tpu.memory_space<vmem>>
    %dma_start3A_521 = tpu.memref_slice %arg14[%add3A_515] : memref<163840xf32, #tpu.memory_space<vmem_shared>> -> memref<640xf32, #tpu.memory_space<vmem_shared>>
    tpu.enqueue_dma source(%dma_start3A_521 : memref<640xf32, #tpu.memory_space<vmem_shared>>) target(%dma_start3A_520 : memref<640xf32, #tpu.memory_space<vmem>>) target_semaphore(%arg15 : memref<!tpu.dma_semaphore, #tpu.memory_space<semaphore_mem>>)
    %dma_wait3A_522 = arith.constant 0 : i32
    %dma_wait3A_523 = tpu.memref_slice %arg13[%dma_wait3A_522] : memref<10240xf32, #tpu.memory_space<vmem>> -> memref<640xf32, #tpu.memory_space<vmem>>
    %dma_wait3A_524 = tpu.memref_slice %arg14[%add3A_395] : memref<163840xf32, #tpu.memory_space<vmem_shared>> -> memref<640xf32, #tpu.memory_space<vmem_shared>>
    %dma_wait3A_525 = arith.constant 0 : i32
    %dma_wait3A_526 = tpu.memref_slice %arg13[%dma_wait3A_525] : memref<10240xf32, #tpu.memory_space<vmem>> -> memref<640xf32, #tpu.memory_space<vmem>>
    %dma_wait3A_527 = tpu.memref_slice %arg14[%add3A_395] : memref<163840xf32, #tpu.memory_space<vmem_shared>> -> memref<640xf32, #tpu.memory_space<vmem_shared>>
    tpu.wait_dma2 semaphore(%arg15 : memref<!tpu.dma_semaphore, #tpu.memory_space<semaphore_mem>>) src(%dma_wait3A_527 : memref<640xf32, #tpu.memory_space<vmem_shared>>) dst(%dma_wait3A_526 : memref<640xf32, #tpu.memory_space<vmem>>)
    %dma_wait3A_528 = arith.constant 640 : i32
    %dma_wait3A_529 = tpu.memref_slice %arg13[%dma_wait3A_528] : memref<10240xf32, #tpu.memory_space<vmem>> -> memref<640xf32, #tpu.memory_space<vmem>>
    %dma_wait3A_530 = tpu.memref_slice %arg14[%add3A_403] : memref<163840xf32, #tpu.memory_space<vmem_shared>> -> memref<640xf32, #tpu.memory_space<vmem_shared>>
    %dma_wait3A_531 = arith.constant 640 : i32
    %dma_wait3A_532 = tpu.memref_slice %arg13[%dma_wait3A_531] : memref<10240xf32, #tpu.memory_space<vmem>> -> memref<640xf32, #tpu.memory_space<vmem>>
    %dma_wait3A_533 = tpu.memref_slice %arg14[%add3A_403] : memref<163840xf32, #tpu.memory_space<vmem_shared>> -> memref<640xf32, #tpu.memory_space<vmem_shared>>
    tpu.wait_dma2 semaphore(%arg15 : memref<!tpu.dma_semaphore, #tpu.memory_space<semaphore_mem>>) src(%dma_wait3A_533 : memref<640xf32, #tpu.memory_space<vmem_shared>>) dst(%dma_wait3A_532 : memref<640xf32, #tpu.memory_space<vmem>>)
    %dma_wait3A_534 = arith.constant 1280 : i32
    %dma_wait3A_535 = tpu.memref_slice %arg13[%dma_wait3A_534] : memref<10240xf32, #tpu.memory_space<vmem>> -> memref<640xf32, #tpu.memory_space<vmem>>
    %dma_wait3A_536 = tpu.memref_slice %arg14[%add3A_411] : memref<163840xf32, #tpu.memory_space<vmem_shared>> -> memref<640xf32, #tpu.memory_space<vmem_shared>>
    %dma_wait3A_537 = arith.constant 1280 : i32
    %dma_wait3A_538 = tpu.memref_slice %arg13[%dma_wait3A_537] : memref<10240xf32, #tpu.memory_space<vmem>> -> memref<640xf32, #tpu.memory_space<vmem>>
    %dma_wait3A_539 = tpu.memref_slice %arg14[%add3A_411] : memref<163840xf32, #tpu.memory_space<vmem_shared>> -> memref<640xf32, #tpu.memory_space<vmem_shared>>
    tpu.wait_dma2 semaphore(%arg15 : memref<!tpu.dma_semaphore, #tpu.memory_space<semaphore_mem>>) src(%dma_wait3A_539 : memref<640xf32, #tpu.memory_space<vmem_shared>>) dst(%dma_wait3A_538 : memref<640xf32, #tpu.memory_space<vmem>>)
    %dma_wait3A_540 = arith.constant 1920 : i32
    %dma_wait3A_541 = tpu.memref_slice %arg13[%dma_wait3A_540] : memref<10240xf32, #tpu.memory_space<vmem>> -> memref<640xf32, #tpu.memory_space<vmem>>
    %dma_wait3A_542 = tpu.memref_slice %arg14[%add3A_419] : memref<163840xf32, #tpu.memory_space<vmem_shared>> -> memref<640xf32, #tpu.memory_space<vmem_shared>>
    %dma_wait3A_543 = arith.constant 1920 : i32
    %dma_wait3A_544 = tpu.memref_slice %arg13[%dma_wait3A_543] : memref<10240xf32, #tpu.memory_space<vmem>> -> memref<640xf32, #tpu.memory_space<vmem>>
    %dma_wait3A_545 = tpu.memref_slice %arg14[%add3A_419] : memref<163840xf32, #tpu.memory_space<vmem_shared>> -> memref<640xf32, #tpu.memory_space<vmem_shared>>
    tpu.wait_dma2 semaphore(%arg15 : memref<!tpu.dma_semaphore, #tpu.memory_space<semaphore_mem>>) src(%dma_wait3A_545 : memref<640xf32, #tpu.memory_space<vmem_shared>>) dst(%dma_wait3A_544 : memref<640xf32, #tpu.memory_space<vmem>>)
    %dma_wait3A_546 = arith.constant 2560 : i32
    %dma_wait3A_547 = tpu.memref_slice %arg13[%dma_wait3A_546] : memref<10240xf32, #tpu.memory_space<vmem>> -> memref<640xf32, #tpu.memory_space<vmem>>
    %dma_wait3A_548 = tpu.memref_slice %arg14[%add3A_427] : memref<163840xf32, #tpu.memory_space<vmem_shared>> -> memref<640xf32, #tpu.memory_space<vmem_shared>>
    %dma_wait3A_549 = arith.constant 2560 : i32
    %dma_wait3A_550 = tpu.memref_slice %arg13[%dma_wait3A_549] : memref<10240xf32, #tpu.memory_space<vmem>> -> memref<640xf32, #tpu.memory_space<vmem>>
    %dma_wait3A_551 = tpu.memref_slice %arg14[%add3A_427] : memref<163840xf32, #tpu.memory_space<vmem_shared>> -> memref<640xf32, #tpu.memory_space<vmem_shared>>
    tpu.wait_dma2 semaphore(%arg15 : memref<!tpu.dma_semaphore, #tpu.memory_space<semaphore_mem>>) src(%dma_wait3A_551 : memref<640xf32, #tpu.memory_space<vmem_shared>>) dst(%dma_wait3A_550 : memref<640xf32, #tpu.memory_space<vmem>>)
    %dma_wait3A_552 = arith.constant 3200 : i32
    %dma_wait3A_553 = tpu.memref_slice %arg13[%dma_wait3A_552] : memref<10240xf32, #tpu.memory_space<vmem>> -> memref<640xf32, #tpu.memory_space<vmem>>
    %dma_wait3A_554 = tpu.memref_slice %arg14[%add3A_435] : memref<163840xf32, #tpu.memory_space<vmem_shared>> -> memref<640xf32, #tpu.memory_space<vmem_shared>>
    %dma_wait3A_555 = arith.constant 3200 : i32
    %dma_wait3A_556 = tpu.memref_slice %arg13[%dma_wait3A_555] : memref<10240xf32, #tpu.memory_space<vmem>> -> memref<640xf32, #tpu.memory_space<vmem>>
    %dma_wait3A_557 = tpu.memref_slice %arg14[%add3A_435] : memref<163840xf32, #tpu.memory_space<vmem_shared>> -> memref<640xf32, #tpu.memory_space<vmem_shared>>
    tpu.wait_dma2 semaphore(%arg15 : memref<!tpu.dma_semaphore, #tpu.memory_space<semaphore_mem>>) src(%dma_wait3A_557 : memref<640xf32, #tpu.memory_space<vmem_shared>>) dst(%dma_wait3A_556 : memref<640xf32, #tpu.memory_space<vmem>>)
    %dma_wait3A_558 = arith.constant 3840 : i32
    %dma_wait3A_559 = tpu.memref_slice %arg13[%dma_wait3A_558] : memref<10240xf32, #tpu.memory_space<vmem>> -> memref<640xf32, #tpu.memory_space<vmem>>
    %dma_wait3A_560 = tpu.memref_slice %arg14[%add3A_443] : memref<163840xf32, #tpu.memory_space<vmem_shared>> -> memref<640xf32, #tpu.memory_space<vmem_shared>>
    %dma_wait3A_561 = arith.constant 3840 : i32
    %dma_wait3A_562 = tpu.memref_slice %arg13[%dma_wait3A_561] : memref<10240xf32, #tpu.memory_space<vmem>> -> memref<640xf32, #tpu.memory_space<vmem>>
    %dma_wait3A_563 = tpu.memref_slice %arg14[%add3A_443] : memref<163840xf32, #tpu.memory_space<vmem_shared>> -> memref<640xf32, #tpu.memory_space<vmem_shared>>
    tpu.wait_dma2 semaphore(%arg15 : memref<!tpu.dma_semaphore, #tpu.memory_space<semaphore_mem>>) src(%dma_wait3A_563 : memref<640xf32, #tpu.memory_space<vmem_shared>>) dst(%dma_wait3A_562 : memref<640xf32, #tpu.memory_space<vmem>>)
    %dma_wait3A_564 = arith.constant 4480 : i32
    %dma_wait3A_565 = tpu.memref_slice %arg13[%dma_wait3A_564] : memref<10240xf32, #tpu.memory_space<vmem>> -> memref<640xf32, #tpu.memory_space<vmem>>
    %dma_wait3A_566 = tpu.memref_slice %arg14[%add3A_451] : memref<163840xf32, #tpu.memory_space<vmem_shared>> -> memref<640xf32, #tpu.memory_space<vmem_shared>>
    %dma_wait3A_567 = arith.constant 4480 : i32
    %dma_wait3A_568 = tpu.memref_slice %arg13[%dma_wait3A_567] : memref<10240xf32, #tpu.memory_space<vmem>> -> memref<640xf32, #tpu.memory_space<vmem>>
    %dma_wait3A_569 = tpu.memref_slice %arg14[%add3A_451] : memref<163840xf32, #tpu.memory_space<vmem_shared>> -> memref<640xf32, #tpu.memory_space<vmem_shared>>
    tpu.wait_dma2 semaphore(%arg15 : memref<!tpu.dma_semaphore, #tpu.memory_space<semaphore_mem>>) src(%dma_wait3A_569 : memref<640xf32, #tpu.memory_space<vmem_shared>>) dst(%dma_wait3A_568 : memref<640xf32, #tpu.memory_space<vmem>>)
    %dma_wait3A_570 = arith.constant 5120 : i32
    %dma_wait3A_571 = tpu.memref_slice %arg13[%dma_wait3A_570] : memref<10240xf32, #tpu.memory_space<vmem>> -> memref<640xf32, #tpu.memory_space<vmem>>
    %dma_wait3A_572 = tpu.memref_slice %arg14[%add3A_459] : memref<163840xf32, #tpu.memory_space<vmem_shared>> -> memref<640xf32, #tpu.memory_space<vmem_shared>>
    %dma_wait3A_573 = arith.constant 5120 : i32
    %dma_wait3A_574 = tpu.memref_slice %arg13[%dma_wait3A_573] : memref<10240xf32, #tpu.memory_space<vmem>> -> memref<640xf32, #tpu.memory_space<vmem>>
    %dma_wait3A_575 = tpu.memref_slice %arg14[%add3A_459] : memref<163840xf32, #tpu.memory_space<vmem_shared>> -> memref<640xf32, #tpu.memory_space<vmem_shared>>
    tpu.wait_dma2 semaphore(%arg15 : memref<!tpu.dma_semaphore, #tpu.memory_space<semaphore_mem>>) src(%dma_wait3A_575 : memref<640xf32, #tpu.memory_space<vmem_shared>>) dst(%dma_wait3A_574 : memref<640xf32, #tpu.memory_space<vmem>>)
    %dma_wait3A_576 = arith.constant 5760 : i32
    %dma_wait3A_577 = tpu.memref_slice %arg13[%dma_wait3A_576] : memref<10240xf32, #tpu.memory_space<vmem>> -> memref<640xf32, #tpu.memory_space<vmem>>
    %dma_wait3A_578 = tpu.memref_slice %arg14[%add3A_467] : memref<163840xf32, #tpu.memory_space<vmem_shared>> -> memref<640xf32, #tpu.memory_space<vmem_shared>>
    %dma_wait3A_579 = arith.constant 5760 : i32
    %dma_wait3A_580 = tpu.memref_slice %arg13[%dma_wait3A_579] : memref<10240xf32, #tpu.memory_space<vmem>> -> memref<640xf32, #tpu.memory_space<vmem>>
    %dma_wait3A_581 = tpu.memref_slice %arg14[%add3A_467] : memref<163840xf32, #tpu.memory_space<vmem_shared>> -> memref<640xf32, #tpu.memory_space<vmem_shared>>
    tpu.wait_dma2 semaphore(%arg15 : memref<!tpu.dma_semaphore, #tpu.memory_space<semaphore_mem>>) src(%dma_wait3A_581 : memref<640xf32, #tpu.memory_space<vmem_shared>>) dst(%dma_wait3A_580 : memref<640xf32, #tpu.memory_space<vmem>>)
    %dma_wait3A_582 = arith.constant 6400 : i32
    %dma_wait3A_583 = tpu.memref_slice %arg13[%dma_wait3A_582] : memref<10240xf32, #tpu.memory_space<vmem>> -> memref<640xf32, #tpu.memory_space<vmem>>
    %dma_wait3A_584 = tpu.memref_slice %arg14[%add3A_475] : memref<163840xf32, #tpu.memory_space<vmem_shared>> -> memref<640xf32, #tpu.memory_space<vmem_shared>>
    %dma_wait3A_585 = arith.constant 6400 : i32
    %dma_wait3A_586 = tpu.memref_slice %arg13[%dma_wait3A_585] : memref<10240xf32, #tpu.memory_space<vmem>> -> memref<640xf32, #tpu.memory_space<vmem>>
    %dma_wait3A_587 = tpu.memref_slice %arg14[%add3A_475] : memref<163840xf32, #tpu.memory_space<vmem_shared>> -> memref<640xf32, #tpu.memory_space<vmem_shared>>
    tpu.wait_dma2 semaphore(%arg15 : memref<!tpu.dma_semaphore, #tpu.memory_space<semaphore_mem>>) src(%dma_wait3A_587 : memref<640xf32, #tpu.memory_space<vmem_shared>>) dst(%dma_wait3A_586 : memref<640xf32, #tpu.memory_space<vmem>>)
    %dma_wait3A_588 = arith.constant 7040 : i32
    %dma_wait3A_589 = tpu.memref_slice %arg13[%dma_wait3A_588] : memref<10240xf32, #tpu.memory_space<vmem>> -> memref<640xf32, #tpu.memory_space<vmem>>
    %dma_wait3A_590 = tpu.memref_slice %arg14[%add3A_483] : memref<163840xf32, #tpu.memory_space<vmem_shared>> -> memref<640xf32, #tpu.memory_space<vmem_shared>>
    %dma_wait3A_591 = arith.constant 7040 : i32
    %dma_wait3A_592 = tpu.memref_slice %arg13[%dma_wait3A_591] : memref<10240xf32, #tpu.memory_space<vmem>> -> memref<640xf32, #tpu.memory_space<vmem>>
    %dma_wait3A_593 = tpu.memref_slice %arg14[%add3A_483] : memref<163840xf32, #tpu.memory_space<vmem_shared>> -> memref<640xf32, #tpu.memory_space<vmem_shared>>
    tpu.wait_dma2 semaphore(%arg15 : memref<!tpu.dma_semaphore, #tpu.memory_space<semaphore_mem>>) src(%dma_wait3A_593 : memref<640xf32, #tpu.memory_space<vmem_shared>>) dst(%dma_wait3A_592 : memref<640xf32, #tpu.memory_space<vmem>>)
    %dma_wait3A_594 = arith.constant 7680 : i32
    %dma_wait3A_595 = tpu.memref_slice %arg13[%dma_wait3A_594] : memref<10240xf32, #tpu.memory_space<vmem>> -> memref<640xf32, #tpu.memory_space<vmem>>
    %dma_wait3A_596 = tpu.memref_slice %arg14[%add3A_491] : memref<163840xf32, #tpu.memory_space<vmem_shared>> -> memref<640xf32, #tpu.memory_space<vmem_shared>>
    %dma_wait3A_597 = arith.constant 7680 : i32
    %dma_wait3A_598 = tpu.memref_slice %arg13[%dma_wait3A_597] : memref<10240xf32, #tpu.memory_space<vmem>> -> memref<640xf32, #tpu.memory_space<vmem>>
    %dma_wait3A_599 = tpu.memref_slice %arg14[%add3A_491] : memref<163840xf32, #tpu.memory_space<vmem_shared>> -> memref<640xf32, #tpu.memory_space<vmem_shared>>
    tpu.wait_dma2 semaphore(%arg15 : memref<!tpu.dma_semaphore, #tpu.memory_space<semaphore_mem>>) src(%dma_wait3A_599 : memref<640xf32, #tpu.memory_space<vmem_shared>>) dst(%dma_wait3A_598 : memref<640xf32, #tpu.memory_space<vmem>>)
    %dma_wait3A_600 = arith.constant 8320 : i32
    %dma_wait3A_601 = tpu.memref_slice %arg13[%dma_wait3A_600] : memref<10240xf32, #tpu.memory_space<vmem>> -> memref<640xf32, #tpu.memory_space<vmem>>
    %dma_wait3A_602 = tpu.memref_slice %arg14[%add3A_499] : memref<163840xf32, #tpu.memory_space<vmem_shared>> -> memref<640xf32, #tpu.memory_space<vmem_shared>>
    %dma_wait3A_603 = arith.constant 8320 : i32
    %dma_wait3A_604 = tpu.memref_slice %arg13[%dma_wait3A_603] : memref<10240xf32, #tpu.memory_space<vmem>> -> memref<640xf32, #tpu.memory_space<vmem>>
    %dma_wait3A_605 = tpu.memref_slice %arg14[%add3A_499] : memref<163840xf32, #tpu.memory_space<vmem_shared>> -> memref<640xf32, #tpu.memory_space<vmem_shared>>
    tpu.wait_dma2 semaphore(%arg15 : memref<!tpu.dma_semaphore, #tpu.memory_space<semaphore_mem>>) src(%dma_wait3A_605 : memref<640xf32, #tpu.memory_space<vmem_shared>>) dst(%dma_wait3A_604 : memref<640xf32, #tpu.memory_space<vmem>>)
    %dma_wait3A_606 = arith.constant 8960 : i32
    %dma_wait3A_607 = tpu.memref_slice %arg13[%dma_wait3A_606] : memref<10240xf32, #tpu.memory_space<vmem>> -> memref<640xf32, #tpu.memory_space<vmem>>
    %dma_wait3A_608 = tpu.memref_slice %arg14[%add3A_507] : memref<163840xf32, #tpu.memory_space<vmem_shared>> -> memref<640xf32, #tpu.memory_space<vmem_shared>>
    %dma_wait3A_609 = arith.constant 8960 : i32
    %dma_wait3A_610 = tpu.memref_slice %arg13[%dma_wait3A_609] : memref<10240xf32, #tpu.memory_space<vmem>> -> memref<640xf32, #tpu.memory_space<vmem>>
    %dma_wait3A_611 = tpu.memref_slice %arg14[%add3A_507] : memref<163840xf32, #tpu.memory_space<vmem_shared>> -> memref<640xf32, #tpu.memory_space<vmem_shared>>
    tpu.wait_dma2 semaphore(%arg15 : memref<!tpu.dma_semaphore, #tpu.memory_space<semaphore_mem>>) src(%dma_wait3A_611 : memref<640xf32, #tpu.memory_space<vmem_shared>>) dst(%dma_wait3A_610 : memref<640xf32, #tpu.memory_space<vmem>>)
    %dma_wait3A_612 = arith.constant 9600 : i32
    %dma_wait3A_613 = tpu.memref_slice %arg13[%dma_wait3A_612] : memref<10240xf32, #tpu.memory_space<vmem>> -> memref<640xf32, #tpu.memory_space<vmem>>
    %dma_wait3A_614 = tpu.memref_slice %arg14[%add3A_515] : memref<163840xf32, #tpu.memory_space<vmem_shared>> -> memref<640xf32, #tpu.memory_space<vmem_shared>>
    %dma_wait3A_615 = arith.constant 9600 : i32
    %dma_wait3A_616 = tpu.memref_slice %arg13[%dma_wait3A_615] : memref<10240xf32, #tpu.memory_space<vmem>> -> memref<640xf32, #tpu.memory_space<vmem>>
    %dma_wait3A_617 = tpu.memref_slice %arg14[%add3A_515] : memref<163840xf32, #tpu.memory_space<vmem_shared>> -> memref<640xf32, #tpu.memory_space<vmem_shared>>
    tpu.wait_dma2 semaphore(%arg15 : memref<!tpu.dma_semaphore, #tpu.memory_space<semaphore_mem>>) src(%dma_wait3A_617 : memref<640xf32, #tpu.memory_space<vmem_shared>>) dst(%dma_wait3A_616 : memref<640xf32, #tpu.memory_space<vmem>>)
    %scan3A_618 = arith.constant 0 : i32
    %scan3A_619 = arith.constant 40 : i32
    %scan3A_620 = arith.addi %scan3A_618, %scan3A_619 : i32
    %scan3A_621 = arith.constant 1 : i32
    scf.for %scan3A_873 = %scan3A_618 to %scan3A_620 step %scan3A_621  : i32 {
      %mul3A_874 = arith.constant 16 : i32
      %mul3A_875 = arith.muli %scan3A_873, %mul3A_874 : i32
      %add3A_876 = arith.constant 0 : i32
      %add3A_877 = arith.addi %add3A_876, %mul3A_875 : i32
      %add3A_878 = arith.constant 0 : i32
      %add3A_879 = arith.addi %add3A_878, %add3A_877 : i32
      %get3A_880 = arith.index_cast %add3A_879 : i32 to index
      %get3A_881 = tpu.vector_load %arg13[%get3A_880] {strides = array<i32>} : memref<10240xf32, #tpu.memory_space<vmem>>, vector<16xf32>,
      %add3A_882 = arith.constant 640 : i32
      %add3A_883 = arith.addi %add3A_882, %add3A_877 : i32
      %get3A_884 = arith.index_cast %add3A_883 : i32 to index
      %get3A_885 = tpu.vector_load %arg13[%get3A_884] {strides = array<i32>} : memref<10240xf32, #tpu.memory_space<vmem>>, vector<16xf32>,
      %add3A_886 = arith.addf %get3A_881, %get3A_885 : vector<16xf32>
      %add3A_887 = arith.constant 1280 : i32
      %add3A_888 = arith.addi %add3A_887, %add3A_877 : i32
      %get3A_889 = arith.index_cast %add3A_888 : i32 to index
      %get3A_890 = tpu.vector_load %arg13[%get3A_889] {strides = array<i32>} : memref<10240xf32, #tpu.memory_space<vmem>>, vector<16xf32>,
      %add3A_891 = arith.addf %add3A_886, %get3A_890 : vector<16xf32>
      %add3A_892 = arith.constant 1920 : i32
      %add3A_893 = arith.addi %add3A_892, %add3A_877 : i32
      %get3A_894 = arith.index_cast %add3A_893 : i32 to index
      %get3A_895 = tpu.vector_load %arg13[%get3A_894] {strides = array<i32>} : memref<10240xf32, #tpu.memory_space<vmem>>, vector<16xf32>,
      %add3A_896 = arith.addf %add3A_891, %get3A_895 : vector<16xf32>
      %add3A_897 = arith.constant 2560 : i32
      %add3A_898 = arith.addi %add3A_897, %add3A_877 : i32
      %get3A_899 = arith.index_cast %add3A_898 : i32 to index
      %get3A_900 = tpu.vector_load %arg13[%get3A_899] {strides = array<i32>} : memref<10240xf32, #tpu.memory_space<vmem>>, vector<16xf32>,
      %add3A_901 = arith.addf %add3A_896, %get3A_900 : vector<16xf32>
      %add3A_902 = arith.constant 3200 : i32
      %add3A_903 = arith.addi %add3A_902, %add3A_877 : i32
      %get3A_904 = arith.index_cast %add3A_903 : i32 to index
      %get3A_905 = tpu.vector_load %arg13[%get3A_904] {strides = array<i32>} : memref<10240xf32, #tpu.memory_space<vmem>>, vector<16xf32>,
      %add3A_906 = arith.addf %add3A_901, %get3A_905 : vector<16xf32>
      %add3A_907 = arith.constant 3840 : i32
      %add3A_908 = arith.addi %add3A_907, %add3A_877 : i32
      %get3A_909 = arith.index_cast %add3A_908 : i32 to index
      %get3A_910 = tpu.vector_load %arg13[%get3A_909] {strides = array<i32>} : memref<10240xf32, #tpu.memory_space<vmem>>, vector<16xf32>,
      %add3A_911 = arith.addf %add3A_906, %get3A_910 : vector<16xf32>
      %add3A_912 = arith.constant 4480 : i32
      %add3A_913 = arith.addi %add3A_912, %add3A_877 : i32
      %get3A_914 = arith.index_cast %add3A_913 : i32 to index
      %get3A_915 = tpu.vector_load %arg13[%get3A_914] {strides = array<i32>} : memref<10240xf32, #tpu.memory_space<vmem>>, vector<16xf32>,
      %add3A_916 = arith.addf %add3A_911, %get3A_915 : vector<16xf32>
      %add3A_917 = arith.constant 5120 : i32
      %add3A_918 = arith.addi %add3A_917, %add3A_877 : i32
      %get3A_919 = arith.index_cast %add3A_918 : i32 to index
      %get3A_920 = tpu.vector_load %arg13[%get3A_919] {strides = array<i32>} : memref<10240xf32, #tpu.memory_space<vmem>>, vector<16xf32>,
      %add3A_921 = arith.addf %add3A_916, %get3A_920 : vector<16xf32>
      %add3A_922 = arith.constant 5760 : i32
      %add3A_923 = arith.addi %add3A_922, %add3A_877 : i32
      %get3A_924 = arith.index_cast %add3A_923 : i32 to index
      %get3A_925 = tpu.vector_load %arg13[%get3A_924] {strides = array<i32>} : memref<10240xf32, #tpu.memory_space<vmem>>, vector<16xf32>,
      %add3A_926 = arith.addf %add3A_921, %get3A_925 : vector<16xf32>
      %add3A_927 = arith.constant 6400 : i32
      %add3A_928 = arith.addi %add3A_927, %add3A_877 : i32
      %get3A_929 = arith.index_cast %add3A_928 : i32 to index
      %get3A_930 = tpu.vector_load %arg13[%get3A_929] {strides = array<i32>} : memref<10240xf32, #tpu.memory_space<vmem>>, vector<16xf32>,
      %add3A_931 = arith.addf %add3A_926, %get3A_930 : vector<16xf32>
      %add3A_932 = arith.constant 7040 : i32
      %add3A_933 = arith.addi %add3A_932, %add3A_877 : i32
      %get3A_934 = arith.index_cast %add3A_933 : i32 to index
      %get3A_935 = tpu.vector_load %arg13[%get3A_934] {strides = array<i32>} : memref<10240xf32, #tpu.memory_space<vmem>>, vector<16xf32>,
      %add3A_936 = arith.addf %add3A_931, %get3A_935 : vector<16xf32>
      %add3A_937 = arith.constant 7680 : i32
      %add3A_938 = arith.addi %add3A_937, %add3A_877 : i32
      %get3A_939 = arith.index_cast %add3A_938 : i32 to index
      %get3A_940 = tpu.vector_load %arg13[%get3A_939] {strides = array<i32>} : memref<10240xf32, #tpu.memory_space<vmem>>, vector<16xf32>,
      %add3A_941 = arith.addf %add3A_936, %get3A_940 : vector<16xf32>
      %add3A_942 = arith.constant 8320 : i32
      %add3A_943 = arith.addi %add3A_942, %add3A_877 : i32
      %get3A_944 = arith.index_cast %add3A_943 : i32 to index
      %get3A_945 = tpu.vector_load %arg13[%get3A_944] {strides = array<i32>} : memref<10240xf32, #tpu.memory_space<vmem>>, vector<16xf32>,
      %add3A_946 = arith.addf %add3A_941, %get3A_945 : vector<16xf32>
      %add3A_947 = arith.constant 8960 : i32
      %add3A_948 = arith.addi %add3A_947, %add3A_877 : i32
      %get3A_949 = arith.index_cast %add3A_948 : i32 to index
      %get3A_950 = tpu.vector_load %arg13[%get3A_949] {strides = array<i32>} : memref<10240xf32, #tpu.memory_space<vmem>>, vector<16xf32>,
      %add3A_951 = arith.addf %add3A_946, %get3A_950 : vector<16xf32>
      %add3A_952 = arith.constant 9600 : i32
      %add3A_953 = arith.addi %add3A_952, %add3A_877 : i32
      %get3A_954 = arith.index_cast %add3A_953 : i32 to index
      %get3A_955 = tpu.vector_load %arg13[%get3A_954] {strides = array<i32>} : memref<10240xf32, #tpu.memory_space<vmem>>, vector<16xf32>,
      %add3A_956 = arith.addf %add3A_951, %get3A_955 : vector<16xf32>
      %swap3A = arith.index_cast %add3A_877 : i32 to index
      %swap3A_957 = tpu.vector_load %arg12[%swap3A] {strides = array<i32>} : memref<640xf32, #tpu.memory_space<vmem>>, vector<16xf32>,
      tpu.vector_store %arg12[%swap3A], %add3A_956 {strides = array<i32>} : memref<640xf32, #tpu.memory_space<vmem>>, vector<16xf32>,
    }
    %scan3A_622 = arith.constant 40 : i32
    %mul3A_623 = arith.constant 30720 : i32
    %mul3A_624 = arith.muli %arg0, %mul3A_623 : i32
    %add3A_625 = arith.constant 10240 : i32
    %add3A_626 = arith.addi %mul3A_624, %add3A_625 : i32
    %mul3A_627 = arith.constant 640 : i32
    %mul3A_628 = arith.muli %arg1, %mul3A_627 : i32
    %add3A_629 = arith.addi %add3A_626, %mul3A_628 : i32
    "tpu.region"() ({
      %run_scoped3A = tpu.sem_alloc : memref<!tpu.dma_semaphore, #tpu.memory_space<semaphore_mem>>
      %dma_start3A_873 = tpu.memref_slice %arg4[%add3A_629] : memref<61440xf32, #tpu.memory_space<hbm>> -> memref<640xf32, #tpu.memory_space<hbm>>
      %dma_start3A_874 = tpu.memref_slice %arg4[%add3A_629] : memref<61440xf32, #tpu.memory_space<hbm>> -> memref<640xf32, #tpu.memory_space<hbm>>
      tpu.enqueue_dma source(%arg12 : memref<640xf32, #tpu.memory_space<vmem>>) target(%dma_start3A_874 : memref<640xf32, #tpu.memory_space<hbm>>) target_semaphore(%run_scoped3A : memref<!tpu.dma_semaphore, #tpu.memory_space<semaphore_mem>>)
      %dma_wait3A_875 = tpu.memref_slice %arg4[%add3A_629] : memref<61440xf32, #tpu.memory_space<hbm>> -> memref<640xf32, #tpu.memory_space<hbm>>
      %dma_wait3A_876 = tpu.memref_slice %arg4[%add3A_629] : memref<61440xf32, #tpu.memory_space<hbm>> -> memref<640xf32, #tpu.memory_space<hbm>>
      tpu.wait_dma2 semaphore(%run_scoped3A : memref<!tpu.dma_semaphore, #tpu.memory_space<semaphore_mem>>) src(%arg12 : memref<640xf32, #tpu.memory_space<vmem>>) dst(%dma_wait3A_876 : memref<640xf32, #tpu.memory_space<hbm>>)
      tpu.yield
    }) : () -> ()
    %barrier3A_630 = arith.constant 0 : index
    tpu.barrier barrier_id(%barrier3A_630)
    %mul3A_631 = arith.constant 10240 : i32
    %mul3A_632 = arith.muli %arg1, %mul3A_631 : i32
    "tpu.region"() ({
      %run_scoped3A = tpu.sem_alloc : memref<!tpu.dma_semaphore, #tpu.memory_space<semaphore_mem>>
      %dma_start3A_873 = tpu.memref_slice %arg14[%mul3A_632] : memref<163840xf32, #tpu.memory_space<vmem_shared>> -> memref<10240xf32, #tpu.memory_space<vmem_shared>>
      %dma_start3A_874 = tpu.memref_slice %arg14[%mul3A_632] : memref<163840xf32, #tpu.memory_space<vmem_shared>> -> memref<10240xf32, #tpu.memory_space<vmem_shared>>
      tpu.enqueue_dma source(%arg11 : memref<10240xf32, #tpu.memory_space<vmem>>) target(%dma_start3A_874 : memref<10240xf32, #tpu.memory_space<vmem_shared>>) target_semaphore(%run_scoped3A : memref<!tpu.dma_semaphore, #tpu.memory_space<semaphore_mem>>)
      %dma_wait3A_875 = tpu.memref_slice %arg14[%mul3A_632] : memref<163840xf32, #tpu.memory_space<vmem_shared>> -> memref<10240xf32, #tpu.memory_space<vmem_shared>>
      %dma_wait3A_876 = tpu.memref_slice %arg14[%mul3A_632] : memref<163840xf32, #tpu.memory_space<vmem_shared>> -> memref<10240xf32, #tpu.memory_space<vmem_shared>>
      tpu.wait_dma2 semaphore(%run_scoped3A : memref<!tpu.dma_semaphore, #tpu.memory_space<semaphore_mem>>) src(%arg11 : memref<10240xf32, #tpu.memory_space<vmem>>) dst(%dma_wait3A_876 : memref<10240xf32, #tpu.memory_space<vmem_shared>>)
      tpu.yield
    }) : () -> ()
    %barrier3A_633 = arith.constant 0 : index
    tpu.barrier barrier_id(%barrier3A_633)
    %mul3A_634 = arith.constant 640 : i32
    %mul3A_635 = arith.muli %arg1, %mul3A_634 : i32
    %add3A_636 = arith.constant 0 : i32
    %add3A_637 = arith.addi %mul3A_635, %add3A_636 : i32
    %dma_start3A_638 = arith.constant 0 : i32
    %dma_start3A_639 = tpu.memref_slice %arg13[%dma_start3A_638] : memref<10240xf32, #tpu.memory_space<vmem>> -> memref<640xf32, #tpu.memory_space<vmem>>
    %dma_start3A_640 = tpu.memref_slice %arg14[%add3A_637] : memref<163840xf32, #tpu.memory_space<vmem_shared>> -> memref<640xf32, #tpu.memory_space<vmem_shared>>
    %dma_start3A_641 = arith.constant 0 : i32
    %dma_start3A_642 = tpu.memref_slice %arg13[%dma_start3A_641] : memref<10240xf32, #tpu.memory_space<vmem>> -> memref<640xf32, #tpu.memory_space<vmem>>
    %dma_start3A_643 = tpu.memref_slice %arg14[%add3A_637] : memref<163840xf32, #tpu.memory_space<vmem_shared>> -> memref<640xf32, #tpu.memory_space<vmem_shared>>
    tpu.enqueue_dma source(%dma_start3A_643 : memref<640xf32, #tpu.memory_space<vmem_shared>>) target(%dma_start3A_642 : memref<640xf32, #tpu.memory_space<vmem>>) target_semaphore(%arg15 : memref<!tpu.dma_semaphore, #tpu.memory_space<semaphore_mem>>)
    %add3A_644 = arith.constant 10240 : i32
    %add3A_645 = arith.addi %mul3A_635, %add3A_644 : i32
    %dma_start3A_646 = arith.constant 640 : i32
    %dma_start3A_647 = tpu.memref_slice %arg13[%dma_start3A_646] : memref<10240xf32, #tpu.memory_space<vmem>> -> memref<640xf32, #tpu.memory_space<vmem>>
    %dma_start3A_648 = tpu.memref_slice %arg14[%add3A_645] : memref<163840xf32, #tpu.memory_space<vmem_shared>> -> memref<640xf32, #tpu.memory_space<vmem_shared>>
    %dma_start3A_649 = arith.constant 640 : i32
    %dma_start3A_650 = tpu.memref_slice %arg13[%dma_start3A_649] : memref<10240xf32, #tpu.memory_space<vmem>> -> memref<640xf32, #tpu.memory_space<vmem>>
    %dma_start3A_651 = tpu.memref_slice %arg14[%add3A_645] : memref<163840xf32, #tpu.memory_space<vmem_shared>> -> memref<640xf32, #tpu.memory_space<vmem_shared>>
    tpu.enqueue_dma source(%dma_start3A_651 : memref<640xf32, #tpu.memory_space<vmem_shared>>) target(%dma_start3A_650 : memref<640xf32, #tpu.memory_space<vmem>>) target_semaphore(%arg15 : memref<!tpu.dma_semaphore, #tpu.memory_space<semaphore_mem>>)
    %add3A_652 = arith.constant 20480 : i32
    %add3A_653 = arith.addi %mul3A_635, %add3A_652 : i32
    %dma_start3A_654 = arith.constant 1280 : i32
    %dma_start3A_655 = tpu.memref_slice %arg13[%dma_start3A_654] : memref<10240xf32, #tpu.memory_space<vmem>> -> memref<640xf32, #tpu.memory_space<vmem>>
    %dma_start3A_656 = tpu.memref_slice %arg14[%add3A_653] : memref<163840xf32, #tpu.memory_space<vmem_shared>> -> memref<640xf32, #tpu.memory_space<vmem_shared>>
    %dma_start3A_657 = arith.constant 1280 : i32
    %dma_start3A_658 = tpu.memref_slice %arg13[%dma_start3A_657] : memref<10240xf32, #tpu.memory_space<vmem>> -> memref<640xf32, #tpu.memory_space<vmem>>
    %dma_start3A_659 = tpu.memref_slice %arg14[%add3A_653] : memref<163840xf32, #tpu.memory_space<vmem_shared>> -> memref<640xf32, #tpu.memory_space<vmem_shared>>
    tpu.enqueue_dma source(%dma_start3A_659 : memref<640xf32, #tpu.memory_space<vmem_shared>>) target(%dma_start3A_658 : memref<640xf32, #tpu.memory_space<vmem>>) target_semaphore(%arg15 : memref<!tpu.dma_semaphore, #tpu.memory_space<semaphore_mem>>)
    %add3A_660 = arith.constant 30720 : i32
    %add3A_661 = arith.addi %mul3A_635, %add3A_660 : i32
    %dma_start3A_662 = arith.constant 1920 : i32
    %dma_start3A_663 = tpu.memref_slice %arg13[%dma_start3A_662] : memref<10240xf32, #tpu.memory_space<vmem>> -> memref<640xf32, #tpu.memory_space<vmem>>
    %dma_start3A_664 = tpu.memref_slice %arg14[%add3A_661] : memref<163840xf32, #tpu.memory_space<vmem_shared>> -> memref<640xf32, #tpu.memory_space<vmem_shared>>
    %dma_start3A_665 = arith.constant 1920 : i32
    %dma_start3A_666 = tpu.memref_slice %arg13[%dma_start3A_665] : memref<10240xf32, #tpu.memory_space<vmem>> -> memref<640xf32, #tpu.memory_space<vmem>>
    %dma_start3A_667 = tpu.memref_slice %arg14[%add3A_661] : memref<163840xf32, #tpu.memory_space<vmem_shared>> -> memref<640xf32, #tpu.memory_space<vmem_shared>>
    tpu.enqueue_dma source(%dma_start3A_667 : memref<640xf32, #tpu.memory_space<vmem_shared>>) target(%dma_start3A_666 : memref<640xf32, #tpu.memory_space<vmem>>) target_semaphore(%arg15 : memref<!tpu.dma_semaphore, #tpu.memory_space<semaphore_mem>>)
    %add3A_668 = arith.constant 40960 : i32
    %add3A_669 = arith.addi %mul3A_635, %add3A_668 : i32
    %dma_start3A_670 = arith.constant 2560 : i32
    %dma_start3A_671 = tpu.memref_slice %arg13[%dma_start3A_670] : memref<10240xf32, #tpu.memory_space<vmem>> -> memref<640xf32, #tpu.memory_space<vmem>>
    %dma_start3A_672 = tpu.memref_slice %arg14[%add3A_669] : memref<163840xf32, #tpu.memory_space<vmem_shared>> -> memref<640xf32, #tpu.memory_space<vmem_shared>>
    %dma_start3A_673 = arith.constant 2560 : i32
    %dma_start3A_674 = tpu.memref_slice %arg13[%dma_start3A_673] : memref<10240xf32, #tpu.memory_space<vmem>> -> memref<640xf32, #tpu.memory_space<vmem>>
    %dma_start3A_675 = tpu.memref_slice %arg14[%add3A_669] : memref<163840xf32, #tpu.memory_space<vmem_shared>> -> memref<640xf32, #tpu.memory_space<vmem_shared>>
    tpu.enqueue_dma source(%dma_start3A_675 : memref<640xf32, #tpu.memory_space<vmem_shared>>) target(%dma_start3A_674 : memref<640xf32, #tpu.memory_space<vmem>>) target_semaphore(%arg15 : memref<!tpu.dma_semaphore, #tpu.memory_space<semaphore_mem>>)
    %add3A_676 = arith.constant 51200 : i32
    %add3A_677 = arith.addi %mul3A_635, %add3A_676 : i32
    %dma_start3A_678 = arith.constant 3200 : i32
    %dma_start3A_679 = tpu.memref_slice %arg13[%dma_start3A_678] : memref<10240xf32, #tpu.memory_space<vmem>> -> memref<640xf32, #tpu.memory_space<vmem>>
    %dma_start3A_680 = tpu.memref_slice %arg14[%add3A_677] : memref<163840xf32, #tpu.memory_space<vmem_shared>> -> memref<640xf32, #tpu.memory_space<vmem_shared>>
    %dma_start3A_681 = arith.constant 3200 : i32
    %dma_start3A_682 = tpu.memref_slice %arg13[%dma_start3A_681] : memref<10240xf32, #tpu.memory_space<vmem>> -> memref<640xf32, #tpu.memory_space<vmem>>
    %dma_start3A_683 = tpu.memref_slice %arg14[%add3A_677] : memref<163840xf32, #tpu.memory_space<vmem_shared>> -> memref<640xf32, #tpu.memory_space<vmem_shared>>
    tpu.enqueue_dma source(%dma_start3A_683 : memref<640xf32, #tpu.memory_space<vmem_shared>>) target(%dma_start3A_682 : memref<640xf32, #tpu.memory_space<vmem>>) target_semaphore(%arg15 : memref<!tpu.dma_semaphore, #tpu.memory_space<semaphore_mem>>)
    %add3A_684 = arith.constant 61440 : i32
    %add3A_685 = arith.addi %mul3A_635, %add3A_684 : i32
    %dma_start3A_686 = arith.constant 3840 : i32
    %dma_start3A_687 = tpu.memref_slice %arg13[%dma_start3A_686] : memref<10240xf32, #tpu.memory_space<vmem>> -> memref<640xf32, #tpu.memory_space<vmem>>
    %dma_start3A_688 = tpu.memref_slice %arg14[%add3A_685] : memref<163840xf32, #tpu.memory_space<vmem_shared>> -> memref<640xf32, #tpu.memory_space<vmem_shared>>
    %dma_start3A_689 = arith.constant 3840 : i32
    %dma_start3A_690 = tpu.memref_slice %arg13[%dma_start3A_689] : memref<10240xf32, #tpu.memory_space<vmem>> -> memref<640xf32, #tpu.memory_space<vmem>>
    %dma_start3A_691 = tpu.memref_slice %arg14[%add3A_685] : memref<163840xf32, #tpu.memory_space<vmem_shared>> -> memref<640xf32, #tpu.memory_space<vmem_shared>>
    tpu.enqueue_dma source(%dma_start3A_691 : memref<640xf32, #tpu.memory_space<vmem_shared>>) target(%dma_start3A_690 : memref<640xf32, #tpu.memory_space<vmem>>) target_semaphore(%arg15 : memref<!tpu.dma_semaphore, #tpu.memory_space<semaphore_mem>>)
    %add3A_692 = arith.constant 71680 : i32
    %add3A_693 = arith.addi %mul3A_635, %add3A_692 : i32
    %dma_start3A_694 = arith.constant 4480 : i32
    %dma_start3A_695 = tpu.memref_slice %arg13[%dma_start3A_694] : memref<10240xf32, #tpu.memory_space<vmem>> -> memref<640xf32, #tpu.memory_space<vmem>>
    %dma_start3A_696 = tpu.memref_slice %arg14[%add3A_693] : memref<163840xf32, #tpu.memory_space<vmem_shared>> -> memref<640xf32, #tpu.memory_space<vmem_shared>>
    %dma_start3A_697 = arith.constant 4480 : i32
    %dma_start3A_698 = tpu.memref_slice %arg13[%dma_start3A_697] : memref<10240xf32, #tpu.memory_space<vmem>> -> memref<640xf32, #tpu.memory_space<vmem>>
    %dma_start3A_699 = tpu.memref_slice %arg14[%add3A_693] : memref<163840xf32, #tpu.memory_space<vmem_shared>> -> memref<640xf32, #tpu.memory_space<vmem_shared>>
    tpu.enqueue_dma source(%dma_start3A_699 : memref<640xf32, #tpu.memory_space<vmem_shared>>) target(%dma_start3A_698 : memref<640xf32, #tpu.memory_space<vmem>>) target_semaphore(%arg15 : memref<!tpu.dma_semaphore, #tpu.memory_space<semaphore_mem>>)
    %add3A_700 = arith.constant 81920 : i32
    %add3A_701 = arith.addi %mul3A_635, %add3A_700 : i32
    %dma_start3A_702 = arith.constant 5120 : i32
    %dma_start3A_703 = tpu.memref_slice %arg13[%dma_start3A_702] : memref<10240xf32, #tpu.memory_space<vmem>> -> memref<640xf32, #tpu.memory_space<vmem>>
    %dma_start3A_704 = tpu.memref_slice %arg14[%add3A_701] : memref<163840xf32, #tpu.memory_space<vmem_shared>> -> memref<640xf32, #tpu.memory_space<vmem_shared>>
    %dma_start3A_705 = arith.constant 5120 : i32
    %dma_start3A_706 = tpu.memref_slice %arg13[%dma_start3A_705] : memref<10240xf32, #tpu.memory_space<vmem>> -> memref<640xf32, #tpu.memory_space<vmem>>
    %dma_start3A_707 = tpu.memref_slice %arg14[%add3A_701] : memref<163840xf32, #tpu.memory_space<vmem_shared>> -> memref<640xf32, #tpu.memory_space<vmem_shared>>
    tpu.enqueue_dma source(%dma_start3A_707 : memref<640xf32, #tpu.memory_space<vmem_shared>>) target(%dma_start3A_706 : memref<640xf32, #tpu.memory_space<vmem>>) target_semaphore(%arg15 : memref<!tpu.dma_semaphore, #tpu.memory_space<semaphore_mem>>)
    %add3A_708 = arith.constant 92160 : i32
    %add3A_709 = arith.addi %mul3A_635, %add3A_708 : i32
    %dma_start3A_710 = arith.constant 5760 : i32
    %dma_start3A_711 = tpu.memref_slice %arg13[%dma_start3A_710] : memref<10240xf32, #tpu.memory_space<vmem>> -> memref<640xf32, #tpu.memory_space<vmem>>
    %dma_start3A_712 = tpu.memref_slice %arg14[%add3A_709] : memref<163840xf32, #tpu.memory_space<vmem_shared>> -> memref<640xf32, #tpu.memory_space<vmem_shared>>
    %dma_start3A_713 = arith.constant 5760 : i32
    %dma_start3A_714 = tpu.memref_slice %arg13[%dma_start3A_713] : memref<10240xf32, #tpu.memory_space<vmem>> -> memref<640xf32, #tpu.memory_space<vmem>>
    %dma_start3A_715 = tpu.memref_slice %arg14[%add3A_709] : memref<163840xf32, #tpu.memory_space<vmem_shared>> -> memref<640xf32, #tpu.memory_space<vmem_shared>>
    tpu.enqueue_dma source(%dma_start3A_715 : memref<640xf32, #tpu.memory_space<vmem_shared>>) target(%dma_start3A_714 : memref<640xf32, #tpu.memory_space<vmem>>) target_semaphore(%arg15 : memref<!tpu.dma_semaphore, #tpu.memory_space<semaphore_mem>>)
    %add3A_716 = arith.constant 102400 : i32
    %add3A_717 = arith.addi %mul3A_635, %add3A_716 : i32
    %dma_start3A_718 = arith.constant 6400 : i32
    %dma_start3A_719 = tpu.memref_slice %arg13[%dma_start3A_718] : memref<10240xf32, #tpu.memory_space<vmem>> -> memref<640xf32, #tpu.memory_space<vmem>>
    %dma_start3A_720 = tpu.memref_slice %arg14[%add3A_717] : memref<163840xf32, #tpu.memory_space<vmem_shared>> -> memref<640xf32, #tpu.memory_space<vmem_shared>>
    %dma_start3A_721 = arith.constant 6400 : i32
    %dma_start3A_722 = tpu.memref_slice %arg13[%dma_start3A_721] : memref<10240xf32, #tpu.memory_space<vmem>> -> memref<640xf32, #tpu.memory_space<vmem>>
    %dma_start3A_723 = tpu.memref_slice %arg14[%add3A_717] : memref<163840xf32, #tpu.memory_space<vmem_shared>> -> memref<640xf32, #tpu.memory_space<vmem_shared>>
    tpu.enqueue_dma source(%dma_start3A_723 : memref<640xf32, #tpu.memory_space<vmem_shared>>) target(%dma_start3A_722 : memref<640xf32, #tpu.memory_space<vmem>>) target_semaphore(%arg15 : memref<!tpu.dma_semaphore, #tpu.memory_space<semaphore_mem>>)
    %add3A_724 = arith.constant 112640 : i32
    %add3A_725 = arith.addi %mul3A_635, %add3A_724 : i32
    %dma_start3A_726 = arith.constant 7040 : i32
    %dma_start3A_727 = tpu.memref_slice %arg13[%dma_start3A_726] : memref<10240xf32, #tpu.memory_space<vmem>> -> memref<640xf32, #tpu.memory_space<vmem>>
    %dma_start3A_728 = tpu.memref_slice %arg14[%add3A_725] : memref<163840xf32, #tpu.memory_space<vmem_shared>> -> memref<640xf32, #tpu.memory_space<vmem_shared>>
    %dma_start3A_729 = arith.constant 7040 : i32
    %dma_start3A_730 = tpu.memref_slice %arg13[%dma_start3A_729] : memref<10240xf32, #tpu.memory_space<vmem>> -> memref<640xf32, #tpu.memory_space<vmem>>
    %dma_start3A_731 = tpu.memref_slice %arg14[%add3A_725] : memref<163840xf32, #tpu.memory_space<vmem_shared>> -> memref<640xf32, #tpu.memory_space<vmem_shared>>
    tpu.enqueue_dma source(%dma_start3A_731 : memref<640xf32, #tpu.memory_space<vmem_shared>>) target(%dma_start3A_730 : memref<640xf32, #tpu.memory_space<vmem>>) target_semaphore(%arg15 : memref<!tpu.dma_semaphore, #tpu.memory_space<semaphore_mem>>)
    %add3A_732 = arith.constant 122880 : i32
    %add3A_733 = arith.addi %mul3A_635, %add3A_732 : i32
    %dma_start3A_734 = arith.constant 7680 : i32
    %dma_start3A_735 = tpu.memref_slice %arg13[%dma_start3A_734] : memref<10240xf32, #tpu.memory_space<vmem>> -> memref<640xf32, #tpu.memory_space<vmem>>
    %dma_start3A_736 = tpu.memref_slice %arg14[%add3A_733] : memref<163840xf32, #tpu.memory_space<vmem_shared>> -> memref<640xf32, #tpu.memory_space<vmem_shared>>
    %dma_start3A_737 = arith.constant 7680 : i32
    %dma_start3A_738 = tpu.memref_slice %arg13[%dma_start3A_737] : memref<10240xf32, #tpu.memory_space<vmem>> -> memref<640xf32, #tpu.memory_space<vmem>>
    %dma_start3A_739 = tpu.memref_slice %arg14[%add3A_733] : memref<163840xf32, #tpu.memory_space<vmem_shared>> -> memref<640xf32, #tpu.memory_space<vmem_shared>>
    tpu.enqueue_dma source(%dma_start3A_739 : memref<640xf32, #tpu.memory_space<vmem_shared>>) target(%dma_start3A_738 : memref<640xf32, #tpu.memory_space<vmem>>) target_semaphore(%arg15 : memref<!tpu.dma_semaphore, #tpu.memory_space<semaphore_mem>>)
    %add3A_740 = arith.constant 133120 : i32
    %add3A_741 = arith.addi %mul3A_635, %add3A_740 : i32
    %dma_start3A_742 = arith.constant 8320 : i32
    %dma_start3A_743 = tpu.memref_slice %arg13[%dma_start3A_742] : memref<10240xf32, #tpu.memory_space<vmem>> -> memref<640xf32, #tpu.memory_space<vmem>>
    %dma_start3A_744 = tpu.memref_slice %arg14[%add3A_741] : memref<163840xf32, #tpu.memory_space<vmem_shared>> -> memref<640xf32, #tpu.memory_space<vmem_shared>>
    %dma_start3A_745 = arith.constant 8320 : i32
    %dma_start3A_746 = tpu.memref_slice %arg13[%dma_start3A_745] : memref<10240xf32, #tpu.memory_space<vmem>> -> memref<640xf32, #tpu.memory_space<vmem>>
    %dma_start3A_747 = tpu.memref_slice %arg14[%add3A_741] : memref<163840xf32, #tpu.memory_space<vmem_shared>> -> memref<640xf32, #tpu.memory_space<vmem_shared>>
    tpu.enqueue_dma source(%dma_start3A_747 : memref<640xf32, #tpu.memory_space<vmem_shared>>) target(%dma_start3A_746 : memref<640xf32, #tpu.memory_space<vmem>>) target_semaphore(%arg15 : memref<!tpu.dma_semaphore, #tpu.memory_space<semaphore_mem>>)
    %add3A_748 = arith.constant 143360 : i32
    %add3A_749 = arith.addi %mul3A_635, %add3A_748 : i32
    %dma_start3A_750 = arith.constant 8960 : i32
    %dma_start3A_751 = tpu.memref_slice %arg13[%dma_start3A_750] : memref<10240xf32, #tpu.memory_space<vmem>> -> memref<640xf32, #tpu.memory_space<vmem>>
    %dma_start3A_752 = tpu.memref_slice %arg14[%add3A_749] : memref<163840xf32, #tpu.memory_space<vmem_shared>> -> memref<640xf32, #tpu.memory_space<vmem_shared>>
    %dma_start3A_753 = arith.constant 8960 : i32
    %dma_start3A_754 = tpu.memref_slice %arg13[%dma_start3A_753] : memref<10240xf32, #tpu.memory_space<vmem>> -> memref<640xf32, #tpu.memory_space<vmem>>
    %dma_start3A_755 = tpu.memref_slice %arg14[%add3A_749] : memref<163840xf32, #tpu.memory_space<vmem_shared>> -> memref<640xf32, #tpu.memory_space<vmem_shared>>
    tpu.enqueue_dma source(%dma_start3A_755 : memref<640xf32, #tpu.memory_space<vmem_shared>>) target(%dma_start3A_754 : memref<640xf32, #tpu.memory_space<vmem>>) target_semaphore(%arg15 : memref<!tpu.dma_semaphore, #tpu.memory_space<semaphore_mem>>)
    %add3A_756 = arith.constant 153600 : i32
    %add3A_757 = arith.addi %mul3A_635, %add3A_756 : i32
    %dma_start3A_758 = arith.constant 9600 : i32
    %dma_start3A_759 = tpu.memref_slice %arg13[%dma_start3A_758] : memref<10240xf32, #tpu.memory_space<vmem>> -> memref<640xf32, #tpu.memory_space<vmem>>
    %dma_start3A_760 = tpu.memref_slice %arg14[%add3A_757] : memref<163840xf32, #tpu.memory_space<vmem_shared>> -> memref<640xf32, #tpu.memory_space<vmem_shared>>
    %dma_start3A_761 = arith.constant 9600 : i32
    %dma_start3A_762 = tpu.memref_slice %arg13[%dma_start3A_761] : memref<10240xf32, #tpu.memory_space<vmem>> -> memref<640xf32, #tpu.memory_space<vmem>>
    %dma_start3A_763 = tpu.memref_slice %arg14[%add3A_757] : memref<163840xf32, #tpu.memory_space<vmem_shared>> -> memref<640xf32, #tpu.memory_space<vmem_shared>>
    tpu.enqueue_dma source(%dma_start3A_763 : memref<640xf32, #tpu.memory_space<vmem_shared>>) target(%dma_start3A_762 : memref<640xf32, #tpu.memory_space<vmem>>) target_semaphore(%arg15 : memref<!tpu.dma_semaphore, #tpu.memory_space<semaphore_mem>>)
    %dma_wait3A_764 = arith.constant 0 : i32
    %dma_wait3A_765 = tpu.memref_slice %arg13[%dma_wait3A_764] : memref<10240xf32, #tpu.memory_space<vmem>> -> memref<640xf32, #tpu.memory_space<vmem>>
    %dma_wait3A_766 = tpu.memref_slice %arg14[%add3A_637] : memref<163840xf32, #tpu.memory_space<vmem_shared>> -> memref<640xf32, #tpu.memory_space<vmem_shared>>
    %dma_wait3A_767 = arith.constant 0 : i32
    %dma_wait3A_768 = tpu.memref_slice %arg13[%dma_wait3A_767] : memref<10240xf32, #tpu.memory_space<vmem>> -> memref<640xf32, #tpu.memory_space<vmem>>
    %dma_wait3A_769 = tpu.memref_slice %arg14[%add3A_637] : memref<163840xf32, #tpu.memory_space<vmem_shared>> -> memref<640xf32, #tpu.memory_space<vmem_shared>>
    tpu.wait_dma2 semaphore(%arg15 : memref<!tpu.dma_semaphore, #tpu.memory_space<semaphore_mem>>) src(%dma_wait3A_769 : memref<640xf32, #tpu.memory_space<vmem_shared>>) dst(%dma_wait3A_768 : memref<640xf32, #tpu.memory_space<vmem>>)
    %dma_wait3A_770 = arith.constant 640 : i32
    %dma_wait3A_771 = tpu.memref_slice %arg13[%dma_wait3A_770] : memref<10240xf32, #tpu.memory_space<vmem>> -> memref<640xf32, #tpu.memory_space<vmem>>
    %dma_wait3A_772 = tpu.memref_slice %arg14[%add3A_645] : memref<163840xf32, #tpu.memory_space<vmem_shared>> -> memref<640xf32, #tpu.memory_space<vmem_shared>>
    %dma_wait3A_773 = arith.constant 640 : i32
    %dma_wait3A_774 = tpu.memref_slice %arg13[%dma_wait3A_773] : memref<10240xf32, #tpu.memory_space<vmem>> -> memref<640xf32, #tpu.memory_space<vmem>>
    %dma_wait3A_775 = tpu.memref_slice %arg14[%add3A_645] : memref<163840xf32, #tpu.memory_space<vmem_shared>> -> memref<640xf32, #tpu.memory_space<vmem_shared>>
    tpu.wait_dma2 semaphore(%arg15 : memref<!tpu.dma_semaphore, #tpu.memory_space<semaphore_mem>>) src(%dma_wait3A_775 : memref<640xf32, #tpu.memory_space<vmem_shared>>) dst(%dma_wait3A_774 : memref<640xf32, #tpu.memory_space<vmem>>)
    %dma_wait3A_776 = arith.constant 1280 : i32
    %dma_wait3A_777 = tpu.memref_slice %arg13[%dma_wait3A_776] : memref<10240xf32, #tpu.memory_space<vmem>> -> memref<640xf32, #tpu.memory_space<vmem>>
    %dma_wait3A_778 = tpu.memref_slice %arg14[%add3A_653] : memref<163840xf32, #tpu.memory_space<vmem_shared>> -> memref<640xf32, #tpu.memory_space<vmem_shared>>
    %dma_wait3A_779 = arith.constant 1280 : i32
    %dma_wait3A_780 = tpu.memref_slice %arg13[%dma_wait3A_779] : memref<10240xf32, #tpu.memory_space<vmem>> -> memref<640xf32, #tpu.memory_space<vmem>>
    %dma_wait3A_781 = tpu.memref_slice %arg14[%add3A_653] : memref<163840xf32, #tpu.memory_space<vmem_shared>> -> memref<640xf32, #tpu.memory_space<vmem_shared>>
    tpu.wait_dma2 semaphore(%arg15 : memref<!tpu.dma_semaphore, #tpu.memory_space<semaphore_mem>>) src(%dma_wait3A_781 : memref<640xf32, #tpu.memory_space<vmem_shared>>) dst(%dma_wait3A_780 : memref<640xf32, #tpu.memory_space<vmem>>)
    %dma_wait3A_782 = arith.constant 1920 : i32
    %dma_wait3A_783 = tpu.memref_slice %arg13[%dma_wait3A_782] : memref<10240xf32, #tpu.memory_space<vmem>> -> memref<640xf32, #tpu.memory_space<vmem>>
    %dma_wait3A_784 = tpu.memref_slice %arg14[%add3A_661] : memref<163840xf32, #tpu.memory_space<vmem_shared>> -> memref<640xf32, #tpu.memory_space<vmem_shared>>
    %dma_wait3A_785 = arith.constant 1920 : i32
    %dma_wait3A_786 = tpu.memref_slice %arg13[%dma_wait3A_785] : memref<10240xf32, #tpu.memory_space<vmem>> -> memref<640xf32, #tpu.memory_space<vmem>>
    %dma_wait3A_787 = tpu.memref_slice %arg14[%add3A_661] : memref<163840xf32, #tpu.memory_space<vmem_shared>> -> memref<640xf32, #tpu.memory_space<vmem_shared>>
    tpu.wait_dma2 semaphore(%arg15 : memref<!tpu.dma_semaphore, #tpu.memory_space<semaphore_mem>>) src(%dma_wait3A_787 : memref<640xf32, #tpu.memory_space<vmem_shared>>) dst(%dma_wait3A_786 : memref<640xf32, #tpu.memory_space<vmem>>)
    %dma_wait3A_788 = arith.constant 2560 : i32
    %dma_wait3A_789 = tpu.memref_slice %arg13[%dma_wait3A_788] : memref<10240xf32, #tpu.memory_space<vmem>> -> memref<640xf32, #tpu.memory_space<vmem>>
    %dma_wait3A_790 = tpu.memref_slice %arg14[%add3A_669] : memref<163840xf32, #tpu.memory_space<vmem_shared>> -> memref<640xf32, #tpu.memory_space<vmem_shared>>
    %dma_wait3A_791 = arith.constant 2560 : i32
    %dma_wait3A_792 = tpu.memref_slice %arg13[%dma_wait3A_791] : memref<10240xf32, #tpu.memory_space<vmem>> -> memref<640xf32, #tpu.memory_space<vmem>>
    %dma_wait3A_793 = tpu.memref_slice %arg14[%add3A_669] : memref<163840xf32, #tpu.memory_space<vmem_shared>> -> memref<640xf32, #tpu.memory_space<vmem_shared>>
    tpu.wait_dma2 semaphore(%arg15 : memref<!tpu.dma_semaphore, #tpu.memory_space<semaphore_mem>>) src(%dma_wait3A_793 : memref<640xf32, #tpu.memory_space<vmem_shared>>) dst(%dma_wait3A_792 : memref<640xf32, #tpu.memory_space<vmem>>)
    %dma_wait3A_794 = arith.constant 3200 : i32
    %dma_wait3A_795 = tpu.memref_slice %arg13[%dma_wait3A_794] : memref<10240xf32, #tpu.memory_space<vmem>> -> memref<640xf32, #tpu.memory_space<vmem>>
    %dma_wait3A_796 = tpu.memref_slice %arg14[%add3A_677] : memref<163840xf32, #tpu.memory_space<vmem_shared>> -> memref<640xf32, #tpu.memory_space<vmem_shared>>
    %dma_wait3A_797 = arith.constant 3200 : i32
    %dma_wait3A_798 = tpu.memref_slice %arg13[%dma_wait3A_797] : memref<10240xf32, #tpu.memory_space<vmem>> -> memref<640xf32, #tpu.memory_space<vmem>>
    %dma_wait3A_799 = tpu.memref_slice %arg14[%add3A_677] : memref<163840xf32, #tpu.memory_space<vmem_shared>> -> memref<640xf32, #tpu.memory_space<vmem_shared>>
    tpu.wait_dma2 semaphore(%arg15 : memref<!tpu.dma_semaphore, #tpu.memory_space<semaphore_mem>>) src(%dma_wait3A_799 : memref<640xf32, #tpu.memory_space<vmem_shared>>) dst(%dma_wait3A_798 : memref<640xf32, #tpu.memory_space<vmem>>)
    %dma_wait3A_800 = arith.constant 3840 : i32
    %dma_wait3A_801 = tpu.memref_slice %arg13[%dma_wait3A_800] : memref<10240xf32, #tpu.memory_space<vmem>> -> memref<640xf32, #tpu.memory_space<vmem>>
    %dma_wait3A_802 = tpu.memref_slice %arg14[%add3A_685] : memref<163840xf32, #tpu.memory_space<vmem_shared>> -> memref<640xf32, #tpu.memory_space<vmem_shared>>
    %dma_wait3A_803 = arith.constant 3840 : i32
    %dma_wait3A_804 = tpu.memref_slice %arg13[%dma_wait3A_803] : memref<10240xf32, #tpu.memory_space<vmem>> -> memref<640xf32, #tpu.memory_space<vmem>>
    %dma_wait3A_805 = tpu.memref_slice %arg14[%add3A_685] : memref<163840xf32, #tpu.memory_space<vmem_shared>> -> memref<640xf32, #tpu.memory_space<vmem_shared>>
    tpu.wait_dma2 semaphore(%arg15 : memref<!tpu.dma_semaphore, #tpu.memory_space<semaphore_mem>>) src(%dma_wait3A_805 : memref<640xf32, #tpu.memory_space<vmem_shared>>) dst(%dma_wait3A_804 : memref<640xf32, #tpu.memory_space<vmem>>)
    %dma_wait3A_806 = arith.constant 4480 : i32
    %dma_wait3A_807 = tpu.memref_slice %arg13[%dma_wait3A_806] : memref<10240xf32, #tpu.memory_space<vmem>> -> memref<640xf32, #tpu.memory_space<vmem>>
    %dma_wait3A_808 = tpu.memref_slice %arg14[%add3A_693] : memref<163840xf32, #tpu.memory_space<vmem_shared>> -> memref<640xf32, #tpu.memory_space<vmem_shared>>
    %dma_wait3A_809 = arith.constant 4480 : i32
    %dma_wait3A_810 = tpu.memref_slice %arg13[%dma_wait3A_809] : memref<10240xf32, #tpu.memory_space<vmem>> -> memref<640xf32, #tpu.memory_space<vmem>>
    %dma_wait3A_811 = tpu.memref_slice %arg14[%add3A_693] : memref<163840xf32, #tpu.memory_space<vmem_shared>> -> memref<640xf32, #tpu.memory_space<vmem_shared>>
    tpu.wait_dma2 semaphore(%arg15 : memref<!tpu.dma_semaphore, #tpu.memory_space<semaphore_mem>>) src(%dma_wait3A_811 : memref<640xf32, #tpu.memory_space<vmem_shared>>) dst(%dma_wait3A_810 : memref<640xf32, #tpu.memory_space<vmem>>)
    %dma_wait3A_812 = arith.constant 5120 : i32
    %dma_wait3A_813 = tpu.memref_slice %arg13[%dma_wait3A_812] : memref<10240xf32, #tpu.memory_space<vmem>> -> memref<640xf32, #tpu.memory_space<vmem>>
    %dma_wait3A_814 = tpu.memref_slice %arg14[%add3A_701] : memref<163840xf32, #tpu.memory_space<vmem_shared>> -> memref<640xf32, #tpu.memory_space<vmem_shared>>
    %dma_wait3A_815 = arith.constant 5120 : i32
    %dma_wait3A_816 = tpu.memref_slice %arg13[%dma_wait3A_815] : memref<10240xf32, #tpu.memory_space<vmem>> -> memref<640xf32, #tpu.memory_space<vmem>>
    %dma_wait3A_817 = tpu.memref_slice %arg14[%add3A_701] : memref<163840xf32, #tpu.memory_space<vmem_shared>> -> memref<640xf32, #tpu.memory_space<vmem_shared>>
    tpu.wait_dma2 semaphore(%arg15 : memref<!tpu.dma_semaphore, #tpu.memory_space<semaphore_mem>>) src(%dma_wait3A_817 : memref<640xf32, #tpu.memory_space<vmem_shared>>) dst(%dma_wait3A_816 : memref<640xf32, #tpu.memory_space<vmem>>)
    %dma_wait3A_818 = arith.constant 5760 : i32
    %dma_wait3A_819 = tpu.memref_slice %arg13[%dma_wait3A_818] : memref<10240xf32, #tpu.memory_space<vmem>> -> memref<640xf32, #tpu.memory_space<vmem>>
    %dma_wait3A_820 = tpu.memref_slice %arg14[%add3A_709] : memref<163840xf32, #tpu.memory_space<vmem_shared>> -> memref<640xf32, #tpu.memory_space<vmem_shared>>
    %dma_wait3A_821 = arith.constant 5760 : i32
    %dma_wait3A_822 = tpu.memref_slice %arg13[%dma_wait3A_821] : memref<10240xf32, #tpu.memory_space<vmem>> -> memref<640xf32, #tpu.memory_space<vmem>>
    %dma_wait3A_823 = tpu.memref_slice %arg14[%add3A_709] : memref<163840xf32, #tpu.memory_space<vmem_shared>> -> memref<640xf32, #tpu.memory_space<vmem_shared>>
    tpu.wait_dma2 semaphore(%arg15 : memref<!tpu.dma_semaphore, #tpu.memory_space<semaphore_mem>>) src(%dma_wait3A_823 : memref<640xf32, #tpu.memory_space<vmem_shared>>) dst(%dma_wait3A_822 : memref<640xf32, #tpu.memory_space<vmem>>)
    %dma_wait3A_824 = arith.constant 6400 : i32
    %dma_wait3A_825 = tpu.memref_slice %arg13[%dma_wait3A_824] : memref<10240xf32, #tpu.memory_space<vmem>> -> memref<640xf32, #tpu.memory_space<vmem>>
    %dma_wait3A_826 = tpu.memref_slice %arg14[%add3A_717] : memref<163840xf32, #tpu.memory_space<vmem_shared>> -> memref<640xf32, #tpu.memory_space<vmem_shared>>
    %dma_wait3A_827 = arith.constant 6400 : i32
    %dma_wait3A_828 = tpu.memref_slice %arg13[%dma_wait3A_827] : memref<10240xf32, #tpu.memory_space<vmem>> -> memref<640xf32, #tpu.memory_space<vmem>>
    %dma_wait3A_829 = tpu.memref_slice %arg14[%add3A_717] : memref<163840xf32, #tpu.memory_space<vmem_shared>> -> memref<640xf32, #tpu.memory_space<vmem_shared>>
    tpu.wait_dma2 semaphore(%arg15 : memref<!tpu.dma_semaphore, #tpu.memory_space<semaphore_mem>>) src(%dma_wait3A_829 : memref<640xf32, #tpu.memory_space<vmem_shared>>) dst(%dma_wait3A_828 : memref<640xf32, #tpu.memory_space<vmem>>)
    %dma_wait3A_830 = arith.constant 7040 : i32
    %dma_wait3A_831 = tpu.memref_slice %arg13[%dma_wait3A_830] : memref<10240xf32, #tpu.memory_space<vmem>> -> memref<640xf32, #tpu.memory_space<vmem>>
    %dma_wait3A_832 = tpu.memref_slice %arg14[%add3A_725] : memref<163840xf32, #tpu.memory_space<vmem_shared>> -> memref<640xf32, #tpu.memory_space<vmem_shared>>
    %dma_wait3A_833 = arith.constant 7040 : i32
    %dma_wait3A_834 = tpu.memref_slice %arg13[%dma_wait3A_833] : memref<10240xf32, #tpu.memory_space<vmem>> -> memref<640xf32, #tpu.memory_space<vmem>>
    %dma_wait3A_835 = tpu.memref_slice %arg14[%add3A_725] : memref<163840xf32, #tpu.memory_space<vmem_shared>> -> memref<640xf32, #tpu.memory_space<vmem_shared>>
    tpu.wait_dma2 semaphore(%arg15 : memref<!tpu.dma_semaphore, #tpu.memory_space<semaphore_mem>>) src(%dma_wait3A_835 : memref<640xf32, #tpu.memory_space<vmem_shared>>) dst(%dma_wait3A_834 : memref<640xf32, #tpu.memory_space<vmem>>)
    %dma_wait3A_836 = arith.constant 7680 : i32
    %dma_wait3A_837 = tpu.memref_slice %arg13[%dma_wait3A_836] : memref<10240xf32, #tpu.memory_space<vmem>> -> memref<640xf32, #tpu.memory_space<vmem>>
    %dma_wait3A_838 = tpu.memref_slice %arg14[%add3A_733] : memref<163840xf32, #tpu.memory_space<vmem_shared>> -> memref<640xf32, #tpu.memory_space<vmem_shared>>
    %dma_wait3A_839 = arith.constant 7680 : i32
    %dma_wait3A_840 = tpu.memref_slice %arg13[%dma_wait3A_839] : memref<10240xf32, #tpu.memory_space<vmem>> -> memref<640xf32, #tpu.memory_space<vmem>>
    %dma_wait3A_841 = tpu.memref_slice %arg14[%add3A_733] : memref<163840xf32, #tpu.memory_space<vmem_shared>> -> memref<640xf32, #tpu.memory_space<vmem_shared>>
    tpu.wait_dma2 semaphore(%arg15 : memref<!tpu.dma_semaphore, #tpu.memory_space<semaphore_mem>>) src(%dma_wait3A_841 : memref<640xf32, #tpu.memory_space<vmem_shared>>) dst(%dma_wait3A_840 : memref<640xf32, #tpu.memory_space<vmem>>)
    %dma_wait3A_842 = arith.constant 8320 : i32
    %dma_wait3A_843 = tpu.memref_slice %arg13[%dma_wait3A_842] : memref<10240xf32, #tpu.memory_space<vmem>> -> memref<640xf32, #tpu.memory_space<vmem>>
    %dma_wait3A_844 = tpu.memref_slice %arg14[%add3A_741] : memref<163840xf32, #tpu.memory_space<vmem_shared>> -> memref<640xf32, #tpu.memory_space<vmem_shared>>
    %dma_wait3A_845 = arith.constant 8320 : i32
    %dma_wait3A_846 = tpu.memref_slice %arg13[%dma_wait3A_845] : memref<10240xf32, #tpu.memory_space<vmem>> -> memref<640xf32, #tpu.memory_space<vmem>>
    %dma_wait3A_847 = tpu.memref_slice %arg14[%add3A_741] : memref<163840xf32, #tpu.memory_space<vmem_shared>> -> memref<640xf32, #tpu.memory_space<vmem_shared>>
    tpu.wait_dma2 semaphore(%arg15 : memref<!tpu.dma_semaphore, #tpu.memory_space<semaphore_mem>>) src(%dma_wait3A_847 : memref<640xf32, #tpu.memory_space<vmem_shared>>) dst(%dma_wait3A_846 : memref<640xf32, #tpu.memory_space<vmem>>)
    %dma_wait3A_848 = arith.constant 8960 : i32
    %dma_wait3A_849 = tpu.memref_slice %arg13[%dma_wait3A_848] : memref<10240xf32, #tpu.memory_space<vmem>> -> memref<640xf32, #tpu.memory_space<vmem>>
    %dma_wait3A_850 = tpu.memref_slice %arg14[%add3A_749] : memref<163840xf32, #tpu.memory_space<vmem_shared>> -> memref<640xf32, #tpu.memory_space<vmem_shared>>
    %dma_wait3A_851 = arith.constant 8960 : i32
    %dma_wait3A_852 = tpu.memref_slice %arg13[%dma_wait3A_851] : memref<10240xf32, #tpu.memory_space<vmem>> -> memref<640xf32, #tpu.memory_space<vmem>>
    %dma_wait3A_853 = tpu.memref_slice %arg14[%add3A_749] : memref<163840xf32, #tpu.memory_space<vmem_shared>> -> memref<640xf32, #tpu.memory_space<vmem_shared>>
    tpu.wait_dma2 semaphore(%arg15 : memref<!tpu.dma_semaphore, #tpu.memory_space<semaphore_mem>>) src(%dma_wait3A_853 : memref<640xf32, #tpu.memory_space<vmem_shared>>) dst(%dma_wait3A_852 : memref<640xf32, #tpu.memory_space<vmem>>)
    %dma_wait3A_854 = arith.constant 9600 : i32
    %dma_wait3A_855 = tpu.memref_slice %arg13[%dma_wait3A_854] : memref<10240xf32, #tpu.memory_space<vmem>> -> memref<640xf32, #tpu.memory_space<vmem>>
    %dma_wait3A_856 = tpu.memref_slice %arg14[%add3A_757] : memref<163840xf32, #tpu.memory_space<vmem_shared>> -> memref<640xf32, #tpu.memory_space<vmem_shared>>
    %dma_wait3A_857 = arith.constant 9600 : i32
    %dma_wait3A_858 = tpu.memref_slice %arg13[%dma_wait3A_857] : memref<10240xf32, #tpu.memory_space<vmem>> -> memref<640xf32, #tpu.memory_space<vmem>>
    %dma_wait3A_859 = tpu.memref_slice %arg14[%add3A_757] : memref<163840xf32, #tpu.memory_space<vmem_shared>> -> memref<640xf32, #tpu.memory_space<vmem_shared>>
    tpu.wait_dma2 semaphore(%arg15 : memref<!tpu.dma_semaphore, #tpu.memory_space<semaphore_mem>>) src(%dma_wait3A_859 : memref<640xf32, #tpu.memory_space<vmem_shared>>) dst(%dma_wait3A_858 : memref<640xf32, #tpu.memory_space<vmem>>)
    %scan3A_860 = arith.constant 0 : i32
    %scan3A_861 = arith.constant 40 : i32
    %scan3A_862 = arith.addi %scan3A_860, %scan3A_861 : i32
    %scan3A_863 = arith.constant 1 : i32
    scf.for %scan3A_873 = %scan3A_860 to %scan3A_862 step %scan3A_863  : i32 {
      %mul3A_874 = arith.constant 16 : i32
      %mul3A_875 = arith.muli %scan3A_873, %mul3A_874 : i32
      %add3A_876 = arith.constant 0 : i32
      %add3A_877 = arith.addi %add3A_876, %mul3A_875 : i32
      %add3A_878 = arith.constant 0 : i32
      %add3A_879 = arith.addi %add3A_878, %add3A_877 : i32
      %get3A_880 = arith.index_cast %add3A_879 : i32 to index
      %get3A_881 = tpu.vector_load %arg13[%get3A_880] {strides = array<i32>} : memref<10240xf32, #tpu.memory_space<vmem>>, vector<16xf32>,
      %add3A_882 = arith.constant 640 : i32
      %add3A_883 = arith.addi %add3A_882, %add3A_877 : i32
      %get3A_884 = arith.index_cast %add3A_883 : i32 to index
      %get3A_885 = tpu.vector_load %arg13[%get3A_884] {strides = array<i32>} : memref<10240xf32, #tpu.memory_space<vmem>>, vector<16xf32>,
      %add3A_886 = arith.addf %get3A_881, %get3A_885 : vector<16xf32>
      %add3A_887 = arith.constant 1280 : i32
      %add3A_888 = arith.addi %add3A_887, %add3A_877 : i32
      %get3A_889 = arith.index_cast %add3A_888 : i32 to index
      %get3A_890 = tpu.vector_load %arg13[%get3A_889] {strides = array<i32>} : memref<10240xf32, #tpu.memory_space<vmem>>, vector<16xf32>,
      %add3A_891 = arith.addf %add3A_886, %get3A_890 : vector<16xf32>
      %add3A_892 = arith.constant 1920 : i32
      %add3A_893 = arith.addi %add3A_892, %add3A_877 : i32
      %get3A_894 = arith.index_cast %add3A_893 : i32 to index
      %get3A_895 = tpu.vector_load %arg13[%get3A_894] {strides = array<i32>} : memref<10240xf32, #tpu.memory_space<vmem>>, vector<16xf32>,
      %add3A_896 = arith.addf %add3A_891, %get3A_895 : vector<16xf32>
      %add3A_897 = arith.constant 2560 : i32
      %add3A_898 = arith.addi %add3A_897, %add3A_877 : i32
      %get3A_899 = arith.index_cast %add3A_898 : i32 to index
      %get3A_900 = tpu.vector_load %arg13[%get3A_899] {strides = array<i32>} : memref<10240xf32, #tpu.memory_space<vmem>>, vector<16xf32>,
      %add3A_901 = arith.addf %add3A_896, %get3A_900 : vector<16xf32>
      %add3A_902 = arith.constant 3200 : i32
      %add3A_903 = arith.addi %add3A_902, %add3A_877 : i32
      %get3A_904 = arith.index_cast %add3A_903 : i32 to index
      %get3A_905 = tpu.vector_load %arg13[%get3A_904] {strides = array<i32>} : memref<10240xf32, #tpu.memory_space<vmem>>, vector<16xf32>,
      %add3A_906 = arith.addf %add3A_901, %get3A_905 : vector<16xf32>
      %add3A_907 = arith.constant 3840 : i32
      %add3A_908 = arith.addi %add3A_907, %add3A_877 : i32
      %get3A_909 = arith.index_cast %add3A_908 : i32 to index
      %get3A_910 = tpu.vector_load %arg13[%get3A_909] {strides = array<i32>} : memref<10240xf32, #tpu.memory_space<vmem>>, vector<16xf32>,
      %add3A_911 = arith.addf %add3A_906, %get3A_910 : vector<16xf32>
      %add3A_912 = arith.constant 4480 : i32
      %add3A_913 = arith.addi %add3A_912, %add3A_877 : i32
      %get3A_914 = arith.index_cast %add3A_913 : i32 to index
      %get3A_915 = tpu.vector_load %arg13[%get3A_914] {strides = array<i32>} : memref<10240xf32, #tpu.memory_space<vmem>>, vector<16xf32>,
      %add3A_916 = arith.addf %add3A_911, %get3A_915 : vector<16xf32>
      %add3A_917 = arith.constant 5120 : i32
      %add3A_918 = arith.addi %add3A_917, %add3A_877 : i32
      %get3A_919 = arith.index_cast %add3A_918 : i32 to index
      %get3A_920 = tpu.vector_load %arg13[%get3A_919] {strides = array<i32>} : memref<10240xf32, #tpu.memory_space<vmem>>, vector<16xf32>,
      %add3A_921 = arith.addf %add3A_916, %get3A_920 : vector<16xf32>
      %add3A_922 = arith.constant 5760 : i32
      %add3A_923 = arith.addi %add3A_922, %add3A_877 : i32
      %get3A_924 = arith.index_cast %add3A_923 : i32 to index
      %get3A_925 = tpu.vector_load %arg13[%get3A_924] {strides = array<i32>} : memref<10240xf32, #tpu.memory_space<vmem>>, vector<16xf32>,
      %add3A_926 = arith.addf %add3A_921, %get3A_925 : vector<16xf32>
      %add3A_927 = arith.constant 6400 : i32
      %add3A_928 = arith.addi %add3A_927, %add3A_877 : i32
      %get3A_929 = arith.index_cast %add3A_928 : i32 to index
      %get3A_930 = tpu.vector_load %arg13[%get3A_929] {strides = array<i32>} : memref<10240xf32, #tpu.memory_space<vmem>>, vector<16xf32>,
      %add3A_931 = arith.addf %add3A_926, %get3A_930 : vector<16xf32>
      %add3A_932 = arith.constant 7040 : i32
      %add3A_933 = arith.addi %add3A_932, %add3A_877 : i32
      %get3A_934 = arith.index_cast %add3A_933 : i32 to index
      %get3A_935 = tpu.vector_load %arg13[%get3A_934] {strides = array<i32>} : memref<10240xf32, #tpu.memory_space<vmem>>, vector<16xf32>,
      %add3A_936 = arith.addf %add3A_931, %get3A_935 : vector<16xf32>
      %add3A_937 = arith.constant 7680 : i32
      %add3A_938 = arith.addi %add3A_937, %add3A_877 : i32
      %get3A_939 = arith.index_cast %add3A_938 : i32 to index
      %get3A_940 = tpu.vector_load %arg13[%get3A_939] {strides = array<i32>} : memref<10240xf32, #tpu.memory_space<vmem>>, vector<16xf32>,
      %add3A_941 = arith.addf %add3A_936, %get3A_940 : vector<16xf32>
      %add3A_942 = arith.constant 8320 : i32
      %add3A_943 = arith.addi %add3A_942, %add3A_877 : i32
      %get3A_944 = arith.index_cast %add3A_943 : i32 to index
      %get3A_945 = tpu.vector_load %arg13[%get3A_944] {strides = array<i32>} : memref<10240xf32, #tpu.memory_space<vmem>>, vector<16xf32>,
      %add3A_946 = arith.addf %add3A_941, %get3A_945 : vector<16xf32>
      %add3A_947 = arith.constant 8960 : i32
      %add3A_948 = arith.addi %add3A_947, %add3A_877 : i32
      %get3A_949 = arith.index_cast %add3A_948 : i32 to index
      %get3A_950 = tpu.vector_load %arg13[%get3A_949] {strides = array<i32>} : memref<10240xf32, #tpu.memory_space<vmem>>, vector<16xf32>,
      %add3A_951 = arith.addf %add3A_946, %get3A_950 : vector<16xf32>
      %add3A_952 = arith.constant 9600 : i32
      %add3A_953 = arith.addi %add3A_952, %add3A_877 : i32
      %get3A_954 = arith.index_cast %add3A_953 : i32 to index
      %get3A_955 = tpu.vector_load %arg13[%get3A_954] {strides = array<i32>} : memref<10240xf32, #tpu.memory_space<vmem>>, vector<16xf32>,
      %add3A_956 = arith.addf %add3A_951, %get3A_955 : vector<16xf32>
      %swap3A = arith.index_cast %add3A_877 : i32 to index
      %swap3A_957 = tpu.vector_load %arg12[%swap3A] {strides = array<i32>} : memref<640xf32, #tpu.memory_space<vmem>>, vector<16xf32>,
      tpu.vector_store %arg12[%swap3A], %add3A_956 {strides = array<i32>} : memref<640xf32, #tpu.memory_space<vmem>>, vector<16xf32>,
    }
    %scan3A_864 = arith.constant 40 : i32
    %mul3A_865 = arith.constant 30720 : i32
    %mul3A_866 = arith.muli %arg0, %mul3A_865 : i32
    %add3A_867 = arith.constant 20480 : i32
    %add3A_868 = arith.addi %mul3A_866, %add3A_867 : i32
    %mul3A_869 = arith.constant 640 : i32
    %mul3A_870 = arith.muli %arg1, %mul3A_869 : i32
    %add3A_871 = arith.addi %add3A_868, %mul3A_870 : i32
    "tpu.region"() ({
      %run_scoped3A = tpu.sem_alloc : memref<!tpu.dma_semaphore, #tpu.memory_space<semaphore_mem>>
      %dma_start3A_873 = tpu.memref_slice %arg4[%add3A_871] : memref<61440xf32, #tpu.memory_space<hbm>> -> memref<640xf32, #tpu.memory_space<hbm>>
      %dma_start3A_874 = tpu.memref_slice %arg4[%add3A_871] : memref<61440xf32, #tpu.memory_space<hbm>> -> memref<640xf32, #tpu.memory_space<hbm>>
      tpu.enqueue_dma source(%arg12 : memref<640xf32, #tpu.memory_space<vmem>>) target(%dma_start3A_874 : memref<640xf32, #tpu.memory_space<hbm>>) target_semaphore(%run_scoped3A : memref<!tpu.dma_semaphore, #tpu.memory_space<semaphore_mem>>)
      %dma_wait3A_875 = tpu.memref_slice %arg4[%add3A_871] : memref<61440xf32, #tpu.memory_space<hbm>> -> memref<640xf32, #tpu.memory_space<hbm>>
      %dma_wait3A_876 = tpu.memref_slice %arg4[%add3A_871] : memref<61440xf32, #tpu.memory_space<hbm>> -> memref<640xf32, #tpu.memory_space<hbm>>
      tpu.wait_dma2 semaphore(%run_scoped3A : memref<!tpu.dma_semaphore, #tpu.memory_space<semaphore_mem>>) src(%arg12 : memref<640xf32, #tpu.memory_space<vmem>>) dst(%dma_wait3A_876 : memref<640xf32, #tpu.memory_space<hbm>>)
      tpu.yield
    }) : () -> ()
    %barrier3A_872 = arith.constant 0 : index
    tpu.barrier barrier_id(%barrier3A_872)
    return
  }
}

module attributes {stable_mosaic.version = 14 : i64} {
  func.func @_tc0_body(%arg0: i32, %arg1: memref<3x256xf32, #tpu.memory_space<vmem>>, %arg2: memref<2048x256xf32, #tpu.memory_space<vmem>>, %arg3: memref<3x2048xf32, #tpu.memory_space<vmem>>) attributes {dimension_semantics = [#tpu.dimension_semantics<arbitrary>], iteration_bounds = array<i64: 5>, scalar_prefetch = 0 : i64, scratch_operands = 0 : i64, tpu.core_type = #tpu.core_type<tc>, window_params = [{pipeline_mode = #tpu.pipeline_mode<synchronous>, transform_indices = @transform_0, window_bounds = array<i64: 3, 256>}, {transform_indices = @transform_1, window_bounds = array<i64: 2048, 256>}, {transform_indices = @transform_2, window_bounds = array<i64: 3, 2048>}]} {
    %get3A = arith.constant 0 : index
    %get3A_0 = arith.constant 0 : index
    %get3A_1 = vector.load %arg1[%get3A, %get3A_0] : memref<3x256xf32, #tpu.memory_space<vmem>>, vector<3x256xf32>
    %get3A_2 = arith.constant 0 : index
    %get3A_3 = arith.constant 0 : index
    %get3A_4 = vector.load %arg2[%get3A_2, %get3A_3] : memref<2048x256xf32, #tpu.memory_space<vmem>>, vector<2048x256xf32>
    %dot_general3A = arith.constant dense<0.000000e+00> : vector<3x2048xf32>
    %dot_general3A_5 = tpu.matmul %get3A_1, %get3A_4, %dot_general3A {dimension_numbers = #tpu.dot_dimension_numbers<[1], [1], [0], [0], [0, 0, 1, 0], [], []>, transpose_lhs_hint = false} : vector<3x256xf32>, vector<2048x256xf32>, vector<3x2048xf32> -> vector<3x2048xf32>
    %swap3A = arith.constant 0 : index
    %swap3A_6 = arith.constant 0 : index
    %swap3A_7 = vector.load %arg3[%swap3A, %swap3A_6] : memref<3x2048xf32, #tpu.memory_space<vmem>>, vector<3x2048xf32>
    tpu.vector_store %arg3[%swap3A, %swap3A_6], %dot_general3A_5 {strides = array<i32>} : memref<3x2048xf32, #tpu.memory_space<vmem>>, vector<3x2048xf32>,
    return
  }
  func.func @transform_0(%arg0: i32) -> (i32, i32) {
    %c0_i32 = arith.constant 0 : i32
    %c0_i32_0 = arith.constant 0 : i32
    %c0_i32_1 = arith.constant 0 : i32
    return %c0_i32, %c0_i32_0 : i32, i32
  }
  func.func @transform_1(%arg0: i32) -> (i32, i32) {
    %c0_i32 = arith.constant 0 : i32
    %c0_i32_0 = arith.constant 0 : i32
    return %arg0, %c0_i32 : i32, i32
  }
  func.func @transform_2(%arg0: i32) -> (i32, i32) {
    %c0_i32 = arith.constant 0 : i32
    %c0_i32_0 = arith.constant 0 : i32
    return %c0_i32, %arg0 : i32, i32
  }
}

module attributes {stable_mosaic.version = 14 : i64} {
  func.func @_tc1_body(%arg0: i32, %arg1: memref<3x2048xf32, #tpu.memory_space<vmem>>, %arg2: memref<2x2048xf32, #tpu.memory_space<vmem>>, %arg3: memref<3x2048xf32, #tpu.memory_space<vmem>>, %arg4: memref<1x2048xf32, #tpu.memory_space<vmem>>) attributes {dimension_semantics = [#tpu.dimension_semantics<arbitrary>], iteration_bounds = array<i64: 5>, scalar_prefetch = 0 : i64, scratch_operands = 0 : i64, tpu.core_type = #tpu.core_type<tc>, window_params = [{transform_indices = @transform_0, window_bounds = array<i64: 3, 2048>}, {transform_indices = @transform_1, window_bounds = array<i64: 2, 2048>}, {transform_indices = @transform_2, window_bounds = array<i64: 3, 2048>}, {transform_indices = @transform_3, window_bounds = array<i64: 1, 2048>}]} {
    %get3A = arith.constant 0 : index
    %get3A_0 = arith.constant 0 : index
    %get3A_1 = vector.load %arg2[%get3A, %get3A_0] : memref<2x2048xf32, #tpu.memory_space<vmem>>, vector<1x2048xf32>
    %get3A_2 = arith.constant 1 : index
    %get3A_3 = arith.constant 0 : index
    %get3A_4 = vector.load %arg2[%get3A_2, %get3A_3] : memref<2x2048xf32, #tpu.memory_space<vmem>>, vector<1x2048xf32>
    %add3A = arith.addf %get3A_1, %get3A_4 : vector<1x2048xf32>
    %add3A_5 = arith.constant 1.000000e+00 : f32
    %add3A_6 = vector.broadcast %add3A_5 : f32 to vector<1x2048xf32>
    %add3A_7 = arith.addf %add3A, %add3A_6 : vector<1x2048xf32>
    %rsqrt3A = math.rsqrt %add3A_7 : vector<1x2048xf32>
    %get3A_8 = arith.constant 0 : index
    %get3A_9 = arith.constant 0 : index
    %get3A_10 = vector.load %arg1[%get3A_8, %get3A_9] : memref<3x2048xf32, #tpu.memory_space<vmem>>, vector<3x2048xf32>
    %mul3A = vector.broadcast %rsqrt3A : vector<1x2048xf32> to vector<3x2048xf32>
    %mul3A_11 = arith.mulf %get3A_10, %mul3A : vector<3x2048xf32>
    %swap3A = arith.constant 0 : index
    %swap3A_12 = arith.constant 0 : index
    %swap3A_13 = vector.load %arg3[%swap3A, %swap3A_12] : memref<3x2048xf32, #tpu.memory_space<vmem>>, vector<3x2048xf32>
    tpu.vector_store %arg3[%swap3A, %swap3A_12], %mul3A_11 {strides = array<i32>} : memref<3x2048xf32, #tpu.memory_space<vmem>>, vector<3x2048xf32>,
    %swap3A_14 = arith.constant 0 : index
    %swap3A_15 = arith.constant 0 : index
    %swap3A_16 = vector.load %arg4[%swap3A_14, %swap3A_15] : memref<1x2048xf32, #tpu.memory_space<vmem>>, vector<1x2048xf32>
    tpu.vector_store %arg4[%swap3A_14, %swap3A_15], %rsqrt3A {strides = array<i32>} : memref<1x2048xf32, #tpu.memory_space<vmem>>, vector<1x2048xf32>,
    return
  }
  func.func @transform_0(%arg0: i32) -> (i32, i32) {
    %c0_i32 = arith.constant 0 : i32
    %c0_i32_0 = arith.constant 0 : i32
    return %c0_i32, %arg0 : i32, i32
  }
  func.func @transform_1(%arg0: i32) -> (i32, i32) {
    %c0_i32 = arith.constant 0 : i32
    %c0_i32_0 = arith.constant 0 : i32
    return %c0_i32, %arg0 : i32, i32
  }
  func.func @transform_2(%arg0: i32) -> (i32, i32) {
    %c0_i32 = arith.constant 0 : i32
    %c0_i32_0 = arith.constant 0 : i32
    return %c0_i32, %arg0 : i32, i32
  }
  func.func @transform_3(%arg0: i32) -> (i32, i32) {
    %c0_i32 = arith.constant 0 : i32
    %c0_i32_0 = arith.constant 0 : i32
    return %c0_i32, %arg0 : i32, i32
  }
}

module attributes {stable_mosaic.version = 14 : i64} {
  func.func @_tc2_body(%arg0: i32, %arg1: memref<6x2048xf32, #tpu.memory_space<vmem>>, %arg2: memref<3x2048xf32, #tpu.memory_space<vmem>>, %arg3: memref<1x2048xf32, #tpu.memory_space<vmem>>, %arg4: memref<3x1xf32, #tpu.memory_space<vmem>>, %arg5: memref<3x4xf32, #tpu.memory_space<vmem>>, %arg6: memref<1x4xf32, #tpu.memory_space<vmem>>, %arg7: memref<2048x3xf32, #tpu.memory_space<vmem>>, %arg8: memref<2048x4xf32, #tpu.memory_space<vmem>>) attributes {dimension_semantics = [#tpu.dimension_semantics<arbitrary>], iteration_bounds = array<i64: 5>, scalar_prefetch = 0 : i64, scratch_operands = 0 : i64, tpu.core_type = #tpu.core_type<tc>, window_params = [{transform_indices = @transform_0, window_bounds = array<i64: 6, 2048>}, {transform_indices = @transform_1, window_bounds = array<i64: 3, 2048>}, {transform_indices = @transform_2, window_bounds = array<i64: 1, 2048>}, {pipeline_mode = #tpu.pipeline_mode<synchronous>, transform_indices = @transform_3, window_bounds = array<i64: 3, 1>}, {pipeline_mode = #tpu.pipeline_mode<synchronous>, transform_indices = @transform_4, window_bounds = array<i64: 3, 4>}, {pipeline_mode = #tpu.pipeline_mode<synchronous>, transform_indices = @transform_5, window_bounds = array<i64: 1, 4>}, {transform_indices = @transform_6, window_bounds = array<i64: 2048, 3>}, {transform_indices = @transform_7, window_bounds = array<i64: 2048, 4>}]} {
    %get3A = arith.constant 0 : index
    %get3A_0 = arith.constant 0 : index
    %get3A_1 = vector.load %arg1[%get3A, %get3A_0] : memref<6x2048xf32, #tpu.memory_space<vmem>>, vector<6x2048xf32>
    %slice3A = vector.extract_strided_slice %get3A_1 {offsets = [0, 0], sizes = [3, 2048], strides = [1, 1]} : vector<6x2048xf32> to vector<3x2048xf32>
    %slice3A_2 = vector.extract_strided_slice %get3A_1 {offsets = [3, 0], sizes = [3, 2048], strides = [1, 1]} : vector<6x2048xf32> to vector<3x2048xf32>
    %add3A = arith.addf %slice3A, %slice3A_2 : vector<3x2048xf32>
    %get3A_3 = arith.constant 0 : index
    %get3A_4 = arith.constant 0 : index
    %get3A_5 = vector.load %arg2[%get3A_3, %get3A_4] : memref<3x2048xf32, #tpu.memory_space<vmem>>, vector<3x2048xf32>
    %add3A_6 = arith.addf %add3A, %get3A_5 : vector<3x2048xf32>
    %get3A_7 = arith.constant 0 : index
    %get3A_8 = arith.constant 0 : index
    %get3A_9 = vector.load %arg3[%get3A_7, %get3A_8] : memref<1x2048xf32, #tpu.memory_space<vmem>>, vector<1x2048xf32>
    %mul3A = vector.broadcast %get3A_9 : vector<1x2048xf32> to vector<3x2048xf32>
    %mul3A_10 = arith.mulf %add3A_6, %mul3A : vector<3x2048xf32>
    %get3A_11 = arith.constant 0 : index
    %get3A_12 = arith.constant 0 : index
    %get3A_13 = vector.load %arg4[%get3A_11, %get3A_12] : memref<3x1xf32, #tpu.memory_space<vmem>>, vector<3x1xf32>
    %add3A_14 = vector.broadcast %get3A_13 : vector<3x1xf32> to vector<3x2048xf32>
    %add3A_15 = arith.addf %mul3A_10, %add3A_14 : vector<3x2048xf32>
    %max3A = arith.constant 0.000000e+00 : f32
    %max3A_16 = vector.broadcast %max3A : f32 to vector<3x2048xf32>
    %max3A_17 = arith.maximumf %add3A_15, %max3A_16 : vector<3x2048xf32>
    %transpose3A = tpu.transpose %max3A_17, [1, 0] : vector<3x2048xf32> -> vector<2048x3xf32>
    %swap3A = arith.constant 0 : index
    %swap3A_18 = arith.constant 0 : index
    %swap3A_19 = vector.load %arg7[%swap3A, %swap3A_18] : memref<2048x3xf32, #tpu.memory_space<vmem>>, vector<2048x3xf32>
    tpu.vector_store %arg7[%swap3A, %swap3A_18], %transpose3A {strides = array<i32>} : memref<2048x3xf32, #tpu.memory_space<vmem>>, vector<2048x3xf32>,
    %get3A_20 = arith.constant 0 : index
    %get3A_21 = arith.constant 0 : index
    %get3A_22 = vector.load %arg5[%get3A_20, %get3A_21] : memref<3x4xf32, #tpu.memory_space<vmem>>, vector<3x4xf32>
    %dot_general3A = arith.constant dense<0.000000e+00> : vector<2048x4xf32>
    %dot_general3A_23 = tpu.matmul %transpose3A, %get3A_22, %dot_general3A {dimension_numbers = #tpu.dot_dimension_numbers<[1], [0], [0], [1], [0, 0, 1, 1], [], []>, transpose_lhs_hint = false} : vector<2048x3xf32>, vector<3x4xf32>, vector<2048x4xf32> -> vector<2048x4xf32>
    %get3A_24 = arith.constant 0 : index
    %get3A_25 = arith.constant 0 : index
    %get3A_26 = vector.load %arg6[%get3A_24, %get3A_25] : memref<1x4xf32, #tpu.memory_space<vmem>>, vector<1x4xf32>
    %add3A_27 = vector.broadcast %get3A_26 : vector<1x4xf32> to vector<2048x4xf32>
    %add3A_28 = arith.addf %dot_general3A_23, %add3A_27 : vector<2048x4xf32>
    %swap3A_29 = arith.constant 0 : index
    %swap3A_30 = arith.constant 0 : index
    %swap3A_31 = vector.load %arg8[%swap3A_29, %swap3A_30] : memref<2048x4xf32, #tpu.memory_space<vmem>>, vector<2048x4xf32>
    tpu.vector_store %arg8[%swap3A_29, %swap3A_30], %add3A_28 {strides = array<i32>} : memref<2048x4xf32, #tpu.memory_space<vmem>>, vector<2048x4xf32>,
    return
  }
  func.func @transform_0(%arg0: i32) -> (i32, i32) {
    %c0_i32 = arith.constant 0 : i32
    %c0_i32_0 = arith.constant 0 : i32
    return %c0_i32, %arg0 : i32, i32
  }
  func.func @transform_1(%arg0: i32) -> (i32, i32) {
    %c0_i32 = arith.constant 0 : i32
    %c0_i32_0 = arith.constant 0 : i32
    return %c0_i32, %arg0 : i32, i32
  }
  func.func @transform_2(%arg0: i32) -> (i32, i32) {
    %c0_i32 = arith.constant 0 : i32
    %c0_i32_0 = arith.constant 0 : i32
    return %c0_i32, %arg0 : i32, i32
  }
  func.func @transform_3(%arg0: i32) -> (i32, i32) {
    %c0_i32 = arith.constant 0 : i32
    %c0_i32_0 = arith.constant 0 : i32
    %c0_i32_1 = arith.constant 0 : i32
    return %c0_i32, %c0_i32_0 : i32, i32
  }
  func.func @transform_4(%arg0: i32) -> (i32, i32) {
    %c0_i32 = arith.constant 0 : i32
    %c0_i32_0 = arith.constant 0 : i32
    %c0_i32_1 = arith.constant 0 : i32
    return %c0_i32, %c0_i32_0 : i32, i32
  }
  func.func @transform_5(%arg0: i32) -> (i32, i32) {
    %c0_i32 = arith.constant 0 : i32
    %c0_i32_0 = arith.constant 0 : i32
    %c0_i32_1 = arith.constant 0 : i32
    return %c0_i32, %c0_i32_0 : i32, i32
  }
  func.func @transform_6(%arg0: i32) -> (i32, i32) {
    %c0_i32 = arith.constant 0 : i32
    %c0_i32_0 = arith.constant 0 : i32
    return %arg0, %c0_i32 : i32, i32
  }
  func.func @transform_7(%arg0: i32) -> (i32, i32) {
    %c0_i32 = arith.constant 0 : i32
    %c0_i32_0 = arith.constant 0 : i32
    return %arg0, %c0_i32 : i32, i32
  }
}

</mosaic_0001>

<sc_bundles>
// kernel: kernel.10.cloned.1.call-start
scs
__scs_entry_jumppad:
0x0: {  	(pc) =	sbr.rel $0x88, $3  }
0x1: {  	(tag) =	ssettag $0x0;
	lr =	simm.s32 $0x1  }
0x2: {  	[smem:$0x3F9B] =	sst lr;
	_ =	strace $0xD0000000  }
0x3: {  	_ = 	snop  }
0x4: {  	_ = 	snop  }
0x5: {  	_ = 	snop  }
0x6: {  	_ = 	snop  }
0x7: {  	_ = 	snop  }
__scs_overlays_trampoline_lowered:
0x8: {  	[smem:$0x3FAA] =	sst s0  }
0x9: {  	[smem:$0x3FAB] =	sst s1  }
0xa: {  	[smem:$0x3FAC] =	sst s2  }
0xb: {  	[smem:$0x3FAD] =	sst s3  }
0xc: {  	[smem:$0x3FAE] =	sst s4  }
0xd: {  	[smem:$0x3FAF] =	sst s5  }
0xe: {  	[smem:$0x3FB0] =	sst s6  }
0xf: {  	[smem:$0x3FB1] =	sst s7  }
0x10: {  	[smem:$0x3FB2] =	sst s8  }
0x11: {  	[smem:$0x3FB3] =	sst s9;
	s0 =	simm.s32 @!p0 $0x0  }
0x12: {  	s1 =	sld [smem:$0x3F99];
	s0 =	simm.s32 @p0 $0x1  }
0x13: {  	[smem:$0x3FB4] =	sst s0;
	s0 =	simm.s32 @!p1 $0x0  }
0x14: {  	s2 =	sld [smem:$0x3F98];
	s0 =	simm.s32 @p1 $0x1  }
0x15: {  	[smem:$0x3FB5] =	sst s0;
	s0 =	simm.s32 @!p2 $0x0  }
0x16: {  	s3 =	sld [smem:$0x3FDB];
	s0 =	simm.s32 @p2 $0x1  }
0x17: {  	s4 =	simm.s32 $0x1BF5;
	[smem:$0x3FB7] =	sst s0  }
0x18: {  	s0 =	sld [smem:$0x3F9A];
	_ =	swait.ge [sflag:s4], $0x0  }
0x19: {  	s7 =	sld [smem:$0x3F9B]  }
0x1a: {  	s8 =	sadd.s32 $0xFFFFE003, lr  }
0x1b: {  	s9 =	sadd.s32 $0xFFFFFEF7, lr;
	s5 =	simm.s32 $0xFFFFFFFF;
	p2 =	slt.u32 s8, $0xFFFFF086  }
0x1c: {  	p1 =	slt.u32 s9, $0xF7A;
	s5 =	simm.s32 @!p2 $0x0  }
0x1d: {  	s5 =	simm.s32 @p1 $0x1;
	p0 =	seq.s32 s7, s2  }
0x1e: {  	s7 =	smul.u32 @!p0 $0xF7A, s2;
	p2 =	seq.s32 @!p0 s5, $0x0  }
0x1f: {  	s9 =	smul.u32 $0xF7A, s1;
	s8 =	simm.s32 @!p0 $0x1BF5;
	p2 =	por !p2, p0  }
0x20: {  	[sflag:s8] =	ssyncset.s32 @!p0 $0xFFFFF086;
	s6 =	sadd.s32 @!p0 s3, s7;
	s7 =	simm.s32 @!p0 $0x108  }
0x21: {  	s3 =	sadd.s32 s3, s9;
	s6 =	sadd.s32 @!p0 $0x88, s6;
	s7 =	simm.s32 @p2 $0x1082  }
0x22: {  	[simem:s7], [sflag:s8] =	dma.local @!p0 [hbm:s6], $0xF7A  }
0x23: {  	s9 =	sor.u32 $0xD0000000, s2;
	s6 =	simm.s32 $0x108;
	_ =	swait.ge @!p0 [sflag:s8], $0x0  }
0x24: {  	s3 =	sadd.s32 $0x88, s3;
	s6 =	simm.s32 @!p1 $0x1082;
	[sflag:s4] =	ssyncset.s32 $0xFFFFF086  }
0x25: {  	[simem:s6], [sflag:s4] =	dma.local [hbm:s3], $0xF7A  }
0x26: {  	[smem:$0x3F9B] =	sst s1;
	(tag) =	ssettag s2;
	_ =	strace s9  }
0x27: {  	s1 =	sld [smem:$0x3FAB]  }
0x28: {  	s2 =	sld [smem:$0x3FAC]  }
0x29: {  	s4 =	sld [smem:$0x3FAE]  }
0x2a: {  	p0 =	seq.s32 s5, $0x0;
	s5 =	sld [smem:$0x3FAF]  }
0x2b: {  	s6 =	sld [smem:$0x3FB0]  }
0x2c: {  	s7 =	sld [smem:$0x3FB1]  }
0x2d: {  	s3 =	simm.s32 $0x108;
	s8 =	sld [smem:$0x3FB2]  }
0x2e: {  	s3 =	simm.s32 @!p0 $0x1082;
	s9 =	sld [smem:$0x3FB3]  }
0x2f: {  	lr =	sadd.s32 s0, s3;
	s0 =	sld [smem:$0x3FAA]  }
0x30: {  	s3 =	sld [smem:$0x3FAD]  }
0x31: {  	[smem:$0x3FB6] =	sst s10  }
0x32: {  	s10 =	sld [smem:$0x3FB4];
	_ =	sdelay $0x3  }
0x33: {  	p0 =	seq.s32 s10, $0x1;
	s10 =	sld [smem:$0x3FB6];
	_ =	sdelay $0x3  }
0x34: {  	[smem:$0x3FB6] =	sst s10  }
0x35: {  	s10 =	sld [smem:$0x3FB5];
	_ =	sdelay $0x3  }
0x36: {  	p1 =	seq.s32 s10, $0x1;
	s10 =	sld [smem:$0x3FB6];
	_ =	sdelay $0x3  }
0x37: {  	[smem:$0x3FB6] =	sst s10  }
0x38: {  	s10 =	sld [smem:$0x3FB7]  }
0x39: {  	_ = 	snop;
	(pc) =	sbr.ind lr, $3  }
0x3a: {  	_ = 	snop  }
0x3b: {  	_ = 	snop  }
0x3c: {  	p2 =	seq.s32 s10, $0x1;
	s10 =	sld [smem:$0x3FB6]  }
0x3d: {  	_ =	shalt  }
0x3e: {  	_ =	shalt  }
0x3f: {  	_ =	shalt  }
0x40: {  	_ =	shalt  }
0x41: {  	_ =	shalt  }
0x42: {  	_ =	shalt  }
0x43: {  	_ =	shalt  }
0x44: {  	_ =	shalt  }
0x45: {  	_ =	shalt  }
0x46: {  	_ =	shalt  }
0x47: {  	_ =	shalt  }
0x48: {  	_ =	shalt  }
0x49: {  	_ =	shalt  }
0x4a: {  	_ =	shalt  }
0x4b: {  	_ =	shalt  }
0x4c: {  	_ =	shalt  }
0x4d: {  	_ =	shalt  }
0x4e: {  	_ =	shalt  }
0x4f: {  	_ =	shalt  }
0x50: {  	_ =	shalt  }
0x51: {  	_ =	shalt  }
0x52: {  	_ =	shalt  }
0x53: {  	_ =	shalt  }
0x54: {  	_ =	shalt  }
0x55: {  	_ =	shalt  }
0x56: {  	_ =	shalt  }
0x57: {  	_ =	shalt  }
0x58: {  	_ =	shalt  }
0x59: {  	_ =	shalt  }
0x5a: {  	_ =	shalt  }
0x5b: {  	_ =	shalt  }
0x5c: {  	_ =	shalt  }
0x5d: {  	_ =	shalt  }
0x5e: {  	_ =	shalt  }
0x5f: {  	_ =	shalt  }
0x60: {  	_ =	shalt  }
0x61: {  	_ =	shalt  }
0x62: {  	_ =	shalt  }
0x63: {  	_ =	shalt  }
0x64: {  	_ =	shalt  }
0x65: {  	_ =	shalt  }
0x66: {  	_ =	shalt  }
0x67: {  	_ =	shalt  }
0x68: {  	_ =	shalt  }
0x69: {  	_ =	shalt  }
0x6a: {  	_ =	shalt  }
0x6b: {  	_ =	shalt  }
0x6c: {  	_ =	shalt  }
0x6d: {  	_ =	shalt  }
0x6e: {  	_ =	shalt  }
0x6f: {  	_ =	shalt  }
0x70: {  	_ =	shalt  }
0x71: {  	_ =	shalt  }
0x72: {  	_ =	shalt  }
0x73: {  	_ =	shalt  }
0x74: {  	_ =	shalt  }
0x75: {  	_ =	shalt  }
0x76: {  	_ =	shalt  }
0x77: {  	_ =	shalt  }
0x78: {  	_ =	shalt  }
0x79: {  	_ =	shalt  }
0x7a: {  	_ =	shalt  }
0x7b: {  	_ =	shalt  }
0x7c: {  	_ =	shalt  }
0x7d: {  	_ =	shalt  }
0x7e: {  	_ =	shalt  }
0x7f: {  	_ =	shalt  }
0x80: {  	_ =	shalt  }
0x81: {  	_ =	shalt  }
0x82: {  	_ =	shalt  }
0x83: {  	_ =	shalt  }
0x84: {  	_ =	shalt  }
0x85: {  	_ =	shalt  }
0x86: {  	_ =	shalt  }
0x87: {  	_ =	shalt  }
.Lfunc_end0:
.L_simem_size_0:
called_computation.1_lowered:
.L_overlay_start_0:
0x88: {  	s2 =	sld [smem:$0x3FD9]  }
0x89: {  	s3 =	sld [smem:$0x3FFE];
	_ =	sdelay $0x1  }
0x8a: {  	s1 =	srdreg.scid  }
0x8b: {  	s0 =	sand.u32 $0x1, s1  }
0x8c: {  	s14 =	sshll.u32 s0, $0xA;
	s2 =	sadd.s32 s3, s2  }
0x8d: {  	s2 =	sadd.s32 s2, s14  }
0x8e: {  	[smem:$0x3FC2] =	sst s2  }
0x8f: {  	_ = 	snop  }
0x90: {  	s2 =	sld [smem:$0x3FD0];
	_ =	sdelay $0x2  }
0x91: {  	s4 =	simm.s32 $0xA;
	s5 =	simm.s32 $0x10;
	s15 =	sld [smem:$0x3FC8]  }
0x92: {  	[smem:s5], [sflag:s4] =	dma.local [hbm:s2], $0x1  }
0x93: {  	_ =	swait.eq [sflag:s4], $0x1  }
0x94: {  	[sflag:s4] =	ssyncset.done $0x0  }
0x95: {  	[sflag:s4] =	ssyncadd.s32 $0xFFFFFFFF  }
0x96: {  	s16 =	sld [smem:$0x11];
	(tm) =	ssettm $0x1  }
0x97: {  	s17 =	sld [smem:$0x3FFB];
	_ =	sdelay $0x3  }
0x98: {  	_ =	strace s17  }
0x99: {  	s4 =	sld [smem:$0x3FFC];
	_ =	sdelay $0x3  }
0x9a: {  	_ =	strace s4  }
0x9b: {  	s4 =	sld [smem:$0x3FFD];
	_ =	sdelay $0x3  }
0x9c: {  	_ =	strace s4  }
0x9d: {  	_ =	strace $0x8FFFFFFF  }
0x9e: {  	s18 =	sld [smem:$0x3FDB];
	_ =	sdelay $0x1  }
0x9f: {  	s19 =	simm.s32 $_scs_section_size  }
0xa0: {  	s6 =	simm.s32 $_size__tile_overlayer_lowered;
	s7 =	simm.s32 $_tile_overlayer_lowered  }
0xa1: {  	s22 =	simm.s32 $0x1BFF;
	s21 =	sshll.u32 s7, $0x1;
	s4 =	sadd.s32 s19, s18  }
0xa2: {  	s8 =	simm.s32 $0x0;
	s20 =	sshll.u32 s6, $0x1;
	s6 =	sadd.s32 s21, s4  }
0xa3: {  	[timem:s8], [sflag:s22] =	dma.local [hbm:s6], s20  }
0xa4: {  	_ =	swait.ge [sflag:s22], s20  }
0xa5: {  	s5 =	ssub.s32 $0x0, s20;
	[sflag:s22] =	ssyncset.done $0x0  }
0xa6: {  	[sflag:s22] =	ssyncadd.s32 s5;
	_ =	sdelay $0x1  }
0xa7: {  	s23 =	simm.s32 $0x1B8B  }
0xa8: {  	_ =	swait.ge [sflag:s23], $0x1  }
0xa9: {  	[sflag:s23] =	ssyncset.done $0x0  }
0xaa: {  	s25 =	simm.s32 $0x1B8E;
	s24 =	sld [smem:$0x3FFE];
	[sflag:s23] =	ssyncadd.s32 $0xFFFFFFFF  }
0xab: {  	s26 =	simm.s32 $execute0_lowered;
	[smem:$0x3FD2] =	sst s25  }
0xac: {  	s6 =	sshll.u32 s26, $0x1;
	_ =	strace $0x80000049;
	[dreg:$0x1] =	wrdreg $0xFFFFFFFF  }
0xad: {  	s28 =	simm.s32 $_size_execute0_lowered;
	s4 =	sadd.s32 s4, s6;
	[dreg:$0x0] =	wrdreg $0x0  }
0xae: {  	s6 =	sshll.u32 s28, $0x1;
	[dreg:$0x2] =	wrdreg s4  }
0xaf: {  	[dreg:$0x3] =	wrdreg s6  }
0xb0: {  	[dreg:$0x4] =	wrdreg $0xC0  }
0xb1: {  	_ =	task [dreg:s8], $0x5FFFF  }
0xb2: {  	[dreg:$0x1] =	wrdreg $0xFFFFFFFF  }
0xb3: {  	[dreg:$0x0] =	wrdreg $0x60  }
0xb4: {  	[dreg:$0x2] =	wrdreg s15  }
0xb5: {  	[dreg:$0x3] =	wrdreg s16  }
0xb6: {  	[dreg:$0x4] =	wrdreg s24  }
0xb7: {  	[dreg:$0x5] =	wrdreg $0x142800  }
0xb8: {  	[dreg:$0x6] =	wrdreg $0x9  }
0xb9: {  	_ =	task.clear_ibuf [dreg:s8], $0x7FFFF;
	_ =	strace $0x90000049  }
0xba: {  	s29 =	simm.s32 $0x9;
	_ =	strace $0x8000004B  }
0xbb: {  	_ =	swait.ge [sflag:s29], $0x1  }
0xbc: {  	[sflag:s29] =	ssyncadd.s32 $0xFFFFFFFF  }
0xbd: {  	_ =	strace $0x9000004B  }
0xbe: {  	_ =	sfence  }
0xbf: {  	s30 =	sld [smem:$0x0];
	_ =	sdelay $0x2  }
0xc0: {  	s31 =	sshll.u32 s1, $0xD;
	s1 =	sshrl.u32 s1, $0x2  }
0xc1: {  	s3 =	sand.u32 $0x4000, s31;
	s1 =	sadd.s32 s1, s30  }
0xc2: {  	s0 =	sor.u32 s3, s0;
	s1 =	sshll.u32 s1, $0x11  }
0xc3: {  	s0 =	sor.u32 s1, s0  }
0xc4: {  	s0 =	sadd.s32 $0x8F2B, s0  }
0xc5: {  	[sflag:s0] =	ssyncadd.remote.s32 $0x1  }
0xc6: {  	_ =	sfence.sel $0xFFFF  }
0xc7: {  	[dreg:$0x0] =	wrdreg $0xFFFFFFFF;
	(pc) =	sbr.abs _section_cstart, $3  }
0xc8: {  	[dreg:$0x1] =	wrdreg $0xFFFFFFFF  }
0xc9: {  	_ =	task.clear_ibuf [dreg:s8], $0x2FFFF;
	_ =	strace $0x9FFFFFFF  }
0xca: {  	(tm) =	ssettm $0x7FFFFFFF  }
0xcb: {  	_ =	shalt  }
tec
execute0_lowered:
.L_overlay_start_1:
0x0: {  	(tag) =	ssettag $0x1  }
0x1: {  	s0 =	rddreg [dreg:$0x0]  }
0x2: {  	s9 =	rddreg [dreg:$0x1]  }
0x3: {  	s1 =	srdreg.scid;
	s2 =	rddreg [dreg:$0x2]  }
0x4: {  	s14 =	stileid.u32;
	s6 =	rddreg [dreg:$0x3];
	s7 =	simm.s32 $0x0  }
0x5: {  	s1 =	sand.u32 $0x1, s1;
	s5 =	smul.u32 $0x280, s14;
	[smem:$0x7FF] =	sst s7  }
0x6: {  	s11 =	sadd.s32 $0x500, s9;
	s12 =	sadd.s32 $0xA00, s9;
	s21 =	smul.u32 $0x1388, s14  }
0x7: {  	s3 =	smul.u32 $0x7800, s1;
	_ =	strace $0x8000004A;
	[dreg:$0x6] =	wrdreg s11  }
0x8: {  	s4 =	sshll.u32 s1, $0x4;
	s1 =	ssub.s32 $0x2, s1;
	[dreg:$0x7] =	wrdreg s12  }
0x9: {  	s4 =	sor.u32 s14, s4;
	s8 =	sshrl.u32 s1, $0x1;
	s20 =	sadd.s32 s5, s6  }
0xa: {  	s22 =	sshrl.u32 s21, $0x4;
	s21 =	simm.s32 $0xF000;
	s3 =	sadd.s32 s5, s3  }
0xb: {  	s4 =	smul.u32 $0x1388, s4;
	s1 =	ssub.s32 s1, s8;
	s28 =	sadd.s32 $0x16800, s20  }
0xc: {  	s29 =	sadd.s32 $0x19000, s20;
	s30 =	sadd.s32 $0x1B800, s20;
	s31 =	sadd.s32 $0x1E000, s20  }
0xd: {  	[dreg:$0x11] =	wrdreg s20;
	s5 =	simm.s32 $0x2800;
	s3 =	sshrl.u32 s3, $0x3  }
0xe: {  	s1 =	smax.u32 s1, $0x1;
	s2 =	sadd.s32 s3, s2;
	s10 =	sshrl.u32 s4, $0x2  }
0xf: {  	s3 =	sand.u32 $0x8, s4;
	s4 =	sand.u32 $0x70, s4;
	[dreg:$0xe] =	wrdreg s1  }
0x10: {  	s1 =	sadd.s32 $0x25800, s20;
	s7 =	sand.u32 $0xFFE0, s10;
	s8 =	sadd.s32 $0x8, s3  }
0x11: {  	s13 =	sadd.s32 $0x1350, s4;
	s16 =	sadd.s32 $0x1360, s4;
	s11 =	sadd.s32 $0x1370, s4  }
0x12: {  	s23 =	sadd.s32 $0x1600, s2;
	s24 =	sadd.s32 $0x1B00, s2;
	s2 =	sadd.s32 $0x2000, s2  }
0x13: {  	s0 =	sadd.s32 s0, s7;
	s15 =	sand.u32 $0x70, s13;
	s10 =	sshll.u32 s16, $0x1  }
0x14: {  	s9 =	sand.u32 $0x70, s16;
	s12 =	sshll.u32 s11, $0x1;
	[dreg:$0xb] =	wrdreg s23  }
0x15: {  	s11 =	sand.u32 $0x70, s11;
	s16 =	sadd.s32 $0xA000, s20;
	[dreg:$0xc] =	wrdreg s24  }
0x16: {  	[dreg:$0xd] =	wrdreg s2;
	s24 =	sadd.s32 $0xF000, s20;
	s2 =	sadd.s32 $0x20800, s20  }
0x17: {  	s7 =	simm.s32 $0x7800;
	v3 =	vmov s8;
	s8 =	simm.s32 $0x0;
	s23 =	simm.s32 $0x0  }
0x18: {  	[dreg:$0x5] =	wrdreg s0;
	s0 =	sshll.u32 s13, $0x1;
	s10 =	sand.u32 $0x2700, s10  }
0x19: {  	s12 =	sand.u32 $0x2700, s12;
	s13 =	smul.u32 $0xA000, s14;
	s17 =	sor.u32 s9, s10  }
0x1a: {  	s0 =	sand.u32 $0x2700, s0;
	s18 =	sor.u32 s11, s12;
	[dreg:$0x9] =	wrdreg s17  }
0x1b: {  	s14 =	sadd.s32 $0x5000, s20;
	s0 =	sor.u32 s15, s0;
	[dreg:$0xa] =	wrdreg s18  }
0x1c: {  	s19 =	sshrl.u32 s13, $0x2;
	s13 =	sadd.s32 $0x2800, s20;
	s15 =	sadd.s32 $0x7800, s20  }
0x1d: {  	s17 =	sadd.s32 $0xC800, s20;
	[dreg:$0x8] =	wrdreg s0;
	s0 =	sand.u32 $0x7, s22  }
0x1e: {  	s18 =	simm.s32 $0x1;
	s12 =	sadd.s32 s19, s6;
	s25 =	sshll.u32 s0, $0x5  }
0x1f: {  	s6 =	simm.s32 $0x5000;
	s0 =	sshll.u32 s0, $0x4;
	s26 =	sadd.s32 $0x80, s25  }
0x20: {  	v1 =	vlaneseq.u32;
	s19 =	simm.s32 $0xA000;
	s0 =	sadd.s32 $0x40, s0;
	[dreg:$0xf] =	wrdreg s26  }
0x21: {  	v4 =	vadd.s32 $0x1, v1;
	v2 =	vmov s3;
	s22 =	simm.s32 $0x2;
	s25 =	sadd.s32 $0x11800, s20;
	[dreg:$0x10] =	wrdreg s0  }
0x22: {  	v0 =	vimm.f32 $0.0e+00;
	vm0 =	vlt.u32 v2, v4;
	vm1 =	vgt.u32 v3, v1;
	s26 =	sadd.s32 $0x14000, s20;
	s0 =	sadd.s32 $0x23000, s20;
	s20 =	simm.s32 $0xC800  }
.LBB2_1:
0x23: {  	s11 =	smov.u32 s1;
	s1 =	smov.u32 s0  }
0x24: {  	s0 =	smov.u32 s2;
	s2 =	smov.u32 s31;
	s31 =	smov.u32 s30  }
0x25: {  	s30 =	smov.u32 s29;
	s29 =	smov.u32 s28;
	s28 =	smov.u32 s26  }
0x26: {  	s26 =	smov.u32 s25;
	s25 =	smov.u32 s24;
	s3 =	rddreg [dreg:$0x5]  }
0x27: {  	[tilespmem:s8], [sflag:$0x1] =	stream.linear.gather [hbm4b:s3+s8], $0x2800, $0x38;
	[tilespmem:$0x16A80] =	vst v63  }
0x28: {  	s24 =	smov.u32 s17;
	s17 =	smov.u32 s16;
	s9 =	rddreg [dreg:$0x1]  }
0x29: {  	[tilespmem:s5], [sflag:$0x1] =	stream.linear.gather [hbm4b:s9+s8], $0x2800, $0x38;
	[tilespmem:$0x16A80] =	vst v63  }
0x2a: {  	s16 =	smov.u32 s15;
	s15 =	smov.u32 s14;
	s10 =	rddreg [dreg:$0x6]  }
0x2b: {  	[tilespmem:s6], [sflag:$0x1] =	stream.linear.gather [hbm4b:s10+s8], $0x2800, $0x38;
	[tilespmem:$0x16A80] =	vst v63  }
0x2c: {  	s14 =	smov.u32 s13;
	s13 =	smov.u32 s12;
	s12 =	rddreg [dreg:$0x7]  }
0x2d: {  	[tilespmem:s7], [sflag:$0x1] =	stream.linear.gather [hbm4b:s12+s8], $0x2800, $0x38;
	[tilespmem:$0x16A80] =	vst v63  }
0x2e: {  	s3 =	simm.s32 $0x40;
	s8 =	simm.s32 $0x0  }
.LBB2_2:
0x2f: {  	p0 =	sne.s32 s3, $0x9FC0;
	[tilespmem:s8+$0xF000] =	vst v0;
	s9 =	smov.u32 s3;
	s3 =	sadd.s32 $0x40, s3  }
.Ltmp0:
0x30: {  	[tilespmem:s8+$0xA000] =	vst v0;
	(pc) =	sbr.rel @p0 .LBB2_2-.Ltmp0, $2  }
0x31: {  	[tilespmem:s8+$0xC800] =	vst v0;
	_ =	sdelay $0x2  }
0x32: {  	s8 =	sshra.s32 s9, $0x2  }
0x33: {  	[tilespmem:s8+$0xF000] =	vst v0  }
0x34: {  	[tilespmem:s8+$0xA000] =	vst v0  }
0x35: {  	[tilespmem:s8+$0xC800] =	vst v0  }
0x36: {  	_ =	swait.ge [sflag:s18], $0x2800  }
0x37: {  	[sflag:s18] =	ssyncset.done $0x0  }
0x38: {  	[sflag:s18] =	ssyncadd.s32 $0xFFFFD800  }
0x39: {  	_ =	swait.ge [sflag:s18], $0x2800  }
0x3a: {  	[sflag:s18] =	ssyncset.done $0x0  }
0x3b: {  	[sflag:s18] =	ssyncadd.s32 $0xFFFFD800  }
0x3c: {  	_ =	swait.ge [sflag:s18], $0x2800  }
0x3d: {  	[sflag:s18] =	ssyncset.done $0x0  }
0x3e: {  	[sflag:s18] =	ssyncadd.s32 $0xFFFFD800  }
0x3f: {  	_ =	swait.ge [sflag:s18], $0x2800  }
0x40: {  	[sflag:s18] =	ssyncset.done $0x0  }
0x41: {  	[sflag:s18] =	ssyncadd.s32 $0xFFFFD800  }
0x42: {  	v1 =	vld [tilespmem:s4+$0x0];
	_ =	sdelay $0x4  }
0x43: {  	v2 =	vld [tilespmem:s4+$0x80];
	_ =	sdelay $0x2  }
0x44: {  	v3 =	vld.idx.msk [tilespmem:v1+s5+$0x0], vm0;
	_ =	sdelay $0x4  }
0x45: {  	[tilespmem:v2+s19+$0x0] =	vst.idx.add.f32.msk vm0, v3  }
0x46: {  	v3 =	vld.idx.msk [tilespmem:v1+s6+$0x0], vm0;
	_ =	sdelay $0x4  }
0x47: {  	[tilespmem:v2+s20+$0x0] =	vst.idx.add.f32.msk vm0, v3  }
0x48: {  	v1 =	vld.idx.msk [tilespmem:v1+s7+$0x0], vm0;
	_ =	sdelay $0x3  }
0x49: {  	s8 =	rddreg [dreg:$0x10]  }
0x4a: {  	s3 =	simm.s32 $0xFFFFFFFC;
	s9 =	rddreg [dreg:$0xf];
	[tilespmem:v2+s21+$0x0] =	vst.idx.add.f32.msk vm0, v1  }
.LBB2_4:
0x4b: {  	s10 =	sadd.s32 $0xFFFFFFD0, s8;
	s12 =	sadd.s32 $0xFFFFFFA0, s9  }
0x4c: {  	s10 =	sand.u32 $0x70, s10;
	s12 =	sand.u32 $0x7F00, s12  }
0x4d: {  	s10 =	sor.u32 s10, s12  }
0x4e: {  	v1 =	vld [tilespmem:s10+$0x0];
	_ =	sdelay $0x4  }
0x4f: {  	v2 =	vld [tilespmem:s10+$0x80];
	_ =	sdelay $0x2  }
0x50: {  	v3 =	vld.idx.msk [tilespmem:v1+s5+$0x0], $0xffff;
	_ =	sdelay $0x4  }
0x51: {  	[tilespmem:v2+s19+$0x0] =	vst.idx.add.f32.msk $0xffff, v3  }
0x52: {  	v3 =	vld.idx.msk [tilespmem:v1+s6+$0x0], $0xffff;
	_ =	sdelay $0x4  }
0x53: {  	[tilespmem:v2+s20+$0x0] =	vst.idx.add.f32.msk $0xffff, v3  }
0x54: {  	v1 =	vld.idx.msk [tilespmem:v1+s7+$0x0], $0xffff;
	_ =	sdelay $0x2  }
0x55: {  	s12 =	sadd.s32 $0xFFFFFFC0, s9;
	s10 =	sadd.s32 $0xFFFFFFE0, s8  }
0x56: {  	s12 =	sand.u32 $0x7F00, s12;
	s10 =	sand.u32 $0x70, s10  }
0x57: {  	s10 =	sor.u32 s10, s12;
	[tilespmem:v2+s21+$0x0] =	vst.idx.add.f32.msk $0xffff, v1  }
0x58: {  	v1 =	vld [tilespmem:s10+$0x0];
	_ =	sdelay $0x4  }
0x59: {  	v2 =	vld [tilespmem:s10+$0x80];
	_ =	sdelay $0x2  }
0x5a: {  	v3 =	vld.idx.msk [tilespmem:v1+s5+$0x0], $0xffff;
	_ =	sdelay $0x4  }
0x5b: {  	[tilespmem:v2+s19+$0x0] =	vst.idx.add.f32.msk $0xffff, v3  }
0x5c: {  	v3 =	vld.idx.msk [tilespmem:v1+s6+$0x0], $0xffff;
	_ =	sdelay $0x4  }
0x5d: {  	[tilespmem:v2+s20+$0x0] =	vst.idx.add.f32.msk $0xffff, v3  }
0x5e: {  	v1 =	vld.idx.msk [tilespmem:v1+s7+$0x0], $0xffff;
	_ =	sdelay $0x2  }
0x5f: {  	s12 =	sadd.s32 $0xFFFFFFE0, s9;
	s10 =	sadd.s32 $0xFFFFFFF0, s8  }
0x60: {  	s12 =	sand.u32 $0x7F00, s12;
	s10 =	sand.u32 $0x70, s10  }
0x61: {  	s10 =	sor.u32 s10, s12;
	[tilespmem:v2+s21+$0x0] =	vst.idx.add.f32.msk $0xffff, v1  }
0x62: {  	v1 =	vld [tilespmem:s10+$0x0];
	_ =	sdelay $0x4  }
0x63: {  	v2 =	vld [tilespmem:s10+$0x80];
	_ =	sdelay $0x2  }
0x64: {  	v3 =	vld.idx.msk [tilespmem:v1+s5+$0x0], $0xffff;
	_ =	sdelay $0x4  }
0x65: {  	[tilespmem:v2+s19+$0x0] =	vst.idx.add.f32.msk $0xffff, v3  }
0x66: {  	v3 =	vld.idx.msk [tilespmem:v1+s6+$0x0], $0xffff;
	_ =	sdelay $0x4  }
0x67: {  	[tilespmem:v2+s20+$0x0] =	vst.idx.add.f32.msk $0xffff, v3  }
0x68: {  	v1 =	vld.idx.msk [tilespmem:v1+s7+$0x0], $0xffff;
	_ =	sdelay $0x3  }
0x69: {  	s12 =	sand.u32 $0xFF00, s9;
	s10 =	sand.u32 $0x70, s8  }
0x6a: {  	s10 =	sor.u32 s10, s12;
	[tilespmem:v2+s21+$0x0] =	vst.idx.add.f32.msk $0xffff, v1  }
0x6b: {  	v1 =	vld [tilespmem:s10+$0x0];
	_ =	sdelay $0x4  }
0x6c: {  	v2 =	vld [tilespmem:s10+$0x80];
	_ =	sdelay $0x2  }
0x6d: {  	v3 =	vld.idx.msk [tilespmem:v1+s5+$0x0], $0xffff;
	_ =	sdelay $0x4  }
0x6e: {  	[tilespmem:v2+s19+$0x0] =	vst.idx.add.f32.msk $0xffff, v3  }
0x6f: {  	v3 =	vld.idx.msk [tilespmem:v1+s6+$0x0], $0xffff;
	_ =	sdelay $0x4  }
0x70: {  	s3 =	sadd.s32 $0x4, s3;
	[tilespmem:v2+s20+$0x0] =	vst.idx.add.f32.msk $0xffff, v3  }
0x71: {  	p0 =	slt.u32 s3, $0x130;
	v1 =	vld.idx.msk [tilespmem:v1+s7+$0x0], $0xffff  }
.Ltmp1:
0x72: {  	_ = 	snop;
	(pc) =	sbr.rel @p0 .LBB2_4-.Ltmp1, $2  }
0x73: {  	_ =	sdelay $0x2  }
0x74: {  	s9 =	sadd.s32 $0x80, s9;
	s8 =	sadd.s32 $0x40, s8;
	[tilespmem:v2+s21+$0x0] =	vst.idx.add.f32.msk $0xffff, v1  }
0x75: {  	s3 =	rddreg [dreg:$0x8]  }
0x76: {  	v1 =	vld [tilespmem:s3+$0x0];
	_ =	sdelay $0x4  }
0x77: {  	v2 =	vld [tilespmem:s3+$0x80];
	_ =	sdelay $0x2  }
0x78: {  	v3 =	vld.idx.msk [tilespmem:v1+s5+$0x0], $0xffff;
	_ =	sdelay $0x4  }
0x79: {  	[tilespmem:v2+s19+$0x0] =	vst.idx.add.f32.msk $0xffff, v3  }
0x7a: {  	v3 =	vld.idx.msk [tilespmem:v1+s6+$0x0], $0xffff;
	_ =	sdelay $0x4  }
0x7b: {  	[tilespmem:v2+s20+$0x0] =	vst.idx.add.f32.msk $0xffff, v3  }
0x7c: {  	v1 =	vld.idx.msk [tilespmem:v1+s7+$0x0], $0xffff;
	_ =	sdelay $0x4  }
0x7d: {  	s8 =	rddreg [dreg:$0x9];
	[tilespmem:v2+s21+$0x0] =	vst.idx.add.f32.msk $0xffff, v1  }
0x7e: {  	v1 =	vld [tilespmem:s8+$0x0];
	_ =	sdelay $0x4  }
0x7f: {  	v2 =	vld [tilespmem:s8+$0x80];
	_ =	sdelay $0x2  }
0x80: {  	v3 =	vld.idx.msk [tilespmem:v1+s5+$0x0], $0xffff;
	_ =	sdelay $0x4  }
0x81: {  	[tilespmem:v2+s19+$0x0] =	vst.idx.add.f32.msk $0xffff, v3  }
0x82: {  	v3 =	vld.idx.msk [tilespmem:v1+s6+$0x0], $0xffff;
	_ =	sdelay $0x4  }
0x83: {  	[tilespmem:v2+s20+$0x0] =	vst.idx.add.f32.msk $0xffff, v3  }
0x84: {  	v1 =	vld.idx.msk [tilespmem:v1+s7+$0x0], $0xffff;
	_ =	sdelay $0x4  }
0x85: {  	s9 =	rddreg [dreg:$0xa];
	[tilespmem:v2+s21+$0x0] =	vst.idx.add.f32.msk $0xffff, v1  }
0x86: {  	v1 =	vld [tilespmem:s9+$0x0];
	_ =	sdelay $0x4  }
0x87: {  	v2 =	vld [tilespmem:s9+$0x80];
	_ =	sdelay $0x2  }
0x88: {  	v3 =	vld.idx.msk [tilespmem:v1+s5+$0x0], $0xffff;
	_ =	sdelay $0x4  }
0x89: {  	[tilespmem:v2+s19+$0x0] =	vst.idx.add.f32.msk $0xffff, v3  }
0x8a: {  	v3 =	vld.idx.msk [tilespmem:v1+s6+$0x0], $0xffff;
	_ =	sdelay $0x4  }
0x8b: {  	[tilespmem:v2+s20+$0x0] =	vst.idx.add.f32.msk $0xffff, v3  }
0x8c: {  	v1 =	vld.idx.msk [tilespmem:v1+s7+$0x0], $0xffff;
	_ =	sdelay $0x4  }
0x8d: {  	[tilespmem:v2+s21+$0x0] =	vst.idx.add.f32.msk $0xffff, v1  }
0x8e: {  	v1 =	vld [tilespmem:s4+$0x2700];
	_ =	sdelay $0x4  }
0x8f: {  	v2 =	vld [tilespmem:s4+$0x2780];
	_ =	sdelay $0x2  }
0x90: {  	v3 =	vld.idx.msk [tilespmem:v1+s5+$0x0], vm1;
	_ =	sdelay $0x4  }
0x91: {  	[tilespmem:v2+s19+$0x0] =	vst.idx.add.f32.msk vm1, v3  }
0x92: {  	v3 =	vld.idx.msk [tilespmem:v1+s6+$0x0], vm1;
	_ =	sdelay $0x4  }
0x93: {  	[tilespmem:v2+s20+$0x0] =	vst.idx.add.f32.msk vm1, v3  }
0x94: {  	v1 =	vld.idx.msk [tilespmem:v1+s7+$0x0], vm1;
	_ =	sdelay $0x4  }
0x95: {  	[tilespmem:v2+s21+$0x0] =	vst.idx.add.f32.msk vm1, v1  }
0x96: {  	[spmem:s13] =	stream.linear.scatter [tilespmem:s19], [sflag:$0x2], $0x2800, $0x38;
	[tilespmem:$0x16A80] =	vst v63  }
0x97: {  	_ =	swait.ge [sflag:s22], $0x2800  }
0x98: {  	[sflag:s22] =	ssyncset.done $0x0  }
0x99: {  	[sflag:s22] =	ssyncadd.s32 $0xFFFFD800  }
0x9a: {  	[bflag:$0x0] =	sbarrier.arrive $0xFFFF  }
0x9b: {  	s3 =	simm.s32 $0x11A80;
	s8 =	rddreg [dreg:$0x11]  }
0x9c: {  	[tilespmem:s3], [sflag:$0x1] =	stream.linear.gather [spmem:s8], $0x280, $0x38;
	[tilespmem:$0x16A80] =	vst v63  }
0x9d: {  	s10 =	simm.s32 $0x11D00  }
0x9e: {  	[tilespmem:s10], [sflag:$0x1] =	stream.linear.gather [spmem:s14], $0x280, $0x38;
	[tilespmem:$0x16A80] =	vst v63  }
0x9f: {  	s9 =	simm.s32 $0x11F80  }
0xa0: {  	[tilespmem:s9], [sflag:$0x1] =	stream.linear.gather [spmem:s15], $0x280, $0x38;
	[tilespmem:$0x16A80] =	vst v63  }
0xa1: {  	s10 =	simm.s32 $0x12200  }
0xa2: {  	[tilespmem:s10], [sflag:$0x1] =	stream.linear.gather [spmem:s16], $0x280, $0x38;
	[tilespmem:$0x16A80] =	vst v63  }
0xa3: {  	s9 =	simm.s32 $0x12480  }
0xa4: {  	[tilespmem:s9], [sflag:$0x1] =	stream.linear.gather [spmem:s17], $0x280, $0x38;
	[tilespmem:$0x16A80] =	vst v63  }
0xa5: {  	s10 =	simm.s32 $0x12700  }
0xa6: {  	[tilespmem:s10], [sflag:$0x1] =	stream.linear.gather [spmem:s24], $0x280, $0x38;
	[tilespmem:$0x16A80] =	vst v63  }
0xa7: {  	s12 =	smov.u32 s13;
	s9 =	simm.s32 $0x12980  }
0xa8: {  	[tilespmem:s9], [sflag:$0x1] =	stream.linear.gather [spmem:s25], $0x280, $0x38;
	[tilespmem:$0x16A80] =	vst v63  }
0xa9: {  	s13 =	smov.u32 s14;
	s14 =	smov.u32 s15;
	s10 =	simm.s32 $0x12C00  }
0xaa: {  	[tilespmem:s10], [sflag:$0x1] =	stream.linear.gather [spmem:s26], $0x280, $0x38;
	[tilespmem:$0x16A80] =	vst v63  }
0xab: {  	s15 =	smov.u32 s16;
	s16 =	smov.u32 s17;
	s9 =	simm.s32 $0x12E80  }
0xac: {  	[tilespmem:s9], [sflag:$0x1] =	stream.linear.gather [spmem:s28], $0x280, $0x38;
	[tilespmem:$0x16A80] =	vst v63  }
0xad: {  	s17 =	smov.u32 s24;
	s24 =	smov.u32 s25;
	s10 =	simm.s32 $0x13100  }
0xae: {  	[tilespmem:s10], [sflag:$0x1] =	stream.linear.gather [spmem:s29], $0x280, $0x38;
	[tilespmem:$0x16A80] =	vst v63  }
0xaf: {  	s25 =	smov.u32 s26;
	s26 =	smov.u32 s28;
	s9 =	simm.s32 $0x13380  }
0xb0: {  	[tilespmem:s9], [sflag:$0x1] =	stream.linear.gather [spmem:s30], $0x280, $0x38;
	[tilespmem:$0x16A80] =	vst v63  }
0xb1: {  	s28 =	smov.u32 s29;
	s29 =	smov.u32 s30;
	s10 =	simm.s32 $0x13600  }
0xb2: {  	[tilespmem:s10], [sflag:$0x1] =	stream.linear.gather [spmem:s31], $0x280, $0x38;
	[tilespmem:$0x16A80] =	vst v63  }
0xb3: {  	s30 =	smov.u32 s31;
	s9 =	simm.s32 $0x13880;
	s31 =	smov.u32 s2  }
0xb4: {  	[tilespmem:s9], [sflag:$0x1] =	stream.linear.gather [spmem:s31], $0x280, $0x38;
	[tilespmem:$0x16A80] =	vst v63  }
0xb5: {  	s2 =	smov.u32 s0;
	s10 =	simm.s32 $0x13B00  }
0xb6: {  	[tilespmem:s10], [sflag:$0x1] =	stream.linear.gather [spmem:s2], $0x280, $0x38;
	[tilespmem:$0x16A80] =	vst v63  }
0xb7: {  	s8 =	simm.s32 $0x13D80;
	s0 =	smov.u32 s1  }
0xb8: {  	[tilespmem:s8], [sflag:$0x1] =	stream.linear.gather [spmem:s0], $0x280, $0x38;
	[tilespmem:$0x16A80] =	vst v63  }
0xb9: {  	s1 =	smov.u32 s11;
	s11 =	simm.s32 $0x14000  }
0xba: {  	[tilespmem:s11], [sflag:$0x1] =	stream.linear.gather [spmem:s1], $0x280, $0x38;
	[tilespmem:$0x16A80] =	vst v63  }
0xbb: {  	_ =	swait.ge [sflag:s18], $0x280  }
0xbc: {  	[sflag:s18] =	ssyncset.done $0x0  }
0xbd: {  	[sflag:s18] =	ssyncadd.s32 $0xFFFFFD80  }
0xbe: {  	_ =	swait.ge [sflag:s18], $0x280  }
0xbf: {  	[sflag:s18] =	ssyncset.done $0x0  }
0xc0: {  	[sflag:s18] =	ssyncadd.s32 $0xFFFFFD80  }
0xc1: {  	_ =	swait.ge [sflag:s18], $0x280  }
0xc2: {  	[sflag:s18] =	ssyncset.done $0x0  }
0xc3: {  	[sflag:s18] =	ssyncadd.s32 $0xFFFFFD80  }
0xc4: {  	_ =	swait.ge [sflag:s18], $0x280  }
0xc5: {  	[sflag:s18] =	ssyncset.done $0x0  }
0xc6: {  	[sflag:s18] =	ssyncadd.s32 $0xFFFFFD80  }
0xc7: {  	_ =	swait.ge [sflag:s18], $0x280  }
0xc8: {  	[sflag:s18] =	ssyncset.done $0x0  }
0xc9: {  	[sflag:s18] =	ssyncadd.s32 $0xFFFFFD80  }
0xca: {  	_ =	swait.ge [sflag:s18], $0x280  }
0xcb: {  	[sflag:s18] =	ssyncset.done $0x0  }
0xcc: {  	[sflag:s18] =	ssyncadd.s32 $0xFFFFFD80  }
0xcd: {  	_ =	swait.ge [sflag:s18], $0x280  }
0xce: {  	[sflag:s18] =	ssyncset.done $0x0  }
0xcf: {  	[sflag:s18] =	ssyncadd.s32 $0xFFFFFD80  }
0xd0: {  	_ =	swait.ge [sflag:s18], $0x280  }
0xd1: {  	[sflag:s18] =	ssyncset.done $0x0  }
0xd2: {  	[sflag:s18] =	ssyncadd.s32 $0xFFFFFD80  }
0xd3: {  	_ =	swait.ge [sflag:s18], $0x280  }
0xd4: {  	[sflag:s18] =	ssyncset.done $0x0  }
0xd5: {  	[sflag:s18] =	ssyncadd.s32 $0xFFFFFD80  }
0xd6: {  	_ =	swait.ge [sflag:s18], $0x280  }
0xd7: {  	[sflag:s18] =	ssyncset.done $0x0  }
0xd8: {  	[sflag:s18] =	ssyncadd.s32 $0xFFFFFD80  }
0xd9: {  	_ =	swait.ge [sflag:s18], $0x280  }
0xda: {  	[sflag:s18] =	ssyncset.done $0x0  }
0xdb: {  	[sflag:s18] =	ssyncadd.s32 $0xFFFFFD80  }
0xdc: {  	_ =	swait.ge [sflag:s18], $0x280  }
0xdd: {  	[sflag:s18] =	ssyncset.done $0x0  }
0xde: {  	[sflag:s18] =	ssyncadd.s32 $0xFFFFFD80  }
0xdf: {  	_ =	swait.ge [sflag:s18], $0x280  }
0xe0: {  	[sflag:s18] =	ssyncset.done $0x0  }
0xe1: {  	[sflag:s18] =	ssyncadd.s32 $0xFFFFFD80  }
0xe2: {  	_ =	swait.ge [sflag:s18], $0x280  }
0xe3: {  	[sflag:s18] =	ssyncset.done $0x0  }
0xe4: {  	[sflag:s18] =	ssyncadd.s32 $0xFFFFFD80  }
0xe5: {  	_ =	swait.ge [sflag:s18], $0x280  }
0xe6: {  	[sflag:s18] =	ssyncset.done $0x0  }
0xe7: {  	[sflag:s18] =	ssyncadd.s32 $0xFFFFFD80  }
0xe8: {  	_ =	swait.ge [sflag:s18], $0x280  }
0xe9: {  	s9 =	simm.s32 $0x0;
	[sflag:s18] =	ssyncset.done $0x0  }
0xea: {  	s8 =	sand.u32 $0x3F0, s9;
	[sflag:s18] =	ssyncadd.s32 $0xFFFFFD80  }
0xeb: {  	v1 =	vld [tilespmem:s8+$0x11D00]  }
0xec: {  	v2 =	vld [tilespmem:s3+$0x0];
	_ =	sdelay $0x1  }
0xed: {  	v3 =	vld [tilespmem:s8+$0x11F80];
	_ =	sdelay $0x1  }
0xee: {  	v4 =	vld [tilespmem:s8+$0x12200]  }
0xef: {  	v1 =	vadd.f32 v1, v2  }
0xf0: {  	v2 =	vld [tilespmem:s8+$0x12480]  }
0xf1: {  	v1 =	vadd.f32 v3, v1  }
0xf2: {  	v3 =	vld [tilespmem:s8+$0x12700]  }
0xf3: {  	v1 =	vadd.f32 v4, v1  }
0xf4: {  	v60 =	vld [tilespmem:s8+$0x12980]  }
0xf5: {  	v1 =	vadd.f32 v2, v1  }
0xf6: {  	v2 =	vld [tilespmem:s8+$0x12C00]  }
0xf7: {  	v1 =	vadd.f32 v3, v1  }
0xf8: {  	v3 =	vld [tilespmem:s8+$0x12E80]  }
0xf9: {  	v1 =	vadd.f32 v60, v1  }
0xfa: {  	v61 =	vld [tilespmem:s8+$0x13100]  }
0xfb: {  	v1 =	vadd.f32 v2, v1  }
0xfc: {  	v2 =	vld [tilespmem:s8+$0x13380]  }
0xfd: {  	v1 =	vadd.f32 v3, v1  }
0xfe: {  	v3 =	vld [tilespmem:s8+$0x13600]  }
0xff: {  	v1 =	vadd.f32 v61, v1  }
0x100: {  	v62 =	vld [tilespmem:s8+$0x13880]  }
0x101: {  	v1 =	vadd.f32 v2, v1  }
0x102: {  	v2 =	vld [tilespmem:s8+$0x13B00]  }
0x103: {  	v1 =	vadd.f32 v3, v1  }
0x104: {  	v3 =	vld [tilespmem:s8+$0x13D80]  }
0x105: {  	v1 =	vadd.f32 v62, v1  }
0x106: {  	v63 =	vld [tilespmem:s8+$0x14000]  }
0x107: {  	v1 =	vadd.f32 v2, v1;
	_ =	sdelay $0x1  }
0x108: {  	v1 =	vadd.f32 v3, v1;
	_ =	sdelay $0x1  }
0x109: {  	v1 =	vadd.f32 v63, v1  }
0x10a: {  	s10 =	simm.s32 $0x10;
	s8 =	simm.s32 $0x11800  }
0x10b: {  	s9 =	sand.u32 $0x3F0, s10;
	[tilespmem:s8+$0x0] =	vst v1  }
0x10c: {  	s10 =	simm.s32 $0x11A90;
	s3 =	simm.s32 $0x20;
	v1 =	vld [tilespmem:s9+$0x11D00]  }
.LBB2_6:
0x10d: {  	p0 =	sne.s32 s3, $0x270;
	v2 =	vld [tilespmem:s10+$0x0];
	_ =	sdelay $0x1  }
0x10e: {  	v3 =	vld [tilespmem:s9+$0x11F80];
	_ =	sdelay $0x1  }
0x10f: {  	v4 =	vld [tilespmem:s9+$0x12200]  }
0x110: {  	v1 =	vadd.f32 v1, v2  }
0x111: {  	v2 =	vld [tilespmem:s9+$0x12480]  }
0x112: {  	v1 =	vadd.f32 v3, v1  }
0x113: {  	v3 =	vld [tilespmem:s9+$0x12700]  }
0x114: {  	v1 =	vadd.f32 v4, v1  }
0x115: {  	v4 =	vld [tilespmem:s9+$0x12980]  }
0x116: {  	v1 =	vadd.f32 v2, v1  }
0x117: {  	v2 =	vld [tilespmem:s9+$0x12C00]  }
0x118: {  	v1 =	vadd.f32 v3, v1  }
0x119: {  	v3 =	vld [tilespmem:s9+$0x12E80]  }
0x11a: {  	v1 =	vadd.f32 v4, v1  }
0x11b: {  	v4 =	vld [tilespmem:s9+$0x13100]  }
0x11c: {  	v1 =	vadd.f32 v2, v1  }
0x11d: {  	v2 =	vld [tilespmem:s9+$0x13380]  }
0x11e: {  	v1 =	vadd.f32 v3, v1  }
0x11f: {  	v3 =	vld [tilespmem:s9+$0x13600]  }
0x120: {  	v1 =	vadd.f32 v4, v1  }
0x121: {  	v4 =	vld [tilespmem:s9+$0x13880]  }
0x122: {  	v1 =	vadd.f32 v2, v1  }
0x123: {  	v2 =	vld [tilespmem:s9+$0x13B00]  }
0x124: {  	v1 =	vadd.f32 v3, v1  }
0x125: {  	v3 =	vld [tilespmem:s9+$0x13D80]  }
0x126: {  	v1 =	vadd.f32 v4, v1  }
0x127: {  	v4 =	vld [tilespmem:s9+$0x14000]  }
0x128: {  	v1 =	vadd.f32 v2, v1;
	_ =	sdelay $0x1  }
0x129: {  	v1 =	vadd.f32 v3, v1  }
.Ltmp2:
0x12a: {  	(pc) =	sbr.rel @p0 .LBB2_6-.Ltmp2, $4  }
0x12b: {  	v1 =	vadd.f32 v4, v1  }
0x12c: {  	s8 =	sadd.s32 $0x10, s8  }
0x12d: {  	s9 =	sand.u32 $0x3F0, s3;
	[tilespmem:s8+$0x0] =	vst v1  }
0x12e: {  	s10 =	sadd.s32 $0x10, s10;
	s3 =	sadd.s32 $0x10, s3;
	v1 =	vld [tilespmem:s9+$0x11D00]  }
0x12f: {  	v2 =	vld [tilespmem:s10+$0x0];
	_ =	sdelay $0x1  }
0x130: {  	v3 =	vld [tilespmem:s9+$0x11F80];
	_ =	sdelay $0x1  }
0x131: {  	v4 =	vld [tilespmem:s9+$0x12200]  }
0x132: {  	v1 =	vadd.f32 v1, v2  }
0x133: {  	v2 =	vld [tilespmem:s9+$0x12480]  }
0x134: {  	v1 =	vadd.f32 v3, v1  }
0x135: {  	v3 =	vld [tilespmem:s9+$0x12700]  }
0x136: {  	v1 =	vadd.f32 v4, v1  }
0x137: {  	v55 =	vld [tilespmem:s9+$0x12980]  }
0x138: {  	v1 =	vadd.f32 v2, v1  }
0x139: {  	v2 =	vld [tilespmem:s9+$0x12C00]  }
0x13a: {  	v1 =	vadd.f32 v3, v1  }
0x13b: {  	v3 =	vld [tilespmem:s9+$0x12E80]  }
0x13c: {  	v1 =	vadd.f32 v55, v1  }
0x13d: {  	v56 =	vld [tilespmem:s9+$0x13100]  }
0x13e: {  	v1 =	vadd.f32 v2, v1  }
0x13f: {  	v2 =	vld [tilespmem:s9+$0x13380]  }
0x140: {  	v1 =	vadd.f32 v3, v1  }
0x141: {  	v3 =	vld [tilespmem:s9+$0x13600]  }
0x142: {  	v1 =	vadd.f32 v56, v1  }
0x143: {  	v57 =	vld [tilespmem:s9+$0x13880]  }
0x144: {  	v1 =	vadd.f32 v2, v1  }
0x145: {  	v2 =	vld [tilespmem:s9+$0x13B00]  }
0x146: {  	v1 =	vadd.f32 v3, v1  }
0x147: {  	v3 =	vld [tilespmem:s9+$0x13D80]  }
0x148: {  	v1 =	vadd.f32 v57, v1  }
0x149: {  	v58 =	vld [tilespmem:s9+$0x14000]  }
0x14a: {  	v1 =	vadd.f32 v2, v1;
	_ =	sdelay $0x1  }
0x14b: {  	v1 =	vadd.f32 v3, v1;
	_ =	sdelay $0x1  }
0x14c: {  	v1 =	vadd.f32 v58, v1  }
0x14d: {  	s3 =	sadd.s32 $0x10, s8  }
0x14e: {  	s8 =	simm.s32 $0x11800;
	s10 =	rddreg [dreg:$0xb];
	[tilespmem:s3+$0x0] =	vst v1;
	s3 =	simm.s32 $0x0  }
0x14f: {  	[hbm4b:s10+s3] =	stream.linear.scatter [tilespmem:s8], [sflag:$0x2], $0x280, $0x38;
	[tilespmem:$0x16A80] =	vst v63  }
0x150: {  	_ =	swait.ge [sflag:s22], $0x280  }
0x151: {  	[sflag:s22] =	ssyncset.done $0x0  }
0x152: {  	[sflag:s22] =	ssyncadd.s32 $0xFFFFFD80  }
0x153: {  	[bflag:$0x0] =	sbarrier.arrive $0xFFFF  }
0x154: {  	[spmem:s12] =	stream.linear.scatter [tilespmem:s20], [sflag:$0x2], $0x2800, $0x38;
	[tilespmem:$0x16A80] =	vst v63  }
0x155: {  	_ =	swait.ge [sflag:s22], $0x2800  }
0x156: {  	[sflag:s22] =	ssyncset.done $0x0  }
0x157: {  	[sflag:s22] =	ssyncadd.s32 $0xFFFFD800  }
0x158: {  	[bflag:$0x0] =	sbarrier.arrive $0xFFFF  }
0x159: {  	s9 =	simm.s32 $0x11A80;
	s10 =	rddreg [dreg:$0x11]  }
0x15a: {  	[tilespmem:s9], [sflag:$0x1] =	stream.linear.gather [spmem:s10], $0x280, $0x38;
	[tilespmem:$0x16A80] =	vst v63  }
0x15b: {  	s10 =	simm.s32 $0x11D00  }
0x15c: {  	[tilespmem:s10], [sflag:$0x1] =	stream.linear.gather [spmem:s13], $0x280, $0x38;
	[tilespmem:$0x16A80] =	vst v63  }
0x15d: {  	s10 =	simm.s32 $0x11F80  }
0x15e: {  	[tilespmem:s10], [sflag:$0x1] =	stream.linear.gather [spmem:s14], $0x280, $0x38;
	[tilespmem:$0x16A80] =	vst v63  }
0x15f: {  	s10 =	simm.s32 $0x12200  }
0x160: {  	[tilespmem:s10], [sflag:$0x1] =	stream.linear.gather [spmem:s15], $0x280, $0x38;
	[tilespmem:$0x16A80] =	vst v63  }
0x161: {  	s10 =	simm.s32 $0x12480  }
0x162: {  	[tilespmem:s10], [sflag:$0x1] =	stream.linear.gather [spmem:s16], $0x280, $0x38;
	[tilespmem:$0x16A80] =	vst v63  }
0x163: {  	s10 =	simm.s32 $0x12700  }
0x164: {  	[tilespmem:s10], [sflag:$0x1] =	stream.linear.gather [spmem:s17], $0x280, $0x38;
	[tilespmem:$0x16A80] =	vst v63  }
0x165: {  	s10 =	simm.s32 $0x12980  }
0x166: {  	[tilespmem:s10], [sflag:$0x1] =	stream.linear.gather [spmem:s24], $0x280, $0x38;
	[tilespmem:$0x16A80] =	vst v63  }
0x167: {  	s10 =	simm.s32 $0x12C00  }
0x168: {  	[tilespmem:s10], [sflag:$0x1] =	stream.linear.gather [spmem:s25], $0x280, $0x38;
	[tilespmem:$0x16A80] =	vst v63  }
0x169: {  	s10 =	simm.s32 $0x12E80  }
0x16a: {  	[tilespmem:s10], [sflag:$0x1] =	stream.linear.gather [spmem:s26], $0x280, $0x38;
	[tilespmem:$0x16A80] =	vst v63  }
0x16b: {  	s10 =	simm.s32 $0x13100  }
0x16c: {  	[tilespmem:s10], [sflag:$0x1] =	stream.linear.gather [spmem:s28], $0x280, $0x38;
	[tilespmem:$0x16A80] =	vst v63  }
0x16d: {  	s10 =	simm.s32 $0x13380  }
0x16e: {  	[tilespmem:s10], [sflag:$0x1] =	stream.linear.gather [spmem:s29], $0x280, $0x38;
	[tilespmem:$0x16A80] =	vst v63  }
0x16f: {  	s10 =	simm.s32 $0x13600  }
0x170: {  	[tilespmem:s10], [sflag:$0x1] =	stream.linear.gather [spmem:s30], $0x280, $0x38;
	[tilespmem:$0x16A80] =	vst v63  }
0x171: {  	s10 =	simm.s32 $0x13880  }
0x172: {  	[tilespmem:s10], [sflag:$0x1] =	stream.linear.gather [spmem:s31], $0x280, $0x38;
	[tilespmem:$0x16A80] =	vst v63  }
0x173: {  	s10 =	simm.s32 $0x13B00  }
0x174: {  	[tilespmem:s10], [sflag:$0x1] =	stream.linear.gather [spmem:s2], $0x280, $0x38;
	[tilespmem:$0x16A80] =	vst v63  }
0x175: {  	s10 =	simm.s32 $0x13D80  }
0x176: {  	[tilespmem:s10], [sflag:$0x1] =	stream.linear.gather [spmem:s0], $0x280, $0x38;
	[tilespmem:$0x16A80] =	vst v63  }
0x177: {  	_ = 	snop  }
0x178: {  	[tilespmem:s11], [sflag:$0x1] =	stream.linear.gather [spmem:s1], $0x280, $0x38;
	[tilespmem:$0x16A80] =	vst v63  }
0x179: {  	_ =	swait.ge [sflag:s18], $0x280  }
0x17a: {  	[sflag:s18] =	ssyncset.done $0x0  }
0x17b: {  	[sflag:s18] =	ssyncadd.s32 $0xFFFFFD80  }
0x17c: {  	_ =	swait.ge [sflag:s18], $0x280  }
0x17d: {  	[sflag:s18] =	ssyncset.done $0x0  }
0x17e: {  	[sflag:s18] =	ssyncadd.s32 $0xFFFFFD80  }
0x17f: {  	_ =	swait.ge [sflag:s18], $0x280  }
0x180: {  	[sflag:s18] =	ssyncset.done $0x0  }
0x181: {  	[sflag:s18] =	ssyncadd.s32 $0xFFFFFD80  }
0x182: {  	_ =	swait.ge [sflag:s18], $0x280  }
0x183: {  	[sflag:s18] =	ssyncset.done $0x0  }
0x184: {  	[sflag:s18] =	ssyncadd.s32 $0xFFFFFD80  }
0x185: {  	_ =	swait.ge [sflag:s18], $0x280  }
0x186: {  	[sflag:s18] =	ssyncset.done $0x0  }
0x187: {  	[sflag:s18] =	ssyncadd.s32 $0xFFFFFD80  }
0x188: {  	_ =	swait.ge [sflag:s18], $0x280  }
0x189: {  	[sflag:s18] =	ssyncset.done $0x0  }
0x18a: {  	[sflag:s18] =	ssyncadd.s32 $0xFFFFFD80  }
0x18b: {  	_ =	swait.ge [sflag:s18], $0x280  }
0x18c: {  	[sflag:s18] =	ssyncset.done $0x0  }
0x18d: {  	[sflag:s18] =	ssyncadd.s32 $0xFFFFFD80  }
0x18e: {  	_ =	swait.ge [sflag:s18], $0x280  }
0x18f: {  	[sflag:s18] =	ssyncset.done $0x0  }
0x190: {  	[sflag:s18] =	ssyncadd.s32 $0xFFFFFD80  }
0x191: {  	_ =	swait.ge [sflag:s18], $0x280  }
0x192: {  	[sflag:s18] =	ssyncset.done $0x0  }
0x193: {  	[sflag:s18] =	ssyncadd.s32 $0xFFFFFD80  }
0x194: {  	_ =	swait.ge [sflag:s18], $0x280  }
0x195: {  	[sflag:s18] =	ssyncset.done $0x0  }
0x196: {  	[sflag:s18] =	ssyncadd.s32 $0xFFFFFD80  }
0x197: {  	_ =	swait.ge [sflag:s18], $0x280  }
0x198: {  	[sflag:s18] =	ssyncset.done $0x0  }
0x199: {  	[sflag:s18] =	ssyncadd.s32 $0xFFFFFD80  }
0x19a: {  	_ =	swait.ge [sflag:s18], $0x280  }
0x19b: {  	[sflag:s18] =	ssyncset.done $0x0  }
0x19c: {  	[sflag:s18] =	ssyncadd.s32 $0xFFFFFD80  }
0x19d: {  	_ =	swait.ge [sflag:s18], $0x280  }
0x19e: {  	[sflag:s18] =	ssyncset.done $0x0  }
0x19f: {  	[sflag:s18] =	ssyncadd.s32 $0xFFFFFD80  }
0x1a0: {  	_ =	swait.ge [sflag:s18], $0x280  }
0x1a1: {  	[sflag:s18] =	ssyncset.done $0x0  }
0x1a2: {  	[sflag:s18] =	ssyncadd.s32 $0xFFFFFD80  }
0x1a3: {  	_ =	swait.ge [sflag:s18], $0x280  }
0x1a4: {  	[sflag:s18] =	ssyncset.done $0x0  }
0x1a5: {  	[sflag:s18] =	ssyncadd.s32 $0xFFFFFD80  }
0x1a6: {  	_ =	swait.ge [sflag:s18], $0x280  }
0x1a7: {  	[sflag:s18] =	ssyncset.done $0x0  }
0x1a8: {  	s3 =	sand.u32 $0x3F0, s3;
	[sflag:s18] =	ssyncadd.s32 $0xFFFFFD80  }
0x1a9: {  	v1 =	vld [tilespmem:s3+$0x11D00]  }
0x1aa: {  	v2 =	vld [tilespmem:s9+$0x0];
	_ =	sdelay $0x1  }
0x1ab: {  	v3 =	vld [tilespmem:s3+$0x11F80];
	_ =	sdelay $0x1  }
0x1ac: {  	v59 =	vld [tilespmem:s3+$0x12200]  }
0x1ad: {  	v1 =	vadd.f32 v1, v2  }
0x1ae: {  	v2 =	vld [tilespmem:s3+$0x12480]  }
0x1af: {  	v1 =	vadd.f32 v3, v1  }
0x1b0: {  	v3 =	vld [tilespmem:s3+$0x12700]  }
0x1b1: {  	v1 =	vadd.f32 v59, v1  }
0x1b2: {  	v60 =	vld [tilespmem:s3+$0x12980]  }
0x1b3: {  	v1 =	vadd.f32 v2, v1  }
0x1b4: {  	v2 =	vld [tilespmem:s3+$0x12C00]  }
0x1b5: {  	v1 =	vadd.f32 v3, v1  }
0x1b6: {  	v3 =	vld [tilespmem:s3+$0x12E80]  }
0x1b7: {  	v1 =	vadd.f32 v60, v1  }
0x1b8: {  	v61 =	vld [tilespmem:s3+$0x13100]  }
0x1b9: {  	v1 =	vadd.f32 v2, v1  }
0x1ba: {  	v2 =	vld [tilespmem:s3+$0x13380]  }
0x1bb: {  	v1 =	vadd.f32 v3, v1  }
0x1bc: {  	v3 =	vld [tilespmem:s3+$0x13600]  }
0x1bd: {  	v1 =	vadd.f32 v61, v1  }
0x1be: {  	v62 =	vld [tilespmem:s3+$0x13880]  }
0x1bf: {  	v1 =	vadd.f32 v2, v1  }
0x1c0: {  	v2 =	vld [tilespmem:s3+$0x13B00]  }
0x1c1: {  	v1 =	vadd.f32 v3, v1  }
0x1c2: {  	v3 =	vld [tilespmem:s3+$0x13D80]  }
0x1c3: {  	v1 =	vadd.f32 v62, v1  }
0x1c4: {  	v63 =	vld [tilespmem:s3+$0x14000]  }
0x1c5: {  	v1 =	vadd.f32 v2, v1;
	_ =	sdelay $0x1  }
0x1c6: {  	v1 =	vadd.f32 v3, v1;
	_ =	sdelay $0x1  }
0x1c7: {  	v1 =	vadd.f32 v63, v1  }
0x1c8: {  	s10 =	simm.s32 $0x10  }
0x1c9: {  	s9 =	sand.u32 $0x3F0, s10;
	[tilespmem:s8+$0x0] =	vst v1  }
0x1ca: {  	s10 =	simm.s32 $0x11A90;
	s3 =	simm.s32 $0x20;
	v1 =	vld [tilespmem:s9+$0x11D00]  }
.LBB2_8:
0x1cb: {  	p0 =	sne.s32 s3, $0x270;
	v2 =	vld [tilespmem:s10+$0x0];
	_ =	sdelay $0x1  }
0x1cc: {  	v3 =	vld [tilespmem:s9+$0x11F80];
	_ =	sdelay $0x1  }
0x1cd: {  	v4 =	vld [tilespmem:s9+$0x12200]  }
0x1ce: {  	v1 =	vadd.f32 v1, v2  }
0x1cf: {  	v2 =	vld [tilespmem:s9+$0x12480]  }
0x1d0: {  	v1 =	vadd.f32 v3, v1  }
0x1d1: {  	v3 =	vld [tilespmem:s9+$0x12700]  }
0x1d2: {  	v1 =	vadd.f32 v4, v1  }
0x1d3: {  	v4 =	vld [tilespmem:s9+$0x12980]  }
0x1d4: {  	v1 =	vadd.f32 v2, v1  }
0x1d5: {  	v2 =	vld [tilespmem:s9+$0x12C00]  }
0x1d6: {  	v1 =	vadd.f32 v3, v1  }
0x1d7: {  	v3 =	vld [tilespmem:s9+$0x12E80]  }
0x1d8: {  	v1 =	vadd.f32 v4, v1  }
0x1d9: {  	v4 =	vld [tilespmem:s9+$0x13100]  }
0x1da: {  	v1 =	vadd.f32 v2, v1  }
0x1db: {  	v2 =	vld [tilespmem:s9+$0x13380]  }
0x1dc: {  	v1 =	vadd.f32 v3, v1  }
0x1dd: {  	v3 =	vld [tilespmem:s9+$0x13600]  }
0x1de: {  	v1 =	vadd.f32 v4, v1  }
0x1df: {  	v4 =	vld [tilespmem:s9+$0x13880]  }
0x1e0: {  	v1 =	vadd.f32 v2, v1  }
0x1e1: {  	v2 =	vld [tilespmem:s9+$0x13B00]  }
0x1e2: {  	v1 =	vadd.f32 v3, v1  }
0x1e3: {  	v3 =	vld [tilespmem:s9+$0x13D80]  }
0x1e4: {  	v1 =	vadd.f32 v4, v1  }
0x1e5: {  	v4 =	vld [tilespmem:s9+$0x14000]  }
0x1e6: {  	v1 =	vadd.f32 v2, v1;
	_ =	sdelay $0x1  }
0x1e7: {  	v1 =	vadd.f32 v3, v1  }
.Ltmp3:
0x1e8: {  	(pc) =	sbr.rel @p0 .LBB2_8-.Ltmp3, $4  }
0x1e9: {  	v1 =	vadd.f32 v4, v1  }
0x1ea: {  	s8 =	sadd.s32 $0x10, s8  }
0x1eb: {  	s9 =	sand.u32 $0x3F0, s3;
	[tilespmem:s8+$0x0] =	vst v1  }
0x1ec: {  	s10 =	sadd.s32 $0x10, s10;
	s3 =	sadd.s32 $0x10, s3;
	v1 =	vld [tilespmem:s9+$0x11D00]  }
0x1ed: {  	v2 =	vld [tilespmem:s10+$0x0];
	_ =	sdelay $0x1  }
0x1ee: {  	v3 =	vld [tilespmem:s9+$0x11F80];
	_ =	sdelay $0x1  }
0x1ef: {  	v4 =	vld [tilespmem:s9+$0x12200]  }
0x1f0: {  	v1 =	vadd.f32 v1, v2  }
0x1f1: {  	v2 =	vld [tilespmem:s9+$0x12480]  }
0x1f2: {  	v1 =	vadd.f32 v3, v1  }
0x1f3: {  	v3 =	vld [tilespmem:s9+$0x12700]  }
0x1f4: {  	v1 =	vadd.f32 v4, v1  }
0x1f5: {  	v55 =	vld [tilespmem:s9+$0x12980]  }
0x1f6: {  	v1 =	vadd.f32 v2, v1  }
0x1f7: {  	v2 =	vld [tilespmem:s9+$0x12C00]  }
0x1f8: {  	v1 =	vadd.f32 v3, v1  }
0x1f9: {  	v3 =	vld [tilespmem:s9+$0x12E80]  }
0x1fa: {  	v1 =	vadd.f32 v55, v1  }
0x1fb: {  	v56 =	vld [tilespmem:s9+$0x13100]  }
0x1fc: {  	v1 =	vadd.f32 v2, v1  }
0x1fd: {  	v2 =	vld [tilespmem:s9+$0x13380]  }
0x1fe: {  	v1 =	vadd.f32 v3, v1  }
0x1ff: {  	v3 =	vld [tilespmem:s9+$0x13600]  }
0x200: {  	v1 =	vadd.f32 v56, v1  }
0x201: {  	v57 =	vld [tilespmem:s9+$0x13880]  }
0x202: {  	v1 =	vadd.f32 v2, v1  }
0x203: {  	v2 =	vld [tilespmem:s9+$0x13B00]  }
0x204: {  	v1 =	vadd.f32 v3, v1  }
0x205: {  	v3 =	vld [tilespmem:s9+$0x13D80]  }
0x206: {  	v1 =	vadd.f32 v57, v1  }
0x207: {  	v58 =	vld [tilespmem:s9+$0x14000]  }
0x208: {  	v1 =	vadd.f32 v2, v1;
	_ =	sdelay $0x1  }
0x209: {  	v1 =	vadd.f32 v3, v1;
	_ =	sdelay $0x1  }
0x20a: {  	v1 =	vadd.f32 v58, v1  }
0x20b: {  	s3 =	sadd.s32 $0x10, s8  }
0x20c: {  	s8 =	simm.s32 $0x11800;
	s10 =	rddreg [dreg:$0xc];
	[tilespmem:s3+$0x0] =	vst v1;
	s3 =	simm.s32 $0x0  }
0x20d: {  	[hbm4b:s10+s3] =	stream.linear.scatter [tilespmem:s8], [sflag:$0x2], $0x280, $0x38;
	[tilespmem:$0x16A80] =	vst v63  }
0x20e: {  	_ =	swait.ge [sflag:s22], $0x280  }
0x20f: {  	[sflag:s22] =	ssyncset.done $0x0  }
0x210: {  	[sflag:s22] =	ssyncadd.s32 $0xFFFFFD80  }
0x211: {  	[bflag:$0x0] =	sbarrier.arrive $0xFFFF  }
0x212: {  	[spmem:s12] =	stream.linear.scatter [tilespmem:s21], [sflag:$0x2], $0x2800, $0x38;
	[tilespmem:$0x16A80] =	vst v63  }
0x213: {  	_ =	swait.ge [sflag:s22], $0x2800  }
0x214: {  	[sflag:s22] =	ssyncset.done $0x0  }
0x215: {  	[sflag:s22] =	ssyncadd.s32 $0xFFFFD800  }
0x216: {  	[bflag:$0x0] =	sbarrier.arrive $0xFFFF  }
0x217: {  	s9 =	simm.s32 $0x11A80;
	s10 =	rddreg [dreg:$0x11]  }
0x218: {  	[tilespmem:s9], [sflag:$0x1] =	stream.linear.gather [spmem:s10], $0x280, $0x38;
	[tilespmem:$0x16A80] =	vst v63  }
0x219: {  	s10 =	simm.s32 $0x11D00  }
0x21a: {  	[tilespmem:s10], [sflag:$0x1] =	stream.linear.gather [spmem:s13], $0x280, $0x38;
	[tilespmem:$0x16A80] =	vst v63  }
0x21b: {  	s10 =	simm.s32 $0x11F80  }
0x21c: {  	[tilespmem:s10], [sflag:$0x1] =	stream.linear.gather [spmem:s14], $0x280, $0x38;
	[tilespmem:$0x16A80] =	vst v63  }
0x21d: {  	s10 =	simm.s32 $0x12200  }
0x21e: {  	[tilespmem:s10], [sflag:$0x1] =	stream.linear.gather [spmem:s15], $0x280, $0x38;
	[tilespmem:$0x16A80] =	vst v63  }
0x21f: {  	s10 =	simm.s32 $0x12480  }
0x220: {  	[tilespmem:s10], [sflag:$0x1] =	stream.linear.gather [spmem:s16], $0x280, $0x38;
	[tilespmem:$0x16A80] =	vst v63  }
0x221: {  	s10 =	simm.s32 $0x12700  }
0x222: {  	[tilespmem:s10], [sflag:$0x1] =	stream.linear.gather [spmem:s17], $0x280, $0x38;
	[tilespmem:$0x16A80] =	vst v63  }
0x223: {  	s10 =	simm.s32 $0x12980  }
0x224: {  	[tilespmem:s10], [sflag:$0x1] =	stream.linear.gather [spmem:s24], $0x280, $0x38;
	[tilespmem:$0x16A80] =	vst v63  }
0x225: {  	s10 =	simm.s32 $0x12C00  }
0x226: {  	[tilespmem:s10], [sflag:$0x1] =	stream.linear.gather [spmem:s25], $0x280, $0x38;
	[tilespmem:$0x16A80] =	vst v63  }
0x227: {  	s10 =	simm.s32 $0x12E80  }
0x228: {  	[tilespmem:s10], [sflag:$0x1] =	stream.linear.gather [spmem:s26], $0x280, $0x38;
	[tilespmem:$0x16A80] =	vst v63  }
0x229: {  	s10 =	simm.s32 $0x13100  }
0x22a: {  	[tilespmem:s10], [sflag:$0x1] =	stream.linear.gather [spmem:s28], $0x280, $0x38;
	[tilespmem:$0x16A80] =	vst v63  }
0x22b: {  	s10 =	simm.s32 $0x13380  }
0x22c: {  	[tilespmem:s10], [sflag:$0x1] =	stream.linear.gather [spmem:s29], $0x280, $0x38;
	[tilespmem:$0x16A80] =	vst v63  }
0x22d: {  	s10 =	simm.s32 $0x13600  }
0x22e: {  	[tilespmem:s10], [sflag:$0x1] =	stream.linear.gather [spmem:s30], $0x280, $0x38;
	[tilespmem:$0x16A80] =	vst v63  }
0x22f: {  	s10 =	simm.s32 $0x13880  }
0x230: {  	[tilespmem:s10], [sflag:$0x1] =	stream.linear.gather [spmem:s31], $0x280, $0x38;
	[tilespmem:$0x16A80] =	vst v63  }
0x231: {  	s10 =	simm.s32 $0x13B00  }
0x232: {  	[tilespmem:s10], [sflag:$0x1] =	stream.linear.gather [spmem:s2], $0x280, $0x38;
	[tilespmem:$0x16A80] =	vst v63  }
0x233: {  	s10 =	simm.s32 $0x13D80  }
0x234: {  	[tilespmem:s10], [sflag:$0x1] =	stream.linear.gather [spmem:s0], $0x280, $0x38;
	[tilespmem:$0x16A80] =	vst v63  }
0x235: {  	_ = 	snop  }
0x236: {  	[tilespmem:s11], [sflag:$0x1] =	stream.linear.gather [spmem:s1], $0x280, $0x38;
	[tilespmem:$0x16A80] =	vst v63  }
0x237: {  	_ =	swait.ge [sflag:s18], $0x280  }
0x238: {  	[sflag:s18] =	ssyncset.done $0x0  }
0x239: {  	[sflag:s18] =	ssyncadd.s32 $0xFFFFFD80  }
0x23a: {  	_ =	swait.ge [sflag:s18], $0x280  }
0x23b: {  	[sflag:s18] =	ssyncset.done $0x0  }
0x23c: {  	[sflag:s18] =	ssyncadd.s32 $0xFFFFFD80  }
0x23d: {  	_ =	swait.ge [sflag:s18], $0x280  }
0x23e: {  	[sflag:s18] =	ssyncset.done $0x0  }
0x23f: {  	[sflag:s18] =	ssyncadd.s32 $0xFFFFFD80  }
0x240: {  	_ =	swait.ge [sflag:s18], $0x280  }
0x241: {  	[sflag:s18] =	ssyncset.done $0x0  }
0x242: {  	[sflag:s18] =	ssyncadd.s32 $0xFFFFFD80  }
0x243: {  	_ =	swait.ge [sflag:s18], $0x280  }
0x244: {  	[sflag:s18] =	ssyncset.done $0x0  }
0x245: {  	[sflag:s18] =	ssyncadd.s32 $0xFFFFFD80  }
0x246: {  	_ =	swait.ge [sflag:s18], $0x280  }
0x247: {  	[sflag:s18] =	ssyncset.done $0x0  }
0x248: {  	[sflag:s18] =	ssyncadd.s32 $0xFFFFFD80  }
0x249: {  	_ =	swait.ge [sflag:s18], $0x280  }
0x24a: {  	[sflag:s18] =	ssyncset.done $0x0  }
0x24b: {  	[sflag:s18] =	ssyncadd.s32 $0xFFFFFD80  }
0x24c: {  	_ =	swait.ge [sflag:s18], $0x280  }
0x24d: {  	[sflag:s18] =	ssyncset.done $0x0  }
0x24e: {  	[sflag:s18] =	ssyncadd.s32 $0xFFFFFD80  }
0x24f: {  	_ =	swait.ge [sflag:s18], $0x280  }
0x250: {  	[sflag:s18] =	ssyncset.done $0x0  }
0x251: {  	[sflag:s18] =	ssyncadd.s32 $0xFFFFFD80  }
0x252: {  	_ =	swait.ge [sflag:s18], $0x280  }
0x253: {  	[sflag:s18] =	ssyncset.done $0x0  }
0x254: {  	[sflag:s18] =	ssyncadd.s32 $0xFFFFFD80  }
0x255: {  	_ =	swait.ge [sflag:s18], $0x280  }
0x256: {  	[sflag:s18] =	ssyncset.done $0x0  }
0x257: {  	[sflag:s18] =	ssyncadd.s32 $0xFFFFFD80  }
0x258: {  	_ =	swait.ge [sflag:s18], $0x280  }
0x259: {  	[sflag:s18] =	ssyncset.done $0x0  }
0x25a: {  	[sflag:s18] =	ssyncadd.s32 $0xFFFFFD80  }
0x25b: {  	_ =	swait.ge [sflag:s18], $0x280  }
0x25c: {  	[sflag:s18] =	ssyncset.done $0x0  }
0x25d: {  	[sflag:s18] =	ssyncadd.s32 $0xFFFFFD80  }
0x25e: {  	_ =	swait.ge [sflag:s18], $0x280  }
0x25f: {  	[sflag:s18] =	ssyncset.done $0x0  }
0x260: {  	[sflag:s18] =	ssyncadd.s32 $0xFFFFFD80  }
0x261: {  	_ =	swait.ge [sflag:s18], $0x280  }
0x262: {  	[sflag:s18] =	ssyncset.done $0x0  }
0x263: {  	[sflag:s18] =	ssyncadd.s32 $0xFFFFFD80  }
0x264: {  	_ =	swait.ge [sflag:s18], $0x280  }
0x265: {  	[sflag:s18] =	ssyncset.done $0x0  }
0x266: {  	s3 =	sand.u32 $0x3F0, s3;
	[sflag:s18] =	ssyncadd.s32 $0xFFFFFD80  }
0x267: {  	v1 =	vld [tilespmem:s3+$0x11D00]  }
0x268: {  	v2 =	vld [tilespmem:s9+$0x0];
	_ =	sdelay $0x1  }
0x269: {  	v3 =	vld [tilespmem:s3+$0x11F80];
	_ =	sdelay $0x1  }
0x26a: {  	v59 =	vld [tilespmem:s3+$0x12200]  }
0x26b: {  	v1 =	vadd.f32 v1, v2  }
0x26c: {  	v2 =	vld [tilespmem:s3+$0x12480]  }
0x26d: {  	v1 =	vadd.f32 v3, v1  }
0x26e: {  	v3 =	vld [tilespmem:s3+$0x12700]  }
0x26f: {  	v1 =	vadd.f32 v59, v1  }
0x270: {  	v60 =	vld [tilespmem:s3+$0x12980]  }
0x271: {  	v1 =	vadd.f32 v2, v1  }
0x272: {  	v2 =	vld [tilespmem:s3+$0x12C00]  }
0x273: {  	v1 =	vadd.f32 v3, v1  }
0x274: {  	v3 =	vld [tilespmem:s3+$0x12E80]  }
0x275: {  	v1 =	vadd.f32 v60, v1  }
0x276: {  	v61 =	vld [tilespmem:s3+$0x13100]  }
0x277: {  	v1 =	vadd.f32 v2, v1  }
0x278: {  	v2 =	vld [tilespmem:s3+$0x13380]  }
0x279: {  	v1 =	vadd.f32 v3, v1  }
0x27a: {  	v3 =	vld [tilespmem:s3+$0x13600]  }
0x27b: {  	v1 =	vadd.f32 v61, v1  }
0x27c: {  	v62 =	vld [tilespmem:s3+$0x13880]  }
0x27d: {  	v1 =	vadd.f32 v2, v1  }
0x27e: {  	v2 =	vld [tilespmem:s3+$0x13B00]  }
0x27f: {  	v1 =	vadd.f32 v3, v1  }
0x280: {  	v3 =	vld [tilespmem:s3+$0x13D80]  }
0x281: {  	v1 =	vadd.f32 v62, v1  }
0x282: {  	v63 =	vld [tilespmem:s3+$0x14000]  }
0x283: {  	v1 =	vadd.f32 v2, v1;
	_ =	sdelay $0x1  }
0x284: {  	v1 =	vadd.f32 v3, v1;
	_ =	sdelay $0x1  }
0x285: {  	v1 =	vadd.f32 v63, v1  }
0x286: {  	s11 =	simm.s32 $0x10  }
0x287: {  	s9 =	sand.u32 $0x3F0, s11;
	[tilespmem:s8+$0x0] =	vst v1  }
0x288: {  	s10 =	simm.s32 $0x11A90;
	s3 =	simm.s32 $0x20;
	v1 =	vld [tilespmem:s9+$0x11D00]  }
.LBB2_10:
0x289: {  	p0 =	sne.s32 s3, $0x270;
	v2 =	vld [tilespmem:s10+$0x0];
	_ =	sdelay $0x1  }
0x28a: {  	v3 =	vld [tilespmem:s9+$0x11F80];
	_ =	sdelay $0x1  }
0x28b: {  	v4 =	vld [tilespmem:s9+$0x12200]  }
0x28c: {  	v1 =	vadd.f32 v1, v2  }
0x28d: {  	v2 =	vld [tilespmem:s9+$0x12480]  }
0x28e: {  	v1 =	vadd.f32 v3, v1  }
0x28f: {  	v3 =	vld [tilespmem:s9+$0x12700]  }
0x290: {  	v1 =	vadd.f32 v4, v1  }
0x291: {  	v4 =	vld [tilespmem:s9+$0x12980]  }
0x292: {  	v1 =	vadd.f32 v2, v1  }
0x293: {  	v2 =	vld [tilespmem:s9+$0x12C00]  }
0x294: {  	v1 =	vadd.f32 v3, v1  }
0x295: {  	v3 =	vld [tilespmem:s9+$0x12E80]  }
0x296: {  	v1 =	vadd.f32 v4, v1  }
0x297: {  	v4 =	vld [tilespmem:s9+$0x13100]  }
0x298: {  	v1 =	vadd.f32 v2, v1  }
0x299: {  	v2 =	vld [tilespmem:s9+$0x13380]  }
0x29a: {  	v1 =	vadd.f32 v3, v1  }
0x29b: {  	v3 =	vld [tilespmem:s9+$0x13600]  }
0x29c: {  	v1 =	vadd.f32 v4, v1  }
0x29d: {  	v4 =	vld [tilespmem:s9+$0x13880]  }
0x29e: {  	v1 =	vadd.f32 v2, v1  }
0x29f: {  	v2 =	vld [tilespmem:s9+$0x13B00]  }
0x2a0: {  	v1 =	vadd.f32 v3, v1  }
0x2a1: {  	v3 =	vld [tilespmem:s9+$0x13D80]  }
0x2a2: {  	v1 =	vadd.f32 v4, v1  }
0x2a3: {  	v4 =	vld [tilespmem:s9+$0x14000]  }
0x2a4: {  	v1 =	vadd.f32 v2, v1;
	_ =	sdelay $0x1  }
0x2a5: {  	v1 =	vadd.f32 v3, v1  }
.Ltmp4:
0x2a6: {  	(pc) =	sbr.rel @p0 .LBB2_10-.Ltmp4, $4  }
0x2a7: {  	v1 =	vadd.f32 v4, v1  }
0x2a8: {  	s8 =	sadd.s32 $0x10, s8  }
0x2a9: {  	s9 =	sand.u32 $0x3F0, s3;
	[tilespmem:s8+$0x0] =	vst v1  }
0x2aa: {  	s10 =	sadd.s32 $0x10, s10;
	s3 =	sadd.s32 $0x10, s3;
	v1 =	vld [tilespmem:s9+$0x11D00]  }
0x2ab: {  	v2 =	vld [tilespmem:s10+$0x0];
	_ =	sdelay $0x1  }
0x2ac: {  	v3 =	vld [tilespmem:s9+$0x11F80];
	_ =	sdelay $0x1  }
0x2ad: {  	v4 =	vld [tilespmem:s9+$0x12200]  }
0x2ae: {  	v1 =	vadd.f32 v1, v2  }
0x2af: {  	v2 =	vld [tilespmem:s9+$0x12480]  }
0x2b0: {  	v1 =	vadd.f32 v3, v1  }
0x2b1: {  	v3 =	vld [tilespmem:s9+$0x12700]  }
0x2b2: {  	v1 =	vadd.f32 v4, v1  }
0x2b3: {  	v60 =	vld [tilespmem:s9+$0x12980]  }
0x2b4: {  	v1 =	vadd.f32 v2, v1  }
0x2b5: {  	v2 =	vld [tilespmem:s9+$0x12C00]  }
0x2b6: {  	v1 =	vadd.f32 v3, v1  }
0x2b7: {  	v3 =	vld [tilespmem:s9+$0x12E80]  }
0x2b8: {  	v1 =	vadd.f32 v60, v1  }
0x2b9: {  	v61 =	vld [tilespmem:s9+$0x13100]  }
0x2ba: {  	v1 =	vadd.f32 v2, v1  }
0x2bb: {  	v2 =	vld [tilespmem:s9+$0x13380]  }
0x2bc: {  	v1 =	vadd.f32 v3, v1  }
0x2bd: {  	v3 =	vld [tilespmem:s9+$0x13600]  }
0x2be: {  	v1 =	vadd.f32 v61, v1  }
0x2bf: {  	v62 =	vld [tilespmem:s9+$0x13880]  }
0x2c0: {  	v1 =	vadd.f32 v2, v1  }
0x2c1: {  	v2 =	vld [tilespmem:s9+$0x13B00]  }
0x2c2: {  	v1 =	vadd.f32 v3, v1  }
0x2c3: {  	v3 =	vld [tilespmem:s9+$0x13D80]  }
0x2c4: {  	v1 =	vadd.f32 v62, v1  }
0x2c5: {  	v63 =	vld [tilespmem:s9+$0x14000]  }
0x2c6: {  	v1 =	vadd.f32 v2, v1;
	_ =	sdelay $0x1  }
0x2c7: {  	v1 =	vadd.f32 v3, v1;
	_ =	sdelay $0x1  }
0x2c8: {  	v1 =	vadd.f32 v63, v1  }
0x2c9: {  	s3 =	sadd.s32 $0x10, s8  }
0x2ca: {  	s8 =	simm.s32 $0x0;
	s10 =	simm.s32 $0x11800;
	s9 =	rddreg [dreg:$0xd];
	[tilespmem:s3+$0x0] =	vst v1  }
0x2cb: {  	[hbm4b:s9+s8] =	stream.linear.scatter [tilespmem:s10], [sflag:$0x2], $0x280, $0x38;
	[tilespmem:$0x16A80] =	vst v63  }
0x2cc: {  	_ =	swait.ge [sflag:s22], $0x280  }
0x2cd: {  	s23 =	sadd.s32 $0x1, s23;
	s11 =	rddreg [dreg:$0xe]  }
0x2ce: {  	p0 =	sne.s32 s23, s11  }
.Ltmp5:
0x2cf: {  	_ = 	snop;
	(pc) =	sbr.rel @p0 .LBB2_1-.Ltmp5, $3  }
0x2d0: {  	[sflag:s22] =	ssyncset.done $0x0  }
0x2d1: {  	[sflag:s22] =	ssyncadd.s32 $0xFFFFFD80  }
0x2d2: {  	[bflag:$0x0] =	sbarrier.arrive $0xFFFF;
	_ =	sdelay $0x1  }
0x2d3: {  	_ =	sfence.sel $0x180000  }
0x2d4: {  	[bflag:$0x0] =	sbarrier.arrive $0xFFFF  }
0x2d5: {  	_ =	strace $0x9000004A  }
0x2d6: {  	s0 =	stileid.u32;
	[bflag:$0x2] =	sbarrier.arrive $0xFFFF  }
0x2d7: {  	p0 =	sne.s32 s0, $0x0;
	s0 =	rddreg [dreg:$0x4]  }
0x2d8: {  	s0 =	sadd.s32 @!p0 $0x100000, s0  }
0x2d9: {  	[sflag:s0] =	ssyncadd.tile.s32 @!p0 $0x1;
	_ =	shalt  }
.Lfunc_end2:
_tile_overlayer_lowered:
.L_overlay_start_2:
0x2da: {  	(tag) =	ssettag $0x2  }
0x2db: {  	s0 =	rddreg [dreg:$0x0];
	s2 =	stileid.u32  }
0x2dc: {  	s1 =	rddreg [dreg:$0x1];
	p0 =	sne.s32 s2, $0x0  }
0x2dd: {  	s3 =	rddreg [dreg:$0x2];
	[bflag:$0x3] =	sbarrier.arrive $0xFFFF;
	s2 =	simm.s32 @!p0 $0x1C02  }
0x2de: {  	[timem:s3], [sflag:s2] =	dma.local @!p0 [hbm:s0], s1  }
0x2df: {  	s0 =	simm.s32 @!p0 $0x2  }
0x2e0: {  	_ =	swait.ge @!p0 [sflag:s0], s1  }
0x2e1: {  	s1 =	ssub.s32 @!p0 $0x0, s1;
	[sflag:s0] =	ssyncset.done @!p0 $0x0  }
0x2e2: {  	[sflag:s0] =	ssyncadd.s32 @!p0 s1  }
0x2e3: {  	[bflag:$0x3] =	sbarrier.arrive $0xFFFF  }
0x2e4: {  	_ =	shalt  }

// kernel: kernel.7.cloned.1.call-start
scs
__scs_entry_jumppad:
0x0: {  	(pc) =	sbr.rel $0x88, $3  }
0x1: {  	(tag) =	ssettag $0x0;
	lr =	simm.s32 $0x1  }
0x2: {  	[smem:$0x3F9B] =	sst lr;
	_ =	strace $0xD0000000  }
0x3: {  	_ = 	snop  }
0x4: {  	_ = 	snop  }
0x5: {  	_ = 	snop  }
0x6: {  	_ = 	snop  }
0x7: {  	_ = 	snop  }
__scs_overlays_trampoline_lowered:
0x8: {  	[smem:$0x3FAA] =	sst s0  }
0x9: {  	[smem:$0x3FAB] =	sst s1  }
0xa: {  	[smem:$0x3FAC] =	sst s2  }
0xb: {  	[smem:$0x3FAD] =	sst s3  }
0xc: {  	[smem:$0x3FAE] =	sst s4  }
0xd: {  	[smem:$0x3FAF] =	sst s5  }
0xe: {  	[smem:$0x3FB0] =	sst s6  }
0xf: {  	[smem:$0x3FB1] =	sst s7  }
0x10: {  	[smem:$0x3FB2] =	sst s8  }
0x11: {  	[smem:$0x3FB3] =	sst s9;
	s0 =	simm.s32 @!p0 $0x0  }
0x12: {  	s1 =	sld [smem:$0x3F99];
	s0 =	simm.s32 @p0 $0x1  }
0x13: {  	[smem:$0x3FB4] =	sst s0;
	s0 =	simm.s32 @!p1 $0x0  }
0x14: {  	s2 =	sld [smem:$0x3F98];
	s0 =	simm.s32 @p1 $0x1  }
0x15: {  	[smem:$0x3FB5] =	sst s0;
	s0 =	simm.s32 @!p2 $0x0  }
0x16: {  	s3 =	sld [smem:$0x3FDB];
	s0 =	simm.s32 @p2 $0x1  }
0x17: {  	s4 =	simm.s32 $0x1BF5;
	[smem:$0x3FB7] =	sst s0  }
0x18: {  	s0 =	sld [smem:$0x3F9A];
	_ =	swait.ge [sflag:s4], $0x0  }
0x19: {  	s7 =	sld [smem:$0x3F9B]  }
0x1a: {  	s8 =	sadd.s32 $0xFFFFE003, lr  }
0x1b: {  	s9 =	sadd.s32 $0xFFFFFEF7, lr;
	s5 =	simm.s32 $0xFFFFFFFF;
	p2 =	slt.u32 s8, $0xFFFFF086  }
0x1c: {  	p1 =	slt.u32 s9, $0xF7A;
	s5 =	simm.s32 @!p2 $0x0  }
0x1d: {  	s5 =	simm.s32 @p1 $0x1;
	p0 =	seq.s32 s7, s2  }
0x1e: {  	s7 =	smul.u32 @!p0 $0xF7A, s2;
	p2 =	seq.s32 @!p0 s5, $0x0  }
0x1f: {  	s9 =	smul.u32 $0xF7A, s1;
	s8 =	simm.s32 @!p0 $0x1BF5;
	p2 =	por !p2, p0  }
0x20: {  	[sflag:s8] =	ssyncset.s32 @!p0 $0xFFFFF086;
	s6 =	sadd.s32 @!p0 s3, s7;
	s7 =	simm.s32 @!p0 $0x108  }
0x21: {  	s3 =	sadd.s32 s3, s9;
	s6 =	sadd.s32 @!p0 $0x88, s6;
	s7 =	simm.s32 @p2 $0x1082  }
0x22: {  	[simem:s7], [sflag:s8] =	dma.local @!p0 [hbm:s6], $0xF7A  }
0x23: {  	s9 =	sor.u32 $0xD0000000, s2;
	s6 =	simm.s32 $0x108;
	_ =	swait.ge @!p0 [sflag:s8], $0x0  }
0x24: {  	s3 =	sadd.s32 $0x88, s3;
	s6 =	simm.s32 @!p1 $0x1082;
	[sflag:s4] =	ssyncset.s32 $0xFFFFF086  }
0x25: {  	[simem:s6], [sflag:s4] =	dma.local [hbm:s3], $0xF7A  }
0x26: {  	[smem:$0x3F9B] =	sst s1;
	(tag) =	ssettag s2;
	_ =	strace s9  }
0x27: {  	s1 =	sld [smem:$0x3FAB]  }
0x28: {  	s2 =	sld [smem:$0x3FAC]  }
0x29: {  	s4 =	sld [smem:$0x3FAE]  }
0x2a: {  	p0 =	seq.s32 s5, $0x0;
	s5 =	sld [smem:$0x3FAF]  }
0x2b: {  	s6 =	sld [smem:$0x3FB0]  }
0x2c: {  	s7 =	sld [smem:$0x3FB1]  }
0x2d: {  	s3 =	simm.s32 $0x108;
	s8 =	sld [smem:$0x3FB2]  }
0x2e: {  	s3 =	simm.s32 @!p0 $0x1082;
	s9 =	sld [smem:$0x3FB3]  }
0x2f: {  	lr =	sadd.s32 s0, s3;
	s0 =	sld [smem:$0x3FAA]  }
0x30: {  	s3 =	sld [smem:$0x3FAD]  }
0x31: {  	[smem:$0x3FB6] =	sst s10  }
0x32: {  	s10 =	sld [smem:$0x3FB4];
	_ =	sdelay $0x3  }
0x33: {  	p0 =	seq.s32 s10, $0x1;
	s10 =	sld [smem:$0x3FB6];
	_ =	sdelay $0x3  }
0x34: {  	[smem:$0x3FB6] =	sst s10  }
0x35: {  	s10 =	sld [smem:$0x3FB5];
	_ =	sdelay $0x3  }
0x36: {  	p1 =	seq.s32 s10, $0x1;
	s10 =	sld [smem:$0x3FB6];
	_ =	sdelay $0x3  }
0x37: {  	[smem:$0x3FB6] =	sst s10  }
0x38: {  	s10 =	sld [smem:$0x3FB7]  }
0x39: {  	_ = 	snop;
	(pc) =	sbr.ind lr, $3  }
0x3a: {  	_ = 	snop  }
0x3b: {  	_ = 	snop  }
0x3c: {  	p2 =	seq.s32 s10, $0x1;
	s10 =	sld [smem:$0x3FB6]  }
0x3d: {  	_ =	shalt  }
0x3e: {  	_ =	shalt  }
0x3f: {  	_ =	shalt  }
0x40: {  	_ =	shalt  }
0x41: {  	_ =	shalt  }
0x42: {  	_ =	shalt  }
0x43: {  	_ =	shalt  }
0x44: {  	_ =	shalt  }
0x45: {  	_ =	shalt  }
0x46: {  	_ =	shalt  }
0x47: {  	_ =	shalt  }
0x48: {  	_ =	shalt  }
0x49: {  	_ =	shalt  }
0x4a: {  	_ =	shalt  }
0x4b: {  	_ =	shalt  }
0x4c: {  	_ =	shalt  }
0x4d: {  	_ =	shalt  }
0x4e: {  	_ =	shalt  }
0x4f: {  	_ =	shalt  }
0x50: {  	_ =	shalt  }
0x51: {  	_ =	shalt  }
0x52: {  	_ =	shalt  }
0x53: {  	_ =	shalt  }
0x54: {  	_ =	shalt  }
0x55: {  	_ =	shalt  }
0x56: {  	_ =	shalt  }
0x57: {  	_ =	shalt  }
0x58: {  	_ =	shalt  }
0x59: {  	_ =	shalt  }
0x5a: {  	_ =	shalt  }
0x5b: {  	_ =	shalt  }
0x5c: {  	_ =	shalt  }
0x5d: {  	_ =	shalt  }
0x5e: {  	_ =	shalt  }
0x5f: {  	_ =	shalt  }
0x60: {  	_ =	shalt  }
0x61: {  	_ =	shalt  }
0x62: {  	_ =	shalt  }
0x63: {  	_ =	shalt  }
0x64: {  	_ =	shalt  }
0x65: {  	_ =	shalt  }
0x66: {  	_ =	shalt  }
0x67: {  	_ =	shalt  }
0x68: {  	_ =	shalt  }
0x69: {  	_ =	shalt  }
0x6a: {  	_ =	shalt  }
0x6b: {  	_ =	shalt  }
0x6c: {  	_ =	shalt  }
0x6d: {  	_ =	shalt  }
0x6e: {  	_ =	shalt  }
0x6f: {  	_ =	shalt  }
0x70: {  	_ =	shalt  }
0x71: {  	_ =	shalt  }
0x72: {  	_ =	shalt  }
0x73: {  	_ =	shalt  }
0x74: {  	_ =	shalt  }
0x75: {  	_ =	shalt  }
0x76: {  	_ =	shalt  }
0x77: {  	_ =	shalt  }
0x78: {  	_ =	shalt  }
0x79: {  	_ =	shalt  }
0x7a: {  	_ =	shalt  }
0x7b: {  	_ =	shalt  }
0x7c: {  	_ =	shalt  }
0x7d: {  	_ =	shalt  }
0x7e: {  	_ =	shalt  }
0x7f: {  	_ =	shalt  }
0x80: {  	_ =	shalt  }
0x81: {  	_ =	shalt  }
0x82: {  	_ =	shalt  }
0x83: {  	_ =	shalt  }
0x84: {  	_ =	shalt  }
0x85: {  	_ =	shalt  }
0x86: {  	_ =	shalt  }
0x87: {  	_ =	shalt  }
.Lfunc_end0:
.L_simem_size_0:
called_computation_lowered:
.L_overlay_start_0:
0x88: {  	s2 =	sld [smem:$0x3FD9]  }
0x89: {  	s3 =	sld [smem:$0x3FFE];
	_ =	sdelay $0x1  }
0x8a: {  	s1 =	srdreg.scid  }
0x8b: {  	s0 =	sand.u32 $0x1, s1  }
0x8c: {  	s15 =	sshll.u32 s0, $0xA;
	s2 =	sadd.s32 s3, s2  }
0x8d: {  	s2 =	sadd.s32 s2, s15  }
0x8e: {  	[smem:$0x3FC2] =	sst s2  }
0x8f: {  	_ = 	snop  }
0x90: {  	s2 =	sld [smem:$0x3FD0];
	_ =	sdelay $0x2  }
0x91: {  	s4 =	simm.s32 $0xA;
	s5 =	simm.s32 $0x10;
	s16 =	sld [smem:$0x3FC8]  }
0x92: {  	[smem:s5], [sflag:s4] =	dma.local [hbm:s2], $0x1  }
0x93: {  	_ =	swait.eq [sflag:s4], $0x1  }
0x94: {  	[sflag:s4] =	ssyncset.done $0x0  }
0x95: {  	[sflag:s4] =	ssyncadd.s32 $0xFFFFFFFF  }
0x96: {  	s17 =	sld [smem:$0x11];
	(tm) =	ssettm $0x1  }
0x97: {  	s18 =	sld [smem:$0x3FFB];
	_ =	sdelay $0x3  }
0x98: {  	_ =	strace s18  }
0x99: {  	s4 =	sld [smem:$0x3FFC];
	_ =	sdelay $0x3  }
0x9a: {  	_ =	strace s4  }
0x9b: {  	s4 =	sld [smem:$0x3FFD];
	_ =	sdelay $0x3  }
0x9c: {  	_ =	strace s4  }
0x9d: {  	_ =	strace $0x8FFFFFFF  }
0x9e: {  	s19 =	sld [smem:$0x3FDB];
	_ =	sdelay $0x1  }
0x9f: {  	s20 =	simm.s32 $_scs_section_size  }
0xa0: {  	s6 =	simm.s32 $_size__tile_overlayer_lowered;
	s7 =	simm.s32 $_tile_overlayer_lowered  }
0xa1: {  	s23 =	simm.s32 $0x1BFF;
	s22 =	sshll.u32 s7, $0x1;
	s4 =	sadd.s32 s20, s19  }
0xa2: {  	s8 =	simm.s32 $0x0;
	s21 =	sshll.u32 s6, $0x1;
	s6 =	sadd.s32 s22, s4  }
0xa3: {  	[timem:s8], [sflag:s23] =	dma.local [hbm:s6], s21  }
0xa4: {  	_ =	swait.ge [sflag:s23], s21  }
0xa5: {  	s5 =	ssub.s32 $0x0, s21;
	[sflag:s23] =	ssyncset.done $0x0  }
0xa6: {  	[sflag:s23] =	ssyncadd.s32 s5;
	_ =	sdelay $0x1  }
0xa7: {  	s24 =	simm.s32 $0x1B8B  }
0xa8: {  	_ =	swait.ge [sflag:s24], $0x1  }
0xa9: {  	[sflag:s24] =	ssyncset.done $0x0  }
0xaa: {  	s25 =	simm.s32 $0x1B8E;
	[sflag:s24] =	ssyncadd.s32 $0xFFFFFFFF  }
0xab: {  	s26 =	simm.s32 $execute0_lowered;
	[smem:$0x3FD2] =	sst s25  }
0xac: {  	s5 =	sshll.u32 s26, $0x1;
	_ =	strace $0x80000046;
	[dreg:$0x1] =	wrdreg $0xFFFFFFFF  }
0xad: {  	s28 =	simm.s32 $_size_execute0_lowered;
	s4 =	sadd.s32 s4, s5;
	[dreg:$0x0] =	wrdreg $0x0  }
0xae: {  	s5 =	sshll.u32 s28, $0x1;
	[dreg:$0x2] =	wrdreg s4  }
0xaf: {  	[dreg:$0x3] =	wrdreg s5  }
0xb0: {  	[dreg:$0x4] =	wrdreg $0xC0  }
0xb1: {  	_ =	task [dreg:s8], $0x5FFFF  }
0xb2: {  	[dreg:$0x1] =	wrdreg $0xFFFFFFFF  }
0xb3: {  	[dreg:$0x0] =	wrdreg $0x60  }
0xb4: {  	[dreg:$0x2] =	wrdreg s16  }
0xb5: {  	[dreg:$0x3] =	wrdreg s17  }
0xb6: {  	[dreg:$0x4] =	wrdreg $0x7A800  }
0xb7: {  	[dreg:$0x5] =	wrdreg $0x9  }
0xb8: {  	_ =	task.clear_ibuf [dreg:s8], $0x6FFFF;
	_ =	strace $0x90000046  }
0xb9: {  	s29 =	simm.s32 $0x9;
	_ =	strace $0x80000048  }
0xba: {  	_ =	swait.ge [sflag:s29], $0x1  }
0xbb: {  	[sflag:s29] =	ssyncadd.s32 $0xFFFFFFFF  }
0xbc: {  	_ =	strace $0x90000048  }
0xbd: {  	_ =	sfence  }
0xbe: {  	s30 =	sld [smem:$0x0];
	_ =	sdelay $0x2  }
0xbf: {  	s31 =	sshll.u32 s1, $0xD;
	s1 =	sshrl.u32 s1, $0x2  }
0xc0: {  	s3 =	sand.u32 $0x4000, s31;
	s1 =	sadd.s32 s1, s30  }
0xc1: {  	s0 =	sor.u32 s3, s0;
	s1 =	sshll.u32 s1, $0x11  }
0xc2: {  	s0 =	sor.u32 s1, s0  }
0xc3: {  	s0 =	sadd.s32 $0x8F2B, s0  }
0xc4: {  	[sflag:s0] =	ssyncadd.remote.s32 $0x1  }
0xc5: {  	_ =	sfence.sel $0xFFFF  }
0xc6: {  	[dreg:$0x0] =	wrdreg $0xFFFFFFFF;
	(pc) =	sbr.abs _section_cstart, $3  }
0xc7: {  	[dreg:$0x1] =	wrdreg $0xFFFFFFFF  }
0xc8: {  	_ =	task.clear_ibuf [dreg:s8], $0x2FFFF;
	_ =	strace $0x9FFFFFFF  }
0xc9: {  	(tm) =	ssettm $0x7FFFFFFF  }
tec
execute0_lowered:
.L_overlay_start_1:
0x0: {  	(tag) =	ssettag $0x1  }
0x1: {  	s0 =	rddreg [dreg:$0x0]  }
0x2: {  	s1 =	srdreg.scid;
	s4 =	rddreg [dreg:$0x1]  }
0x3: {  	s6 =	rddreg [dreg:$0x2];
	s16 =	stileid.u32  }
0x4: {  	s3 =	simm.s32 $0x0;
	s30 =	simm.s32 $0x1;
	s15 =	smul.u32 $0xA000, s16  }
0x5: {  	s31 =	simm.s32 $0x2800;
	s5 =	sand.u32 $0x1, s1;
	s18 =	smul.u32 $0x280, s16  }
0x6: {  	[smem:$0x7FF] =	sst s3;
	s24 =	smul.u32 $0x1388, s16;
	s1 =	sshll.u32 s5, $0x4  }
0x7: {  	s2 =	ssub.s32 $0x2, s5;
	_ =	strace $0x80000047;
	s23 =	smul.u32 $0x2800, s5  }
0x8: {  	s1 =	sor.u32 s16, s1;
	s10 =	sshrl.u32 s2, $0x1;
	s5 =	sshrl.u32 s24, $0x4  }
0x9: {  	s1 =	smul.u32 $0x1388, s1;
	s21 =	ssub.s32 s2, s10;
	s25 =	sand.u32 $0x7, s5  }
0xa: {  	s22 =	sshrl.u32 s15, $0x2;
	s21 =	smax.u32 s21, $0x1;
	s26 =	sshll.u32 s25, $0x5  }
0xb: {  	s3 =	sand.u32 $0x70, s1;
	s2 =	sand.u32 $0x8, s1;
	s7 =	sshrl.u32 s1, $0x2  }
0xc: {  	s8 =	sadd.s32 $0x1350, s3;
	s1 =	sadd.s32 $0x8, s2;
	s7 =	sand.u32 $0xFFE0, s7  }
0xd: {  	s10 =	sadd.s32 $0x1360, s3;
	s14 =	sadd.s32 $0x1370, s3;
	v1 =	vmov s2;
	s2 =	simm.s32 $0x0  }
0xe: {  	s9 =	sshll.u32 s8, $0x1;
	s8 =	sand.u32 $0x70, s8;
	s0 =	sadd.s32 s0, s7  }
0xf: {  	s12 =	sand.u32 $0x70, s10;
	s13 =	sshll.u32 s10, $0x1;
	s17 =	sshll.u32 s14, $0x1  }
0x10: {  	s19 =	sand.u32 $0x70, s14;
	v3 =	vmov s1;
	s1 =	simm.s32 $0x0;
	s9 =	sand.u32 $0x2700, s9  }
0x11: {  	[dreg:$0x4] =	wrdreg s0;
	s7 =	sand.u32 $0x2700, s13;
	s20 =	sand.u32 $0x2700, s17  }
0x12: {  	s11 =	sor.u32 s8, s9;
	s0 =	sor.u32 s12, s7;
	s8 =	sadd.s32 s18, s6  }
0x13: {  	s9 =	sadd.s32 s22, s6;
	s22 =	sadd.s32 $0x80, s26;
	[dreg:$0x5] =	wrdreg s11  }
0x14: {  	[dreg:$0x6] =	wrdreg s0;
	s0 =	sor.u32 s19, s20;
	s10 =	sadd.s32 $0x2800, s8  }
0x15: {  	s11 =	sadd.s32 $0x5000, s8;
	s12 =	sadd.s32 $0x7800, s8;
	s13 =	sadd.s32 $0xA000, s8  }
0x16: {  	s14 =	sadd.s32 $0xC800, s8;
	s15 =	sadd.s32 $0xF000, s8;
	s16 =	sadd.s32 $0x11800, s8  }
0x17: {  	s17 =	sadd.s32 $0x14000, s8;
	s19 =	sadd.s32 $0x19000, s8;
	s24 =	sadd.s32 $0x1B800, s8  }
0x18: {  	s26 =	sadd.s32 $0x20800, s8;
	[dreg:$0x7] =	wrdreg s0;
	s0 =	sadd.s32 s18, s23  }
0x19: {  	v2 =	vlaneseq.u32;
	s28 =	sadd.s32 $0x23000, s8;
	s29 =	sadd.s32 $0x25800, s8;
	s0 =	sshrl.u32 s0, $0x3  }
0x1a: {  	v0 =	vimm.f32 $0.0e+00;
	v4 =	vadd.s32 $0x1, v2;
	s18 =	sadd.s32 $0x16800, s8;
	s20 =	sadd.s32 s4, s0;
	s0 =	sshll.u32 s25, $0x4  }
0x1b: {  	vm0 =	vlt.u32 v1, v4;
	v1 =	vimm.f32 $1.000000000e+00;
	vm1 =	vgt.u32 v3, v2;
	s25 =	sadd.s32 $0x1E000, s8;
	s23 =	sadd.s32 $0x40, s0;
	s0 =	simm.s32 $0x2  }
.LBB2_1:
0x1c: {  	s4 =	rddreg [dreg:$0x4]  }
0x1d: {  	[tilespmem:s2], [sflag:$0x1] =	stream.linear.gather [hbm4b:s4+s2], $0x2800, $0x38;
	[tilespmem:$0xA280] =	vst v63  }
0x1e: {  	s2 =	simm.s32 $0x40;
	s4 =	simm.s32 $0x0  }
.LBB2_2:
0x1f: {  	p0 =	sne.s32 s2, $0x9FC0;
	[tilespmem:s4+$0x2800] =	vst v0;
	s4 =	smov.u32 s2;
	s2 =	sadd.s32 $0x40, s2  }
.Ltmp0:
0x20: {  	(pc) =	sbr.rel @p0 .LBB2_2-.Ltmp0, $2  }
0x21: {  	_ =	sdelay $0x2  }
0x22: {  	s4 =	sshra.s32 s4, $0x2  }
0x23: {  	[tilespmem:s4+$0x2800] =	vst v0  }
0x24: {  	_ =	swait.ge [sflag:s30], $0x2800  }
0x25: {  	[sflag:s30] =	ssyncset.done $0x0  }
0x26: {  	[sflag:s30] =	ssyncadd.s32 $0xFFFFD800  }
0x27: {  	v2 =	vld [tilespmem:s3+$0x80];
	_ =	sdelay $0x7  }
0x28: {  	s2 =	simm.s32 $0xFFFFFFFC;
	s4 =	smov.u32 s23;
	s5 =	smov.u32 s22;
	[tilespmem:v2+s31+$0x0] =	vst.idx.add.f32.msk vm0, v1  }
.LBB2_4:
0x29: {  	s6 =	sadd.s32 $0xFFFFFFD0, s4;
	s7 =	sadd.s32 $0xFFFFFFA0, s5  }
0x2a: {  	s6 =	sand.u32 $0x70, s6;
	s7 =	sand.u32 $0x7F00, s7  }
0x2b: {  	s6 =	sor.u32 s6, s7  }
0x2c: {  	v2 =	vld [tilespmem:s6+$0x80];
	_ =	sdelay $0x5  }
0x2d: {  	s7 =	sadd.s32 $0xFFFFFFC0, s5;
	s6 =	sadd.s32 $0xFFFFFFE0, s4  }
0x2e: {  	s7 =	sand.u32 $0x7F00, s7;
	s6 =	sand.u32 $0x70, s6  }
0x2f: {  	s6 =	sor.u32 s6, s7;
	[tilespmem:v2+s31+$0x0] =	vst.idx.add.f32.msk $0xffff, v1  }
0x30: {  	v2 =	vld [tilespmem:s6+$0x80];
	_ =	sdelay $0x5  }
0x31: {  	s7 =	sadd.s32 $0xFFFFFFE0, s5;
	s6 =	sadd.s32 $0xFFFFFFF0, s4  }
0x32: {  	s7 =	sand.u32 $0x7F00, s7;
	s6 =	sand.u32 $0x70, s6  }
0x33: {  	s6 =	sor.u32 s6, s7;
	[tilespmem:v2+s31+$0x0] =	vst.idx.add.f32.msk $0xffff, v1  }
0x34: {  	v2 =	vld [tilespmem:s6+$0x80];
	_ =	sdelay $0x6  }
0x35: {  	s7 =	sand.u32 $0xFF00, s5;
	s6 =	sand.u32 $0x70, s4  }
0x36: {  	s6 =	sor.u32 s6, s7;
	[tilespmem:v2+s31+$0x0] =	vst.idx.add.f32.msk $0xffff, v1  }
0x37: {  	v2 =	vld [tilespmem:s6+$0x80];
	_ =	sdelay $0x1  }
0x38: {  	s2 =	sadd.s32 $0x4, s2  }
0x39: {  	p0 =	slt.u32 s2, $0x130  }
.Ltmp1:
0x3a: {  	_ = 	snop;
	(pc) =	sbr.rel @p0 .LBB2_4-.Ltmp1, $2  }
0x3b: {  	_ =	sdelay $0x2  }
0x3c: {  	s5 =	sadd.s32 $0x80, s5;
	s4 =	sadd.s32 $0x40, s4;
	[tilespmem:v2+s31+$0x0] =	vst.idx.add.f32.msk $0xffff, v1  }
0x3d: {  	s2 =	rddreg [dreg:$0x5]  }
0x3e: {  	v2 =	vld [tilespmem:s2+$0x80];
	_ =	sdelay $0x7  }
0x3f: {  	s5 =	rddreg [dreg:$0x6];
	[tilespmem:v2+s31+$0x0] =	vst.idx.add.f32.msk $0xffff, v1  }
0x40: {  	v2 =	vld [tilespmem:s5+$0x80];
	_ =	sdelay $0x7  }
0x41: {  	s6 =	rddreg [dreg:$0x7];
	[tilespmem:v2+s31+$0x0] =	vst.idx.add.f32.msk $0xffff, v1  }
0x42: {  	v2 =	vld [tilespmem:s6+$0x80];
	_ =	sdelay $0x7  }
0x43: {  	[tilespmem:v2+s31+$0x0] =	vst.idx.add.f32.msk $0xffff, v1  }
0x44: {  	v2 =	vld [tilespmem:s3+$0x2780];
	_ =	sdelay $0x7  }
0x45: {  	[tilespmem:v2+s31+$0x0] =	vst.idx.add.f32.msk vm1, v1  }
0x46: {  	[spmem:s9] =	stream.linear.scatter [tilespmem:s31], [sflag:$0x2], $0x2800, $0x38;
	[tilespmem:$0xA280] =	vst v63  }
0x47: {  	_ =	swait.ge [sflag:s0], $0x2800  }
0x48: {  	[sflag:s0] =	ssyncset.done $0x0  }
0x49: {  	[sflag:s0] =	ssyncadd.s32 $0xFFFFD800  }
0x4a: {  	s2 =	simm.s32 $0x5280;
	[bflag:$0x0] =	sbarrier.arrive $0xFFFF  }
0x4b: {  	[tilespmem:s2], [sflag:$0x1] =	stream.linear.gather [spmem:s8], $0x280, $0x38;
	[tilespmem:$0xA280] =	vst v63  }
0x4c: {  	s4 =	simm.s32 $0x5500  }
0x4d: {  	[tilespmem:s4], [sflag:$0x1] =	stream.linear.gather [spmem:s10], $0x280, $0x38;
	[tilespmem:$0xA280] =	vst v63  }
0x4e: {  	s7 =	simm.s32 $0x5780  }
0x4f: {  	[tilespmem:s7], [sflag:$0x1] =	stream.linear.gather [spmem:s11], $0x280, $0x38;
	[tilespmem:$0xA280] =	vst v63  }
0x50: {  	s5 =	simm.s32 $0x5A00  }
0x51: {  	[tilespmem:s5], [sflag:$0x1] =	stream.linear.gather [spmem:s12], $0x280, $0x38;
	[tilespmem:$0xA280] =	vst v63  }
0x52: {  	s6 =	simm.s32 $0x5C80  }
0x53: {  	[tilespmem:s6], [sflag:$0x1] =	stream.linear.gather [spmem:s13], $0x280, $0x38;
	[tilespmem:$0xA280] =	vst v63  }
0x54: {  	s7 =	simm.s32 $0x5F00  }
0x55: {  	[tilespmem:s7], [sflag:$0x1] =	stream.linear.gather [spmem:s14], $0x280, $0x38;
	[tilespmem:$0xA280] =	vst v63  }
0x56: {  	s5 =	simm.s32 $0x6180  }
0x57: {  	[tilespmem:s5], [sflag:$0x1] =	stream.linear.gather [spmem:s15], $0x280, $0x38;
	[tilespmem:$0xA280] =	vst v63  }
0x58: {  	s6 =	simm.s32 $0x6400  }
0x59: {  	[tilespmem:s6], [sflag:$0x1] =	stream.linear.gather [spmem:s16], $0x280, $0x38;
	[tilespmem:$0xA280] =	vst v63  }
0x5a: {  	s7 =	simm.s32 $0x6680  }
0x5b: {  	[tilespmem:s7], [sflag:$0x1] =	stream.linear.gather [spmem:s17], $0x280, $0x38;
	[tilespmem:$0xA280] =	vst v63  }
0x5c: {  	s5 =	simm.s32 $0x6900  }
0x5d: {  	[tilespmem:s5], [sflag:$0x1] =	stream.linear.gather [spmem:s18], $0x280, $0x38;
	[tilespmem:$0xA280] =	vst v63  }
0x5e: {  	s6 =	simm.s32 $0x6B80  }
0x5f: {  	[tilespmem:s6], [sflag:$0x1] =	stream.linear.gather [spmem:s19], $0x280, $0x38;
	[tilespmem:$0xA280] =	vst v63  }
0x60: {  	s7 =	simm.s32 $0x6E00  }
0x61: {  	[tilespmem:s7], [sflag:$0x1] =	stream.linear.gather [spmem:s24], $0x280, $0x38;
	[tilespmem:$0xA280] =	vst v63  }
0x62: {  	s5 =	simm.s32 $0x7080  }
0x63: {  	[tilespmem:s5], [sflag:$0x1] =	stream.linear.gather [spmem:s25], $0x280, $0x38;
	[tilespmem:$0xA280] =	vst v63  }
0x64: {  	s6 =	simm.s32 $0x7300  }
0x65: {  	[tilespmem:s6], [sflag:$0x1] =	stream.linear.gather [spmem:s26], $0x280, $0x38;
	[tilespmem:$0xA280] =	vst v63  }
0x66: {  	s7 =	simm.s32 $0x7580  }
0x67: {  	[tilespmem:s7], [sflag:$0x1] =	stream.linear.gather [spmem:s28], $0x280, $0x38;
	[tilespmem:$0xA280] =	vst v63  }
0x68: {  	s5 =	simm.s32 $0x7800  }
0x69: {  	[tilespmem:s5], [sflag:$0x1] =	stream.linear.gather [spmem:s29], $0x280, $0x38;
	[tilespmem:$0xA280] =	vst v63  }
0x6a: {  	_ =	swait.ge [sflag:s30], $0x280  }
0x6b: {  	[sflag:s30] =	ssyncset.done $0x0  }
0x6c: {  	[sflag:s30] =	ssyncadd.s32 $0xFFFFFD80  }
0x6d: {  	_ =	swait.ge [sflag:s30], $0x280  }
0x6e: {  	[sflag:s30] =	ssyncset.done $0x0  }
0x6f: {  	[sflag:s30] =	ssyncadd.s32 $0xFFFFFD80  }
0x70: {  	_ =	swait.ge [sflag:s30], $0x280  }
0x71: {  	[sflag:s30] =	ssyncset.done $0x0  }
0x72: {  	[sflag:s30] =	ssyncadd.s32 $0xFFFFFD80  }
0x73: {  	_ =	swait.ge [sflag:s30], $0x280  }
0x74: {  	[sflag:s30] =	ssyncset.done $0x0  }
0x75: {  	[sflag:s30] =	ssyncadd.s32 $0xFFFFFD80  }
0x76: {  	_ =	swait.ge [sflag:s30], $0x280  }
0x77: {  	[sflag:s30] =	ssyncset.done $0x0  }
0x78: {  	[sflag:s30] =	ssyncadd.s32 $0xFFFFFD80  }
0x79: {  	_ =	swait.ge [sflag:s30], $0x280  }
0x7a: {  	[sflag:s30] =	ssyncset.done $0x0  }
0x7b: {  	[sflag:s30] =	ssyncadd.s32 $0xFFFFFD80  }
0x7c: {  	_ =	swait.ge [sflag:s30], $0x280  }
0x7d: {  	[sflag:s30] =	ssyncset.done $0x0  }
0x7e: {  	[sflag:s30] =	ssyncadd.s32 $0xFFFFFD80  }
0x7f: {  	_ =	swait.ge [sflag:s30], $0x280  }
0x80: {  	[sflag:s30] =	ssyncset.done $0x0  }
0x81: {  	[sflag:s30] =	ssyncadd.s32 $0xFFFFFD80  }
0x82: {  	_ =	swait.ge [sflag:s30], $0x280  }
0x83: {  	[sflag:s30] =	ssyncset.done $0x0  }
0x84: {  	[sflag:s30] =	ssyncadd.s32 $0xFFFFFD80  }
0x85: {  	_ =	swait.ge [sflag:s30], $0x280  }
0x86: {  	[sflag:s30] =	ssyncset.done $0x0  }
0x87: {  	[sflag:s30] =	ssyncadd.s32 $0xFFFFFD80  }
0x88: {  	_ =	swait.ge [sflag:s30], $0x280  }
0x89: {  	[sflag:s30] =	ssyncset.done $0x0  }
0x8a: {  	[sflag:s30] =	ssyncadd.s32 $0xFFFFFD80  }
0x8b: {  	_ =	swait.ge [sflag:s30], $0x280  }
0x8c: {  	[sflag:s30] =	ssyncset.done $0x0  }
0x8d: {  	[sflag:s30] =	ssyncadd.s32 $0xFFFFFD80  }
0x8e: {  	_ =	swait.ge [sflag:s30], $0x280  }
0x8f: {  	[sflag:s30] =	ssyncset.done $0x0  }
0x90: {  	[sflag:s30] =	ssyncadd.s32 $0xFFFFFD80  }
0x91: {  	_ =	swait.ge [sflag:s30], $0x280  }
0x92: {  	[sflag:s30] =	ssyncset.done $0x0  }
0x93: {  	[sflag:s30] =	ssyncadd.s32 $0xFFFFFD80  }
0x94: {  	_ =	swait.ge [sflag:s30], $0x280  }
0x95: {  	[sflag:s30] =	ssyncset.done $0x0  }
0x96: {  	[sflag:s30] =	ssyncadd.s32 $0xFFFFFD80  }
0x97: {  	_ =	swait.ge [sflag:s30], $0x280  }
0x98: {  	s6 =	simm.s32 $0x0;
	[sflag:s30] =	ssyncset.done $0x0  }
0x99: {  	s4 =	sand.u32 $0x3F0, s6;
	[sflag:s30] =	ssyncadd.s32 $0xFFFFFD80  }
0x9a: {  	v2 =	vld [tilespmem:s4+$0x5500]  }
0x9b: {  	v3 =	vld [tilespmem:s2+$0x0];
	_ =	sdelay $0x1  }
0x9c: {  	v4 =	vld [tilespmem:s4+$0x5780];
	_ =	sdelay $0x1  }
0x9d: {  	v5 =	vld [tilespmem:s4+$0x5A00]  }
0x9e: {  	v2 =	vadd.f32 v2, v3  }
0x9f: {  	v3 =	vld [tilespmem:s4+$0x5C80]  }
0xa0: {  	v2 =	vadd.f32 v4, v2  }
0xa1: {  	v56 =	vld [tilespmem:s4+$0x5F00]  }
0xa2: {  	v2 =	vadd.f32 v5, v2  }
0xa3: {  	v57 =	vld [tilespmem:s4+$0x6180]  }
0xa4: {  	v2 =	vadd.f32 v3, v2  }
0xa5: {  	v3 =	vld [tilespmem:s4+$0x6400]  }
0xa6: {  	v2 =	vadd.f32 v56, v2  }
0xa7: {  	v58 =	vld [tilespmem:s4+$0x6680]  }
0xa8: {  	v2 =	vadd.f32 v57, v2  }
0xa9: {  	v59 =	vld [tilespmem:s4+$0x6900]  }
0xaa: {  	v2 =	vadd.f32 v3, v2  }
0xab: {  	v3 =	vld [tilespmem:s4+$0x6B80]  }
0xac: {  	v2 =	vadd.f32 v58, v2  }
0xad: {  	v60 =	vld [tilespmem:s4+$0x6E00]  }
0xae: {  	v2 =	vadd.f32 v59, v2  }
0xaf: {  	v61 =	vld [tilespmem:s4+$0x7080]  }
0xb0: {  	v2 =	vadd.f32 v3, v2  }
0xb1: {  	v3 =	vld [tilespmem:s4+$0x7300]  }
0xb2: {  	v2 =	vadd.f32 v60, v2  }
0xb3: {  	v62 =	vld [tilespmem:s4+$0x7580]  }
0xb4: {  	v2 =	vadd.f32 v61, v2  }
0xb5: {  	v63 =	vld [tilespmem:s4+$0x7800]  }
0xb6: {  	v2 =	vadd.f32 v3, v2;
	_ =	sdelay $0x1  }
0xb7: {  	v2 =	vadd.f32 v62, v2;
	_ =	sdelay $0x1  }
0xb8: {  	v2 =	vadd.f32 v63, v2  }
0xb9: {  	s7 =	simm.s32 $0x10;
	s2 =	simm.s32 $0x5000  }
0xba: {  	s4 =	sand.u32 $0x3F0, s7;
	[tilespmem:s2+$0x0] =	vst v2  }
0xbb: {  	s6 =	simm.s32 $0x20;
	s5 =	simm.s32 $0x5290;
	v2 =	vld [tilespmem:s4+$0x5500]  }
.LBB2_6:
0xbc: {  	p0 =	sne.s32 s6, $0x270;
	v3 =	vld [tilespmem:s5+$0x0];
	_ =	sdelay $0x1  }
0xbd: {  	v4 =	vld [tilespmem:s4+$0x5780];
	_ =	sdelay $0x1  }
0xbe: {  	v5 =	vld [tilespmem:s4+$0x5A00]  }
0xbf: {  	v2 =	vadd.f32 v2, v3  }
0xc0: {  	v3 =	vld [tilespmem:s4+$0x5C80]  }
0xc1: {  	v2 =	vadd.f32 v4, v2  }
0xc2: {  	v4 =	vld [tilespmem:s4+$0x5F00]  }
0xc3: {  	v2 =	vadd.f32 v5, v2  }
0xc4: {  	v5 =	vld [tilespmem:s4+$0x6180]  }
0xc5: {  	v2 =	vadd.f32 v3, v2  }
0xc6: {  	v3 =	vld [tilespmem:s4+$0x6400]  }
0xc7: {  	v2 =	vadd.f32 v4, v2  }
0xc8: {  	v4 =	vld [tilespmem:s4+$0x6680]  }
0xc9: {  	v2 =	vadd.f32 v5, v2  }
0xca: {  	v5 =	vld [tilespmem:s4+$0x6900]  }
0xcb: {  	v2 =	vadd.f32 v3, v2  }
0xcc: {  	v3 =	vld [tilespmem:s4+$0x6B80]  }
0xcd: {  	v2 =	vadd.f32 v4, v2  }
0xce: {  	v4 =	vld [tilespmem:s4+$0x6E00]  }
0xcf: {  	v2 =	vadd.f32 v5, v2  }
0xd0: {  	v5 =	vld [tilespmem:s4+$0x7080]  }
0xd1: {  	v2 =	vadd.f32 v3, v2  }
0xd2: {  	v3 =	vld [tilespmem:s4+$0x7300]  }
0xd3: {  	v2 =	vadd.f32 v4, v2  }
0xd4: {  	v4 =	vld [tilespmem:s4+$0x7580]  }
0xd5: {  	v2 =	vadd.f32 v5, v2  }
0xd6: {  	v5 =	vld [tilespmem:s4+$0x7800]  }
0xd7: {  	v2 =	vadd.f32 v3, v2;
	_ =	sdelay $0x1  }
0xd8: {  	v2 =	vadd.f32 v4, v2  }
.Ltmp2:
0xd9: {  	(pc) =	sbr.rel @p0 .LBB2_6-.Ltmp2, $4  }
0xda: {  	v2 =	vadd.f32 v5, v2  }
0xdb: {  	s2 =	sadd.s32 $0x10, s2  }
0xdc: {  	s4 =	sand.u32 $0x3F0, s6;
	[tilespmem:s2+$0x0] =	vst v2  }
0xdd: {  	s5 =	sadd.s32 $0x10, s5;
	s6 =	sadd.s32 $0x10, s6;
	v2 =	vld [tilespmem:s4+$0x5500]  }
0xde: {  	v3 =	vld [tilespmem:s5+$0x0];
	_ =	sdelay $0x1  }
0xdf: {  	v4 =	vld [tilespmem:s4+$0x5780];
	_ =	sdelay $0x1  }
0xe0: {  	v5 =	vld [tilespmem:s4+$0x5A00]  }
0xe1: {  	v2 =	vadd.f32 v2, v3  }
0xe2: {  	v3 =	vld [tilespmem:s4+$0x5C80]  }
0xe3: {  	v2 =	vadd.f32 v4, v2  }
0xe4: {  	v56 =	vld [tilespmem:s4+$0x5F00]  }
0xe5: {  	v2 =	vadd.f32 v5, v2  }
0xe6: {  	v57 =	vld [tilespmem:s4+$0x6180]  }
0xe7: {  	v2 =	vadd.f32 v3, v2  }
0xe8: {  	v3 =	vld [tilespmem:s4+$0x6400]  }
0xe9: {  	v2 =	vadd.f32 v56, v2  }
0xea: {  	v58 =	vld [tilespmem:s4+$0x6680]  }
0xeb: {  	v2 =	vadd.f32 v57, v2  }
0xec: {  	v59 =	vld [tilespmem:s4+$0x6900]  }
0xed: {  	v2 =	vadd.f32 v3, v2  }
0xee: {  	v3 =	vld [tilespmem:s4+$0x6B80]  }
0xef: {  	v2 =	vadd.f32 v58, v2  }
0xf0: {  	v60 =	vld [tilespmem:s4+$0x6E00]  }
0xf1: {  	v2 =	vadd.f32 v59, v2  }
0xf2: {  	v61 =	vld [tilespmem:s4+$0x7080]  }
0xf3: {  	v2 =	vadd.f32 v3, v2  }
0xf4: {  	v3 =	vld [tilespmem:s4+$0x7300]  }
0xf5: {  	v2 =	vadd.f32 v60, v2  }
0xf6: {  	v62 =	vld [tilespmem:s4+$0x7580]  }
0xf7: {  	v2 =	vadd.f32 v61, v2  }
0xf8: {  	v63 =	vld [tilespmem:s4+$0x7800]  }
0xf9: {  	v2 =	vadd.f32 v3, v2;
	_ =	sdelay $0x1  }
0xfa: {  	v2 =	vadd.f32 v62, v2;
	_ =	sdelay $0x1  }
0xfb: {  	s1 =	sadd.s32 $0x1, s1;
	v2 =	vadd.f32 v63, v2  }
0xfc: {  	s2 =	sadd.s32 $0x10, s2;
	p0 =	sne.s32 s1, s21  }
.Ltmp3:
0xfd: {  	s7 =	simm.s32 $0x5000;
	[tilespmem:s2+$0x0] =	vst v2;
	s2 =	simm.s32 $0x0;
	(pc) =	sbr.rel @p0 .LBB2_1-.Ltmp3, $4  }
0xfe: {  	[hbm4b:s20+s2] =	stream.linear.scatter [tilespmem:s7], [sflag:$0x2], $0x280, $0x38;
	[tilespmem:$0xA280] =	vst v63  }
0xff: {  	_ =	swait.ge [sflag:s0], $0x280  }
0x100: {  	[sflag:s0] =	ssyncset.done $0x0  }
0x101: {  	[sflag:s0] =	ssyncadd.s32 $0xFFFFFD80  }
0x102: {  	_ =	sfence.sel $0x180000  }
0x103: {  	[bflag:$0x0] =	sbarrier.arrive $0xFFFF  }
0x104: {  	_ =	strace $0x90000047  }
0x105: {  	s0 =	stileid.u32;
	[bflag:$0x2] =	sbarrier.arrive $0xFFFF  }
0x106: {  	p0 =	sne.s32 s0, $0x0;
	s0 =	rddreg [dreg:$0x3]  }
0x107: {  	s0 =	sadd.s32 @!p0 $0x100000, s0  }
0x108: {  	[sflag:s0] =	ssyncadd.tile.s32 @!p0 $0x1;
	_ =	shalt  }
.Lfunc_end2:
_tile_overlayer_lowered:
.L_overlay_start_2:
0x109: {  	(tag) =	ssettag $0x2  }
0x10a: {  	s0 =	rddreg [dreg:$0x0];
	s2 =	stileid.u32  }
0x10b: {  	s1 =	rddreg [dreg:$0x1];
	p0 =	sne.s32 s2, $0x0  }
0x10c: {  	s3 =	rddreg [dreg:$0x2];
	[bflag:$0x3] =	sbarrier.arrive $0xFFFF;
	s2 =	simm.s32 @!p0 $0x1C02  }
0x10d: {  	[timem:s3], [sflag:s2] =	dma.local @!p0 [hbm:s0], s1  }
0x10e: {  	s0 =	simm.s32 @!p0 $0x2  }
0x10f: {  	_ =	swait.ge @!p0 [sflag:s0], s1  }
0x110: {  	s1 =	ssub.s32 @!p0 $0x0, s1;
	[sflag:s0] =	ssyncset.done @!p0 $0x0  }
0x111: {  	[sflag:s0] =	ssyncadd.s32 @!p0 s1  }
0x112: {  	[bflag:$0x3] =	sbarrier.arrive $0xFFFF  }
0x113: {  	_ =	shalt  }

</sc_bundles>
